<compile_context>
chip_gen: v7x
topology: tpu7x:2x2x1
jax: 0.10.2.dev20260603
libtpu: 0.0.44.dev20260713+nightly
codegen_flags: <defaults>
</compile_context>

<pallas_src>
import functools

import jax
import jax.numpy as jnp
from jax import lax
from jax.experimental import pallas as pl
from jax.experimental.pallas import tpu as pltpu
from jax.experimental.pallas import tpu_sc as plsc

BR = 32


def _gather_kernel(b, h, v, d):
    info = plsc.get_sparse_core_info()
    nc, ns = info.num_cores, info.num_subcores
    nw = nc * ns
    bpw = b // nw
    n_chunks = bpw // BR
    assert bpw % BR == 0

    mesh = plsc.VectorSubcoreMesh(core_axis_name="c", subcore_axis_name="s")

    @functools.partial(
        pl.kernel,
        mesh=mesh,
        compiler_params=pltpu.CompilerParams(
            use_tc_tiling_on_sc=False, needs_layout_passes=False),
        out_type=jax.ShapeDtypeStruct((b, h, d), jnp.float16),
        scratch_types=[
            pltpu.VMEM((2, BR, h), jnp.int32),
            pltpu.VMEM((2, BR, h, d), jnp.float16),
            pltpu.SemaphoreType.DMA,
            pltpu.SemaphoreType.DMA,
        ],
    )
    def body(idx_hbm, tab_hbm, out_hbm, idx_v, rows_v, sem_g, sem_o):
        wid = lax.axis_index("s") * nc + lax.axis_index("c")

        def fire_gathers(c, s):
            b0 = wid * bpw + c * BR
            pltpu.sync_copy(idx_hbm.at[pl.ds(b0, BR)], idx_v.at[s])
            for j in range(BR):
                pltpu.async_copy(tab_hbm.at[idx_v.at[s].at[j]],
                                 rows_v.at[s].at[j], sem_g)

        def drain_gathers(s):
            for j in range(BR):
                pltpu.make_async_copy(tab_hbm.at[pl.ds(0, h)],
                                      rows_v.at[s].at[j], sem_g).wait()

        def write_out(c, s):
            b0 = wid * bpw + c * BR
            pltpu.async_copy(rows_v.at[s], out_hbm.at[pl.ds(b0, BR)], sem_o)

        def drain_out(c, s):
            b0 = wid * bpw + c * BR
            pltpu.make_async_copy(rows_v.at[s], out_hbm.at[pl.ds(b0, BR)],
                                  sem_o).wait()

        fire_gathers(0, 0)

        def chunk(c, carry):
            s = lax.rem(c, 2)
            drain_gathers(s)

            @pl.when(c >= 1)
            def _():
                drain_out(c - 1, 1 - s)

            @pl.when(c + 1 < n_chunks)
            def _():
                fire_gathers(c + 1, 1 - s)
            write_out(c, s)
            return carry

        lax.fori_loop(0, n_chunks, chunk, 0)
        drain_out(n_chunks - 1, lax.rem(n_chunks - 1, 2))

    return body


def kernel(vid_ids, emb):
    b, h = vid_ids.shape
    v, d = emb.shape
    idx = jnp.where(vid_ids >= 0, vid_ids, 0)
    return _gather_kernel(b, h, v, d)(idx, emb)

# --- scband reference (transcript-rebuilt; emitter-appended) ---
"""Pipeline reference for scband-shared-video-embedding-26405458936365 (READ-ONLY COPY).

The authoritative reference and input builder live on the scoring server;
editing this copy changes nothing except your own understanding.
"""

import jax, jax.numpy as jnp
import numpy as np

NUM_VIDS = 1000000
BASE_DIM = 64
BATCH = 16384
HIST_LEN = 50

def setup_inputs(seed: int = 0) -> dict:
    key = jax.random.key(seed)
    k_idx, k_emb = jax.random.split(key)
    vid_ids = jax.random.randint(k_idx, (BATCH, HIST_LEN), 0, NUM_VIDS, dtype=jnp.int64 if jax.config.jax_enable_x64 else jnp.int32)
    emb = (jax.random.normal(k_emb, (NUM_VIDS, BASE_DIM), dtype=jnp.float32) * 0.02).astype(jnp.float16)
    return {"vid_ids": vid_ids, "emb": emb}

def reference(vid_ids, emb):
    # nn.Embedding forward == row gather from the embedding table
    return jnp.take(emb, vid_ids, axis=0)

if __name__ == "__main__":
    import jax
    _d = setup_inputs()
    print(jax.jit(kernel)(*tuple(_d.values())))

</pallas_src>

<mosaic_0001>
#map = affine_map<(d0, d1) -> (0, 0)>
#map1 = affine_map<(d0, d1) -> (0, 0, 0)>
module attributes {stable_mosaic.version = 14 : i64} {
  func.func @body(%arg0: i32, %arg1: i32, %arg2: memref<16384x50xi32, #tpu.memory_space<hbm>>, %arg3: memref<1000000x64xf16, #tpu.memory_space<hbm>>, %arg4: memref<16384x50x64xf16, #tpu.memory_space<hbm>>, %arg5: memref<2x32x50xi32, #tpu.memory_space<vmem>>, %arg6: memref<2x32x50x64xf16, #tpu.memory_space<vmem>>, %arg7: memref<!tpu.dma_semaphore, #tpu.memory_space<semaphore_mem>>, %arg8: memref<!tpu.dma_semaphore, #tpu.memory_space<semaphore_mem>>) attributes {dimension_semantics = [#tpu.dimension_semantics<core_parallel>, #tpu.dimension_semantics<subcore_parallel>], iteration_bounds = array<i64: 2, 16>, scalar_prefetch = 0 : i64, scratch_operands = 4 : i64, tpu.core_type = #tpu.core_type<sc_vector_subcore>, window_params = [{transform_indices = #map}, {transform_indices = #map}, {transform_indices = #map1}]} {
    %mul3A = arith.constant 2 : i32
    %mul3A_0 = arith.muli %arg1, %mul3A : i32
    %add3A = arith.addi %mul3A_0, %arg0 : i32
    %mul3A_1 = arith.constant 512 : i32
    %mul3A_2 = arith.muli %add3A, %mul3A_1 : i32
    %add3A_3 = arith.constant 0 : i32
    %add3A_4 = arith.addi %mul3A_2, %add3A_3 : i32
    %run_scoped3A = arith.constant 0 : i32
    "tpu.region"() ({
      %run_scoped3A_766 = tpu.sem_alloc : memref<!tpu.dma_semaphore, #tpu.memory_space<semaphore_mem>>
      %dma_start3A_767 = arith.constant 0 : i32
      %dma_start3A_768 = arith.constant 0 : i32
      %dma_start3A_769 = tpu.memref_slice %arg5[%run_scoped3A, %dma_start3A_767, %dma_start3A_768] : memref<2x32x50xi32, #tpu.memory_space<vmem>> -> memref<1x32x50xi32, #tpu.memory_space<vmem>>
      %dma_start3A_770 = tpu.memref_squeeze %dma_start3A_769 : memref<1x32x50xi32, #tpu.memory_space<vmem>> -> memref<32x50xi32, #tpu.memory_space<vmem>>
      %dma_start3A_771 = arith.constant 0 : i32
      %dma_start3A_772 = tpu.memref_slice %arg2[%add3A_4, %dma_start3A_771] : memref<16384x50xi32, #tpu.memory_space<hbm>> -> memref<32x50xi32, #tpu.memory_space<hbm>>
      %dma_start3A_773 = arith.constant 0 : i32
      %dma_start3A_774 = arith.constant 0 : i32
      %dma_start3A_775 = tpu.memref_slice %arg5[%run_scoped3A, %dma_start3A_773, %dma_start3A_774] : memref<2x32x50xi32, #tpu.memory_space<vmem>> -> memref<1x32x50xi32, #tpu.memory_space<vmem>>
      %dma_start3A_776 = tpu.memref_squeeze %dma_start3A_775 : memref<1x32x50xi32, #tpu.memory_space<vmem>> -> memref<32x50xi32, #tpu.memory_space<vmem>>
      %dma_start3A_777 = arith.constant 0 : i32
      %dma_start3A_778 = tpu.memref_slice %arg2[%add3A_4, %dma_start3A_777] : memref<16384x50xi32, #tpu.memory_space<hbm>> -> memref<32x50xi32, #tpu.memory_space<hbm>>
      tpu.enqueue_dma source(%dma_start3A_778 : memref<32x50xi32, #tpu.memory_space<hbm>>) target(%dma_start3A_776 : memref<32x50xi32, #tpu.memory_space<vmem>>) target_semaphore(%run_scoped3A_766 : memref<!tpu.dma_semaphore, #tpu.memory_space<semaphore_mem>>)
      %dma_wait3A_779 = arith.constant 0 : i32
      %dma_wait3A_780 = arith.constant 0 : i32
      %dma_wait3A_781 = tpu.memref_slice %arg5[%run_scoped3A, %dma_wait3A_779, %dma_wait3A_780] : memref<2x32x50xi32, #tpu.memory_space<vmem>> -> memref<1x32x50xi32, #tpu.memory_space<vmem>>
      %dma_wait3A_782 = tpu.memref_squeeze %dma_wait3A_781 : memref<1x32x50xi32, #tpu.memory_space<vmem>> -> memref<32x50xi32, #tpu.memory_space<vmem>>
      %dma_wait3A_783 = arith.constant 0 : i32
      %dma_wait3A_784 = tpu.memref_slice %arg2[%add3A_4, %dma_wait3A_783] : memref<16384x50xi32, #tpu.memory_space<hbm>> -> memref<32x50xi32, #tpu.memory_space<hbm>>
      %dma_wait3A_785 = arith.constant 0 : i32
      %dma_wait3A_786 = arith.constant 0 : i32
      %dma_wait3A_787 = tpu.memref_slice %arg5[%run_scoped3A, %dma_wait3A_785, %dma_wait3A_786] : memref<2x32x50xi32, #tpu.memory_space<vmem>> -> memref<1x32x50xi32, #tpu.memory_space<vmem>>
      %dma_wait3A_788 = tpu.memref_squeeze %dma_wait3A_787 : memref<1x32x50xi32, #tpu.memory_space<vmem>> -> memref<32x50xi32, #tpu.memory_space<vmem>>
      %dma_wait3A_789 = arith.constant 0 : i32
      %dma_wait3A_790 = tpu.memref_slice %arg2[%add3A_4, %dma_wait3A_789] : memref<16384x50xi32, #tpu.memory_space<hbm>> -> memref<32x50xi32, #tpu.memory_space<hbm>>
      tpu.wait_dma2 semaphore(%run_scoped3A_766 : memref<!tpu.dma_semaphore, #tpu.memory_space<semaphore_mem>>) src(%dma_wait3A_790 : memref<32x50xi32, #tpu.memory_space<hbm>>) dst(%dma_wait3A_788 : memref<32x50xi32, #tpu.memory_space<vmem>>)
      tpu.yield
    }) : () -> ()
    %dma_start3A = arith.constant 0 : i32
    %dma_start3A_5 = arith.constant 0 : i32
    %dma_start3A_6 = arith.constant 0 : i32
    %dma_start3A_7 = arith.constant 0 : i32
    %dma_start3A_8 = arith.constant 0 : i32
    %dma_start3A_9 = arith.constant 0 : i32
    %dma_start3A_10 = arith.constant 0 : i32
    %dma_start3A_11 = tpu.memref_slice %arg6[%dma_start3A_6, %dma_start3A_8, %dma_start3A_9, %dma_start3A_10] : memref<2x32x50x64xf16, #tpu.memory_space<vmem>> -> memref<1x32x50x64xf16, #tpu.memory_space<vmem>>
    %dma_start3A_12 = tpu.memref_squeeze %dma_start3A_11 : memref<1x32x50x64xf16, #tpu.memory_space<vmem>> -> memref<32x50x64xf16, #tpu.memory_space<vmem>>
    %dma_start3A_13 = arith.constant 0 : i32
    %dma_start3A_14 = arith.constant 0 : i32
    %dma_start3A_15 = tpu.memref_slice %dma_start3A_12[%dma_start3A_7, %dma_start3A_13, %dma_start3A_14] : memref<32x50x64xf16, #tpu.memory_space<vmem>> -> memref<1x50x64xf16, #tpu.memory_space<vmem>>
    %dma_start3A_16 = tpu.memref_squeeze %dma_start3A_15 : memref<1x50x64xf16, #tpu.memory_space<vmem>> -> memref<50x64xf16, #tpu.memory_space<vmem>>
    %dma_start3A_17 = arith.constant 0 : i32
    %dma_start3A_18 = arith.constant 0 : i32
    %dma_start3A_19 = tpu.memref_slice %arg5[%dma_start3A, %dma_start3A_17, %dma_start3A_18] : memref<2x32x50xi32, #tpu.memory_space<vmem>> -> memref<1x32x50xi32, #tpu.memory_space<vmem>>
    %dma_start3A_20 = tpu.memref_squeeze %dma_start3A_19 : memref<1x32x50xi32, #tpu.memory_space<vmem>> -> memref<32x50xi32, #tpu.memory_space<vmem>>
    %dma_start3A_21 = arith.constant 0 : i32
    %dma_start3A_22 = tpu.memref_slice %dma_start3A_20[%dma_start3A_5, %dma_start3A_21] : memref<32x50xi32, #tpu.memory_space<vmem>> -> memref<1x50xi32, #tpu.memory_space<vmem>>
    %dma_start3A_23 = tpu.memref_squeeze %dma_start3A_22 : memref<1x50xi32, #tpu.memory_space<vmem>> -> memref<50xi32, #tpu.memory_space<vmem>>
    %dma_start3A_24 = arith.constant 0 : i32
    %dma_start3A_25 = arith.constant 0 : i32
    %dma_start3A_26 = tpu.memref_slice %arg3[%dma_start3A_24, %dma_start3A_25] : memref<1000000x64xf16, #tpu.memory_space<hbm>> -> memref<1000000x64xf16, #tpu.memory_space<hbm>>
    tpu.enqueue_indirect_dma source(%dma_start3A_26 : memref<1000000x64xf16, #tpu.memory_space<hbm>>) target(%dma_start3A_16 : memref<50x64xf16, #tpu.memory_space<vmem>>) offsets(%dma_start3A_23 : memref<50xi32, #tpu.memory_space<vmem>>) semaphore(%arg7 : memref<!tpu.dma_semaphore, #tpu.memory_space<semaphore_mem>>)
    %dma_start3A_27 = arith.constant 0 : i32
    %dma_start3A_28 = arith.constant 1 : i32
    %dma_start3A_29 = arith.constant 0 : i32
    %dma_start3A_30 = arith.constant 1 : i32
    %dma_start3A_31 = arith.constant 0 : i32
    %dma_start3A_32 = arith.constant 0 : i32
    %dma_start3A_33 = arith.constant 0 : i32
    %dma_start3A_34 = tpu.memref_slice %arg6[%dma_start3A_29, %dma_start3A_31, %dma_start3A_32, %dma_start3A_33] : memref<2x32x50x64xf16, #tpu.memory_space<vmem>> -> memref<1x32x50x64xf16, #tpu.memory_space<vmem>>
    %dma_start3A_35 = tpu.memref_squeeze %dma_start3A_34 : memref<1x32x50x64xf16, #tpu.memory_space<vmem>> -> memref<32x50x64xf16, #tpu.memory_space<vmem>>
    %dma_start3A_36 = arith.constant 0 : i32
    %dma_start3A_37 = arith.constant 0 : i32
    %dma_start3A_38 = tpu.memref_slice %dma_start3A_35[%dma_start3A_30, %dma_start3A_36, %dma_start3A_37] : memref<32x50x64xf16, #tpu.memory_space<vmem>> -> memref<1x50x64xf16, #tpu.memory_space<vmem>>
    %dma_start3A_39 = tpu.memref_squeeze %dma_start3A_38 : memref<1x50x64xf16, #tpu.memory_space<vmem>> -> memref<50x64xf16, #tpu.memory_space<vmem>>
    %dma_start3A_40 = arith.constant 0 : i32
    %dma_start3A_41 = arith.constant 0 : i32
    %dma_start3A_42 = tpu.memref_slice %arg5[%dma_start3A_27, %dma_start3A_40, %dma_start3A_41] : memref<2x32x50xi32, #tpu.memory_space<vmem>> -> memref<1x32x50xi32, #tpu.memory_space<vmem>>
    %dma_start3A_43 = tpu.memref_squeeze %dma_start3A_42 : memref<1x32x50xi32, #tpu.memory_space<vmem>> -> memref<32x50xi32, #tpu.memory_space<vmem>>
    %dma_start3A_44 = arith.constant 0 : i32
    %dma_start3A_45 = tpu.memref_slice %dma_start3A_43[%dma_start3A_28, %dma_start3A_44] : memref<32x50xi32, #tpu.memory_space<vmem>> -> memref<1x50xi32, #tpu.memory_space<vmem>>
    %dma_start3A_46 = tpu.memref_squeeze %dma_start3A_45 : memref<1x50xi32, #tpu.memory_space<vmem>> -> memref<50xi32, #tpu.memory_space<vmem>>
    %dma_start3A_47 = arith.constant 0 : i32
    %dma_start3A_48 = arith.constant 0 : i32
    %dma_start3A_49 = tpu.memref_slice %arg3[%dma_start3A_47, %dma_start3A_48] : memref<1000000x64xf16, #tpu.memory_space<hbm>> -> memref<1000000x64xf16, #tpu.memory_space<hbm>>
    tpu.enqueue_indirect_dma source(%dma_start3A_49 : memref<1000000x64xf16, #tpu.memory_space<hbm>>) target(%dma_start3A_39 : memref<50x64xf16, #tpu.memory_space<vmem>>) offsets(%dma_start3A_46 : memref<50xi32, #tpu.memory_space<vmem>>) semaphore(%arg7 : memref<!tpu.dma_semaphore, #tpu.memory_space<semaphore_mem>>)
    %dma_start3A_50 = arith.constant 0 : i32
    %dma_start3A_51 = arith.constant 2 : i32
    %dma_start3A_52 = arith.constant 0 : i32
    %dma_start3A_53 = arith.constant 2 : i32
    %dma_start3A_54 = arith.constant 0 : i32
    %dma_start3A_55 = arith.constant 0 : i32
    %dma_start3A_56 = arith.constant 0 : i32
    %dma_start3A_57 = tpu.memref_slice %arg6[%dma_start3A_52, %dma_start3A_54, %dma_start3A_55, %dma_start3A_56] : memref<2x32x50x64xf16, #tpu.memory_space<vmem>> -> memref<1x32x50x64xf16, #tpu.memory_space<vmem>>
    %dma_start3A_58 = tpu.memref_squeeze %dma_start3A_57 : memref<1x32x50x64xf16, #tpu.memory_space<vmem>> -> memref<32x50x64xf16, #tpu.memory_space<vmem>>
    %dma_start3A_59 = arith.constant 0 : i32
    %dma_start3A_60 = arith.constant 0 : i32
    %dma_start3A_61 = tpu.memref_slice %dma_start3A_58[%dma_start3A_53, %dma_start3A_59, %dma_start3A_60] : memref<32x50x64xf16, #tpu.memory_space<vmem>> -> memref<1x50x64xf16, #tpu.memory_space<vmem>>
    %dma_start3A_62 = tpu.memref_squeeze %dma_start3A_61 : memref<1x50x64xf16, #tpu.memory_space<vmem>> -> memref<50x64xf16, #tpu.memory_space<vmem>>
    %dma_start3A_63 = arith.constant 0 : i32
    %dma_start3A_64 = arith.constant 0 : i32
    %dma_start3A_65 = tpu.memref_slice %arg5[%dma_start3A_50, %dma_start3A_63, %dma_start3A_64] : memref<2x32x50xi32, #tpu.memory_space<vmem>> -> memref<1x32x50xi32, #tpu.memory_space<vmem>>
    %dma_start3A_66 = tpu.memref_squeeze %dma_start3A_65 : memref<1x32x50xi32, #tpu.memory_space<vmem>> -> memref<32x50xi32, #tpu.memory_space<vmem>>
    %dma_start3A_67 = arith.constant 0 : i32
    %dma_start3A_68 = tpu.memref_slice %dma_start3A_66[%dma_start3A_51, %dma_start3A_67] : memref<32x50xi32, #tpu.memory_space<vmem>> -> memref<1x50xi32, #tpu.memory_space<vmem>>
    %dma_start3A_69 = tpu.memref_squeeze %dma_start3A_68 : memref<1x50xi32, #tpu.memory_space<vmem>> -> memref<50xi32, #tpu.memory_space<vmem>>
    %dma_start3A_70 = arith.constant 0 : i32
    %dma_start3A_71 = arith.constant 0 : i32
    %dma_start3A_72 = tpu.memref_slice %arg3[%dma_start3A_70, %dma_start3A_71] : memref<1000000x64xf16, #tpu.memory_space<hbm>> -> memref<1000000x64xf16, #tpu.memory_space<hbm>>
    tpu.enqueue_indirect_dma source(%dma_start3A_72 : memref<1000000x64xf16, #tpu.memory_space<hbm>>) target(%dma_start3A_62 : memref<50x64xf16, #tpu.memory_space<vmem>>) offsets(%dma_start3A_69 : memref<50xi32, #tpu.memory_space<vmem>>) semaphore(%arg7 : memref<!tpu.dma_semaphore, #tpu.memory_space<semaphore_mem>>)
    %dma_start3A_73 = arith.constant 0 : i32
    %dma_start3A_74 = arith.constant 3 : i32
    %dma_start3A_75 = arith.constant 0 : i32
    %dma_start3A_76 = arith.constant 3 : i32
    %dma_start3A_77 = arith.constant 0 : i32
    %dma_start3A_78 = arith.constant 0 : i32
    %dma_start3A_79 = arith.constant 0 : i32
    %dma_start3A_80 = tpu.memref_slice %arg6[%dma_start3A_75, %dma_start3A_77, %dma_start3A_78, %dma_start3A_79] : memref<2x32x50x64xf16, #tpu.memory_space<vmem>> -> memref<1x32x50x64xf16, #tpu.memory_space<vmem>>
    %dma_start3A_81 = tpu.memref_squeeze %dma_start3A_80 : memref<1x32x50x64xf16, #tpu.memory_space<vmem>> -> memref<32x50x64xf16, #tpu.memory_space<vmem>>
    %dma_start3A_82 = arith.constant 0 : i32
    %dma_start3A_83 = arith.constant 0 : i32
    %dma_start3A_84 = tpu.memref_slice %dma_start3A_81[%dma_start3A_76, %dma_start3A_82, %dma_start3A_83] : memref<32x50x64xf16, #tpu.memory_space<vmem>> -> memref<1x50x64xf16, #tpu.memory_space<vmem>>
    %dma_start3A_85 = tpu.memref_squeeze %dma_start3A_84 : memref<1x50x64xf16, #tpu.memory_space<vmem>> -> memref<50x64xf16, #tpu.memory_space<vmem>>
    %dma_start3A_86 = arith.constant 0 : i32
    %dma_start3A_87 = arith.constant 0 : i32
    %dma_start3A_88 = tpu.memref_slice %arg5[%dma_start3A_73, %dma_start3A_86, %dma_start3A_87] : memref<2x32x50xi32, #tpu.memory_space<vmem>> -> memref<1x32x50xi32, #tpu.memory_space<vmem>>
    %dma_start3A_89 = tpu.memref_squeeze %dma_start3A_88 : memref<1x32x50xi32, #tpu.memory_space<vmem>> -> memref<32x50xi32, #tpu.memory_space<vmem>>
    %dma_start3A_90 = arith.constant 0 : i32
    %dma_start3A_91 = tpu.memref_slice %dma_start3A_89[%dma_start3A_74, %dma_start3A_90] : memref<32x50xi32, #tpu.memory_space<vmem>> -> memref<1x50xi32, #tpu.memory_space<vmem>>
    %dma_start3A_92 = tpu.memref_squeeze %dma_start3A_91 : memref<1x50xi32, #tpu.memory_space<vmem>> -> memref<50xi32, #tpu.memory_space<vmem>>
    %dma_start3A_93 = arith.constant 0 : i32
    %dma_start3A_94 = arith.constant 0 : i32
    %dma_start3A_95 = tpu.memref_slice %arg3[%dma_start3A_93, %dma_start3A_94] : memref<1000000x64xf16, #tpu.memory_space<hbm>> -> memref<1000000x64xf16, #tpu.memory_space<hbm>>
    tpu.enqueue_indirect_dma source(%dma_start3A_95 : memref<1000000x64xf16, #tpu.memory_space<hbm>>) target(%dma_start3A_85 : memref<50x64xf16, #tpu.memory_space<vmem>>) offsets(%dma_start3A_92 : memref<50xi32, #tpu.memory_space<vmem>>) semaphore(%arg7 : memref<!tpu.dma_semaphore, #tpu.memory_space<semaphore_mem>>)
    %dma_start3A_96 = arith.constant 0 : i32
    %dma_start3A_97 = arith.constant 4 : i32
    %dma_start3A_98 = arith.constant 0 : i32
    %dma_start3A_99 = arith.constant 4 : i32
    %dma_start3A_100 = arith.constant 0 : i32
    %dma_start3A_101 = arith.constant 0 : i32
    %dma_start3A_102 = arith.constant 0 : i32
    %dma_start3A_103 = tpu.memref_slice %arg6[%dma_start3A_98, %dma_start3A_100, %dma_start3A_101, %dma_start3A_102] : memref<2x32x50x64xf16, #tpu.memory_space<vmem>> -> memref<1x32x50x64xf16, #tpu.memory_space<vmem>>
    %dma_start3A_104 = tpu.memref_squeeze %dma_start3A_103 : memref<1x32x50x64xf16, #tpu.memory_space<vmem>> -> memref<32x50x64xf16, #tpu.memory_space<vmem>>
    %dma_start3A_105 = arith.constant 0 : i32
    %dma_start3A_106 = arith.constant 0 : i32
    %dma_start3A_107 = tpu.memref_slice %dma_start3A_104[%dma_start3A_99, %dma_start3A_105, %dma_start3A_106] : memref<32x50x64xf16, #tpu.memory_space<vmem>> -> memref<1x50x64xf16, #tpu.memory_space<vmem>>
    %dma_start3A_108 = tpu.memref_squeeze %dma_start3A_107 : memref<1x50x64xf16, #tpu.memory_space<vmem>> -> memref<50x64xf16, #tpu.memory_space<vmem>>
    %dma_start3A_109 = arith.constant 0 : i32
    %dma_start3A_110 = arith.constant 0 : i32
    %dma_start3A_111 = tpu.memref_slice %arg5[%dma_start3A_96, %dma_start3A_109, %dma_start3A_110] : memref<2x32x50xi32, #tpu.memory_space<vmem>> -> memref<1x32x50xi32, #tpu.memory_space<vmem>>
    %dma_start3A_112 = tpu.memref_squeeze %dma_start3A_111 : memref<1x32x50xi32, #tpu.memory_space<vmem>> -> memref<32x50xi32, #tpu.memory_space<vmem>>
    %dma_start3A_113 = arith.constant 0 : i32
    %dma_start3A_114 = tpu.memref_slice %dma_start3A_112[%dma_start3A_97, %dma_start3A_113] : memref<32x50xi32, #tpu.memory_space<vmem>> -> memref<1x50xi32, #tpu.memory_space<vmem>>
    %dma_start3A_115 = tpu.memref_squeeze %dma_start3A_114 : memref<1x50xi32, #tpu.memory_space<vmem>> -> memref<50xi32, #tpu.memory_space<vmem>>
    %dma_start3A_116 = arith.constant 0 : i32
    %dma_start3A_117 = arith.constant 0 : i32
    %dma_start3A_118 = tpu.memref_slice %arg3[%dma_start3A_116, %dma_start3A_117] : memref<1000000x64xf16, #tpu.memory_space<hbm>> -> memref<1000000x64xf16, #tpu.memory_space<hbm>>
    tpu.enqueue_indirect_dma source(%dma_start3A_118 : memref<1000000x64xf16, #tpu.memory_space<hbm>>) target(%dma_start3A_108 : memref<50x64xf16, #tpu.memory_space<vmem>>) offsets(%dma_start3A_115 : memref<50xi32, #tpu.memory_space<vmem>>) semaphore(%arg7 : memref<!tpu.dma_semaphore, #tpu.memory_space<semaphore_mem>>)
    %dma_start3A_119 = arith.constant 0 : i32
    %dma_start3A_120 = arith.constant 5 : i32
    %dma_start3A_121 = arith.constant 0 : i32
    %dma_start3A_122 = arith.constant 5 : i32
    %dma_start3A_123 = arith.constant 0 : i32
    %dma_start3A_124 = arith.constant 0 : i32
    %dma_start3A_125 = arith.constant 0 : i32
    %dma_start3A_126 = tpu.memref_slice %arg6[%dma_start3A_121, %dma_start3A_123, %dma_start3A_124, %dma_start3A_125] : memref<2x32x50x64xf16, #tpu.memory_space<vmem>> -> memref<1x32x50x64xf16, #tpu.memory_space<vmem>>
    %dma_start3A_127 = tpu.memref_squeeze %dma_start3A_126 : memref<1x32x50x64xf16, #tpu.memory_space<vmem>> -> memref<32x50x64xf16, #tpu.memory_space<vmem>>
    %dma_start3A_128 = arith.constant 0 : i32
    %dma_start3A_129 = arith.constant 0 : i32
    %dma_start3A_130 = tpu.memref_slice %dma_start3A_127[%dma_start3A_122, %dma_start3A_128, %dma_start3A_129] : memref<32x50x64xf16, #tpu.memory_space<vmem>> -> memref<1x50x64xf16, #tpu.memory_space<vmem>>
    %dma_start3A_131 = tpu.memref_squeeze %dma_start3A_130 : memref<1x50x64xf16, #tpu.memory_space<vmem>> -> memref<50x64xf16, #tpu.memory_space<vmem>>
    %dma_start3A_132 = arith.constant 0 : i32
    %dma_start3A_133 = arith.constant 0 : i32
    %dma_start3A_134 = tpu.memref_slice %arg5[%dma_start3A_119, %dma_start3A_132, %dma_start3A_133] : memref<2x32x50xi32, #tpu.memory_space<vmem>> -> memref<1x32x50xi32, #tpu.memory_space<vmem>>
    %dma_start3A_135 = tpu.memref_squeeze %dma_start3A_134 : memref<1x32x50xi32, #tpu.memory_space<vmem>> -> memref<32x50xi32, #tpu.memory_space<vmem>>
    %dma_start3A_136 = arith.constant 0 : i32
    %dma_start3A_137 = tpu.memref_slice %dma_start3A_135[%dma_start3A_120, %dma_start3A_136] : memref<32x50xi32, #tpu.memory_space<vmem>> -> memref<1x50xi32, #tpu.memory_space<vmem>>
    %dma_start3A_138 = tpu.memref_squeeze %dma_start3A_137 : memref<1x50xi32, #tpu.memory_space<vmem>> -> memref<50xi32, #tpu.memory_space<vmem>>
    %dma_start3A_139 = arith.constant 0 : i32
    %dma_start3A_140 = arith.constant 0 : i32
    %dma_start3A_141 = tpu.memref_slice %arg3[%dma_start3A_139, %dma_start3A_140] : memref<1000000x64xf16, #tpu.memory_space<hbm>> -> memref<1000000x64xf16, #tpu.memory_space<hbm>>
    tpu.enqueue_indirect_dma source(%dma_start3A_141 : memref<1000000x64xf16, #tpu.memory_space<hbm>>) target(%dma_start3A_131 : memref<50x64xf16, #tpu.memory_space<vmem>>) offsets(%dma_start3A_138 : memref<50xi32, #tpu.memory_space<vmem>>) semaphore(%arg7 : memref<!tpu.dma_semaphore, #tpu.memory_space<semaphore_mem>>)
    %dma_start3A_142 = arith.constant 0 : i32
    %dma_start3A_143 = arith.constant 6 : i32
    %dma_start3A_144 = arith.constant 0 : i32
    %dma_start3A_145 = arith.constant 6 : i32
    %dma_start3A_146 = arith.constant 0 : i32
    %dma_start3A_147 = arith.constant 0 : i32
    %dma_start3A_148 = arith.constant 0 : i32
    %dma_start3A_149 = tpu.memref_slice %arg6[%dma_start3A_144, %dma_start3A_146, %dma_start3A_147, %dma_start3A_148] : memref<2x32x50x64xf16, #tpu.memory_space<vmem>> -> memref<1x32x50x64xf16, #tpu.memory_space<vmem>>
    %dma_start3A_150 = tpu.memref_squeeze %dma_start3A_149 : memref<1x32x50x64xf16, #tpu.memory_space<vmem>> -> memref<32x50x64xf16, #tpu.memory_space<vmem>>
    %dma_start3A_151 = arith.constant 0 : i32
    %dma_start3A_152 = arith.constant 0 : i32
    %dma_start3A_153 = tpu.memref_slice %dma_start3A_150[%dma_start3A_145, %dma_start3A_151, %dma_start3A_152] : memref<32x50x64xf16, #tpu.memory_space<vmem>> -> memref<1x50x64xf16, #tpu.memory_space<vmem>>
    %dma_start3A_154 = tpu.memref_squeeze %dma_start3A_153 : memref<1x50x64xf16, #tpu.memory_space<vmem>> -> memref<50x64xf16, #tpu.memory_space<vmem>>
    %dma_start3A_155 = arith.constant 0 : i32
    %dma_start3A_156 = arith.constant 0 : i32
    %dma_start3A_157 = tpu.memref_slice %arg5[%dma_start3A_142, %dma_start3A_155, %dma_start3A_156] : memref<2x32x50xi32, #tpu.memory_space<vmem>> -> memref<1x32x50xi32, #tpu.memory_space<vmem>>
    %dma_start3A_158 = tpu.memref_squeeze %dma_start3A_157 : memref<1x32x50xi32, #tpu.memory_space<vmem>> -> memref<32x50xi32, #tpu.memory_space<vmem>>
    %dma_start3A_159 = arith.constant 0 : i32
    %dma_start3A_160 = tpu.memref_slice %dma_start3A_158[%dma_start3A_143, %dma_start3A_159] : memref<32x50xi32, #tpu.memory_space<vmem>> -> memref<1x50xi32, #tpu.memory_space<vmem>>
    %dma_start3A_161 = tpu.memref_squeeze %dma_start3A_160 : memref<1x50xi32, #tpu.memory_space<vmem>> -> memref<50xi32, #tpu.memory_space<vmem>>
    %dma_start3A_162 = arith.constant 0 : i32
    %dma_start3A_163 = arith.constant 0 : i32
    %dma_start3A_164 = tpu.memref_slice %arg3[%dma_start3A_162, %dma_start3A_163] : memref<1000000x64xf16, #tpu.memory_space<hbm>> -> memref<1000000x64xf16, #tpu.memory_space<hbm>>
    tpu.enqueue_indirect_dma source(%dma_start3A_164 : memref<1000000x64xf16, #tpu.memory_space<hbm>>) target(%dma_start3A_154 : memref<50x64xf16, #tpu.memory_space<vmem>>) offsets(%dma_start3A_161 : memref<50xi32, #tpu.memory_space<vmem>>) semaphore(%arg7 : memref<!tpu.dma_semaphore, #tpu.memory_space<semaphore_mem>>)
    %dma_start3A_165 = arith.constant 0 : i32
    %dma_start3A_166 = arith.constant 7 : i32
    %dma_start3A_167 = arith.constant 0 : i32
    %dma_start3A_168 = arith.constant 7 : i32
    %dma_start3A_169 = arith.constant 0 : i32
    %dma_start3A_170 = arith.constant 0 : i32
    %dma_start3A_171 = arith.constant 0 : i32
    %dma_start3A_172 = tpu.memref_slice %arg6[%dma_start3A_167, %dma_start3A_169, %dma_start3A_170, %dma_start3A_171] : memref<2x32x50x64xf16, #tpu.memory_space<vmem>> -> memref<1x32x50x64xf16, #tpu.memory_space<vmem>>
    %dma_start3A_173 = tpu.memref_squeeze %dma_start3A_172 : memref<1x32x50x64xf16, #tpu.memory_space<vmem>> -> memref<32x50x64xf16, #tpu.memory_space<vmem>>
    %dma_start3A_174 = arith.constant 0 : i32
    %dma_start3A_175 = arith.constant 0 : i32
    %dma_start3A_176 = tpu.memref_slice %dma_start3A_173[%dma_start3A_168, %dma_start3A_174, %dma_start3A_175] : memref<32x50x64xf16, #tpu.memory_space<vmem>> -> memref<1x50x64xf16, #tpu.memory_space<vmem>>
    %dma_start3A_177 = tpu.memref_squeeze %dma_start3A_176 : memref<1x50x64xf16, #tpu.memory_space<vmem>> -> memref<50x64xf16, #tpu.memory_space<vmem>>
    %dma_start3A_178 = arith.constant 0 : i32
    %dma_start3A_179 = arith.constant 0 : i32
    %dma_start3A_180 = tpu.memref_slice %arg5[%dma_start3A_165, %dma_start3A_178, %dma_start3A_179] : memref<2x32x50xi32, #tpu.memory_space<vmem>> -> memref<1x32x50xi32, #tpu.memory_space<vmem>>
    %dma_start3A_181 = tpu.memref_squeeze %dma_start3A_180 : memref<1x32x50xi32, #tpu.memory_space<vmem>> -> memref<32x50xi32, #tpu.memory_space<vmem>>
    %dma_start3A_182 = arith.constant 0 : i32
    %dma_start3A_183 = tpu.memref_slice %dma_start3A_181[%dma_start3A_166, %dma_start3A_182] : memref<32x50xi32, #tpu.memory_space<vmem>> -> memref<1x50xi32, #tpu.memory_space<vmem>>
    %dma_start3A_184 = tpu.memref_squeeze %dma_start3A_183 : memref<1x50xi32, #tpu.memory_space<vmem>> -> memref<50xi32, #tpu.memory_space<vmem>>
    %dma_start3A_185 = arith.constant 0 : i32
    %dma_start3A_186 = arith.constant 0 : i32
    %dma_start3A_187 = tpu.memref_slice %arg3[%dma_start3A_185, %dma_start3A_186] : memref<1000000x64xf16, #tpu.memory_space<hbm>> -> memref<1000000x64xf16, #tpu.memory_space<hbm>>
    tpu.enqueue_indirect_dma source(%dma_start3A_187 : memref<1000000x64xf16, #tpu.memory_space<hbm>>) target(%dma_start3A_177 : memref<50x64xf16, #tpu.memory_space<vmem>>) offsets(%dma_start3A_184 : memref<50xi32, #tpu.memory_space<vmem>>) semaphore(%arg7 : memref<!tpu.dma_semaphore, #tpu.memory_space<semaphore_mem>>)
    %dma_start3A_188 = arith.constant 0 : i32
    %dma_start3A_189 = arith.constant 8 : i32
    %dma_start3A_190 = arith.constant 0 : i32
    %dma_start3A_191 = arith.constant 8 : i32
    %dma_start3A_192 = arith.constant 0 : i32
    %dma_start3A_193 = arith.constant 0 : i32
    %dma_start3A_194 = arith.constant 0 : i32
    %dma_start3A_195 = tpu.memref_slice %arg6[%dma_start3A_190, %dma_start3A_192, %dma_start3A_193, %dma_start3A_194] : memref<2x32x50x64xf16, #tpu.memory_space<vmem>> -> memref<1x32x50x64xf16, #tpu.memory_space<vmem>>
    %dma_start3A_196 = tpu.memref_squeeze %dma_start3A_195 : memref<1x32x50x64xf16, #tpu.memory_space<vmem>> -> memref<32x50x64xf16, #tpu.memory_space<vmem>>
    %dma_start3A_197 = arith.constant 0 : i32
    %dma_start3A_198 = arith.constant 0 : i32
    %dma_start3A_199 = tpu.memref_slice %dma_start3A_196[%dma_start3A_191, %dma_start3A_197, %dma_start3A_198] : memref<32x50x64xf16, #tpu.memory_space<vmem>> -> memref<1x50x64xf16, #tpu.memory_space<vmem>>
    %dma_start3A_200 = tpu.memref_squeeze %dma_start3A_199 : memref<1x50x64xf16, #tpu.memory_space<vmem>> -> memref<50x64xf16, #tpu.memory_space<vmem>>
    %dma_start3A_201 = arith.constant 0 : i32
    %dma_start3A_202 = arith.constant 0 : i32
    %dma_start3A_203 = tpu.memref_slice %arg5[%dma_start3A_188, %dma_start3A_201, %dma_start3A_202] : memref<2x32x50xi32, #tpu.memory_space<vmem>> -> memref<1x32x50xi32, #tpu.memory_space<vmem>>
    %dma_start3A_204 = tpu.memref_squeeze %dma_start3A_203 : memref<1x32x50xi32, #tpu.memory_space<vmem>> -> memref<32x50xi32, #tpu.memory_space<vmem>>
    %dma_start3A_205 = arith.constant 0 : i32
    %dma_start3A_206 = tpu.memref_slice %dma_start3A_204[%dma_start3A_189, %dma_start3A_205] : memref<32x50xi32, #tpu.memory_space<vmem>> -> memref<1x50xi32, #tpu.memory_space<vmem>>
    %dma_start3A_207 = tpu.memref_squeeze %dma_start3A_206 : memref<1x50xi32, #tpu.memory_space<vmem>> -> memref<50xi32, #tpu.memory_space<vmem>>
    %dma_start3A_208 = arith.constant 0 : i32
    %dma_start3A_209 = arith.constant 0 : i32
    %dma_start3A_210 = tpu.memref_slice %arg3[%dma_start3A_208, %dma_start3A_209] : memref<1000000x64xf16, #tpu.memory_space<hbm>> -> memref<1000000x64xf16, #tpu.memory_space<hbm>>
    tpu.enqueue_indirect_dma source(%dma_start3A_210 : memref<1000000x64xf16, #tpu.memory_space<hbm>>) target(%dma_start3A_200 : memref<50x64xf16, #tpu.memory_space<vmem>>) offsets(%dma_start3A_207 : memref<50xi32, #tpu.memory_space<vmem>>) semaphore(%arg7 : memref<!tpu.dma_semaphore, #tpu.memory_space<semaphore_mem>>)
    %dma_start3A_211 = arith.constant 0 : i32
    %dma_start3A_212 = arith.constant 9 : i32
    %dma_start3A_213 = arith.constant 0 : i32
    %dma_start3A_214 = arith.constant 9 : i32
    %dma_start3A_215 = arith.constant 0 : i32
    %dma_start3A_216 = arith.constant 0 : i32
    %dma_start3A_217 = arith.constant 0 : i32
    %dma_start3A_218 = tpu.memref_slice %arg6[%dma_start3A_213, %dma_start3A_215, %dma_start3A_216, %dma_start3A_217] : memref<2x32x50x64xf16, #tpu.memory_space<vmem>> -> memref<1x32x50x64xf16, #tpu.memory_space<vmem>>
    %dma_start3A_219 = tpu.memref_squeeze %dma_start3A_218 : memref<1x32x50x64xf16, #tpu.memory_space<vmem>> -> memref<32x50x64xf16, #tpu.memory_space<vmem>>
    %dma_start3A_220 = arith.constant 0 : i32
    %dma_start3A_221 = arith.constant 0 : i32
    %dma_start3A_222 = tpu.memref_slice %dma_start3A_219[%dma_start3A_214, %dma_start3A_220, %dma_start3A_221] : memref<32x50x64xf16, #tpu.memory_space<vmem>> -> memref<1x50x64xf16, #tpu.memory_space<vmem>>
    %dma_start3A_223 = tpu.memref_squeeze %dma_start3A_222 : memref<1x50x64xf16, #tpu.memory_space<vmem>> -> memref<50x64xf16, #tpu.memory_space<vmem>>
    %dma_start3A_224 = arith.constant 0 : i32
    %dma_start3A_225 = arith.constant 0 : i32
    %dma_start3A_226 = tpu.memref_slice %arg5[%dma_start3A_211, %dma_start3A_224, %dma_start3A_225] : memref<2x32x50xi32, #tpu.memory_space<vmem>> -> memref<1x32x50xi32, #tpu.memory_space<vmem>>
    %dma_start3A_227 = tpu.memref_squeeze %dma_start3A_226 : memref<1x32x50xi32, #tpu.memory_space<vmem>> -> memref<32x50xi32, #tpu.memory_space<vmem>>
    %dma_start3A_228 = arith.constant 0 : i32
    %dma_start3A_229 = tpu.memref_slice %dma_start3A_227[%dma_start3A_212, %dma_start3A_228] : memref<32x50xi32, #tpu.memory_space<vmem>> -> memref<1x50xi32, #tpu.memory_space<vmem>>
    %dma_start3A_230 = tpu.memref_squeeze %dma_start3A_229 : memref<1x50xi32, #tpu.memory_space<vmem>> -> memref<50xi32, #tpu.memory_space<vmem>>
    %dma_start3A_231 = arith.constant 0 : i32
    %dma_start3A_232 = arith.constant 0 : i32
    %dma_start3A_233 = tpu.memref_slice %arg3[%dma_start3A_231, %dma_start3A_232] : memref<1000000x64xf16, #tpu.memory_space<hbm>> -> memref<1000000x64xf16, #tpu.memory_space<hbm>>
    tpu.enqueue_indirect_dma source(%dma_start3A_233 : memref<1000000x64xf16, #tpu.memory_space<hbm>>) target(%dma_start3A_223 : memref<50x64xf16, #tpu.memory_space<vmem>>) offsets(%dma_start3A_230 : memref<50xi32, #tpu.memory_space<vmem>>) semaphore(%arg7 : memref<!tpu.dma_semaphore, #tpu.memory_space<semaphore_mem>>)
    %dma_start3A_234 = arith.constant 0 : i32
    %dma_start3A_235 = arith.constant 10 : i32
    %dma_start3A_236 = arith.constant 0 : i32
    %dma_start3A_237 = arith.constant 10 : i32
    %dma_start3A_238 = arith.constant 0 : i32
    %dma_start3A_239 = arith.constant 0 : i32
    %dma_start3A_240 = arith.constant 0 : i32
    %dma_start3A_241 = tpu.memref_slice %arg6[%dma_start3A_236, %dma_start3A_238, %dma_start3A_239, %dma_start3A_240] : memref<2x32x50x64xf16, #tpu.memory_space<vmem>> -> memref<1x32x50x64xf16, #tpu.memory_space<vmem>>
    %dma_start3A_242 = tpu.memref_squeeze %dma_start3A_241 : memref<1x32x50x64xf16, #tpu.memory_space<vmem>> -> memref<32x50x64xf16, #tpu.memory_space<vmem>>
    %dma_start3A_243 = arith.constant 0 : i32
    %dma_start3A_244 = arith.constant 0 : i32
    %dma_start3A_245 = tpu.memref_slice %dma_start3A_242[%dma_start3A_237, %dma_start3A_243, %dma_start3A_244] : memref<32x50x64xf16, #tpu.memory_space<vmem>> -> memref<1x50x64xf16, #tpu.memory_space<vmem>>
    %dma_start3A_246 = tpu.memref_squeeze %dma_start3A_245 : memref<1x50x64xf16, #tpu.memory_space<vmem>> -> memref<50x64xf16, #tpu.memory_space<vmem>>
    %dma_start3A_247 = arith.constant 0 : i32
    %dma_start3A_248 = arith.constant 0 : i32
    %dma_start3A_249 = tpu.memref_slice %arg5[%dma_start3A_234, %dma_start3A_247, %dma_start3A_248] : memref<2x32x50xi32, #tpu.memory_space<vmem>> -> memref<1x32x50xi32, #tpu.memory_space<vmem>>
    %dma_start3A_250 = tpu.memref_squeeze %dma_start3A_249 : memref<1x32x50xi32, #tpu.memory_space<vmem>> -> memref<32x50xi32, #tpu.memory_space<vmem>>
    %dma_start3A_251 = arith.constant 0 : i32
    %dma_start3A_252 = tpu.memref_slice %dma_start3A_250[%dma_start3A_235, %dma_start3A_251] : memref<32x50xi32, #tpu.memory_space<vmem>> -> memref<1x50xi32, #tpu.memory_space<vmem>>
    %dma_start3A_253 = tpu.memref_squeeze %dma_start3A_252 : memref<1x50xi32, #tpu.memory_space<vmem>> -> memref<50xi32, #tpu.memory_space<vmem>>
    %dma_start3A_254 = arith.constant 0 : i32
    %dma_start3A_255 = arith.constant 0 : i32
    %dma_start3A_256 = tpu.memref_slice %arg3[%dma_start3A_254, %dma_start3A_255] : memref<1000000x64xf16, #tpu.memory_space<hbm>> -> memref<1000000x64xf16, #tpu.memory_space<hbm>>
    tpu.enqueue_indirect_dma source(%dma_start3A_256 : memref<1000000x64xf16, #tpu.memory_space<hbm>>) target(%dma_start3A_246 : memref<50x64xf16, #tpu.memory_space<vmem>>) offsets(%dma_start3A_253 : memref<50xi32, #tpu.memory_space<vmem>>) semaphore(%arg7 : memref<!tpu.dma_semaphore, #tpu.memory_space<semaphore_mem>>)
    %dma_start3A_257 = arith.constant 0 : i32
    %dma_start3A_258 = arith.constant 11 : i32
    %dma_start3A_259 = arith.constant 0 : i32
    %dma_start3A_260 = arith.constant 11 : i32
    %dma_start3A_261 = arith.constant 0 : i32
    %dma_start3A_262 = arith.constant 0 : i32
    %dma_start3A_263 = arith.constant 0 : i32
    %dma_start3A_264 = tpu.memref_slice %arg6[%dma_start3A_259, %dma_start3A_261, %dma_start3A_262, %dma_start3A_263] : memref<2x32x50x64xf16, #tpu.memory_space<vmem>> -> memref<1x32x50x64xf16, #tpu.memory_space<vmem>>
    %dma_start3A_265 = tpu.memref_squeeze %dma_start3A_264 : memref<1x32x50x64xf16, #tpu.memory_space<vmem>> -> memref<32x50x64xf16, #tpu.memory_space<vmem>>
    %dma_start3A_266 = arith.constant 0 : i32
    %dma_start3A_267 = arith.constant 0 : i32
    %dma_start3A_268 = tpu.memref_slice %dma_start3A_265[%dma_start3A_260, %dma_start3A_266, %dma_start3A_267] : memref<32x50x64xf16, #tpu.memory_space<vmem>> -> memref<1x50x64xf16, #tpu.memory_space<vmem>>
    %dma_start3A_269 = tpu.memref_squeeze %dma_start3A_268 : memref<1x50x64xf16, #tpu.memory_space<vmem>> -> memref<50x64xf16, #tpu.memory_space<vmem>>
    %dma_start3A_270 = arith.constant 0 : i32
    %dma_start3A_271 = arith.constant 0 : i32
    %dma_start3A_272 = tpu.memref_slice %arg5[%dma_start3A_257, %dma_start3A_270, %dma_start3A_271] : memref<2x32x50xi32, #tpu.memory_space<vmem>> -> memref<1x32x50xi32, #tpu.memory_space<vmem>>
    %dma_start3A_273 = tpu.memref_squeeze %dma_start3A_272 : memref<1x32x50xi32, #tpu.memory_space<vmem>> -> memref<32x50xi32, #tpu.memory_space<vmem>>
    %dma_start3A_274 = arith.constant 0 : i32
    %dma_start3A_275 = tpu.memref_slice %dma_start3A_273[%dma_start3A_258, %dma_start3A_274] : memref<32x50xi32, #tpu.memory_space<vmem>> -> memref<1x50xi32, #tpu.memory_space<vmem>>
    %dma_start3A_276 = tpu.memref_squeeze %dma_start3A_275 : memref<1x50xi32, #tpu.memory_space<vmem>> -> memref<50xi32, #tpu.memory_space<vmem>>
    %dma_start3A_277 = arith.constant 0 : i32
    %dma_start3A_278 = arith.constant 0 : i32
    %dma_start3A_279 = tpu.memref_slice %arg3[%dma_start3A_277, %dma_start3A_278] : memref<1000000x64xf16, #tpu.memory_space<hbm>> -> memref<1000000x64xf16, #tpu.memory_space<hbm>>
    tpu.enqueue_indirect_dma source(%dma_start3A_279 : memref<1000000x64xf16, #tpu.memory_space<hbm>>) target(%dma_start3A_269 : memref<50x64xf16, #tpu.memory_space<vmem>>) offsets(%dma_start3A_276 : memref<50xi32, #tpu.memory_space<vmem>>) semaphore(%arg7 : memref<!tpu.dma_semaphore, #tpu.memory_space<semaphore_mem>>)
    %dma_start3A_280 = arith.constant 0 : i32
    %dma_start3A_281 = arith.constant 12 : i32
    %dma_start3A_282 = arith.constant 0 : i32
    %dma_start3A_283 = arith.constant 12 : i32
    %dma_start3A_284 = arith.constant 0 : i32
    %dma_start3A_285 = arith.constant 0 : i32
    %dma_start3A_286 = arith.constant 0 : i32
    %dma_start3A_287 = tpu.memref_slice %arg6[%dma_start3A_282, %dma_start3A_284, %dma_start3A_285, %dma_start3A_286] : memref<2x32x50x64xf16, #tpu.memory_space<vmem>> -> memref<1x32x50x64xf16, #tpu.memory_space<vmem>>
    %dma_start3A_288 = tpu.memref_squeeze %dma_start3A_287 : memref<1x32x50x64xf16, #tpu.memory_space<vmem>> -> memref<32x50x64xf16, #tpu.memory_space<vmem>>
    %dma_start3A_289 = arith.constant 0 : i32
    %dma_start3A_290 = arith.constant 0 : i32
    %dma_start3A_291 = tpu.memref_slice %dma_start3A_288[%dma_start3A_283, %dma_start3A_289, %dma_start3A_290] : memref<32x50x64xf16, #tpu.memory_space<vmem>> -> memref<1x50x64xf16, #tpu.memory_space<vmem>>
    %dma_start3A_292 = tpu.memref_squeeze %dma_start3A_291 : memref<1x50x64xf16, #tpu.memory_space<vmem>> -> memref<50x64xf16, #tpu.memory_space<vmem>>
    %dma_start3A_293 = arith.constant 0 : i32
    %dma_start3A_294 = arith.constant 0 : i32
    %dma_start3A_295 = tpu.memref_slice %arg5[%dma_start3A_280, %dma_start3A_293, %dma_start3A_294] : memref<2x32x50xi32, #tpu.memory_space<vmem>> -> memref<1x32x50xi32, #tpu.memory_space<vmem>>
    %dma_start3A_296 = tpu.memref_squeeze %dma_start3A_295 : memref<1x32x50xi32, #tpu.memory_space<vmem>> -> memref<32x50xi32, #tpu.memory_space<vmem>>
    %dma_start3A_297 = arith.constant 0 : i32
    %dma_start3A_298 = tpu.memref_slice %dma_start3A_296[%dma_start3A_281, %dma_start3A_297] : memref<32x50xi32, #tpu.memory_space<vmem>> -> memref<1x50xi32, #tpu.memory_space<vmem>>
    %dma_start3A_299 = tpu.memref_squeeze %dma_start3A_298 : memref<1x50xi32, #tpu.memory_space<vmem>> -> memref<50xi32, #tpu.memory_space<vmem>>
    %dma_start3A_300 = arith.constant 0 : i32
    %dma_start3A_301 = arith.constant 0 : i32
    %dma_start3A_302 = tpu.memref_slice %arg3[%dma_start3A_300, %dma_start3A_301] : memref<1000000x64xf16, #tpu.memory_space<hbm>> -> memref<1000000x64xf16, #tpu.memory_space<hbm>>
    tpu.enqueue_indirect_dma source(%dma_start3A_302 : memref<1000000x64xf16, #tpu.memory_space<hbm>>) target(%dma_start3A_292 : memref<50x64xf16, #tpu.memory_space<vmem>>) offsets(%dma_start3A_299 : memref<50xi32, #tpu.memory_space<vmem>>) semaphore(%arg7 : memref<!tpu.dma_semaphore, #tpu.memory_space<semaphore_mem>>)
    %dma_start3A_303 = arith.constant 0 : i32
    %dma_start3A_304 = arith.constant 13 : i32
    %dma_start3A_305 = arith.constant 0 : i32
    %dma_start3A_306 = arith.constant 13 : i32
    %dma_start3A_307 = arith.constant 0 : i32
    %dma_start3A_308 = arith.constant 0 : i32
    %dma_start3A_309 = arith.constant 0 : i32
    %dma_start3A_310 = tpu.memref_slice %arg6[%dma_start3A_305, %dma_start3A_307, %dma_start3A_308, %dma_start3A_309] : memref<2x32x50x64xf16, #tpu.memory_space<vmem>> -> memref<1x32x50x64xf16, #tpu.memory_space<vmem>>
    %dma_start3A_311 = tpu.memref_squeeze %dma_start3A_310 : memref<1x32x50x64xf16, #tpu.memory_space<vmem>> -> memref<32x50x64xf16, #tpu.memory_space<vmem>>
    %dma_start3A_312 = arith.constant 0 : i32
    %dma_start3A_313 = arith.constant 0 : i32
    %dma_start3A_314 = tpu.memref_slice %dma_start3A_311[%dma_start3A_306, %dma_start3A_312, %dma_start3A_313] : memref<32x50x64xf16, #tpu.memory_space<vmem>> -> memref<1x50x64xf16, #tpu.memory_space<vmem>>
    %dma_start3A_315 = tpu.memref_squeeze %dma_start3A_314 : memref<1x50x64xf16, #tpu.memory_space<vmem>> -> memref<50x64xf16, #tpu.memory_space<vmem>>
    %dma_start3A_316 = arith.constant 0 : i32
    %dma_start3A_317 = arith.constant 0 : i32
    %dma_start3A_318 = tpu.memref_slice %arg5[%dma_start3A_303, %dma_start3A_316, %dma_start3A_317] : memref<2x32x50xi32, #tpu.memory_space<vmem>> -> memref<1x32x50xi32, #tpu.memory_space<vmem>>
    %dma_start3A_319 = tpu.memref_squeeze %dma_start3A_318 : memref<1x32x50xi32, #tpu.memory_space<vmem>> -> memref<32x50xi32, #tpu.memory_space<vmem>>
    %dma_start3A_320 = arith.constant 0 : i32
    %dma_start3A_321 = tpu.memref_slice %dma_start3A_319[%dma_start3A_304, %dma_start3A_320] : memref<32x50xi32, #tpu.memory_space<vmem>> -> memref<1x50xi32, #tpu.memory_space<vmem>>
    %dma_start3A_322 = tpu.memref_squeeze %dma_start3A_321 : memref<1x50xi32, #tpu.memory_space<vmem>> -> memref<50xi32, #tpu.memory_space<vmem>>
    %dma_start3A_323 = arith.constant 0 : i32
    %dma_start3A_324 = arith.constant 0 : i32
    %dma_start3A_325 = tpu.memref_slice %arg3[%dma_start3A_323, %dma_start3A_324] : memref<1000000x64xf16, #tpu.memory_space<hbm>> -> memref<1000000x64xf16, #tpu.memory_space<hbm>>
    tpu.enqueue_indirect_dma source(%dma_start3A_325 : memref<1000000x64xf16, #tpu.memory_space<hbm>>) target(%dma_start3A_315 : memref<50x64xf16, #tpu.memory_space<vmem>>) offsets(%dma_start3A_322 : memref<50xi32, #tpu.memory_space<vmem>>) semaphore(%arg7 : memref<!tpu.dma_semaphore, #tpu.memory_space<semaphore_mem>>)
    %dma_start3A_326 = arith.constant 0 : i32
    %dma_start3A_327 = arith.constant 14 : i32
    %dma_start3A_328 = arith.constant 0 : i32
    %dma_start3A_329 = arith.constant 14 : i32
    %dma_start3A_330 = arith.constant 0 : i32
    %dma_start3A_331 = arith.constant 0 : i32
    %dma_start3A_332 = arith.constant 0 : i32
    %dma_start3A_333 = tpu.memref_slice %arg6[%dma_start3A_328, %dma_start3A_330, %dma_start3A_331, %dma_start3A_332] : memref<2x32x50x64xf16, #tpu.memory_space<vmem>> -> memref<1x32x50x64xf16, #tpu.memory_space<vmem>>
    %dma_start3A_334 = tpu.memref_squeeze %dma_start3A_333 : memref<1x32x50x64xf16, #tpu.memory_space<vmem>> -> memref<32x50x64xf16, #tpu.memory_space<vmem>>
    %dma_start3A_335 = arith.constant 0 : i32
    %dma_start3A_336 = arith.constant 0 : i32
    %dma_start3A_337 = tpu.memref_slice %dma_start3A_334[%dma_start3A_329, %dma_start3A_335, %dma_start3A_336] : memref<32x50x64xf16, #tpu.memory_space<vmem>> -> memref<1x50x64xf16, #tpu.memory_space<vmem>>
    %dma_start3A_338 = tpu.memref_squeeze %dma_start3A_337 : memref<1x50x64xf16, #tpu.memory_space<vmem>> -> memref<50x64xf16, #tpu.memory_space<vmem>>
    %dma_start3A_339 = arith.constant 0 : i32
    %dma_start3A_340 = arith.constant 0 : i32
    %dma_start3A_341 = tpu.memref_slice %arg5[%dma_start3A_326, %dma_start3A_339, %dma_start3A_340] : memref<2x32x50xi32, #tpu.memory_space<vmem>> -> memref<1x32x50xi32, #tpu.memory_space<vmem>>
    %dma_start3A_342 = tpu.memref_squeeze %dma_start3A_341 : memref<1x32x50xi32, #tpu.memory_space<vmem>> -> memref<32x50xi32, #tpu.memory_space<vmem>>
    %dma_start3A_343 = arith.constant 0 : i32
    %dma_start3A_344 = tpu.memref_slice %dma_start3A_342[%dma_start3A_327, %dma_start3A_343] : memref<32x50xi32, #tpu.memory_space<vmem>> -> memref<1x50xi32, #tpu.memory_space<vmem>>
    %dma_start3A_345 = tpu.memref_squeeze %dma_start3A_344 : memref<1x50xi32, #tpu.memory_space<vmem>> -> memref<50xi32, #tpu.memory_space<vmem>>
    %dma_start3A_346 = arith.constant 0 : i32
    %dma_start3A_347 = arith.constant 0 : i32
    %dma_start3A_348 = tpu.memref_slice %arg3[%dma_start3A_346, %dma_start3A_347] : memref<1000000x64xf16, #tpu.memory_space<hbm>> -> memref<1000000x64xf16, #tpu.memory_space<hbm>>
    tpu.enqueue_indirect_dma source(%dma_start3A_348 : memref<1000000x64xf16, #tpu.memory_space<hbm>>) target(%dma_start3A_338 : memref<50x64xf16, #tpu.memory_space<vmem>>) offsets(%dma_start3A_345 : memref<50xi32, #tpu.memory_space<vmem>>) semaphore(%arg7 : memref<!tpu.dma_semaphore, #tpu.memory_space<semaphore_mem>>)
    %dma_start3A_349 = arith.constant 0 : i32
    %dma_start3A_350 = arith.constant 15 : i32
    %dma_start3A_351 = arith.constant 0 : i32
    %dma_start3A_352 = arith.constant 15 : i32
    %dma_start3A_353 = arith.constant 0 : i32
    %dma_start3A_354 = arith.constant 0 : i32
    %dma_start3A_355 = arith.constant 0 : i32
    %dma_start3A_356 = tpu.memref_slice %arg6[%dma_start3A_351, %dma_start3A_353, %dma_start3A_354, %dma_start3A_355] : memref<2x32x50x64xf16, #tpu.memory_space<vmem>> -> memref<1x32x50x64xf16, #tpu.memory_space<vmem>>
    %dma_start3A_357 = tpu.memref_squeeze %dma_start3A_356 : memref<1x32x50x64xf16, #tpu.memory_space<vmem>> -> memref<32x50x64xf16, #tpu.memory_space<vmem>>
    %dma_start3A_358 = arith.constant 0 : i32
    %dma_start3A_359 = arith.constant 0 : i32
    %dma_start3A_360 = tpu.memref_slice %dma_start3A_357[%dma_start3A_352, %dma_start3A_358, %dma_start3A_359] : memref<32x50x64xf16, #tpu.memory_space<vmem>> -> memref<1x50x64xf16, #tpu.memory_space<vmem>>
    %dma_start3A_361 = tpu.memref_squeeze %dma_start3A_360 : memref<1x50x64xf16, #tpu.memory_space<vmem>> -> memref<50x64xf16, #tpu.memory_space<vmem>>
    %dma_start3A_362 = arith.constant 0 : i32
    %dma_start3A_363 = arith.constant 0 : i32
    %dma_start3A_364 = tpu.memref_slice %arg5[%dma_start3A_349, %dma_start3A_362, %dma_start3A_363] : memref<2x32x50xi32, #tpu.memory_space<vmem>> -> memref<1x32x50xi32, #tpu.memory_space<vmem>>
    %dma_start3A_365 = tpu.memref_squeeze %dma_start3A_364 : memref<1x32x50xi32, #tpu.memory_space<vmem>> -> memref<32x50xi32, #tpu.memory_space<vmem>>
    %dma_start3A_366 = arith.constant 0 : i32
    %dma_start3A_367 = tpu.memref_slice %dma_start3A_365[%dma_start3A_350, %dma_start3A_366] : memref<32x50xi32, #tpu.memory_space<vmem>> -> memref<1x50xi32, #tpu.memory_space<vmem>>
    %dma_start3A_368 = tpu.memref_squeeze %dma_start3A_367 : memref<1x50xi32, #tpu.memory_space<vmem>> -> memref<50xi32, #tpu.memory_space<vmem>>
    %dma_start3A_369 = arith.constant 0 : i32
    %dma_start3A_370 = arith.constant 0 : i32
    %dma_start3A_371 = tpu.memref_slice %arg3[%dma_start3A_369, %dma_start3A_370] : memref<1000000x64xf16, #tpu.memory_space<hbm>> -> memref<1000000x64xf16, #tpu.memory_space<hbm>>
    tpu.enqueue_indirect_dma source(%dma_start3A_371 : memref<1000000x64xf16, #tpu.memory_space<hbm>>) target(%dma_start3A_361 : memref<50x64xf16, #tpu.memory_space<vmem>>) offsets(%dma_start3A_368 : memref<50xi32, #tpu.memory_space<vmem>>) semaphore(%arg7 : memref<!tpu.dma_semaphore, #tpu.memory_space<semaphore_mem>>)
    %dma_start3A_372 = arith.constant 0 : i32
    %dma_start3A_373 = arith.constant 16 : i32
    %dma_start3A_374 = arith.constant 0 : i32
    %dma_start3A_375 = arith.constant 16 : i32
    %dma_start3A_376 = arith.constant 0 : i32
    %dma_start3A_377 = arith.constant 0 : i32
    %dma_start3A_378 = arith.constant 0 : i32
    %dma_start3A_379 = tpu.memref_slice %arg6[%dma_start3A_374, %dma_start3A_376, %dma_start3A_377, %dma_start3A_378] : memref<2x32x50x64xf16, #tpu.memory_space<vmem>> -> memref<1x32x50x64xf16, #tpu.memory_space<vmem>>
    %dma_start3A_380 = tpu.memref_squeeze %dma_start3A_379 : memref<1x32x50x64xf16, #tpu.memory_space<vmem>> -> memref<32x50x64xf16, #tpu.memory_space<vmem>>
    %dma_start3A_381 = arith.constant 0 : i32
    %dma_start3A_382 = arith.constant 0 : i32
    %dma_start3A_383 = tpu.memref_slice %dma_start3A_380[%dma_start3A_375, %dma_start3A_381, %dma_start3A_382] : memref<32x50x64xf16, #tpu.memory_space<vmem>> -> memref<1x50x64xf16, #tpu.memory_space<vmem>>
    %dma_start3A_384 = tpu.memref_squeeze %dma_start3A_383 : memref<1x50x64xf16, #tpu.memory_space<vmem>> -> memref<50x64xf16, #tpu.memory_space<vmem>>
    %dma_start3A_385 = arith.constant 0 : i32
    %dma_start3A_386 = arith.constant 0 : i32
    %dma_start3A_387 = tpu.memref_slice %arg5[%dma_start3A_372, %dma_start3A_385, %dma_start3A_386] : memref<2x32x50xi32, #tpu.memory_space<vmem>> -> memref<1x32x50xi32, #tpu.memory_space<vmem>>
    %dma_start3A_388 = tpu.memref_squeeze %dma_start3A_387 : memref<1x32x50xi32, #tpu.memory_space<vmem>> -> memref<32x50xi32, #tpu.memory_space<vmem>>
    %dma_start3A_389 = arith.constant 0 : i32
    %dma_start3A_390 = tpu.memref_slice %dma_start3A_388[%dma_start3A_373, %dma_start3A_389] : memref<32x50xi32, #tpu.memory_space<vmem>> -> memref<1x50xi32, #tpu.memory_space<vmem>>
    %dma_start3A_391 = tpu.memref_squeeze %dma_start3A_390 : memref<1x50xi32, #tpu.memory_space<vmem>> -> memref<50xi32, #tpu.memory_space<vmem>>
    %dma_start3A_392 = arith.constant 0 : i32
    %dma_start3A_393 = arith.constant 0 : i32
    %dma_start3A_394 = tpu.memref_slice %arg3[%dma_start3A_392, %dma_start3A_393] : memref<1000000x64xf16, #tpu.memory_space<hbm>> -> memref<1000000x64xf16, #tpu.memory_space<hbm>>
    tpu.enqueue_indirect_dma source(%dma_start3A_394 : memref<1000000x64xf16, #tpu.memory_space<hbm>>) target(%dma_start3A_384 : memref<50x64xf16, #tpu.memory_space<vmem>>) offsets(%dma_start3A_391 : memref<50xi32, #tpu.memory_space<vmem>>) semaphore(%arg7 : memref<!tpu.dma_semaphore, #tpu.memory_space<semaphore_mem>>)
    %dma_start3A_395 = arith.constant 0 : i32
    %dma_start3A_396 = arith.constant 17 : i32
    %dma_start3A_397 = arith.constant 0 : i32
    %dma_start3A_398 = arith.constant 17 : i32
    %dma_start3A_399 = arith.constant 0 : i32
    %dma_start3A_400 = arith.constant 0 : i32
    %dma_start3A_401 = arith.constant 0 : i32
    %dma_start3A_402 = tpu.memref_slice %arg6[%dma_start3A_397, %dma_start3A_399, %dma_start3A_400, %dma_start3A_401] : memref<2x32x50x64xf16, #tpu.memory_space<vmem>> -> memref<1x32x50x64xf16, #tpu.memory_space<vmem>>
    %dma_start3A_403 = tpu.memref_squeeze %dma_start3A_402 : memref<1x32x50x64xf16, #tpu.memory_space<vmem>> -> memref<32x50x64xf16, #tpu.memory_space<vmem>>
    %dma_start3A_404 = arith.constant 0 : i32
    %dma_start3A_405 = arith.constant 0 : i32
    %dma_start3A_406 = tpu.memref_slice %dma_start3A_403[%dma_start3A_398, %dma_start3A_404, %dma_start3A_405] : memref<32x50x64xf16, #tpu.memory_space<vmem>> -> memref<1x50x64xf16, #tpu.memory_space<vmem>>
    %dma_start3A_407 = tpu.memref_squeeze %dma_start3A_406 : memref<1x50x64xf16, #tpu.memory_space<vmem>> -> memref<50x64xf16, #tpu.memory_space<vmem>>
    %dma_start3A_408 = arith.constant 0 : i32
    %dma_start3A_409 = arith.constant 0 : i32
    %dma_start3A_410 = tpu.memref_slice %arg5[%dma_start3A_395, %dma_start3A_408, %dma_start3A_409] : memref<2x32x50xi32, #tpu.memory_space<vmem>> -> memref<1x32x50xi32, #tpu.memory_space<vmem>>
    %dma_start3A_411 = tpu.memref_squeeze %dma_start3A_410 : memref<1x32x50xi32, #tpu.memory_space<vmem>> -> memref<32x50xi32, #tpu.memory_space<vmem>>
    %dma_start3A_412 = arith.constant 0 : i32
    %dma_start3A_413 = tpu.memref_slice %dma_start3A_411[%dma_start3A_396, %dma_start3A_412] : memref<32x50xi32, #tpu.memory_space<vmem>> -> memref<1x50xi32, #tpu.memory_space<vmem>>
    %dma_start3A_414 = tpu.memref_squeeze %dma_start3A_413 : memref<1x50xi32, #tpu.memory_space<vmem>> -> memref<50xi32, #tpu.memory_space<vmem>>
    %dma_start3A_415 = arith.constant 0 : i32
    %dma_start3A_416 = arith.constant 0 : i32
    %dma_start3A_417 = tpu.memref_slice %arg3[%dma_start3A_415, %dma_start3A_416] : memref<1000000x64xf16, #tpu.memory_space<hbm>> -> memref<1000000x64xf16, #tpu.memory_space<hbm>>
    tpu.enqueue_indirect_dma source(%dma_start3A_417 : memref<1000000x64xf16, #tpu.memory_space<hbm>>) target(%dma_start3A_407 : memref<50x64xf16, #tpu.memory_space<vmem>>) offsets(%dma_start3A_414 : memref<50xi32, #tpu.memory_space<vmem>>) semaphore(%arg7 : memref<!tpu.dma_semaphore, #tpu.memory_space<semaphore_mem>>)
    %dma_start3A_418 = arith.constant 0 : i32
    %dma_start3A_419 = arith.constant 18 : i32
    %dma_start3A_420 = arith.constant 0 : i32
    %dma_start3A_421 = arith.constant 18 : i32
    %dma_start3A_422 = arith.constant 0 : i32
    %dma_start3A_423 = arith.constant 0 : i32
    %dma_start3A_424 = arith.constant 0 : i32
    %dma_start3A_425 = tpu.memref_slice %arg6[%dma_start3A_420, %dma_start3A_422, %dma_start3A_423, %dma_start3A_424] : memref<2x32x50x64xf16, #tpu.memory_space<vmem>> -> memref<1x32x50x64xf16, #tpu.memory_space<vmem>>
    %dma_start3A_426 = tpu.memref_squeeze %dma_start3A_425 : memref<1x32x50x64xf16, #tpu.memory_space<vmem>> -> memref<32x50x64xf16, #tpu.memory_space<vmem>>
    %dma_start3A_427 = arith.constant 0 : i32
    %dma_start3A_428 = arith.constant 0 : i32
    %dma_start3A_429 = tpu.memref_slice %dma_start3A_426[%dma_start3A_421, %dma_start3A_427, %dma_start3A_428] : memref<32x50x64xf16, #tpu.memory_space<vmem>> -> memref<1x50x64xf16, #tpu.memory_space<vmem>>
    %dma_start3A_430 = tpu.memref_squeeze %dma_start3A_429 : memref<1x50x64xf16, #tpu.memory_space<vmem>> -> memref<50x64xf16, #tpu.memory_space<vmem>>
    %dma_start3A_431 = arith.constant 0 : i32
    %dma_start3A_432 = arith.constant 0 : i32
    %dma_start3A_433 = tpu.memref_slice %arg5[%dma_start3A_418, %dma_start3A_431, %dma_start3A_432] : memref<2x32x50xi32, #tpu.memory_space<vmem>> -> memref<1x32x50xi32, #tpu.memory_space<vmem>>
    %dma_start3A_434 = tpu.memref_squeeze %dma_start3A_433 : memref<1x32x50xi32, #tpu.memory_space<vmem>> -> memref<32x50xi32, #tpu.memory_space<vmem>>
    %dma_start3A_435 = arith.constant 0 : i32
    %dma_start3A_436 = tpu.memref_slice %dma_start3A_434[%dma_start3A_419, %dma_start3A_435] : memref<32x50xi32, #tpu.memory_space<vmem>> -> memref<1x50xi32, #tpu.memory_space<vmem>>
    %dma_start3A_437 = tpu.memref_squeeze %dma_start3A_436 : memref<1x50xi32, #tpu.memory_space<vmem>> -> memref<50xi32, #tpu.memory_space<vmem>>
    %dma_start3A_438 = arith.constant 0 : i32
    %dma_start3A_439 = arith.constant 0 : i32
    %dma_start3A_440 = tpu.memref_slice %arg3[%dma_start3A_438, %dma_start3A_439] : memref<1000000x64xf16, #tpu.memory_space<hbm>> -> memref<1000000x64xf16, #tpu.memory_space<hbm>>
    tpu.enqueue_indirect_dma source(%dma_start3A_440 : memref<1000000x64xf16, #tpu.memory_space<hbm>>) target(%dma_start3A_430 : memref<50x64xf16, #tpu.memory_space<vmem>>) offsets(%dma_start3A_437 : memref<50xi32, #tpu.memory_space<vmem>>) semaphore(%arg7 : memref<!tpu.dma_semaphore, #tpu.memory_space<semaphore_mem>>)
    %dma_start3A_441 = arith.constant 0 : i32
    %dma_start3A_442 = arith.constant 19 : i32
    %dma_start3A_443 = arith.constant 0 : i32
    %dma_start3A_444 = arith.constant 19 : i32
    %dma_start3A_445 = arith.constant 0 : i32
    %dma_start3A_446 = arith.constant 0 : i32
    %dma_start3A_447 = arith.constant 0 : i32
    %dma_start3A_448 = tpu.memref_slice %arg6[%dma_start3A_443, %dma_start3A_445, %dma_start3A_446, %dma_start3A_447] : memref<2x32x50x64xf16, #tpu.memory_space<vmem>> -> memref<1x32x50x64xf16, #tpu.memory_space<vmem>>
    %dma_start3A_449 = tpu.memref_squeeze %dma_start3A_448 : memref<1x32x50x64xf16, #tpu.memory_space<vmem>> -> memref<32x50x64xf16, #tpu.memory_space<vmem>>
    %dma_start3A_450 = arith.constant 0 : i32
    %dma_start3A_451 = arith.constant 0 : i32
    %dma_start3A_452 = tpu.memref_slice %dma_start3A_449[%dma_start3A_444, %dma_start3A_450, %dma_start3A_451] : memref<32x50x64xf16, #tpu.memory_space<vmem>> -> memref<1x50x64xf16, #tpu.memory_space<vmem>>
    %dma_start3A_453 = tpu.memref_squeeze %dma_start3A_452 : memref<1x50x64xf16, #tpu.memory_space<vmem>> -> memref<50x64xf16, #tpu.memory_space<vmem>>
    %dma_start3A_454 = arith.constant 0 : i32
    %dma_start3A_455 = arith.constant 0 : i32
    %dma_start3A_456 = tpu.memref_slice %arg5[%dma_start3A_441, %dma_start3A_454, %dma_start3A_455] : memref<2x32x50xi32, #tpu.memory_space<vmem>> -> memref<1x32x50xi32, #tpu.memory_space<vmem>>
    %dma_start3A_457 = tpu.memref_squeeze %dma_start3A_456 : memref<1x32x50xi32, #tpu.memory_space<vmem>> -> memref<32x50xi32, #tpu.memory_space<vmem>>
    %dma_start3A_458 = arith.constant 0 : i32
    %dma_start3A_459 = tpu.memref_slice %dma_start3A_457[%dma_start3A_442, %dma_start3A_458] : memref<32x50xi32, #tpu.memory_space<vmem>> -> memref<1x50xi32, #tpu.memory_space<vmem>>
    %dma_start3A_460 = tpu.memref_squeeze %dma_start3A_459 : memref<1x50xi32, #tpu.memory_space<vmem>> -> memref<50xi32, #tpu.memory_space<vmem>>
    %dma_start3A_461 = arith.constant 0 : i32
    %dma_start3A_462 = arith.constant 0 : i32
    %dma_start3A_463 = tpu.memref_slice %arg3[%dma_start3A_461, %dma_start3A_462] : memref<1000000x64xf16, #tpu.memory_space<hbm>> -> memref<1000000x64xf16, #tpu.memory_space<hbm>>
    tpu.enqueue_indirect_dma source(%dma_start3A_463 : memref<1000000x64xf16, #tpu.memory_space<hbm>>) target(%dma_start3A_453 : memref<50x64xf16, #tpu.memory_space<vmem>>) offsets(%dma_start3A_460 : memref<50xi32, #tpu.memory_space<vmem>>) semaphore(%arg7 : memref<!tpu.dma_semaphore, #tpu.memory_space<semaphore_mem>>)
    %dma_start3A_464 = arith.constant 0 : i32
    %dma_start3A_465 = arith.constant 20 : i32
    %dma_start3A_466 = arith.constant 0 : i32
    %dma_start3A_467 = arith.constant 20 : i32
    %dma_start3A_468 = arith.constant 0 : i32
    %dma_start3A_469 = arith.constant 0 : i32
    %dma_start3A_470 = arith.constant 0 : i32
    %dma_start3A_471 = tpu.memref_slice %arg6[%dma_start3A_466, %dma_start3A_468, %dma_start3A_469, %dma_start3A_470] : memref<2x32x50x64xf16, #tpu.memory_space<vmem>> -> memref<1x32x50x64xf16, #tpu.memory_space<vmem>>
    %dma_start3A_472 = tpu.memref_squeeze %dma_start3A_471 : memref<1x32x50x64xf16, #tpu.memory_space<vmem>> -> memref<32x50x64xf16, #tpu.memory_space<vmem>>
    %dma_start3A_473 = arith.constant 0 : i32
    %dma_start3A_474 = arith.constant 0 : i32
    %dma_start3A_475 = tpu.memref_slice %dma_start3A_472[%dma_start3A_467, %dma_start3A_473, %dma_start3A_474] : memref<32x50x64xf16, #tpu.memory_space<vmem>> -> memref<1x50x64xf16, #tpu.memory_space<vmem>>
    %dma_start3A_476 = tpu.memref_squeeze %dma_start3A_475 : memref<1x50x64xf16, #tpu.memory_space<vmem>> -> memref<50x64xf16, #tpu.memory_space<vmem>>
    %dma_start3A_477 = arith.constant 0 : i32
    %dma_start3A_478 = arith.constant 0 : i32
    %dma_start3A_479 = tpu.memref_slice %arg5[%dma_start3A_464, %dma_start3A_477, %dma_start3A_478] : memref<2x32x50xi32, #tpu.memory_space<vmem>> -> memref<1x32x50xi32, #tpu.memory_space<vmem>>
    %dma_start3A_480 = tpu.memref_squeeze %dma_start3A_479 : memref<1x32x50xi32, #tpu.memory_space<vmem>> -> memref<32x50xi32, #tpu.memory_space<vmem>>
    %dma_start3A_481 = arith.constant 0 : i32
    %dma_start3A_482 = tpu.memref_slice %dma_start3A_480[%dma_start3A_465, %dma_start3A_481] : memref<32x50xi32, #tpu.memory_space<vmem>> -> memref<1x50xi32, #tpu.memory_space<vmem>>
    %dma_start3A_483 = tpu.memref_squeeze %dma_start3A_482 : memref<1x50xi32, #tpu.memory_space<vmem>> -> memref<50xi32, #tpu.memory_space<vmem>>
    %dma_start3A_484 = arith.constant 0 : i32
    %dma_start3A_485 = arith.constant 0 : i32
    %dma_start3A_486 = tpu.memref_slice %arg3[%dma_start3A_484, %dma_start3A_485] : memref<1000000x64xf16, #tpu.memory_space<hbm>> -> memref<1000000x64xf16, #tpu.memory_space<hbm>>
    tpu.enqueue_indirect_dma source(%dma_start3A_486 : memref<1000000x64xf16, #tpu.memory_space<hbm>>) target(%dma_start3A_476 : memref<50x64xf16, #tpu.memory_space<vmem>>) offsets(%dma_start3A_483 : memref<50xi32, #tpu.memory_space<vmem>>) semaphore(%arg7 : memref<!tpu.dma_semaphore, #tpu.memory_space<semaphore_mem>>)
    %dma_start3A_487 = arith.constant 0 : i32
    %dma_start3A_488 = arith.constant 21 : i32
    %dma_start3A_489 = arith.constant 0 : i32
    %dma_start3A_490 = arith.constant 21 : i32
    %dma_start3A_491 = arith.constant 0 : i32
    %dma_start3A_492 = arith.constant 0 : i32
    %dma_start3A_493 = arith.constant 0 : i32
    %dma_start3A_494 = tpu.memref_slice %arg6[%dma_start3A_489, %dma_start3A_491, %dma_start3A_492, %dma_start3A_493] : memref<2x32x50x64xf16, #tpu.memory_space<vmem>> -> memref<1x32x50x64xf16, #tpu.memory_space<vmem>>
    %dma_start3A_495 = tpu.memref_squeeze %dma_start3A_494 : memref<1x32x50x64xf16, #tpu.memory_space<vmem>> -> memref<32x50x64xf16, #tpu.memory_space<vmem>>
    %dma_start3A_496 = arith.constant 0 : i32
    %dma_start3A_497 = arith.constant 0 : i32
    %dma_start3A_498 = tpu.memref_slice %dma_start3A_495[%dma_start3A_490, %dma_start3A_496, %dma_start3A_497] : memref<32x50x64xf16, #tpu.memory_space<vmem>> -> memref<1x50x64xf16, #tpu.memory_space<vmem>>
    %dma_start3A_499 = tpu.memref_squeeze %dma_start3A_498 : memref<1x50x64xf16, #tpu.memory_space<vmem>> -> memref<50x64xf16, #tpu.memory_space<vmem>>
    %dma_start3A_500 = arith.constant 0 : i32
    %dma_start3A_501 = arith.constant 0 : i32
    %dma_start3A_502 = tpu.memref_slice %arg5[%dma_start3A_487, %dma_start3A_500, %dma_start3A_501] : memref<2x32x50xi32, #tpu.memory_space<vmem>> -> memref<1x32x50xi32, #tpu.memory_space<vmem>>
    %dma_start3A_503 = tpu.memref_squeeze %dma_start3A_502 : memref<1x32x50xi32, #tpu.memory_space<vmem>> -> memref<32x50xi32, #tpu.memory_space<vmem>>
    %dma_start3A_504 = arith.constant 0 : i32
    %dma_start3A_505 = tpu.memref_slice %dma_start3A_503[%dma_start3A_488, %dma_start3A_504] : memref<32x50xi32, #tpu.memory_space<vmem>> -> memref<1x50xi32, #tpu.memory_space<vmem>>
    %dma_start3A_506 = tpu.memref_squeeze %dma_start3A_505 : memref<1x50xi32, #tpu.memory_space<vmem>> -> memref<50xi32, #tpu.memory_space<vmem>>
    %dma_start3A_507 = arith.constant 0 : i32
    %dma_start3A_508 = arith.constant 0 : i32
    %dma_start3A_509 = tpu.memref_slice %arg3[%dma_start3A_507, %dma_start3A_508] : memref<1000000x64xf16, #tpu.memory_space<hbm>> -> memref<1000000x64xf16, #tpu.memory_space<hbm>>
    tpu.enqueue_indirect_dma source(%dma_start3A_509 : memref<1000000x64xf16, #tpu.memory_space<hbm>>) target(%dma_start3A_499 : memref<50x64xf16, #tpu.memory_space<vmem>>) offsets(%dma_start3A_506 : memref<50xi32, #tpu.memory_space<vmem>>) semaphore(%arg7 : memref<!tpu.dma_semaphore, #tpu.memory_space<semaphore_mem>>)
    %dma_start3A_510 = arith.constant 0 : i32
    %dma_start3A_511 = arith.constant 22 : i32
    %dma_start3A_512 = arith.constant 0 : i32
    %dma_start3A_513 = arith.constant 22 : i32
    %dma_start3A_514 = arith.constant 0 : i32
    %dma_start3A_515 = arith.constant 0 : i32
    %dma_start3A_516 = arith.constant 0 : i32
    %dma_start3A_517 = tpu.memref_slice %arg6[%dma_start3A_512, %dma_start3A_514, %dma_start3A_515, %dma_start3A_516] : memref<2x32x50x64xf16, #tpu.memory_space<vmem>> -> memref<1x32x50x64xf16, #tpu.memory_space<vmem>>
    %dma_start3A_518 = tpu.memref_squeeze %dma_start3A_517 : memref<1x32x50x64xf16, #tpu.memory_space<vmem>> -> memref<32x50x64xf16, #tpu.memory_space<vmem>>
    %dma_start3A_519 = arith.constant 0 : i32
    %dma_start3A_520 = arith.constant 0 : i32
    %dma_start3A_521 = tpu.memref_slice %dma_start3A_518[%dma_start3A_513, %dma_start3A_519, %dma_start3A_520] : memref<32x50x64xf16, #tpu.memory_space<vmem>> -> memref<1x50x64xf16, #tpu.memory_space<vmem>>
    %dma_start3A_522 = tpu.memref_squeeze %dma_start3A_521 : memref<1x50x64xf16, #tpu.memory_space<vmem>> -> memref<50x64xf16, #tpu.memory_space<vmem>>
    %dma_start3A_523 = arith.constant 0 : i32
    %dma_start3A_524 = arith.constant 0 : i32
    %dma_start3A_525 = tpu.memref_slice %arg5[%dma_start3A_510, %dma_start3A_523, %dma_start3A_524] : memref<2x32x50xi32, #tpu.memory_space<vmem>> -> memref<1x32x50xi32, #tpu.memory_space<vmem>>
    %dma_start3A_526 = tpu.memref_squeeze %dma_start3A_525 : memref<1x32x50xi32, #tpu.memory_space<vmem>> -> memref<32x50xi32, #tpu.memory_space<vmem>>
    %dma_start3A_527 = arith.constant 0 : i32
    %dma_start3A_528 = tpu.memref_slice %dma_start3A_526[%dma_start3A_511, %dma_start3A_527] : memref<32x50xi32, #tpu.memory_space<vmem>> -> memref<1x50xi32, #tpu.memory_space<vmem>>
    %dma_start3A_529 = tpu.memref_squeeze %dma_start3A_528 : memref<1x50xi32, #tpu.memory_space<vmem>> -> memref<50xi32, #tpu.memory_space<vmem>>
    %dma_start3A_530 = arith.constant 0 : i32
    %dma_start3A_531 = arith.constant 0 : i32
    %dma_start3A_532 = tpu.memref_slice %arg3[%dma_start3A_530, %dma_start3A_531] : memref<1000000x64xf16, #tpu.memory_space<hbm>> -> memref<1000000x64xf16, #tpu.memory_space<hbm>>
    tpu.enqueue_indirect_dma source(%dma_start3A_532 : memref<1000000x64xf16, #tpu.memory_space<hbm>>) target(%dma_start3A_522 : memref<50x64xf16, #tpu.memory_space<vmem>>) offsets(%dma_start3A_529 : memref<50xi32, #tpu.memory_space<vmem>>) semaphore(%arg7 : memref<!tpu.dma_semaphore, #tpu.memory_space<semaphore_mem>>)
    %dma_start3A_533 = arith.constant 0 : i32
    %dma_start3A_534 = arith.constant 23 : i32
    %dma_start3A_535 = arith.constant 0 : i32
    %dma_start3A_536 = arith.constant 23 : i32
    %dma_start3A_537 = arith.constant 0 : i32
    %dma_start3A_538 = arith.constant 0 : i32
    %dma_start3A_539 = arith.constant 0 : i32
    %dma_start3A_540 = tpu.memref_slice %arg6[%dma_start3A_535, %dma_start3A_537, %dma_start3A_538, %dma_start3A_539] : memref<2x32x50x64xf16, #tpu.memory_space<vmem>> -> memref<1x32x50x64xf16, #tpu.memory_space<vmem>>
    %dma_start3A_541 = tpu.memref_squeeze %dma_start3A_540 : memref<1x32x50x64xf16, #tpu.memory_space<vmem>> -> memref<32x50x64xf16, #tpu.memory_space<vmem>>
    %dma_start3A_542 = arith.constant 0 : i32
    %dma_start3A_543 = arith.constant 0 : i32
    %dma_start3A_544 = tpu.memref_slice %dma_start3A_541[%dma_start3A_536, %dma_start3A_542, %dma_start3A_543] : memref<32x50x64xf16, #tpu.memory_space<vmem>> -> memref<1x50x64xf16, #tpu.memory_space<vmem>>
    %dma_start3A_545 = tpu.memref_squeeze %dma_start3A_544 : memref<1x50x64xf16, #tpu.memory_space<vmem>> -> memref<50x64xf16, #tpu.memory_space<vmem>>
    %dma_start3A_546 = arith.constant 0 : i32
    %dma_start3A_547 = arith.constant 0 : i32
    %dma_start3A_548 = tpu.memref_slice %arg5[%dma_start3A_533, %dma_start3A_546, %dma_start3A_547] : memref<2x32x50xi32, #tpu.memory_space<vmem>> -> memref<1x32x50xi32, #tpu.memory_space<vmem>>
    %dma_start3A_549 = tpu.memref_squeeze %dma_start3A_548 : memref<1x32x50xi32, #tpu.memory_space<vmem>> -> memref<32x50xi32, #tpu.memory_space<vmem>>
    %dma_start3A_550 = arith.constant 0 : i32
    %dma_start3A_551 = tpu.memref_slice %dma_start3A_549[%dma_start3A_534, %dma_start3A_550] : memref<32x50xi32, #tpu.memory_space<vmem>> -> memref<1x50xi32, #tpu.memory_space<vmem>>
    %dma_start3A_552 = tpu.memref_squeeze %dma_start3A_551 : memref<1x50xi32, #tpu.memory_space<vmem>> -> memref<50xi32, #tpu.memory_space<vmem>>
    %dma_start3A_553 = arith.constant 0 : i32
    %dma_start3A_554 = arith.constant 0 : i32
    %dma_start3A_555 = tpu.memref_slice %arg3[%dma_start3A_553, %dma_start3A_554] : memref<1000000x64xf16, #tpu.memory_space<hbm>> -> memref<1000000x64xf16, #tpu.memory_space<hbm>>
    tpu.enqueue_indirect_dma source(%dma_start3A_555 : memref<1000000x64xf16, #tpu.memory_space<hbm>>) target(%dma_start3A_545 : memref<50x64xf16, #tpu.memory_space<vmem>>) offsets(%dma_start3A_552 : memref<50xi32, #tpu.memory_space<vmem>>) semaphore(%arg7 : memref<!tpu.dma_semaphore, #tpu.memory_space<semaphore_mem>>)
    %dma_start3A_556 = arith.constant 0 : i32
    %dma_start3A_557 = arith.constant 24 : i32
    %dma_start3A_558 = arith.constant 0 : i32
    %dma_start3A_559 = arith.constant 24 : i32
    %dma_start3A_560 = arith.constant 0 : i32
    %dma_start3A_561 = arith.constant 0 : i32
    %dma_start3A_562 = arith.constant 0 : i32
    %dma_start3A_563 = tpu.memref_slice %arg6[%dma_start3A_558, %dma_start3A_560, %dma_start3A_561, %dma_start3A_562] : memref<2x32x50x64xf16, #tpu.memory_space<vmem>> -> memref<1x32x50x64xf16, #tpu.memory_space<vmem>>
    %dma_start3A_564 = tpu.memref_squeeze %dma_start3A_563 : memref<1x32x50x64xf16, #tpu.memory_space<vmem>> -> memref<32x50x64xf16, #tpu.memory_space<vmem>>
    %dma_start3A_565 = arith.constant 0 : i32
    %dma_start3A_566 = arith.constant 0 : i32
    %dma_start3A_567 = tpu.memref_slice %dma_start3A_564[%dma_start3A_559, %dma_start3A_565, %dma_start3A_566] : memref<32x50x64xf16, #tpu.memory_space<vmem>> -> memref<1x50x64xf16, #tpu.memory_space<vmem>>
    %dma_start3A_568 = tpu.memref_squeeze %dma_start3A_567 : memref<1x50x64xf16, #tpu.memory_space<vmem>> -> memref<50x64xf16, #tpu.memory_space<vmem>>
    %dma_start3A_569 = arith.constant 0 : i32
    %dma_start3A_570 = arith.constant 0 : i32
    %dma_start3A_571 = tpu.memref_slice %arg5[%dma_start3A_556, %dma_start3A_569, %dma_start3A_570] : memref<2x32x50xi32, #tpu.memory_space<vmem>> -> memref<1x32x50xi32, #tpu.memory_space<vmem>>
    %dma_start3A_572 = tpu.memref_squeeze %dma_start3A_571 : memref<1x32x50xi32, #tpu.memory_space<vmem>> -> memref<32x50xi32, #tpu.memory_space<vmem>>
    %dma_start3A_573 = arith.constant 0 : i32
    %dma_start3A_574 = tpu.memref_slice %dma_start3A_572[%dma_start3A_557, %dma_start3A_573] : memref<32x50xi32, #tpu.memory_space<vmem>> -> memref<1x50xi32, #tpu.memory_space<vmem>>
    %dma_start3A_575 = tpu.memref_squeeze %dma_start3A_574 : memref<1x50xi32, #tpu.memory_space<vmem>> -> memref<50xi32, #tpu.memory_space<vmem>>
    %dma_start3A_576 = arith.constant 0 : i32
    %dma_start3A_577 = arith.constant 0 : i32
    %dma_start3A_578 = tpu.memref_slice %arg3[%dma_start3A_576, %dma_start3A_577] : memref<1000000x64xf16, #tpu.memory_space<hbm>> -> memref<1000000x64xf16, #tpu.memory_space<hbm>>
    tpu.enqueue_indirect_dma source(%dma_start3A_578 : memref<1000000x64xf16, #tpu.memory_space<hbm>>) target(%dma_start3A_568 : memref<50x64xf16, #tpu.memory_space<vmem>>) offsets(%dma_start3A_575 : memref<50xi32, #tpu.memory_space<vmem>>) semaphore(%arg7 : memref<!tpu.dma_semaphore, #tpu.memory_space<semaphore_mem>>)
    %dma_start3A_579 = arith.constant 0 : i32
    %dma_start3A_580 = arith.constant 25 : i32
    %dma_start3A_581 = arith.constant 0 : i32
    %dma_start3A_582 = arith.constant 25 : i32
    %dma_start3A_583 = arith.constant 0 : i32
    %dma_start3A_584 = arith.constant 0 : i32
    %dma_start3A_585 = arith.constant 0 : i32
    %dma_start3A_586 = tpu.memref_slice %arg6[%dma_start3A_581, %dma_start3A_583, %dma_start3A_584, %dma_start3A_585] : memref<2x32x50x64xf16, #tpu.memory_space<vmem>> -> memref<1x32x50x64xf16, #tpu.memory_space<vmem>>
    %dma_start3A_587 = tpu.memref_squeeze %dma_start3A_586 : memref<1x32x50x64xf16, #tpu.memory_space<vmem>> -> memref<32x50x64xf16, #tpu.memory_space<vmem>>
    %dma_start3A_588 = arith.constant 0 : i32
    %dma_start3A_589 = arith.constant 0 : i32
    %dma_start3A_590 = tpu.memref_slice %dma_start3A_587[%dma_start3A_582, %dma_start3A_588, %dma_start3A_589] : memref<32x50x64xf16, #tpu.memory_space<vmem>> -> memref<1x50x64xf16, #tpu.memory_space<vmem>>
    %dma_start3A_591 = tpu.memref_squeeze %dma_start3A_590 : memref<1x50x64xf16, #tpu.memory_space<vmem>> -> memref<50x64xf16, #tpu.memory_space<vmem>>
    %dma_start3A_592 = arith.constant 0 : i32
    %dma_start3A_593 = arith.constant 0 : i32
    %dma_start3A_594 = tpu.memref_slice %arg5[%dma_start3A_579, %dma_start3A_592, %dma_start3A_593] : memref<2x32x50xi32, #tpu.memory_space<vmem>> -> memref<1x32x50xi32, #tpu.memory_space<vmem>>
    %dma_start3A_595 = tpu.memref_squeeze %dma_start3A_594 : memref<1x32x50xi32, #tpu.memory_space<vmem>> -> memref<32x50xi32, #tpu.memory_space<vmem>>
    %dma_start3A_596 = arith.constant 0 : i32
    %dma_start3A_597 = tpu.memref_slice %dma_start3A_595[%dma_start3A_580, %dma_start3A_596] : memref<32x50xi32, #tpu.memory_space<vmem>> -> memref<1x50xi32, #tpu.memory_space<vmem>>
    %dma_start3A_598 = tpu.memref_squeeze %dma_start3A_597 : memref<1x50xi32, #tpu.memory_space<vmem>> -> memref<50xi32, #tpu.memory_space<vmem>>
    %dma_start3A_599 = arith.constant 0 : i32
    %dma_start3A_600 = arith.constant 0 : i32
    %dma_start3A_601 = tpu.memref_slice %arg3[%dma_start3A_599, %dma_start3A_600] : memref<1000000x64xf16, #tpu.memory_space<hbm>> -> memref<1000000x64xf16, #tpu.memory_space<hbm>>
    tpu.enqueue_indirect_dma source(%dma_start3A_601 : memref<1000000x64xf16, #tpu.memory_space<hbm>>) target(%dma_start3A_591 : memref<50x64xf16, #tpu.memory_space<vmem>>) offsets(%dma_start3A_598 : memref<50xi32, #tpu.memory_space<vmem>>) semaphore(%arg7 : memref<!tpu.dma_semaphore, #tpu.memory_space<semaphore_mem>>)
    %dma_start3A_602 = arith.constant 0 : i32
    %dma_start3A_603 = arith.constant 26 : i32
    %dma_start3A_604 = arith.constant 0 : i32
    %dma_start3A_605 = arith.constant 26 : i32
    %dma_start3A_606 = arith.constant 0 : i32
    %dma_start3A_607 = arith.constant 0 : i32
    %dma_start3A_608 = arith.constant 0 : i32
    %dma_start3A_609 = tpu.memref_slice %arg6[%dma_start3A_604, %dma_start3A_606, %dma_start3A_607, %dma_start3A_608] : memref<2x32x50x64xf16, #tpu.memory_space<vmem>> -> memref<1x32x50x64xf16, #tpu.memory_space<vmem>>
    %dma_start3A_610 = tpu.memref_squeeze %dma_start3A_609 : memref<1x32x50x64xf16, #tpu.memory_space<vmem>> -> memref<32x50x64xf16, #tpu.memory_space<vmem>>
    %dma_start3A_611 = arith.constant 0 : i32
    %dma_start3A_612 = arith.constant 0 : i32
    %dma_start3A_613 = tpu.memref_slice %dma_start3A_610[%dma_start3A_605, %dma_start3A_611, %dma_start3A_612] : memref<32x50x64xf16, #tpu.memory_space<vmem>> -> memref<1x50x64xf16, #tpu.memory_space<vmem>>
    %dma_start3A_614 = tpu.memref_squeeze %dma_start3A_613 : memref<1x50x64xf16, #tpu.memory_space<vmem>> -> memref<50x64xf16, #tpu.memory_space<vmem>>
    %dma_start3A_615 = arith.constant 0 : i32
    %dma_start3A_616 = arith.constant 0 : i32
    %dma_start3A_617 = tpu.memref_slice %arg5[%dma_start3A_602, %dma_start3A_615, %dma_start3A_616] : memref<2x32x50xi32, #tpu.memory_space<vmem>> -> memref<1x32x50xi32, #tpu.memory_space<vmem>>
    %dma_start3A_618 = tpu.memref_squeeze %dma_start3A_617 : memref<1x32x50xi32, #tpu.memory_space<vmem>> -> memref<32x50xi32, #tpu.memory_space<vmem>>
    %dma_start3A_619 = arith.constant 0 : i32
    %dma_start3A_620 = tpu.memref_slice %dma_start3A_618[%dma_start3A_603, %dma_start3A_619] : memref<32x50xi32, #tpu.memory_space<vmem>> -> memref<1x50xi32, #tpu.memory_space<vmem>>
    %dma_start3A_621 = tpu.memref_squeeze %dma_start3A_620 : memref<1x50xi32, #tpu.memory_space<vmem>> -> memref<50xi32, #tpu.memory_space<vmem>>
    %dma_start3A_622 = arith.constant 0 : i32
    %dma_start3A_623 = arith.constant 0 : i32
    %dma_start3A_624 = tpu.memref_slice %arg3[%dma_start3A_622, %dma_start3A_623] : memref<1000000x64xf16, #tpu.memory_space<hbm>> -> memref<1000000x64xf16, #tpu.memory_space<hbm>>
    tpu.enqueue_indirect_dma source(%dma_start3A_624 : memref<1000000x64xf16, #tpu.memory_space<hbm>>) target(%dma_start3A_614 : memref<50x64xf16, #tpu.memory_space<vmem>>) offsets(%dma_start3A_621 : memref<50xi32, #tpu.memory_space<vmem>>) semaphore(%arg7 : memref<!tpu.dma_semaphore, #tpu.memory_space<semaphore_mem>>)
    %dma_start3A_625 = arith.constant 0 : i32
    %dma_start3A_626 = arith.constant 27 : i32
    %dma_start3A_627 = arith.constant 0 : i32
    %dma_start3A_628 = arith.constant 27 : i32
    %dma_start3A_629 = arith.constant 0 : i32
    %dma_start3A_630 = arith.constant 0 : i32
    %dma_start3A_631 = arith.constant 0 : i32
    %dma_start3A_632 = tpu.memref_slice %arg6[%dma_start3A_627, %dma_start3A_629, %dma_start3A_630, %dma_start3A_631] : memref<2x32x50x64xf16, #tpu.memory_space<vmem>> -> memref<1x32x50x64xf16, #tpu.memory_space<vmem>>
    %dma_start3A_633 = tpu.memref_squeeze %dma_start3A_632 : memref<1x32x50x64xf16, #tpu.memory_space<vmem>> -> memref<32x50x64xf16, #tpu.memory_space<vmem>>
    %dma_start3A_634 = arith.constant 0 : i32
    %dma_start3A_635 = arith.constant 0 : i32
    %dma_start3A_636 = tpu.memref_slice %dma_start3A_633[%dma_start3A_628, %dma_start3A_634, %dma_start3A_635] : memref<32x50x64xf16, #tpu.memory_space<vmem>> -> memref<1x50x64xf16, #tpu.memory_space<vmem>>
    %dma_start3A_637 = tpu.memref_squeeze %dma_start3A_636 : memref<1x50x64xf16, #tpu.memory_space<vmem>> -> memref<50x64xf16, #tpu.memory_space<vmem>>
    %dma_start3A_638 = arith.constant 0 : i32
    %dma_start3A_639 = arith.constant 0 : i32
    %dma_start3A_640 = tpu.memref_slice %arg5[%dma_start3A_625, %dma_start3A_638, %dma_start3A_639] : memref<2x32x50xi32, #tpu.memory_space<vmem>> -> memref<1x32x50xi32, #tpu.memory_space<vmem>>
    %dma_start3A_641 = tpu.memref_squeeze %dma_start3A_640 : memref<1x32x50xi32, #tpu.memory_space<vmem>> -> memref<32x50xi32, #tpu.memory_space<vmem>>
    %dma_start3A_642 = arith.constant 0 : i32
    %dma_start3A_643 = tpu.memref_slice %dma_start3A_641[%dma_start3A_626, %dma_start3A_642] : memref<32x50xi32, #tpu.memory_space<vmem>> -> memref<1x50xi32, #tpu.memory_space<vmem>>
    %dma_start3A_644 = tpu.memref_squeeze %dma_start3A_643 : memref<1x50xi32, #tpu.memory_space<vmem>> -> memref<50xi32, #tpu.memory_space<vmem>>
    %dma_start3A_645 = arith.constant 0 : i32
    %dma_start3A_646 = arith.constant 0 : i32
    %dma_start3A_647 = tpu.memref_slice %arg3[%dma_start3A_645, %dma_start3A_646] : memref<1000000x64xf16, #tpu.memory_space<hbm>> -> memref<1000000x64xf16, #tpu.memory_space<hbm>>
    tpu.enqueue_indirect_dma source(%dma_start3A_647 : memref<1000000x64xf16, #tpu.memory_space<hbm>>) target(%dma_start3A_637 : memref<50x64xf16, #tpu.memory_space<vmem>>) offsets(%dma_start3A_644 : memref<50xi32, #tpu.memory_space<vmem>>) semaphore(%arg7 : memref<!tpu.dma_semaphore, #tpu.memory_space<semaphore_mem>>)
    %dma_start3A_648 = arith.constant 0 : i32
    %dma_start3A_649 = arith.constant 28 : i32
    %dma_start3A_650 = arith.constant 0 : i32
    %dma_start3A_651 = arith.constant 28 : i32
    %dma_start3A_652 = arith.constant 0 : i32
    %dma_start3A_653 = arith.constant 0 : i32
    %dma_start3A_654 = arith.constant 0 : i32
    %dma_start3A_655 = tpu.memref_slice %arg6[%dma_start3A_650, %dma_start3A_652, %dma_start3A_653, %dma_start3A_654] : memref<2x32x50x64xf16, #tpu.memory_space<vmem>> -> memref<1x32x50x64xf16, #tpu.memory_space<vmem>>
    %dma_start3A_656 = tpu.memref_squeeze %dma_start3A_655 : memref<1x32x50x64xf16, #tpu.memory_space<vmem>> -> memref<32x50x64xf16, #tpu.memory_space<vmem>>
    %dma_start3A_657 = arith.constant 0 : i32
    %dma_start3A_658 = arith.constant 0 : i32
    %dma_start3A_659 = tpu.memref_slice %dma_start3A_656[%dma_start3A_651, %dma_start3A_657, %dma_start3A_658] : memref<32x50x64xf16, #tpu.memory_space<vmem>> -> memref<1x50x64xf16, #tpu.memory_space<vmem>>
    %dma_start3A_660 = tpu.memref_squeeze %dma_start3A_659 : memref<1x50x64xf16, #tpu.memory_space<vmem>> -> memref<50x64xf16, #tpu.memory_space<vmem>>
    %dma_start3A_661 = arith.constant 0 : i32
    %dma_start3A_662 = arith.constant 0 : i32
    %dma_start3A_663 = tpu.memref_slice %arg5[%dma_start3A_648, %dma_start3A_661, %dma_start3A_662] : memref<2x32x50xi32, #tpu.memory_space<vmem>> -> memref<1x32x50xi32, #tpu.memory_space<vmem>>
    %dma_start3A_664 = tpu.memref_squeeze %dma_start3A_663 : memref<1x32x50xi32, #tpu.memory_space<vmem>> -> memref<32x50xi32, #tpu.memory_space<vmem>>
    %dma_start3A_665 = arith.constant 0 : i32
    %dma_start3A_666 = tpu.memref_slice %dma_start3A_664[%dma_start3A_649, %dma_start3A_665] : memref<32x50xi32, #tpu.memory_space<vmem>> -> memref<1x50xi32, #tpu.memory_space<vmem>>
    %dma_start3A_667 = tpu.memref_squeeze %dma_start3A_666 : memref<1x50xi32, #tpu.memory_space<vmem>> -> memref<50xi32, #tpu.memory_space<vmem>>
    %dma_start3A_668 = arith.constant 0 : i32
    %dma_start3A_669 = arith.constant 0 : i32
    %dma_start3A_670 = tpu.memref_slice %arg3[%dma_start3A_668, %dma_start3A_669] : memref<1000000x64xf16, #tpu.memory_space<hbm>> -> memref<1000000x64xf16, #tpu.memory_space<hbm>>
    tpu.enqueue_indirect_dma source(%dma_start3A_670 : memref<1000000x64xf16, #tpu.memory_space<hbm>>) target(%dma_start3A_660 : memref<50x64xf16, #tpu.memory_space<vmem>>) offsets(%dma_start3A_667 : memref<50xi32, #tpu.memory_space<vmem>>) semaphore(%arg7 : memref<!tpu.dma_semaphore, #tpu.memory_space<semaphore_mem>>)
    %dma_start3A_671 = arith.constant 0 : i32
    %dma_start3A_672 = arith.constant 29 : i32
    %dma_start3A_673 = arith.constant 0 : i32
    %dma_start3A_674 = arith.constant 29 : i32
    %dma_start3A_675 = arith.constant 0 : i32
    %dma_start3A_676 = arith.constant 0 : i32
    %dma_start3A_677 = arith.constant 0 : i32
    %dma_start3A_678 = tpu.memref_slice %arg6[%dma_start3A_673, %dma_start3A_675, %dma_start3A_676, %dma_start3A_677] : memref<2x32x50x64xf16, #tpu.memory_space<vmem>> -> memref<1x32x50x64xf16, #tpu.memory_space<vmem>>
    %dma_start3A_679 = tpu.memref_squeeze %dma_start3A_678 : memref<1x32x50x64xf16, #tpu.memory_space<vmem>> -> memref<32x50x64xf16, #tpu.memory_space<vmem>>
    %dma_start3A_680 = arith.constant 0 : i32
    %dma_start3A_681 = arith.constant 0 : i32
    %dma_start3A_682 = tpu.memref_slice %dma_start3A_679[%dma_start3A_674, %dma_start3A_680, %dma_start3A_681] : memref<32x50x64xf16, #tpu.memory_space<vmem>> -> memref<1x50x64xf16, #tpu.memory_space<vmem>>
    %dma_start3A_683 = tpu.memref_squeeze %dma_start3A_682 : memref<1x50x64xf16, #tpu.memory_space<vmem>> -> memref<50x64xf16, #tpu.memory_space<vmem>>
    %dma_start3A_684 = arith.constant 0 : i32
    %dma_start3A_685 = arith.constant 0 : i32
    %dma_start3A_686 = tpu.memref_slice %arg5[%dma_start3A_671, %dma_start3A_684, %dma_start3A_685] : memref<2x32x50xi32, #tpu.memory_space<vmem>> -> memref<1x32x50xi32, #tpu.memory_space<vmem>>
    %dma_start3A_687 = tpu.memref_squeeze %dma_start3A_686 : memref<1x32x50xi32, #tpu.memory_space<vmem>> -> memref<32x50xi32, #tpu.memory_space<vmem>>
    %dma_start3A_688 = arith.constant 0 : i32
    %dma_start3A_689 = tpu.memref_slice %dma_start3A_687[%dma_start3A_672, %dma_start3A_688] : memref<32x50xi32, #tpu.memory_space<vmem>> -> memref<1x50xi32, #tpu.memory_space<vmem>>
    %dma_start3A_690 = tpu.memref_squeeze %dma_start3A_689 : memref<1x50xi32, #tpu.memory_space<vmem>> -> memref<50xi32, #tpu.memory_space<vmem>>
    %dma_start3A_691 = arith.constant 0 : i32
    %dma_start3A_692 = arith.constant 0 : i32
    %dma_start3A_693 = tpu.memref_slice %arg3[%dma_start3A_691, %dma_start3A_692] : memref<1000000x64xf16, #tpu.memory_space<hbm>> -> memref<1000000x64xf16, #tpu.memory_space<hbm>>
    tpu.enqueue_indirect_dma source(%dma_start3A_693 : memref<1000000x64xf16, #tpu.memory_space<hbm>>) target(%dma_start3A_683 : memref<50x64xf16, #tpu.memory_space<vmem>>) offsets(%dma_start3A_690 : memref<50xi32, #tpu.memory_space<vmem>>) semaphore(%arg7 : memref<!tpu.dma_semaphore, #tpu.memory_space<semaphore_mem>>)
    %dma_start3A_694 = arith.constant 0 : i32
    %dma_start3A_695 = arith.constant 30 : i32
    %dma_start3A_696 = arith.constant 0 : i32
    %dma_start3A_697 = arith.constant 30 : i32
    %dma_start3A_698 = arith.constant 0 : i32
    %dma_start3A_699 = arith.constant 0 : i32
    %dma_start3A_700 = arith.constant 0 : i32
    %dma_start3A_701 = tpu.memref_slice %arg6[%dma_start3A_696, %dma_start3A_698, %dma_start3A_699, %dma_start3A_700] : memref<2x32x50x64xf16, #tpu.memory_space<vmem>> -> memref<1x32x50x64xf16, #tpu.memory_space<vmem>>
    %dma_start3A_702 = tpu.memref_squeeze %dma_start3A_701 : memref<1x32x50x64xf16, #tpu.memory_space<vmem>> -> memref<32x50x64xf16, #tpu.memory_space<vmem>>
    %dma_start3A_703 = arith.constant 0 : i32
    %dma_start3A_704 = arith.constant 0 : i32
    %dma_start3A_705 = tpu.memref_slice %dma_start3A_702[%dma_start3A_697, %dma_start3A_703, %dma_start3A_704] : memref<32x50x64xf16, #tpu.memory_space<vmem>> -> memref<1x50x64xf16, #tpu.memory_space<vmem>>
    %dma_start3A_706 = tpu.memref_squeeze %dma_start3A_705 : memref<1x50x64xf16, #tpu.memory_space<vmem>> -> memref<50x64xf16, #tpu.memory_space<vmem>>
    %dma_start3A_707 = arith.constant 0 : i32
    %dma_start3A_708 = arith.constant 0 : i32
    %dma_start3A_709 = tpu.memref_slice %arg5[%dma_start3A_694, %dma_start3A_707, %dma_start3A_708] : memref<2x32x50xi32, #tpu.memory_space<vmem>> -> memref<1x32x50xi32, #tpu.memory_space<vmem>>
    %dma_start3A_710 = tpu.memref_squeeze %dma_start3A_709 : memref<1x32x50xi32, #tpu.memory_space<vmem>> -> memref<32x50xi32, #tpu.memory_space<vmem>>
    %dma_start3A_711 = arith.constant 0 : i32
    %dma_start3A_712 = tpu.memref_slice %dma_start3A_710[%dma_start3A_695, %dma_start3A_711] : memref<32x50xi32, #tpu.memory_space<vmem>> -> memref<1x50xi32, #tpu.memory_space<vmem>>
    %dma_start3A_713 = tpu.memref_squeeze %dma_start3A_712 : memref<1x50xi32, #tpu.memory_space<vmem>> -> memref<50xi32, #tpu.memory_space<vmem>>
    %dma_start3A_714 = arith.constant 0 : i32
    %dma_start3A_715 = arith.constant 0 : i32
    %dma_start3A_716 = tpu.memref_slice %arg3[%dma_start3A_714, %dma_start3A_715] : memref<1000000x64xf16, #tpu.memory_space<hbm>> -> memref<1000000x64xf16, #tpu.memory_space<hbm>>
    tpu.enqueue_indirect_dma source(%dma_start3A_716 : memref<1000000x64xf16, #tpu.memory_space<hbm>>) target(%dma_start3A_706 : memref<50x64xf16, #tpu.memory_space<vmem>>) offsets(%dma_start3A_713 : memref<50xi32, #tpu.memory_space<vmem>>) semaphore(%arg7 : memref<!tpu.dma_semaphore, #tpu.memory_space<semaphore_mem>>)
    %dma_start3A_717 = arith.constant 0 : i32
    %dma_start3A_718 = arith.constant 31 : i32
    %dma_start3A_719 = arith.constant 0 : i32
    %dma_start3A_720 = arith.constant 31 : i32
    %dma_start3A_721 = arith.constant 0 : i32
    %dma_start3A_722 = arith.constant 0 : i32
    %dma_start3A_723 = arith.constant 0 : i32
    %dma_start3A_724 = tpu.memref_slice %arg6[%dma_start3A_719, %dma_start3A_721, %dma_start3A_722, %dma_start3A_723] : memref<2x32x50x64xf16, #tpu.memory_space<vmem>> -> memref<1x32x50x64xf16, #tpu.memory_space<vmem>>
    %dma_start3A_725 = tpu.memref_squeeze %dma_start3A_724 : memref<1x32x50x64xf16, #tpu.memory_space<vmem>> -> memref<32x50x64xf16, #tpu.memory_space<vmem>>
    %dma_start3A_726 = arith.constant 0 : i32
    %dma_start3A_727 = arith.constant 0 : i32
    %dma_start3A_728 = tpu.memref_slice %dma_start3A_725[%dma_start3A_720, %dma_start3A_726, %dma_start3A_727] : memref<32x50x64xf16, #tpu.memory_space<vmem>> -> memref<1x50x64xf16, #tpu.memory_space<vmem>>
    %dma_start3A_729 = tpu.memref_squeeze %dma_start3A_728 : memref<1x50x64xf16, #tpu.memory_space<vmem>> -> memref<50x64xf16, #tpu.memory_space<vmem>>
    %dma_start3A_730 = arith.constant 0 : i32
    %dma_start3A_731 = arith.constant 0 : i32
    %dma_start3A_732 = tpu.memref_slice %arg5[%dma_start3A_717, %dma_start3A_730, %dma_start3A_731] : memref<2x32x50xi32, #tpu.memory_space<vmem>> -> memref<1x32x50xi32, #tpu.memory_space<vmem>>
    %dma_start3A_733 = tpu.memref_squeeze %dma_start3A_732 : memref<1x32x50xi32, #tpu.memory_space<vmem>> -> memref<32x50xi32, #tpu.memory_space<vmem>>
    %dma_start3A_734 = arith.constant 0 : i32
    %dma_start3A_735 = tpu.memref_slice %dma_start3A_733[%dma_start3A_718, %dma_start3A_734] : memref<32x50xi32, #tpu.memory_space<vmem>> -> memref<1x50xi32, #tpu.memory_space<vmem>>
    %dma_start3A_736 = tpu.memref_squeeze %dma_start3A_735 : memref<1x50xi32, #tpu.memory_space<vmem>> -> memref<50xi32, #tpu.memory_space<vmem>>
    %dma_start3A_737 = arith.constant 0 : i32
    %dma_start3A_738 = arith.constant 0 : i32
    %dma_start3A_739 = tpu.memref_slice %arg3[%dma_start3A_737, %dma_start3A_738] : memref<1000000x64xf16, #tpu.memory_space<hbm>> -> memref<1000000x64xf16, #tpu.memory_space<hbm>>
    tpu.enqueue_indirect_dma source(%dma_start3A_739 : memref<1000000x64xf16, #tpu.memory_space<hbm>>) target(%dma_start3A_729 : memref<50x64xf16, #tpu.memory_space<vmem>>) offsets(%dma_start3A_736 : memref<50xi32, #tpu.memory_space<vmem>>) semaphore(%arg7 : memref<!tpu.dma_semaphore, #tpu.memory_space<semaphore_mem>>)
    %scan3A = arith.constant 0 : i32
    %scan3A_740 = arith.constant 0 : i32
    %scan3A_741 = arith.constant 16 : i32
    %scan3A_742 = arith.addi %scan3A_740, %scan3A_741 : i32
    %scan3A_743 = arith.constant 1 : i32
    scf.for %scan3A_766 = %scan3A_740 to %scan3A_742 step %scan3A_743  : i32 {
      %rem3A_767 = arith.constant 2 : i32
      %rem3A_768 = arith.remsi %scan3A_766, %rem3A_767 : i32
      %dma_wait3A_769 = arith.constant 0 : i32
      %dma_wait3A_770 = arith.constant 0 : i32
      %dma_wait3A_771 = arith.constant 0 : i32
      %dma_wait3A_772 = arith.constant 0 : i32
      %dma_wait3A_773 = tpu.memref_slice %arg6[%rem3A_768, %dma_wait3A_770, %dma_wait3A_771, %dma_wait3A_772] : memref<2x32x50x64xf16, #tpu.memory_space<vmem>> -> memref<1x32x50x64xf16, #tpu.memory_space<vmem>>
      %dma_wait3A_774 = tpu.memref_squeeze %dma_wait3A_773 : memref<1x32x50x64xf16, #tpu.memory_space<vmem>> -> memref<32x50x64xf16, #tpu.memory_space<vmem>>
      %dma_wait3A_775 = arith.constant 0 : i32
      %dma_wait3A_776 = arith.constant 0 : i32
      %dma_wait3A_777 = tpu.memref_slice %dma_wait3A_774[%dma_wait3A_769, %dma_wait3A_775, %dma_wait3A_776] : memref<32x50x64xf16, #tpu.memory_space<vmem>> -> memref<1x50x64xf16, #tpu.memory_space<vmem>>
      %dma_wait3A_778 = tpu.memref_squeeze %dma_wait3A_777 : memref<1x50x64xf16, #tpu.memory_space<vmem>> -> memref<50x64xf16, #tpu.memory_space<vmem>>
      %dma_wait3A_779 = arith.constant 0 : i32
      %dma_wait3A_780 = arith.constant 0 : i32
      %dma_wait3A_781 = tpu.memref_slice %arg3[%dma_wait3A_779, %dma_wait3A_780] : memref<1000000x64xf16, #tpu.memory_space<hbm>> -> memref<50x64xf16, #tpu.memory_space<hbm>>
      %dma_wait3A_782 = arith.constant 0 : i32
      %dma_wait3A_783 = arith.constant 0 : i32
      %dma_wait3A_784 = arith.constant 0 : i32
      %dma_wait3A_785 = tpu.memref_slice %arg6[%rem3A_768, %dma_wait3A_782, %dma_wait3A_783, %dma_wait3A_784] : memref<2x32x50x64xf16, #tpu.memory_space<vmem>> -> memref<1x32x50x64xf16, #tpu.memory_space<vmem>>
      %dma_wait3A_786 = tpu.memref_squeeze %dma_wait3A_785 : memref<1x32x50x64xf16, #tpu.memory_space<vmem>> -> memref<32x50x64xf16, #tpu.memory_space<vmem>>
      %dma_wait3A_787 = arith.constant 0 : i32
      %dma_wait3A_788 = arith.constant 0 : i32
      %dma_wait3A_789 = tpu.memref_slice %dma_wait3A_786[%dma_wait3A_769, %dma_wait3A_787, %dma_wait3A_788] : memref<32x50x64xf16, #tpu.memory_space<vmem>> -> memref<1x50x64xf16, #tpu.memory_space<vmem>>
      %dma_wait3A_790 = tpu.memref_squeeze %dma_wait3A_789 : memref<1x50x64xf16, #tpu.memory_space<vmem>> -> memref<50x64xf16, #tpu.memory_space<vmem>>
      %dma_wait3A_791 = arith.constant 0 : i32
      %dma_wait3A_792 = arith.constant 0 : i32
      %dma_wait3A_793 = tpu.memref_slice %arg3[%dma_wait3A_791, %dma_wait3A_792] : memref<1000000x64xf16, #tpu.memory_space<hbm>> -> memref<50x64xf16, #tpu.memory_space<hbm>>
      tpu.wait_dma2 semaphore(%arg7 : memref<!tpu.dma_semaphore, #tpu.memory_space<semaphore_mem>>) src(%dma_wait3A_793 : memref<50x64xf16, #tpu.memory_space<hbm>>) dst(%dma_wait3A_790 : memref<50x64xf16, #tpu.memory_space<vmem>>)
      %dma_wait3A_794 = arith.constant 1 : i32
      %dma_wait3A_795 = arith.constant 0 : i32
      %dma_wait3A_796 = arith.constant 0 : i32
      %dma_wait3A_797 = arith.constant 0 : i32
      %dma_wait3A_798 = tpu.memref_slice %arg6[%rem3A_768, %dma_wait3A_795, %dma_wait3A_796, %dma_wait3A_797] : memref<2x32x50x64xf16, #tpu.memory_space<vmem>> -> memref<1x32x50x64xf16, #tpu.memory_space<vmem>>
      %dma_wait3A_799 = tpu.memref_squeeze %dma_wait3A_798 : memref<1x32x50x64xf16, #tpu.memory_space<vmem>> -> memref<32x50x64xf16, #tpu.memory_space<vmem>>
      %dma_wait3A_800 = arith.constant 0 : i32
      %dma_wait3A_801 = arith.constant 0 : i32
      %dma_wait3A_802 = tpu.memref_slice %dma_wait3A_799[%dma_wait3A_794, %dma_wait3A_800, %dma_wait3A_801] : memref<32x50x64xf16, #tpu.memory_space<vmem>> -> memref<1x50x64xf16, #tpu.memory_space<vmem>>
      %dma_wait3A_803 = tpu.memref_squeeze %dma_wait3A_802 : memref<1x50x64xf16, #tpu.memory_space<vmem>> -> memref<50x64xf16, #tpu.memory_space<vmem>>
      %dma_wait3A_804 = arith.constant 0 : i32
      %dma_wait3A_805 = arith.constant 0 : i32
      %dma_wait3A_806 = tpu.memref_slice %arg3[%dma_wait3A_804, %dma_wait3A_805] : memref<1000000x64xf16, #tpu.memory_space<hbm>> -> memref<50x64xf16, #tpu.memory_space<hbm>>
      %dma_wait3A_807 = arith.constant 0 : i32
      %dma_wait3A_808 = arith.constant 0 : i32
      %dma_wait3A_809 = arith.constant 0 : i32
      %dma_wait3A_810 = tpu.memref_slice %arg6[%rem3A_768, %dma_wait3A_807, %dma_wait3A_808, %dma_wait3A_809] : memref<2x32x50x64xf16, #tpu.memory_space<vmem>> -> memref<1x32x50x64xf16, #tpu.memory_space<vmem>>
      %dma_wait3A_811 = tpu.memref_squeeze %dma_wait3A_810 : memref<1x32x50x64xf16, #tpu.memory_space<vmem>> -> memref<32x50x64xf16, #tpu.memory_space<vmem>>
      %dma_wait3A_812 = arith.constant 0 : i32
      %dma_wait3A_813 = arith.constant 0 : i32
      %dma_wait3A_814 = tpu.memref_slice %dma_wait3A_811[%dma_wait3A_794, %dma_wait3A_812, %dma_wait3A_813] : memref<32x50x64xf16, #tpu.memory_space<vmem>> -> memref<1x50x64xf16, #tpu.memory_space<vmem>>
      %dma_wait3A_815 = tpu.memref_squeeze %dma_wait3A_814 : memref<1x50x64xf16, #tpu.memory_space<vmem>> -> memref<50x64xf16, #tpu.memory_space<vmem>>
      %dma_wait3A_816 = arith.constant 0 : i32
      %dma_wait3A_817 = arith.constant 0 : i32
      %dma_wait3A_818 = tpu.memref_slice %arg3[%dma_wait3A_816, %dma_wait3A_817] : memref<1000000x64xf16, #tpu.memory_space<hbm>> -> memref<50x64xf16, #tpu.memory_space<hbm>>
      tpu.wait_dma2 semaphore(%arg7 : memref<!tpu.dma_semaphore, #tpu.memory_space<semaphore_mem>>) src(%dma_wait3A_818 : memref<50x64xf16, #tpu.memory_space<hbm>>) dst(%dma_wait3A_815 : memref<50x64xf16, #tpu.memory_space<vmem>>)
      %dma_wait3A_819 = arith.constant 2 : i32
      %dma_wait3A_820 = arith.constant 0 : i32
      %dma_wait3A_821 = arith.constant 0 : i32
      %dma_wait3A_822 = arith.constant 0 : i32
      %dma_wait3A_823 = tpu.memref_slice %arg6[%rem3A_768, %dma_wait3A_820, %dma_wait3A_821, %dma_wait3A_822] : memref<2x32x50x64xf16, #tpu.memory_space<vmem>> -> memref<1x32x50x64xf16, #tpu.memory_space<vmem>>
      %dma_wait3A_824 = tpu.memref_squeeze %dma_wait3A_823 : memref<1x32x50x64xf16, #tpu.memory_space<vmem>> -> memref<32x50x64xf16, #tpu.memory_space<vmem>>
      %dma_wait3A_825 = arith.constant 0 : i32
      %dma_wait3A_826 = arith.constant 0 : i32
      %dma_wait3A_827 = tpu.memref_slice %dma_wait3A_824[%dma_wait3A_819, %dma_wait3A_825, %dma_wait3A_826] : memref<32x50x64xf16, #tpu.memory_space<vmem>> -> memref<1x50x64xf16, #tpu.memory_space<vmem>>
      %dma_wait3A_828 = tpu.memref_squeeze %dma_wait3A_827 : memref<1x50x64xf16, #tpu.memory_space<vmem>> -> memref<50x64xf16, #tpu.memory_space<vmem>>
      %dma_wait3A_829 = arith.constant 0 : i32
      %dma_wait3A_830 = arith.constant 0 : i32
      %dma_wait3A_831 = tpu.memref_slice %arg3[%dma_wait3A_829, %dma_wait3A_830] : memref<1000000x64xf16, #tpu.memory_space<hbm>> -> memref<50x64xf16, #tpu.memory_space<hbm>>
      %dma_wait3A_832 = arith.constant 0 : i32
      %dma_wait3A_833 = arith.constant 0 : i32
      %dma_wait3A_834 = arith.constant 0 : i32
      %dma_wait3A_835 = tpu.memref_slice %arg6[%rem3A_768, %dma_wait3A_832, %dma_wait3A_833, %dma_wait3A_834] : memref<2x32x50x64xf16, #tpu.memory_space<vmem>> -> memref<1x32x50x64xf16, #tpu.memory_space<vmem>>
      %dma_wait3A_836 = tpu.memref_squeeze %dma_wait3A_835 : memref<1x32x50x64xf16, #tpu.memory_space<vmem>> -> memref<32x50x64xf16, #tpu.memory_space<vmem>>
      %dma_wait3A_837 = arith.constant 0 : i32
      %dma_wait3A_838 = arith.constant 0 : i32
      %dma_wait3A_839 = tpu.memref_slice %dma_wait3A_836[%dma_wait3A_819, %dma_wait3A_837, %dma_wait3A_838] : memref<32x50x64xf16, #tpu.memory_space<vmem>> -> memref<1x50x64xf16, #tpu.memory_space<vmem>>
      %dma_wait3A_840 = tpu.memref_squeeze %dma_wait3A_839 : memref<1x50x64xf16, #tpu.memory_space<vmem>> -> memref<50x64xf16, #tpu.memory_space<vmem>>
      %dma_wait3A_841 = arith.constant 0 : i32
      %dma_wait3A_842 = arith.constant 0 : i32
      %dma_wait3A_843 = tpu.memref_slice %arg3[%dma_wait3A_841, %dma_wait3A_842] : memref<1000000x64xf16, #tpu.memory_space<hbm>> -> memref<50x64xf16, #tpu.memory_space<hbm>>
      tpu.wait_dma2 semaphore(%arg7 : memref<!tpu.dma_semaphore, #tpu.memory_space<semaphore_mem>>) src(%dma_wait3A_843 : memref<50x64xf16, #tpu.memory_space<hbm>>) dst(%dma_wait3A_840 : memref<50x64xf16, #tpu.memory_space<vmem>>)
      %dma_wait3A_844 = arith.constant 3 : i32
      %dma_wait3A_845 = arith.constant 0 : i32
      %dma_wait3A_846 = arith.constant 0 : i32
      %dma_wait3A_847 = arith.constant 0 : i32
      %dma_wait3A_848 = tpu.memref_slice %arg6[%rem3A_768, %dma_wait3A_845, %dma_wait3A_846, %dma_wait3A_847] : memref<2x32x50x64xf16, #tpu.memory_space<vmem>> -> memref<1x32x50x64xf16, #tpu.memory_space<vmem>>
      %dma_wait3A_849 = tpu.memref_squeeze %dma_wait3A_848 : memref<1x32x50x64xf16, #tpu.memory_space<vmem>> -> memref<32x50x64xf16, #tpu.memory_space<vmem>>
      %dma_wait3A_850 = arith.constant 0 : i32
      %dma_wait3A_851 = arith.constant 0 : i32
      %dma_wait3A_852 = tpu.memref_slice %dma_wait3A_849[%dma_wait3A_844, %dma_wait3A_850, %dma_wait3A_851] : memref<32x50x64xf16, #tpu.memory_space<vmem>> -> memref<1x50x64xf16, #tpu.memory_space<vmem>>
      %dma_wait3A_853 = tpu.memref_squeeze %dma_wait3A_852 : memref<1x50x64xf16, #tpu.memory_space<vmem>> -> memref<50x64xf16, #tpu.memory_space<vmem>>
      %dma_wait3A_854 = arith.constant 0 : i32
      %dma_wait3A_855 = arith.constant 0 : i32
      %dma_wait3A_856 = tpu.memref_slice %arg3[%dma_wait3A_854, %dma_wait3A_855] : memref<1000000x64xf16, #tpu.memory_space<hbm>> -> memref<50x64xf16, #tpu.memory_space<hbm>>
      %dma_wait3A_857 = arith.constant 0 : i32
      %dma_wait3A_858 = arith.constant 0 : i32
      %dma_wait3A_859 = arith.constant 0 : i32
      %dma_wait3A_860 = tpu.memref_slice %arg6[%rem3A_768, %dma_wait3A_857, %dma_wait3A_858, %dma_wait3A_859] : memref<2x32x50x64xf16, #tpu.memory_space<vmem>> -> memref<1x32x50x64xf16, #tpu.memory_space<vmem>>
      %dma_wait3A_861 = tpu.memref_squeeze %dma_wait3A_860 : memref<1x32x50x64xf16, #tpu.memory_space<vmem>> -> memref<32x50x64xf16, #tpu.memory_space<vmem>>
      %dma_wait3A_862 = arith.constant 0 : i32
      %dma_wait3A_863 = arith.constant 0 : i32
      %dma_wait3A_864 = tpu.memref_slice %dma_wait3A_861[%dma_wait3A_844, %dma_wait3A_862, %dma_wait3A_863] : memref<32x50x64xf16, #tpu.memory_space<vmem>> -> memref<1x50x64xf16, #tpu.memory_space<vmem>>
      %dma_wait3A_865 = tpu.memref_squeeze %dma_wait3A_864 : memref<1x50x64xf16, #tpu.memory_space<vmem>> -> memref<50x64xf16, #tpu.memory_space<vmem>>
      %dma_wait3A_866 = arith.constant 0 : i32
      %dma_wait3A_867 = arith.constant 0 : i32
      %dma_wait3A_868 = tpu.memref_slice %arg3[%dma_wait3A_866, %dma_wait3A_867] : memref<1000000x64xf16, #tpu.memory_space<hbm>> -> memref<50x64xf16, #tpu.memory_space<hbm>>
      tpu.wait_dma2 semaphore(%arg7 : memref<!tpu.dma_semaphore, #tpu.memory_space<semaphore_mem>>) src(%dma_wait3A_868 : memref<50x64xf16, #tpu.memory_space<hbm>>) dst(%dma_wait3A_865 : memref<50x64xf16, #tpu.memory_space<vmem>>)
      %dma_wait3A_869 = arith.constant 4 : i32
      %dma_wait3A_870 = arith.constant 0 : i32
      %dma_wait3A_871 = arith.constant 0 : i32
      %dma_wait3A_872 = arith.constant 0 : i32
      %dma_wait3A_873 = tpu.memref_slice %arg6[%rem3A_768, %dma_wait3A_870, %dma_wait3A_871, %dma_wait3A_872] : memref<2x32x50x64xf16, #tpu.memory_space<vmem>> -> memref<1x32x50x64xf16, #tpu.memory_space<vmem>>
      %dma_wait3A_874 = tpu.memref_squeeze %dma_wait3A_873 : memref<1x32x50x64xf16, #tpu.memory_space<vmem>> -> memref<32x50x64xf16, #tpu.memory_space<vmem>>
      %dma_wait3A_875 = arith.constant 0 : i32
      %dma_wait3A_876 = arith.constant 0 : i32
      %dma_wait3A_877 = tpu.memref_slice %dma_wait3A_874[%dma_wait3A_869, %dma_wait3A_875, %dma_wait3A_876] : memref<32x50x64xf16, #tpu.memory_space<vmem>> -> memref<1x50x64xf16, #tpu.memory_space<vmem>>
      %dma_wait3A_878 = tpu.memref_squeeze %dma_wait3A_877 : memref<1x50x64xf16, #tpu.memory_space<vmem>> -> memref<50x64xf16, #tpu.memory_space<vmem>>
      %dma_wait3A_879 = arith.constant 0 : i32
      %dma_wait3A_880 = arith.constant 0 : i32
      %dma_wait3A_881 = tpu.memref_slice %arg3[%dma_wait3A_879, %dma_wait3A_880] : memref<1000000x64xf16, #tpu.memory_space<hbm>> -> memref<50x64xf16, #tpu.memory_space<hbm>>
      %dma_wait3A_882 = arith.constant 0 : i32
      %dma_wait3A_883 = arith.constant 0 : i32
      %dma_wait3A_884 = arith.constant 0 : i32
      %dma_wait3A_885 = tpu.memref_slice %arg6[%rem3A_768, %dma_wait3A_882, %dma_wait3A_883, %dma_wait3A_884] : memref<2x32x50x64xf16, #tpu.memory_space<vmem>> -> memref<1x32x50x64xf16, #tpu.memory_space<vmem>>
      %dma_wait3A_886 = tpu.memref_squeeze %dma_wait3A_885 : memref<1x32x50x64xf16, #tpu.memory_space<vmem>> -> memref<32x50x64xf16, #tpu.memory_space<vmem>>
      %dma_wait3A_887 = arith.constant 0 : i32
      %dma_wait3A_888 = arith.constant 0 : i32
      %dma_wait3A_889 = tpu.memref_slice %dma_wait3A_886[%dma_wait3A_869, %dma_wait3A_887, %dma_wait3A_888] : memref<32x50x64xf16, #tpu.memory_space<vmem>> -> memref<1x50x64xf16, #tpu.memory_space<vmem>>
      %dma_wait3A_890 = tpu.memref_squeeze %dma_wait3A_889 : memref<1x50x64xf16, #tpu.memory_space<vmem>> -> memref<50x64xf16, #tpu.memory_space<vmem>>
      %dma_wait3A_891 = arith.constant 0 : i32
      %dma_wait3A_892 = arith.constant 0 : i32
      %dma_wait3A_893 = tpu.memref_slice %arg3[%dma_wait3A_891, %dma_wait3A_892] : memref<1000000x64xf16, #tpu.memory_space<hbm>> -> memref<50x64xf16, #tpu.memory_space<hbm>>
      tpu.wait_dma2 semaphore(%arg7 : memref<!tpu.dma_semaphore, #tpu.memory_space<semaphore_mem>>) src(%dma_wait3A_893 : memref<50x64xf16, #tpu.memory_space<hbm>>) dst(%dma_wait3A_890 : memref<50x64xf16, #tpu.memory_space<vmem>>)
      %dma_wait3A_894 = arith.constant 5 : i32
      %dma_wait3A_895 = arith.constant 0 : i32
      %dma_wait3A_896 = arith.constant 0 : i32
      %dma_wait3A_897 = arith.constant 0 : i32
      %dma_wait3A_898 = tpu.memref_slice %arg6[%rem3A_768, %dma_wait3A_895, %dma_wait3A_896, %dma_wait3A_897] : memref<2x32x50x64xf16, #tpu.memory_space<vmem>> -> memref<1x32x50x64xf16, #tpu.memory_space<vmem>>
      %dma_wait3A_899 = tpu.memref_squeeze %dma_wait3A_898 : memref<1x32x50x64xf16, #tpu.memory_space<vmem>> -> memref<32x50x64xf16, #tpu.memory_space<vmem>>
      %dma_wait3A_900 = arith.constant 0 : i32
      %dma_wait3A_901 = arith.constant 0 : i32
      %dma_wait3A_902 = tpu.memref_slice %dma_wait3A_899[%dma_wait3A_894, %dma_wait3A_900, %dma_wait3A_901] : memref<32x50x64xf16, #tpu.memory_space<vmem>> -> memref<1x50x64xf16, #tpu.memory_space<vmem>>
      %dma_wait3A_903 = tpu.memref_squeeze %dma_wait3A_902 : memref<1x50x64xf16, #tpu.memory_space<vmem>> -> memref<50x64xf16, #tpu.memory_space<vmem>>
      %dma_wait3A_904 = arith.constant 0 : i32
      %dma_wait3A_905 = arith.constant 0 : i32
      %dma_wait3A_906 = tpu.memref_slice %arg3[%dma_wait3A_904, %dma_wait3A_905] : memref<1000000x64xf16, #tpu.memory_space<hbm>> -> memref<50x64xf16, #tpu.memory_space<hbm>>
      %dma_wait3A_907 = arith.constant 0 : i32
      %dma_wait3A_908 = arith.constant 0 : i32
      %dma_wait3A_909 = arith.constant 0 : i32
      %dma_wait3A_910 = tpu.memref_slice %arg6[%rem3A_768, %dma_wait3A_907, %dma_wait3A_908, %dma_wait3A_909] : memref<2x32x50x64xf16, #tpu.memory_space<vmem>> -> memref<1x32x50x64xf16, #tpu.memory_space<vmem>>
      %dma_wait3A_911 = tpu.memref_squeeze %dma_wait3A_910 : memref<1x32x50x64xf16, #tpu.memory_space<vmem>> -> memref<32x50x64xf16, #tpu.memory_space<vmem>>
      %dma_wait3A_912 = arith.constant 0 : i32
      %dma_wait3A_913 = arith.constant 0 : i32
      %dma_wait3A_914 = tpu.memref_slice %dma_wait3A_911[%dma_wait3A_894, %dma_wait3A_912, %dma_wait3A_913] : memref<32x50x64xf16, #tpu.memory_space<vmem>> -> memref<1x50x64xf16, #tpu.memory_space<vmem>>
      %dma_wait3A_915 = tpu.memref_squeeze %dma_wait3A_914 : memref<1x50x64xf16, #tpu.memory_space<vmem>> -> memref<50x64xf16, #tpu.memory_space<vmem>>
      %dma_wait3A_916 = arith.constant 0 : i32
      %dma_wait3A_917 = arith.constant 0 : i32
      %dma_wait3A_918 = tpu.memref_slice %arg3[%dma_wait3A_916, %dma_wait3A_917] : memref<1000000x64xf16, #tpu.memory_space<hbm>> -> memref<50x64xf16, #tpu.memory_space<hbm>>
      tpu.wait_dma2 semaphore(%arg7 : memref<!tpu.dma_semaphore, #tpu.memory_space<semaphore_mem>>) src(%dma_wait3A_918 : memref<50x64xf16, #tpu.memory_space<hbm>>) dst(%dma_wait3A_915 : memref<50x64xf16, #tpu.memory_space<vmem>>)
      %dma_wait3A_919 = arith.constant 6 : i32
      %dma_wait3A_920 = arith.constant 0 : i32
      %dma_wait3A_921 = arith.constant 0 : i32
      %dma_wait3A_922 = arith.constant 0 : i32
      %dma_wait3A_923 = tpu.memref_slice %arg6[%rem3A_768, %dma_wait3A_920, %dma_wait3A_921, %dma_wait3A_922] : memref<2x32x50x64xf16, #tpu.memory_space<vmem>> -> memref<1x32x50x64xf16, #tpu.memory_space<vmem>>
      %dma_wait3A_924 = tpu.memref_squeeze %dma_wait3A_923 : memref<1x32x50x64xf16, #tpu.memory_space<vmem>> -> memref<32x50x64xf16, #tpu.memory_space<vmem>>
      %dma_wait3A_925 = arith.constant 0 : i32
      %dma_wait3A_926 = arith.constant 0 : i32
      %dma_wait3A_927 = tpu.memref_slice %dma_wait3A_924[%dma_wait3A_919, %dma_wait3A_925, %dma_wait3A_926] : memref<32x50x64xf16, #tpu.memory_space<vmem>> -> memref<1x50x64xf16, #tpu.memory_space<vmem>>
      %dma_wait3A_928 = tpu.memref_squeeze %dma_wait3A_927 : memref<1x50x64xf16, #tpu.memory_space<vmem>> -> memref<50x64xf16, #tpu.memory_space<vmem>>
      %dma_wait3A_929 = arith.constant 0 : i32
      %dma_wait3A_930 = arith.constant 0 : i32
      %dma_wait3A_931 = tpu.memref_slice %arg3[%dma_wait3A_929, %dma_wait3A_930] : memref<1000000x64xf16, #tpu.memory_space<hbm>> -> memref<50x64xf16, #tpu.memory_space<hbm>>
      %dma_wait3A_932 = arith.constant 0 : i32
      %dma_wait3A_933 = arith.constant 0 : i32
      %dma_wait3A_934 = arith.constant 0 : i32
      %dma_wait3A_935 = tpu.memref_slice %arg6[%rem3A_768, %dma_wait3A_932, %dma_wait3A_933, %dma_wait3A_934] : memref<2x32x50x64xf16, #tpu.memory_space<vmem>> -> memref<1x32x50x64xf16, #tpu.memory_space<vmem>>
      %dma_wait3A_936 = tpu.memref_squeeze %dma_wait3A_935 : memref<1x32x50x64xf16, #tpu.memory_space<vmem>> -> memref<32x50x64xf16, #tpu.memory_space<vmem>>
      %dma_wait3A_937 = arith.constant 0 : i32
      %dma_wait3A_938 = arith.constant 0 : i32
      %dma_wait3A_939 = tpu.memref_slice %dma_wait3A_936[%dma_wait3A_919, %dma_wait3A_937, %dma_wait3A_938] : memref<32x50x64xf16, #tpu.memory_space<vmem>> -> memref<1x50x64xf16, #tpu.memory_space<vmem>>
      %dma_wait3A_940 = tpu.memref_squeeze %dma_wait3A_939 : memref<1x50x64xf16, #tpu.memory_space<vmem>> -> memref<50x64xf16, #tpu.memory_space<vmem>>
      %dma_wait3A_941 = arith.constant 0 : i32
      %dma_wait3A_942 = arith.constant 0 : i32
      %dma_wait3A_943 = tpu.memref_slice %arg3[%dma_wait3A_941, %dma_wait3A_942] : memref<1000000x64xf16, #tpu.memory_space<hbm>> -> memref<50x64xf16, #tpu.memory_space<hbm>>
      tpu.wait_dma2 semaphore(%arg7 : memref<!tpu.dma_semaphore, #tpu.memory_space<semaphore_mem>>) src(%dma_wait3A_943 : memref<50x64xf16, #tpu.memory_space<hbm>>) dst(%dma_wait3A_940 : memref<50x64xf16, #tpu.memory_space<vmem>>)
      %dma_wait3A_944 = arith.constant 7 : i32
      %dma_wait3A_945 = arith.constant 0 : i32
      %dma_wait3A_946 = arith.constant 0 : i32
      %dma_wait3A_947 = arith.constant 0 : i32
      %dma_wait3A_948 = tpu.memref_slice %arg6[%rem3A_768, %dma_wait3A_945, %dma_wait3A_946, %dma_wait3A_947] : memref<2x32x50x64xf16, #tpu.memory_space<vmem>> -> memref<1x32x50x64xf16, #tpu.memory_space<vmem>>
      %dma_wait3A_949 = tpu.memref_squeeze %dma_wait3A_948 : memref<1x32x50x64xf16, #tpu.memory_space<vmem>> -> memref<32x50x64xf16, #tpu.memory_space<vmem>>
      %dma_wait3A_950 = arith.constant 0 : i32
      %dma_wait3A_951 = arith.constant 0 : i32
      %dma_wait3A_952 = tpu.memref_slice %dma_wait3A_949[%dma_wait3A_944, %dma_wait3A_950, %dma_wait3A_951] : memref<32x50x64xf16, #tpu.memory_space<vmem>> -> memref<1x50x64xf16, #tpu.memory_space<vmem>>
      %dma_wait3A_953 = tpu.memref_squeeze %dma_wait3A_952 : memref<1x50x64xf16, #tpu.memory_space<vmem>> -> memref<50x64xf16, #tpu.memory_space<vmem>>
      %dma_wait3A_954 = arith.constant 0 : i32
      %dma_wait3A_955 = arith.constant 0 : i32
      %dma_wait3A_956 = tpu.memref_slice %arg3[%dma_wait3A_954, %dma_wait3A_955] : memref<1000000x64xf16, #tpu.memory_space<hbm>> -> memref<50x64xf16, #tpu.memory_space<hbm>>
      %dma_wait3A_957 = arith.constant 0 : i32
      %dma_wait3A_958 = arith.constant 0 : i32
      %dma_wait3A_959 = arith.constant 0 : i32
      %dma_wait3A_960 = tpu.memref_slice %arg6[%rem3A_768, %dma_wait3A_957, %dma_wait3A_958, %dma_wait3A_959] : memref<2x32x50x64xf16, #tpu.memory_space<vmem>> -> memref<1x32x50x64xf16, #tpu.memory_space<vmem>>
      %dma_wait3A_961 = tpu.memref_squeeze %dma_wait3A_960 : memref<1x32x50x64xf16, #tpu.memory_space<vmem>> -> memref<32x50x64xf16, #tpu.memory_space<vmem>>
      %dma_wait3A_962 = arith.constant 0 : i32
      %dma_wait3A_963 = arith.constant 0 : i32
      %dma_wait3A_964 = tpu.memref_slice %dma_wait3A_961[%dma_wait3A_944, %dma_wait3A_962, %dma_wait3A_963] : memref<32x50x64xf16, #tpu.memory_space<vmem>> -> memref<1x50x64xf16, #tpu.memory_space<vmem>>
      %dma_wait3A_965 = tpu.memref_squeeze %dma_wait3A_964 : memref<1x50x64xf16, #tpu.memory_space<vmem>> -> memref<50x64xf16, #tpu.memory_space<vmem>>
      %dma_wait3A_966 = arith.constant 0 : i32
      %dma_wait3A_967 = arith.constant 0 : i32
      %dma_wait3A_968 = tpu.memref_slice %arg3[%dma_wait3A_966, %dma_wait3A_967] : memref<1000000x64xf16, #tpu.memory_space<hbm>> -> memref<50x64xf16, #tpu.memory_space<hbm>>
      tpu.wait_dma2 semaphore(%arg7 : memref<!tpu.dma_semaphore, #tpu.memory_space<semaphore_mem>>) src(%dma_wait3A_968 : memref<50x64xf16, #tpu.memory_space<hbm>>) dst(%dma_wait3A_965 : memref<50x64xf16, #tpu.memory_space<vmem>>)
      %dma_wait3A_969 = arith.constant 8 : i32
      %dma_wait3A_970 = arith.constant 0 : i32
      %dma_wait3A_971 = arith.constant 0 : i32
      %dma_wait3A_972 = arith.constant 0 : i32
      %dma_wait3A_973 = tpu.memref_slice %arg6[%rem3A_768, %dma_wait3A_970, %dma_wait3A_971, %dma_wait3A_972] : memref<2x32x50x64xf16, #tpu.memory_space<vmem>> -> memref<1x32x50x64xf16, #tpu.memory_space<vmem>>
      %dma_wait3A_974 = tpu.memref_squeeze %dma_wait3A_973 : memref<1x32x50x64xf16, #tpu.memory_space<vmem>> -> memref<32x50x64xf16, #tpu.memory_space<vmem>>
      %dma_wait3A_975 = arith.constant 0 : i32
      %dma_wait3A_976 = arith.constant 0 : i32
      %dma_wait3A_977 = tpu.memref_slice %dma_wait3A_974[%dma_wait3A_969, %dma_wait3A_975, %dma_wait3A_976] : memref<32x50x64xf16, #tpu.memory_space<vmem>> -> memref<1x50x64xf16, #tpu.memory_space<vmem>>
      %dma_wait3A_978 = tpu.memref_squeeze %dma_wait3A_977 : memref<1x50x64xf16, #tpu.memory_space<vmem>> -> memref<50x64xf16, #tpu.memory_space<vmem>>
      %dma_wait3A_979 = arith.constant 0 : i32
      %dma_wait3A_980 = arith.constant 0 : i32
      %dma_wait3A_981 = tpu.memref_slice %arg3[%dma_wait3A_979, %dma_wait3A_980] : memref<1000000x64xf16, #tpu.memory_space<hbm>> -> memref<50x64xf16, #tpu.memory_space<hbm>>
      %dma_wait3A_982 = arith.constant 0 : i32
      %dma_wait3A_983 = arith.constant 0 : i32
      %dma_wait3A_984 = arith.constant 0 : i32
      %dma_wait3A_985 = tpu.memref_slice %arg6[%rem3A_768, %dma_wait3A_982, %dma_wait3A_983, %dma_wait3A_984] : memref<2x32x50x64xf16, #tpu.memory_space<vmem>> -> memref<1x32x50x64xf16, #tpu.memory_space<vmem>>
      %dma_wait3A_986 = tpu.memref_squeeze %dma_wait3A_985 : memref<1x32x50x64xf16, #tpu.memory_space<vmem>> -> memref<32x50x64xf16, #tpu.memory_space<vmem>>
      %dma_wait3A_987 = arith.constant 0 : i32
      %dma_wait3A_988 = arith.constant 0 : i32
      %dma_wait3A_989 = tpu.memref_slice %dma_wait3A_986[%dma_wait3A_969, %dma_wait3A_987, %dma_wait3A_988] : memref<32x50x64xf16, #tpu.memory_space<vmem>> -> memref<1x50x64xf16, #tpu.memory_space<vmem>>
      %dma_wait3A_990 = tpu.memref_squeeze %dma_wait3A_989 : memref<1x50x64xf16, #tpu.memory_space<vmem>> -> memref<50x64xf16, #tpu.memory_space<vmem>>
      %dma_wait3A_991 = arith.constant 0 : i32
      %dma_wait3A_992 = arith.constant 0 : i32
      %dma_wait3A_993 = tpu.memref_slice %arg3[%dma_wait3A_991, %dma_wait3A_992] : memref<1000000x64xf16, #tpu.memory_space<hbm>> -> memref<50x64xf16, #tpu.memory_space<hbm>>
      tpu.wait_dma2 semaphore(%arg7 : memref<!tpu.dma_semaphore, #tpu.memory_space<semaphore_mem>>) src(%dma_wait3A_993 : memref<50x64xf16, #tpu.memory_space<hbm>>) dst(%dma_wait3A_990 : memref<50x64xf16, #tpu.memory_space<vmem>>)
      %dma_wait3A_994 = arith.constant 9 : i32
      %dma_wait3A_995 = arith.constant 0 : i32
      %dma_wait3A_996 = arith.constant 0 : i32
      %dma_wait3A_997 = arith.constant 0 : i32
      %dma_wait3A_998 = tpu.memref_slice %arg6[%rem3A_768, %dma_wait3A_995, %dma_wait3A_996, %dma_wait3A_997] : memref<2x32x50x64xf16, #tpu.memory_space<vmem>> -> memref<1x32x50x64xf16, #tpu.memory_space<vmem>>
      %dma_wait3A_999 = tpu.memref_squeeze %dma_wait3A_998 : memref<1x32x50x64xf16, #tpu.memory_space<vmem>> -> memref<32x50x64xf16, #tpu.memory_space<vmem>>
      %dma_wait3A_1000 = arith.constant 0 : i32
      %dma_wait3A_1001 = arith.constant 0 : i32
      %dma_wait3A_1002 = tpu.memref_slice %dma_wait3A_999[%dma_wait3A_994, %dma_wait3A_1000, %dma_wait3A_1001] : memref<32x50x64xf16, #tpu.memory_space<vmem>> -> memref<1x50x64xf16, #tpu.memory_space<vmem>>
      %dma_wait3A_1003 = tpu.memref_squeeze %dma_wait3A_1002 : memref<1x50x64xf16, #tpu.memory_space<vmem>> -> memref<50x64xf16, #tpu.memory_space<vmem>>
      %dma_wait3A_1004 = arith.constant 0 : i32
      %dma_wait3A_1005 = arith.constant 0 : i32
      %dma_wait3A_1006 = tpu.memref_slice %arg3[%dma_wait3A_1004, %dma_wait3A_1005] : memref<1000000x64xf16, #tpu.memory_space<hbm>> -> memref<50x64xf16, #tpu.memory_space<hbm>>
      %dma_wait3A_1007 = arith.constant 0 : i32
      %dma_wait3A_1008 = arith.constant 0 : i32
      %dma_wait3A_1009 = arith.constant 0 : i32
      %dma_wait3A_1010 = tpu.memref_slice %arg6[%rem3A_768, %dma_wait3A_1007, %dma_wait3A_1008, %dma_wait3A_1009] : memref<2x32x50x64xf16, #tpu.memory_space<vmem>> -> memref<1x32x50x64xf16, #tpu.memory_space<vmem>>
      %dma_wait3A_1011 = tpu.memref_squeeze %dma_wait3A_1010 : memref<1x32x50x64xf16, #tpu.memory_space<vmem>> -> memref<32x50x64xf16, #tpu.memory_space<vmem>>
      %dma_wait3A_1012 = arith.constant 0 : i32
      %dma_wait3A_1013 = arith.constant 0 : i32
      %dma_wait3A_1014 = tpu.memref_slice %dma_wait3A_1011[%dma_wait3A_994, %dma_wait3A_1012, %dma_wait3A_1013] : memref<32x50x64xf16, #tpu.memory_space<vmem>> -> memref<1x50x64xf16, #tpu.memory_space<vmem>>
      %dma_wait3A_1015 = tpu.memref_squeeze %dma_wait3A_1014 : memref<1x50x64xf16, #tpu.memory_space<vmem>> -> memref<50x64xf16, #tpu.memory_space<vmem>>
      %dma_wait3A_1016 = arith.constant 0 : i32
      %dma_wait3A_1017 = arith.constant 0 : i32
      %dma_wait3A_1018 = tpu.memref_slice %arg3[%dma_wait3A_1016, %dma_wait3A_1017] : memref<1000000x64xf16, #tpu.memory_space<hbm>> -> memref<50x64xf16, #tpu.memory_space<hbm>>
      tpu.wait_dma2 semaphore(%arg7 : memref<!tpu.dma_semaphore, #tpu.memory_space<semaphore_mem>>) src(%dma_wait3A_1018 : memref<50x64xf16, #tpu.memory_space<hbm>>) dst(%dma_wait3A_1015 : memref<50x64xf16, #tpu.memory_space<vmem>>)
      %dma_wait3A_1019 = arith.constant 10 : i32
      %dma_wait3A_1020 = arith.constant 0 : i32
      %dma_wait3A_1021 = arith.constant 0 : i32
      %dma_wait3A_1022 = arith.constant 0 : i32
      %dma_wait3A_1023 = tpu.memref_slice %arg6[%rem3A_768, %dma_wait3A_1020, %dma_wait3A_1021, %dma_wait3A_1022] : memref<2x32x50x64xf16, #tpu.memory_space<vmem>> -> memref<1x32x50x64xf16, #tpu.memory_space<vmem>>
      %dma_wait3A_1024 = tpu.memref_squeeze %dma_wait3A_1023 : memref<1x32x50x64xf16, #tpu.memory_space<vmem>> -> memref<32x50x64xf16, #tpu.memory_space<vmem>>
      %dma_wait3A_1025 = arith.constant 0 : i32
      %dma_wait3A_1026 = arith.constant 0 : i32
      %dma_wait3A_1027 = tpu.memref_slice %dma_wait3A_1024[%dma_wait3A_1019, %dma_wait3A_1025, %dma_wait3A_1026] : memref<32x50x64xf16, #tpu.memory_space<vmem>> -> memref<1x50x64xf16, #tpu.memory_space<vmem>>
      %dma_wait3A_1028 = tpu.memref_squeeze %dma_wait3A_1027 : memref<1x50x64xf16, #tpu.memory_space<vmem>> -> memref<50x64xf16, #tpu.memory_space<vmem>>
      %dma_wait3A_1029 = arith.constant 0 : i32
      %dma_wait3A_1030 = arith.constant 0 : i32
      %dma_wait3A_1031 = tpu.memref_slice %arg3[%dma_wait3A_1029, %dma_wait3A_1030] : memref<1000000x64xf16, #tpu.memory_space<hbm>> -> memref<50x64xf16, #tpu.memory_space<hbm>>
      %dma_wait3A_1032 = arith.constant 0 : i32
      %dma_wait3A_1033 = arith.constant 0 : i32
      %dma_wait3A_1034 = arith.constant 0 : i32
      %dma_wait3A_1035 = tpu.memref_slice %arg6[%rem3A_768, %dma_wait3A_1032, %dma_wait3A_1033, %dma_wait3A_1034] : memref<2x32x50x64xf16, #tpu.memory_space<vmem>> -> memref<1x32x50x64xf16, #tpu.memory_space<vmem>>
      %dma_wait3A_1036 = tpu.memref_squeeze %dma_wait3A_1035 : memref<1x32x50x64xf16, #tpu.memory_space<vmem>> -> memref<32x50x64xf16, #tpu.memory_space<vmem>>
      %dma_wait3A_1037 = arith.constant 0 : i32
      %dma_wait3A_1038 = arith.constant 0 : i32
      %dma_wait3A_1039 = tpu.memref_slice %dma_wait3A_1036[%dma_wait3A_1019, %dma_wait3A_1037, %dma_wait3A_1038] : memref<32x50x64xf16, #tpu.memory_space<vmem>> -> memref<1x50x64xf16, #tpu.memory_space<vmem>>
      %dma_wait3A_1040 = tpu.memref_squeeze %dma_wait3A_1039 : memref<1x50x64xf16, #tpu.memory_space<vmem>> -> memref<50x64xf16, #tpu.memory_space<vmem>>
      %dma_wait3A_1041 = arith.constant 0 : i32
      %dma_wait3A_1042 = arith.constant 0 : i32
      %dma_wait3A_1043 = tpu.memref_slice %arg3[%dma_wait3A_1041, %dma_wait3A_1042] : memref<1000000x64xf16, #tpu.memory_space<hbm>> -> memref<50x64xf16, #tpu.memory_space<hbm>>
      tpu.wait_dma2 semaphore(%arg7 : memref<!tpu.dma_semaphore, #tpu.memory_space<semaphore_mem>>) src(%dma_wait3A_1043 : memref<50x64xf16, #tpu.memory_space<hbm>>) dst(%dma_wait3A_1040 : memref<50x64xf16, #tpu.memory_space<vmem>>)
      %dma_wait3A_1044 = arith.constant 11 : i32
      %dma_wait3A_1045 = arith.constant 0 : i32
      %dma_wait3A_1046 = arith.constant 0 : i32
      %dma_wait3A_1047 = arith.constant 0 : i32
      %dma_wait3A_1048 = tpu.memref_slice %arg6[%rem3A_768, %dma_wait3A_1045, %dma_wait3A_1046, %dma_wait3A_1047] : memref<2x32x50x64xf16, #tpu.memory_space<vmem>> -> memref<1x32x50x64xf16, #tpu.memory_space<vmem>>
      %dma_wait3A_1049 = tpu.memref_squeeze %dma_wait3A_1048 : memref<1x32x50x64xf16, #tpu.memory_space<vmem>> -> memref<32x50x64xf16, #tpu.memory_space<vmem>>
      %dma_wait3A_1050 = arith.constant 0 : i32
      %dma_wait3A_1051 = arith.constant 0 : i32
      %dma_wait3A_1052 = tpu.memref_slice %dma_wait3A_1049[%dma_wait3A_1044, %dma_wait3A_1050, %dma_wait3A_1051] : memref<32x50x64xf16, #tpu.memory_space<vmem>> -> memref<1x50x64xf16, #tpu.memory_space<vmem>>
      %dma_wait3A_1053 = tpu.memref_squeeze %dma_wait3A_1052 : memref<1x50x64xf16, #tpu.memory_space<vmem>> -> memref<50x64xf16, #tpu.memory_space<vmem>>
      %dma_wait3A_1054 = arith.constant 0 : i32
      %dma_wait3A_1055 = arith.constant 0 : i32
      %dma_wait3A_1056 = tpu.memref_slice %arg3[%dma_wait3A_1054, %dma_wait3A_1055] : memref<1000000x64xf16, #tpu.memory_space<hbm>> -> memref<50x64xf16, #tpu.memory_space<hbm>>
      %dma_wait3A_1057 = arith.constant 0 : i32
      %dma_wait3A_1058 = arith.constant 0 : i32
      %dma_wait3A_1059 = arith.constant 0 : i32
      %dma_wait3A_1060 = tpu.memref_slice %arg6[%rem3A_768, %dma_wait3A_1057, %dma_wait3A_1058, %dma_wait3A_1059] : memref<2x32x50x64xf16, #tpu.memory_space<vmem>> -> memref<1x32x50x64xf16, #tpu.memory_space<vmem>>
      %dma_wait3A_1061 = tpu.memref_squeeze %dma_wait3A_1060 : memref<1x32x50x64xf16, #tpu.memory_space<vmem>> -> memref<32x50x64xf16, #tpu.memory_space<vmem>>
      %dma_wait3A_1062 = arith.constant 0 : i32
      %dma_wait3A_1063 = arith.constant 0 : i32
      %dma_wait3A_1064 = tpu.memref_slice %dma_wait3A_1061[%dma_wait3A_1044, %dma_wait3A_1062, %dma_wait3A_1063] : memref<32x50x64xf16, #tpu.memory_space<vmem>> -> memref<1x50x64xf16, #tpu.memory_space<vmem>>
      %dma_wait3A_1065 = tpu.memref_squeeze %dma_wait3A_1064 : memref<1x50x64xf16, #tpu.memory_space<vmem>> -> memref<50x64xf16, #tpu.memory_space<vmem>>
      %dma_wait3A_1066 = arith.constant 0 : i32
      %dma_wait3A_1067 = arith.constant 0 : i32
      %dma_wait3A_1068 = tpu.memref_slice %arg3[%dma_wait3A_1066, %dma_wait3A_1067] : memref<1000000x64xf16, #tpu.memory_space<hbm>> -> memref<50x64xf16, #tpu.memory_space<hbm>>
      tpu.wait_dma2 semaphore(%arg7 : memref<!tpu.dma_semaphore, #tpu.memory_space<semaphore_mem>>) src(%dma_wait3A_1068 : memref<50x64xf16, #tpu.memory_space<hbm>>) dst(%dma_wait3A_1065 : memref<50x64xf16, #tpu.memory_space<vmem>>)
      %dma_wait3A_1069 = arith.constant 12 : i32
      %dma_wait3A_1070 = arith.constant 0 : i32
      %dma_wait3A_1071 = arith.constant 0 : i32
      %dma_wait3A_1072 = arith.constant 0 : i32
      %dma_wait3A_1073 = tpu.memref_slice %arg6[%rem3A_768, %dma_wait3A_1070, %dma_wait3A_1071, %dma_wait3A_1072] : memref<2x32x50x64xf16, #tpu.memory_space<vmem>> -> memref<1x32x50x64xf16, #tpu.memory_space<vmem>>
      %dma_wait3A_1074 = tpu.memref_squeeze %dma_wait3A_1073 : memref<1x32x50x64xf16, #tpu.memory_space<vmem>> -> memref<32x50x64xf16, #tpu.memory_space<vmem>>
      %dma_wait3A_1075 = arith.constant 0 : i32
      %dma_wait3A_1076 = arith.constant 0 : i32
      %dma_wait3A_1077 = tpu.memref_slice %dma_wait3A_1074[%dma_wait3A_1069, %dma_wait3A_1075, %dma_wait3A_1076] : memref<32x50x64xf16, #tpu.memory_space<vmem>> -> memref<1x50x64xf16, #tpu.memory_space<vmem>>
      %dma_wait3A_1078 = tpu.memref_squeeze %dma_wait3A_1077 : memref<1x50x64xf16, #tpu.memory_space<vmem>> -> memref<50x64xf16, #tpu.memory_space<vmem>>
      %dma_wait3A_1079 = arith.constant 0 : i32
      %dma_wait3A_1080 = arith.constant 0 : i32
      %dma_wait3A_1081 = tpu.memref_slice %arg3[%dma_wait3A_1079, %dma_wait3A_1080] : memref<1000000x64xf16, #tpu.memory_space<hbm>> -> memref<50x64xf16, #tpu.memory_space<hbm>>
      %dma_wait3A_1082 = arith.constant 0 : i32
      %dma_wait3A_1083 = arith.constant 0 : i32
      %dma_wait3A_1084 = arith.constant 0 : i32
      %dma_wait3A_1085 = tpu.memref_slice %arg6[%rem3A_768, %dma_wait3A_1082, %dma_wait3A_1083, %dma_wait3A_1084] : memref<2x32x50x64xf16, #tpu.memory_space<vmem>> -> memref<1x32x50x64xf16, #tpu.memory_space<vmem>>
      %dma_wait3A_1086 = tpu.memref_squeeze %dma_wait3A_1085 : memref<1x32x50x64xf16, #tpu.memory_space<vmem>> -> memref<32x50x64xf16, #tpu.memory_space<vmem>>
      %dma_wait3A_1087 = arith.constant 0 : i32
      %dma_wait3A_1088 = arith.constant 0 : i32
      %dma_wait3A_1089 = tpu.memref_slice %dma_wait3A_1086[%dma_wait3A_1069, %dma_wait3A_1087, %dma_wait3A_1088] : memref<32x50x64xf16, #tpu.memory_space<vmem>> -> memref<1x50x64xf16, #tpu.memory_space<vmem>>
      %dma_wait3A_1090 = tpu.memref_squeeze %dma_wait3A_1089 : memref<1x50x64xf16, #tpu.memory_space<vmem>> -> memref<50x64xf16, #tpu.memory_space<vmem>>
      %dma_wait3A_1091 = arith.constant 0 : i32
      %dma_wait3A_1092 = arith.constant 0 : i32
      %dma_wait3A_1093 = tpu.memref_slice %arg3[%dma_wait3A_1091, %dma_wait3A_1092] : memref<1000000x64xf16, #tpu.memory_space<hbm>> -> memref<50x64xf16, #tpu.memory_space<hbm>>
      tpu.wait_dma2 semaphore(%arg7 : memref<!tpu.dma_semaphore, #tpu.memory_space<semaphore_mem>>) src(%dma_wait3A_1093 : memref<50x64xf16, #tpu.memory_space<hbm>>) dst(%dma_wait3A_1090 : memref<50x64xf16, #tpu.memory_space<vmem>>)
      %dma_wait3A_1094 = arith.constant 13 : i32
      %dma_wait3A_1095 = arith.constant 0 : i32
      %dma_wait3A_1096 = arith.constant 0 : i32
      %dma_wait3A_1097 = arith.constant 0 : i32
      %dma_wait3A_1098 = tpu.memref_slice %arg6[%rem3A_768, %dma_wait3A_1095, %dma_wait3A_1096, %dma_wait3A_1097] : memref<2x32x50x64xf16, #tpu.memory_space<vmem>> -> memref<1x32x50x64xf16, #tpu.memory_space<vmem>>
      %dma_wait3A_1099 = tpu.memref_squeeze %dma_wait3A_1098 : memref<1x32x50x64xf16, #tpu.memory_space<vmem>> -> memref<32x50x64xf16, #tpu.memory_space<vmem>>
      %dma_wait3A_1100 = arith.constant 0 : i32
      %dma_wait3A_1101 = arith.constant 0 : i32
      %dma_wait3A_1102 = tpu.memref_slice %dma_wait3A_1099[%dma_wait3A_1094, %dma_wait3A_1100, %dma_wait3A_1101] : memref<32x50x64xf16, #tpu.memory_space<vmem>> -> memref<1x50x64xf16, #tpu.memory_space<vmem>>
      %dma_wait3A_1103 = tpu.memref_squeeze %dma_wait3A_1102 : memref<1x50x64xf16, #tpu.memory_space<vmem>> -> memref<50x64xf16, #tpu.memory_space<vmem>>
      %dma_wait3A_1104 = arith.constant 0 : i32
      %dma_wait3A_1105 = arith.constant 0 : i32
      %dma_wait3A_1106 = tpu.memref_slice %arg3[%dma_wait3A_1104, %dma_wait3A_1105] : memref<1000000x64xf16, #tpu.memory_space<hbm>> -> memref<50x64xf16, #tpu.memory_space<hbm>>
      %dma_wait3A_1107 = arith.constant 0 : i32
      %dma_wait3A_1108 = arith.constant 0 : i32
      %dma_wait3A_1109 = arith.constant 0 : i32
      %dma_wait3A_1110 = tpu.memref_slice %arg6[%rem3A_768, %dma_wait3A_1107, %dma_wait3A_1108, %dma_wait3A_1109] : memref<2x32x50x64xf16, #tpu.memory_space<vmem>> -> memref<1x32x50x64xf16, #tpu.memory_space<vmem>>
      %dma_wait3A_1111 = tpu.memref_squeeze %dma_wait3A_1110 : memref<1x32x50x64xf16, #tpu.memory_space<vmem>> -> memref<32x50x64xf16, #tpu.memory_space<vmem>>
      %dma_wait3A_1112 = arith.constant 0 : i32
      %dma_wait3A_1113 = arith.constant 0 : i32
      %dma_wait3A_1114 = tpu.memref_slice %dma_wait3A_1111[%dma_wait3A_1094, %dma_wait3A_1112, %dma_wait3A_1113] : memref<32x50x64xf16, #tpu.memory_space<vmem>> -> memref<1x50x64xf16, #tpu.memory_space<vmem>>
      %dma_wait3A_1115 = tpu.memref_squeeze %dma_wait3A_1114 : memref<1x50x64xf16, #tpu.memory_space<vmem>> -> memref<50x64xf16, #tpu.memory_space<vmem>>
      %dma_wait3A_1116 = arith.constant 0 : i32
      %dma_wait3A_1117 = arith.constant 0 : i32
      %dma_wait3A_1118 = tpu.memref_slice %arg3[%dma_wait3A_1116, %dma_wait3A_1117] : memref<1000000x64xf16, #tpu.memory_space<hbm>> -> memref<50x64xf16, #tpu.memory_space<hbm>>
      tpu.wait_dma2 semaphore(%arg7 : memref<!tpu.dma_semaphore, #tpu.memory_space<semaphore_mem>>) src(%dma_wait3A_1118 : memref<50x64xf16, #tpu.memory_space<hbm>>) dst(%dma_wait3A_1115 : memref<50x64xf16, #tpu.memory_space<vmem>>)
      %dma_wait3A_1119 = arith.constant 14 : i32
      %dma_wait3A_1120 = arith.constant 0 : i32
      %dma_wait3A_1121 = arith.constant 0 : i32
      %dma_wait3A_1122 = arith.constant 0 : i32
      %dma_wait3A_1123 = tpu.memref_slice %arg6[%rem3A_768, %dma_wait3A_1120, %dma_wait3A_1121, %dma_wait3A_1122] : memref<2x32x50x64xf16, #tpu.memory_space<vmem>> -> memref<1x32x50x64xf16, #tpu.memory_space<vmem>>
      %dma_wait3A_1124 = tpu.memref_squeeze %dma_wait3A_1123 : memref<1x32x50x64xf16, #tpu.memory_space<vmem>> -> memref<32x50x64xf16, #tpu.memory_space<vmem>>
      %dma_wait3A_1125 = arith.constant 0 : i32
      %dma_wait3A_1126 = arith.constant 0 : i32
      %dma_wait3A_1127 = tpu.memref_slice %dma_wait3A_1124[%dma_wait3A_1119, %dma_wait3A_1125, %dma_wait3A_1126] : memref<32x50x64xf16, #tpu.memory_space<vmem>> -> memref<1x50x64xf16, #tpu.memory_space<vmem>>
      %dma_wait3A_1128 = tpu.memref_squeeze %dma_wait3A_1127 : memref<1x50x64xf16, #tpu.memory_space<vmem>> -> memref<50x64xf16, #tpu.memory_space<vmem>>
      %dma_wait3A_1129 = arith.constant 0 : i32
      %dma_wait3A_1130 = arith.constant 0 : i32
      %dma_wait3A_1131 = tpu.memref_slice %arg3[%dma_wait3A_1129, %dma_wait3A_1130] : memref<1000000x64xf16, #tpu.memory_space<hbm>> -> memref<50x64xf16, #tpu.memory_space<hbm>>
      %dma_wait3A_1132 = arith.constant 0 : i32
      %dma_wait3A_1133 = arith.constant 0 : i32
      %dma_wait3A_1134 = arith.constant 0 : i32
      %dma_wait3A_1135 = tpu.memref_slice %arg6[%rem3A_768, %dma_wait3A_1132, %dma_wait3A_1133, %dma_wait3A_1134] : memref<2x32x50x64xf16, #tpu.memory_space<vmem>> -> memref<1x32x50x64xf16, #tpu.memory_space<vmem>>
      %dma_wait3A_1136 = tpu.memref_squeeze %dma_wait3A_1135 : memref<1x32x50x64xf16, #tpu.memory_space<vmem>> -> memref<32x50x64xf16, #tpu.memory_space<vmem>>
      %dma_wait3A_1137 = arith.constant 0 : i32
      %dma_wait3A_1138 = arith.constant 0 : i32
      %dma_wait3A_1139 = tpu.memref_slice %dma_wait3A_1136[%dma_wait3A_1119, %dma_wait3A_1137, %dma_wait3A_1138] : memref<32x50x64xf16, #tpu.memory_space<vmem>> -> memref<1x50x64xf16, #tpu.memory_space<vmem>>
      %dma_wait3A_1140 = tpu.memref_squeeze %dma_wait3A_1139 : memref<1x50x64xf16, #tpu.memory_space<vmem>> -> memref<50x64xf16, #tpu.memory_space<vmem>>
      %dma_wait3A_1141 = arith.constant 0 : i32
      %dma_wait3A_1142 = arith.constant 0 : i32
      %dma_wait3A_1143 = tpu.memref_slice %arg3[%dma_wait3A_1141, %dma_wait3A_1142] : memref<1000000x64xf16, #tpu.memory_space<hbm>> -> memref<50x64xf16, #tpu.memory_space<hbm>>
      tpu.wait_dma2 semaphore(%arg7 : memref<!tpu.dma_semaphore, #tpu.memory_space<semaphore_mem>>) src(%dma_wait3A_1143 : memref<50x64xf16, #tpu.memory_space<hbm>>) dst(%dma_wait3A_1140 : memref<50x64xf16, #tpu.memory_space<vmem>>)
      %dma_wait3A_1144 = arith.constant 15 : i32
      %dma_wait3A_1145 = arith.constant 0 : i32
      %dma_wait3A_1146 = arith.constant 0 : i32
      %dma_wait3A_1147 = arith.constant 0 : i32
      %dma_wait3A_1148 = tpu.memref_slice %arg6[%rem3A_768, %dma_wait3A_1145, %dma_wait3A_1146, %dma_wait3A_1147] : memref<2x32x50x64xf16, #tpu.memory_space<vmem>> -> memref<1x32x50x64xf16, #tpu.memory_space<vmem>>
      %dma_wait3A_1149 = tpu.memref_squeeze %dma_wait3A_1148 : memref<1x32x50x64xf16, #tpu.memory_space<vmem>> -> memref<32x50x64xf16, #tpu.memory_space<vmem>>
      %dma_wait3A_1150 = arith.constant 0 : i32
      %dma_wait3A_1151 = arith.constant 0 : i32
      %dma_wait3A_1152 = tpu.memref_slice %dma_wait3A_1149[%dma_wait3A_1144, %dma_wait3A_1150, %dma_wait3A_1151] : memref<32x50x64xf16, #tpu.memory_space<vmem>> -> memref<1x50x64xf16, #tpu.memory_space<vmem>>
      %dma_wait3A_1153 = tpu.memref_squeeze %dma_wait3A_1152 : memref<1x50x64xf16, #tpu.memory_space<vmem>> -> memref<50x64xf16, #tpu.memory_space<vmem>>
      %dma_wait3A_1154 = arith.constant 0 : i32
      %dma_wait3A_1155 = arith.constant 0 : i32
      %dma_wait3A_1156 = tpu.memref_slice %arg3[%dma_wait3A_1154, %dma_wait3A_1155] : memref<1000000x64xf16, #tpu.memory_space<hbm>> -> memref<50x64xf16, #tpu.memory_space<hbm>>
      %dma_wait3A_1157 = arith.constant 0 : i32
      %dma_wait3A_1158 = arith.constant 0 : i32
      %dma_wait3A_1159 = arith.constant 0 : i32
      %dma_wait3A_1160 = tpu.memref_slice %arg6[%rem3A_768, %dma_wait3A_1157, %dma_wait3A_1158, %dma_wait3A_1159] : memref<2x32x50x64xf16, #tpu.memory_space<vmem>> -> memref<1x32x50x64xf16, #tpu.memory_space<vmem>>
      %dma_wait3A_1161 = tpu.memref_squeeze %dma_wait3A_1160 : memref<1x32x50x64xf16, #tpu.memory_space<vmem>> -> memref<32x50x64xf16, #tpu.memory_space<vmem>>
      %dma_wait3A_1162 = arith.constant 0 : i32
      %dma_wait3A_1163 = arith.constant 0 : i32
      %dma_wait3A_1164 = tpu.memref_slice %dma_wait3A_1161[%dma_wait3A_1144, %dma_wait3A_1162, %dma_wait3A_1163] : memref<32x50x64xf16, #tpu.memory_space<vmem>> -> memref<1x50x64xf16, #tpu.memory_space<vmem>>
      %dma_wait3A_1165 = tpu.memref_squeeze %dma_wait3A_1164 : memref<1x50x64xf16, #tpu.memory_space<vmem>> -> memref<50x64xf16, #tpu.memory_space<vmem>>
      %dma_wait3A_1166 = arith.constant 0 : i32
      %dma_wait3A_1167 = arith.constant 0 : i32
      %dma_wait3A_1168 = tpu.memref_slice %arg3[%dma_wait3A_1166, %dma_wait3A_1167] : memref<1000000x64xf16, #tpu.memory_space<hbm>> -> memref<50x64xf16, #tpu.memory_space<hbm>>
      tpu.wait_dma2 semaphore(%arg7 : memref<!tpu.dma_semaphore, #tpu.memory_space<semaphore_mem>>) src(%dma_wait3A_1168 : memref<50x64xf16, #tpu.memory_space<hbm>>) dst(%dma_wait3A_1165 : memref<50x64xf16, #tpu.memory_space<vmem>>)
      %dma_wait3A_1169 = arith.constant 16 : i32
      %dma_wait3A_1170 = arith.constant 0 : i32
      %dma_wait3A_1171 = arith.constant 0 : i32
      %dma_wait3A_1172 = arith.constant 0 : i32
      %dma_wait3A_1173 = tpu.memref_slice %arg6[%rem3A_768, %dma_wait3A_1170, %dma_wait3A_1171, %dma_wait3A_1172] : memref<2x32x50x64xf16, #tpu.memory_space<vmem>> -> memref<1x32x50x64xf16, #tpu.memory_space<vmem>>
      %dma_wait3A_1174 = tpu.memref_squeeze %dma_wait3A_1173 : memref<1x32x50x64xf16, #tpu.memory_space<vmem>> -> memref<32x50x64xf16, #tpu.memory_space<vmem>>
      %dma_wait3A_1175 = arith.constant 0 : i32
      %dma_wait3A_1176 = arith.constant 0 : i32
      %dma_wait3A_1177 = tpu.memref_slice %dma_wait3A_1174[%dma_wait3A_1169, %dma_wait3A_1175, %dma_wait3A_1176] : memref<32x50x64xf16, #tpu.memory_space<vmem>> -> memref<1x50x64xf16, #tpu.memory_space<vmem>>
      %dma_wait3A_1178 = tpu.memref_squeeze %dma_wait3A_1177 : memref<1x50x64xf16, #tpu.memory_space<vmem>> -> memref<50x64xf16, #tpu.memory_space<vmem>>
      %dma_wait3A_1179 = arith.constant 0 : i32
      %dma_wait3A_1180 = arith.constant 0 : i32
      %dma_wait3A_1181 = tpu.memref_slice %arg3[%dma_wait3A_1179, %dma_wait3A_1180] : memref<1000000x64xf16, #tpu.memory_space<hbm>> -> memref<50x64xf16, #tpu.memory_space<hbm>>
      %dma_wait3A_1182 = arith.constant 0 : i32
      %dma_wait3A_1183 = arith.constant 0 : i32
      %dma_wait3A_1184 = arith.constant 0 : i32
      %dma_wait3A_1185 = tpu.memref_slice %arg6[%rem3A_768, %dma_wait3A_1182, %dma_wait3A_1183, %dma_wait3A_1184] : memref<2x32x50x64xf16, #tpu.memory_space<vmem>> -> memref<1x32x50x64xf16, #tpu.memory_space<vmem>>
      %dma_wait3A_1186 = tpu.memref_squeeze %dma_wait3A_1185 : memref<1x32x50x64xf16, #tpu.memory_space<vmem>> -> memref<32x50x64xf16, #tpu.memory_space<vmem>>
      %dma_wait3A_1187 = arith.constant 0 : i32
      %dma_wait3A_1188 = arith.constant 0 : i32
      %dma_wait3A_1189 = tpu.memref_slice %dma_wait3A_1186[%dma_wait3A_1169, %dma_wait3A_1187, %dma_wait3A_1188] : memref<32x50x64xf16, #tpu.memory_space<vmem>> -> memref<1x50x64xf16, #tpu.memory_space<vmem>>
      %dma_wait3A_1190 = tpu.memref_squeeze %dma_wait3A_1189 : memref<1x50x64xf16, #tpu.memory_space<vmem>> -> memref<50x64xf16, #tpu.memory_space<vmem>>
      %dma_wait3A_1191 = arith.constant 0 : i32
      %dma_wait3A_1192 = arith.constant 0 : i32
      %dma_wait3A_1193 = tpu.memref_slice %arg3[%dma_wait3A_1191, %dma_wait3A_1192] : memref<1000000x64xf16, #tpu.memory_space<hbm>> -> memref<50x64xf16, #tpu.memory_space<hbm>>
      tpu.wait_dma2 semaphore(%arg7 : memref<!tpu.dma_semaphore, #tpu.memory_space<semaphore_mem>>) src(%dma_wait3A_1193 : memref<50x64xf16, #tpu.memory_space<hbm>>) dst(%dma_wait3A_1190 : memref<50x64xf16, #tpu.memory_space<vmem>>)
      %dma_wait3A_1194 = arith.constant 17 : i32
      %dma_wait3A_1195 = arith.constant 0 : i32
      %dma_wait3A_1196 = arith.constant 0 : i32
      %dma_wait3A_1197 = arith.constant 0 : i32
      %dma_wait3A_1198 = tpu.memref_slice %arg6[%rem3A_768, %dma_wait3A_1195, %dma_wait3A_1196, %dma_wait3A_1197] : memref<2x32x50x64xf16, #tpu.memory_space<vmem>> -> memref<1x32x50x64xf16, #tpu.memory_space<vmem>>
      %dma_wait3A_1199 = tpu.memref_squeeze %dma_wait3A_1198 : memref<1x32x50x64xf16, #tpu.memory_space<vmem>> -> memref<32x50x64xf16, #tpu.memory_space<vmem>>
      %dma_wait3A_1200 = arith.constant 0 : i32
      %dma_wait3A_1201 = arith.constant 0 : i32
      %dma_wait3A_1202 = tpu.memref_slice %dma_wait3A_1199[%dma_wait3A_1194, %dma_wait3A_1200, %dma_wait3A_1201] : memref<32x50x64xf16, #tpu.memory_space<vmem>> -> memref<1x50x64xf16, #tpu.memory_space<vmem>>
      %dma_wait3A_1203 = tpu.memref_squeeze %dma_wait3A_1202 : memref<1x50x64xf16, #tpu.memory_space<vmem>> -> memref<50x64xf16, #tpu.memory_space<vmem>>
      %dma_wait3A_1204 = arith.constant 0 : i32
      %dma_wait3A_1205 = arith.constant 0 : i32
      %dma_wait3A_1206 = tpu.memref_slice %arg3[%dma_wait3A_1204, %dma_wait3A_1205] : memref<1000000x64xf16, #tpu.memory_space<hbm>> -> memref<50x64xf16, #tpu.memory_space<hbm>>
      %dma_wait3A_1207 = arith.constant 0 : i32
      %dma_wait3A_1208 = arith.constant 0 : i32
      %dma_wait3A_1209 = arith.constant 0 : i32
      %dma_wait3A_1210 = tpu.memref_slice %arg6[%rem3A_768, %dma_wait3A_1207, %dma_wait3A_1208, %dma_wait3A_1209] : memref<2x32x50x64xf16, #tpu.memory_space<vmem>> -> memref<1x32x50x64xf16, #tpu.memory_space<vmem>>
      %dma_wait3A_1211 = tpu.memref_squeeze %dma_wait3A_1210 : memref<1x32x50x64xf16, #tpu.memory_space<vmem>> -> memref<32x50x64xf16, #tpu.memory_space<vmem>>
      %dma_wait3A_1212 = arith.constant 0 : i32
      %dma_wait3A_1213 = arith.constant 0 : i32
      %dma_wait3A_1214 = tpu.memref_slice %dma_wait3A_1211[%dma_wait3A_1194, %dma_wait3A_1212, %dma_wait3A_1213] : memref<32x50x64xf16, #tpu.memory_space<vmem>> -> memref<1x50x64xf16, #tpu.memory_space<vmem>>
      %dma_wait3A_1215 = tpu.memref_squeeze %dma_wait3A_1214 : memref<1x50x64xf16, #tpu.memory_space<vmem>> -> memref<50x64xf16, #tpu.memory_space<vmem>>
      %dma_wait3A_1216 = arith.constant 0 : i32
      %dma_wait3A_1217 = arith.constant 0 : i32
      %dma_wait3A_1218 = tpu.memref_slice %arg3[%dma_wait3A_1216, %dma_wait3A_1217] : memref<1000000x64xf16, #tpu.memory_space<hbm>> -> memref<50x64xf16, #tpu.memory_space<hbm>>
      tpu.wait_dma2 semaphore(%arg7 : memref<!tpu.dma_semaphore, #tpu.memory_space<semaphore_mem>>) src(%dma_wait3A_1218 : memref<50x64xf16, #tpu.memory_space<hbm>>) dst(%dma_wait3A_1215 : memref<50x64xf16, #tpu.memory_space<vmem>>)
      %dma_wait3A_1219 = arith.constant 18 : i32
      %dma_wait3A_1220 = arith.constant 0 : i32
      %dma_wait3A_1221 = arith.constant 0 : i32
      %dma_wait3A_1222 = arith.constant 0 : i32
      %dma_wait3A_1223 = tpu.memref_slice %arg6[%rem3A_768, %dma_wait3A_1220, %dma_wait3A_1221, %dma_wait3A_1222] : memref<2x32x50x64xf16, #tpu.memory_space<vmem>> -> memref<1x32x50x64xf16, #tpu.memory_space<vmem>>
      %dma_wait3A_1224 = tpu.memref_squeeze %dma_wait3A_1223 : memref<1x32x50x64xf16, #tpu.memory_space<vmem>> -> memref<32x50x64xf16, #tpu.memory_space<vmem>>
      %dma_wait3A_1225 = arith.constant 0 : i32
      %dma_wait3A_1226 = arith.constant 0 : i32
      %dma_wait3A_1227 = tpu.memref_slice %dma_wait3A_1224[%dma_wait3A_1219, %dma_wait3A_1225, %dma_wait3A_1226] : memref<32x50x64xf16, #tpu.memory_space<vmem>> -> memref<1x50x64xf16, #tpu.memory_space<vmem>>
      %dma_wait3A_1228 = tpu.memref_squeeze %dma_wait3A_1227 : memref<1x50x64xf16, #tpu.memory_space<vmem>> -> memref<50x64xf16, #tpu.memory_space<vmem>>
      %dma_wait3A_1229 = arith.constant 0 : i32
      %dma_wait3A_1230 = arith.constant 0 : i32
      %dma_wait3A_1231 = tpu.memref_slice %arg3[%dma_wait3A_1229, %dma_wait3A_1230] : memref<1000000x64xf16, #tpu.memory_space<hbm>> -> memref<50x64xf16, #tpu.memory_space<hbm>>
      %dma_wait3A_1232 = arith.constant 0 : i32
      %dma_wait3A_1233 = arith.constant 0 : i32
      %dma_wait3A_1234 = arith.constant 0 : i32
      %dma_wait3A_1235 = tpu.memref_slice %arg6[%rem3A_768, %dma_wait3A_1232, %dma_wait3A_1233, %dma_wait3A_1234] : memref<2x32x50x64xf16, #tpu.memory_space<vmem>> -> memref<1x32x50x64xf16, #tpu.memory_space<vmem>>
      %dma_wait3A_1236 = tpu.memref_squeeze %dma_wait3A_1235 : memref<1x32x50x64xf16, #tpu.memory_space<vmem>> -> memref<32x50x64xf16, #tpu.memory_space<vmem>>
      %dma_wait3A_1237 = arith.constant 0 : i32
      %dma_wait3A_1238 = arith.constant 0 : i32
      %dma_wait3A_1239 = tpu.memref_slice %dma_wait3A_1236[%dma_wait3A_1219, %dma_wait3A_1237, %dma_wait3A_1238] : memref<32x50x64xf16, #tpu.memory_space<vmem>> -> memref<1x50x64xf16, #tpu.memory_space<vmem>>
      %dma_wait3A_1240 = tpu.memref_squeeze %dma_wait3A_1239 : memref<1x50x64xf16, #tpu.memory_space<vmem>> -> memref<50x64xf16, #tpu.memory_space<vmem>>
      %dma_wait3A_1241 = arith.constant 0 : i32
      %dma_wait3A_1242 = arith.constant 0 : i32
      %dma_wait3A_1243 = tpu.memref_slice %arg3[%dma_wait3A_1241, %dma_wait3A_1242] : memref<1000000x64xf16, #tpu.memory_space<hbm>> -> memref<50x64xf16, #tpu.memory_space<hbm>>
      tpu.wait_dma2 semaphore(%arg7 : memref<!tpu.dma_semaphore, #tpu.memory_space<semaphore_mem>>) src(%dma_wait3A_1243 : memref<50x64xf16, #tpu.memory_space<hbm>>) dst(%dma_wait3A_1240 : memref<50x64xf16, #tpu.memory_space<vmem>>)
      %dma_wait3A_1244 = arith.constant 19 : i32
      %dma_wait3A_1245 = arith.constant 0 : i32
      %dma_wait3A_1246 = arith.constant 0 : i32
      %dma_wait3A_1247 = arith.constant 0 : i32
      %dma_wait3A_1248 = tpu.memref_slice %arg6[%rem3A_768, %dma_wait3A_1245, %dma_wait3A_1246, %dma_wait3A_1247] : memref<2x32x50x64xf16, #tpu.memory_space<vmem>> -> memref<1x32x50x64xf16, #tpu.memory_space<vmem>>
      %dma_wait3A_1249 = tpu.memref_squeeze %dma_wait3A_1248 : memref<1x32x50x64xf16, #tpu.memory_space<vmem>> -> memref<32x50x64xf16, #tpu.memory_space<vmem>>
      %dma_wait3A_1250 = arith.constant 0 : i32
      %dma_wait3A_1251 = arith.constant 0 : i32
      %dma_wait3A_1252 = tpu.memref_slice %dma_wait3A_1249[%dma_wait3A_1244, %dma_wait3A_1250, %dma_wait3A_1251] : memref<32x50x64xf16, #tpu.memory_space<vmem>> -> memref<1x50x64xf16, #tpu.memory_space<vmem>>
      %dma_wait3A_1253 = tpu.memref_squeeze %dma_wait3A_1252 : memref<1x50x64xf16, #tpu.memory_space<vmem>> -> memref<50x64xf16, #tpu.memory_space<vmem>>
      %dma_wait3A_1254 = arith.constant 0 : i32
      %dma_wait3A_1255 = arith.constant 0 : i32
      %dma_wait3A_1256 = tpu.memref_slice %arg3[%dma_wait3A_1254, %dma_wait3A_1255] : memref<1000000x64xf16, #tpu.memory_space<hbm>> -> memref<50x64xf16, #tpu.memory_space<hbm>>
      %dma_wait3A_1257 = arith.constant 0 : i32
      %dma_wait3A_1258 = arith.constant 0 : i32
      %dma_wait3A_1259 = arith.constant 0 : i32
      %dma_wait3A_1260 = tpu.memref_slice %arg6[%rem3A_768, %dma_wait3A_1257, %dma_wait3A_1258, %dma_wait3A_1259] : memref<2x32x50x64xf16, #tpu.memory_space<vmem>> -> memref<1x32x50x64xf16, #tpu.memory_space<vmem>>
      %dma_wait3A_1261 = tpu.memref_squeeze %dma_wait3A_1260 : memref<1x32x50x64xf16, #tpu.memory_space<vmem>> -> memref<32x50x64xf16, #tpu.memory_space<vmem>>
      %dma_wait3A_1262 = arith.constant 0 : i32
      %dma_wait3A_1263 = arith.constant 0 : i32
      %dma_wait3A_1264 = tpu.memref_slice %dma_wait3A_1261[%dma_wait3A_1244, %dma_wait3A_1262, %dma_wait3A_1263] : memref<32x50x64xf16, #tpu.memory_space<vmem>> -> memref<1x50x64xf16, #tpu.memory_space<vmem>>
      %dma_wait3A_1265 = tpu.memref_squeeze %dma_wait3A_1264 : memref<1x50x64xf16, #tpu.memory_space<vmem>> -> memref<50x64xf16, #tpu.memory_space<vmem>>
      %dma_wait3A_1266 = arith.constant 0 : i32
      %dma_wait3A_1267 = arith.constant 0 : i32
      %dma_wait3A_1268 = tpu.memref_slice %arg3[%dma_wait3A_1266, %dma_wait3A_1267] : memref<1000000x64xf16, #tpu.memory_space<hbm>> -> memref<50x64xf16, #tpu.memory_space<hbm>>
      tpu.wait_dma2 semaphore(%arg7 : memref<!tpu.dma_semaphore, #tpu.memory_space<semaphore_mem>>) src(%dma_wait3A_1268 : memref<50x64xf16, #tpu.memory_space<hbm>>) dst(%dma_wait3A_1265 : memref<50x64xf16, #tpu.memory_space<vmem>>)
      %dma_wait3A_1269 = arith.constant 20 : i32
      %dma_wait3A_1270 = arith.constant 0 : i32
      %dma_wait3A_1271 = arith.constant 0 : i32
      %dma_wait3A_1272 = arith.constant 0 : i32
      %dma_wait3A_1273 = tpu.memref_slice %arg6[%rem3A_768, %dma_wait3A_1270, %dma_wait3A_1271, %dma_wait3A_1272] : memref<2x32x50x64xf16, #tpu.memory_space<vmem>> -> memref<1x32x50x64xf16, #tpu.memory_space<vmem>>
      %dma_wait3A_1274 = tpu.memref_squeeze %dma_wait3A_1273 : memref<1x32x50x64xf16, #tpu.memory_space<vmem>> -> memref<32x50x64xf16, #tpu.memory_space<vmem>>
      %dma_wait3A_1275 = arith.constant 0 : i32
      %dma_wait3A_1276 = arith.constant 0 : i32
      %dma_wait3A_1277 = tpu.memref_slice %dma_wait3A_1274[%dma_wait3A_1269, %dma_wait3A_1275, %dma_wait3A_1276] : memref<32x50x64xf16, #tpu.memory_space<vmem>> -> memref<1x50x64xf16, #tpu.memory_space<vmem>>
      %dma_wait3A_1278 = tpu.memref_squeeze %dma_wait3A_1277 : memref<1x50x64xf16, #tpu.memory_space<vmem>> -> memref<50x64xf16, #tpu.memory_space<vmem>>
      %dma_wait3A_1279 = arith.constant 0 : i32
      %dma_wait3A_1280 = arith.constant 0 : i32
      %dma_wait3A_1281 = tpu.memref_slice %arg3[%dma_wait3A_1279, %dma_wait3A_1280] : memref<1000000x64xf16, #tpu.memory_space<hbm>> -> memref<50x64xf16, #tpu.memory_space<hbm>>
      %dma_wait3A_1282 = arith.constant 0 : i32
      %dma_wait3A_1283 = arith.constant 0 : i32
      %dma_wait3A_1284 = arith.constant 0 : i32
      %dma_wait3A_1285 = tpu.memref_slice %arg6[%rem3A_768, %dma_wait3A_1282, %dma_wait3A_1283, %dma_wait3A_1284] : memref<2x32x50x64xf16, #tpu.memory_space<vmem>> -> memref<1x32x50x64xf16, #tpu.memory_space<vmem>>
      %dma_wait3A_1286 = tpu.memref_squeeze %dma_wait3A_1285 : memref<1x32x50x64xf16, #tpu.memory_space<vmem>> -> memref<32x50x64xf16, #tpu.memory_space<vmem>>
      %dma_wait3A_1287 = arith.constant 0 : i32
      %dma_wait3A_1288 = arith.constant 0 : i32
      %dma_wait3A_1289 = tpu.memref_slice %dma_wait3A_1286[%dma_wait3A_1269, %dma_wait3A_1287, %dma_wait3A_1288] : memref<32x50x64xf16, #tpu.memory_space<vmem>> -> memref<1x50x64xf16, #tpu.memory_space<vmem>>
      %dma_wait3A_1290 = tpu.memref_squeeze %dma_wait3A_1289 : memref<1x50x64xf16, #tpu.memory_space<vmem>> -> memref<50x64xf16, #tpu.memory_space<vmem>>
      %dma_wait3A_1291 = arith.constant 0 : i32
      %dma_wait3A_1292 = arith.constant 0 : i32
      %dma_wait3A_1293 = tpu.memref_slice %arg3[%dma_wait3A_1291, %dma_wait3A_1292] : memref<1000000x64xf16, #tpu.memory_space<hbm>> -> memref<50x64xf16, #tpu.memory_space<hbm>>
      tpu.wait_dma2 semaphore(%arg7 : memref<!tpu.dma_semaphore, #tpu.memory_space<semaphore_mem>>) src(%dma_wait3A_1293 : memref<50x64xf16, #tpu.memory_space<hbm>>) dst(%dma_wait3A_1290 : memref<50x64xf16, #tpu.memory_space<vmem>>)
      %dma_wait3A_1294 = arith.constant 21 : i32
      %dma_wait3A_1295 = arith.constant 0 : i32
      %dma_wait3A_1296 = arith.constant 0 : i32
      %dma_wait3A_1297 = arith.constant 0 : i32
      %dma_wait3A_1298 = tpu.memref_slice %arg6[%rem3A_768, %dma_wait3A_1295, %dma_wait3A_1296, %dma_wait3A_1297] : memref<2x32x50x64xf16, #tpu.memory_space<vmem>> -> memref<1x32x50x64xf16, #tpu.memory_space<vmem>>
      %dma_wait3A_1299 = tpu.memref_squeeze %dma_wait3A_1298 : memref<1x32x50x64xf16, #tpu.memory_space<vmem>> -> memref<32x50x64xf16, #tpu.memory_space<vmem>>
      %dma_wait3A_1300 = arith.constant 0 : i32
      %dma_wait3A_1301 = arith.constant 0 : i32
      %dma_wait3A_1302 = tpu.memref_slice %dma_wait3A_1299[%dma_wait3A_1294, %dma_wait3A_1300, %dma_wait3A_1301] : memref<32x50x64xf16, #tpu.memory_space<vmem>> -> memref<1x50x64xf16, #tpu.memory_space<vmem>>
      %dma_wait3A_1303 = tpu.memref_squeeze %dma_wait3A_1302 : memref<1x50x64xf16, #tpu.memory_space<vmem>> -> memref<50x64xf16, #tpu.memory_space<vmem>>
      %dma_wait3A_1304 = arith.constant 0 : i32
      %dma_wait3A_1305 = arith.constant 0 : i32
      %dma_wait3A_1306 = tpu.memref_slice %arg3[%dma_wait3A_1304, %dma_wait3A_1305] : memref<1000000x64xf16, #tpu.memory_space<hbm>> -> memref<50x64xf16, #tpu.memory_space<hbm>>
      %dma_wait3A_1307 = arith.constant 0 : i32
      %dma_wait3A_1308 = arith.constant 0 : i32
      %dma_wait3A_1309 = arith.constant 0 : i32
      %dma_wait3A_1310 = tpu.memref_slice %arg6[%rem3A_768, %dma_wait3A_1307, %dma_wait3A_1308, %dma_wait3A_1309] : memref<2x32x50x64xf16, #tpu.memory_space<vmem>> -> memref<1x32x50x64xf16, #tpu.memory_space<vmem>>
      %dma_wait3A_1311 = tpu.memref_squeeze %dma_wait3A_1310 : memref<1x32x50x64xf16, #tpu.memory_space<vmem>> -> memref<32x50x64xf16, #tpu.memory_space<vmem>>
      %dma_wait3A_1312 = arith.constant 0 : i32
      %dma_wait3A_1313 = arith.constant 0 : i32
      %dma_wait3A_1314 = tpu.memref_slice %dma_wait3A_1311[%dma_wait3A_1294, %dma_wait3A_1312, %dma_wait3A_1313] : memref<32x50x64xf16, #tpu.memory_space<vmem>> -> memref<1x50x64xf16, #tpu.memory_space<vmem>>
      %dma_wait3A_1315 = tpu.memref_squeeze %dma_wait3A_1314 : memref<1x50x64xf16, #tpu.memory_space<vmem>> -> memref<50x64xf16, #tpu.memory_space<vmem>>
      %dma_wait3A_1316 = arith.constant 0 : i32
      %dma_wait3A_1317 = arith.constant 0 : i32
      %dma_wait3A_1318 = tpu.memref_slice %arg3[%dma_wait3A_1316, %dma_wait3A_1317] : memref<1000000x64xf16, #tpu.memory_space<hbm>> -> memref<50x64xf16, #tpu.memory_space<hbm>>
      tpu.wait_dma2 semaphore(%arg7 : memref<!tpu.dma_semaphore, #tpu.memory_space<semaphore_mem>>) src(%dma_wait3A_1318 : memref<50x64xf16, #tpu.memory_space<hbm>>) dst(%dma_wait3A_1315 : memref<50x64xf16, #tpu.memory_space<vmem>>)
      %dma_wait3A_1319 = arith.constant 22 : i32
      %dma_wait3A_1320 = arith.constant 0 : i32
      %dma_wait3A_1321 = arith.constant 0 : i32
      %dma_wait3A_1322 = arith.constant 0 : i32
      %dma_wait3A_1323 = tpu.memref_slice %arg6[%rem3A_768, %dma_wait3A_1320, %dma_wait3A_1321, %dma_wait3A_1322] : memref<2x32x50x64xf16, #tpu.memory_space<vmem>> -> memref<1x32x50x64xf16, #tpu.memory_space<vmem>>
      %dma_wait3A_1324 = tpu.memref_squeeze %dma_wait3A_1323 : memref<1x32x50x64xf16, #tpu.memory_space<vmem>> -> memref<32x50x64xf16, #tpu.memory_space<vmem>>
      %dma_wait3A_1325 = arith.constant 0 : i32
      %dma_wait3A_1326 = arith.constant 0 : i32
      %dma_wait3A_1327 = tpu.memref_slice %dma_wait3A_1324[%dma_wait3A_1319, %dma_wait3A_1325, %dma_wait3A_1326] : memref<32x50x64xf16, #tpu.memory_space<vmem>> -> memref<1x50x64xf16, #tpu.memory_space<vmem>>
      %dma_wait3A_1328 = tpu.memref_squeeze %dma_wait3A_1327 : memref<1x50x64xf16, #tpu.memory_space<vmem>> -> memref<50x64xf16, #tpu.memory_space<vmem>>
      %dma_wait3A_1329 = arith.constant 0 : i32
      %dma_wait3A_1330 = arith.constant 0 : i32
      %dma_wait3A_1331 = tpu.memref_slice %arg3[%dma_wait3A_1329, %dma_wait3A_1330] : memref<1000000x64xf16, #tpu.memory_space<hbm>> -> memref<50x64xf16, #tpu.memory_space<hbm>>
      %dma_wait3A_1332 = arith.constant 0 : i32
      %dma_wait3A_1333 = arith.constant 0 : i32
      %dma_wait3A_1334 = arith.constant 0 : i32
      %dma_wait3A_1335 = tpu.memref_slice %arg6[%rem3A_768, %dma_wait3A_1332, %dma_wait3A_1333, %dma_wait3A_1334] : memref<2x32x50x64xf16, #tpu.memory_space<vmem>> -> memref<1x32x50x64xf16, #tpu.memory_space<vmem>>
      %dma_wait3A_1336 = tpu.memref_squeeze %dma_wait3A_1335 : memref<1x32x50x64xf16, #tpu.memory_space<vmem>> -> memref<32x50x64xf16, #tpu.memory_space<vmem>>
      %dma_wait3A_1337 = arith.constant 0 : i32
      %dma_wait3A_1338 = arith.constant 0 : i32
      %dma_wait3A_1339 = tpu.memref_slice %dma_wait3A_1336[%dma_wait3A_1319, %dma_wait3A_1337, %dma_wait3A_1338] : memref<32x50x64xf16, #tpu.memory_space<vmem>> -> memref<1x50x64xf16, #tpu.memory_space<vmem>>
      %dma_wait3A_1340 = tpu.memref_squeeze %dma_wait3A_1339 : memref<1x50x64xf16, #tpu.memory_space<vmem>> -> memref<50x64xf16, #tpu.memory_space<vmem>>
      %dma_wait3A_1341 = arith.constant 0 : i32
      %dma_wait3A_1342 = arith.constant 0 : i32
      %dma_wait3A_1343 = tpu.memref_slice %arg3[%dma_wait3A_1341, %dma_wait3A_1342] : memref<1000000x64xf16, #tpu.memory_space<hbm>> -> memref<50x64xf16, #tpu.memory_space<hbm>>
      tpu.wait_dma2 semaphore(%arg7 : memref<!tpu.dma_semaphore, #tpu.memory_space<semaphore_mem>>) src(%dma_wait3A_1343 : memref<50x64xf16, #tpu.memory_space<hbm>>) dst(%dma_wait3A_1340 : memref<50x64xf16, #tpu.memory_space<vmem>>)
      %dma_wait3A_1344 = arith.constant 23 : i32
      %dma_wait3A_1345 = arith.constant 0 : i32
      %dma_wait3A_1346 = arith.constant 0 : i32
      %dma_wait3A_1347 = arith.constant 0 : i32
      %dma_wait3A_1348 = tpu.memref_slice %arg6[%rem3A_768, %dma_wait3A_1345, %dma_wait3A_1346, %dma_wait3A_1347] : memref<2x32x50x64xf16, #tpu.memory_space<vmem>> -> memref<1x32x50x64xf16, #tpu.memory_space<vmem>>
      %dma_wait3A_1349 = tpu.memref_squeeze %dma_wait3A_1348 : memref<1x32x50x64xf16, #tpu.memory_space<vmem>> -> memref<32x50x64xf16, #tpu.memory_space<vmem>>
      %dma_wait3A_1350 = arith.constant 0 : i32
      %dma_wait3A_1351 = arith.constant 0 : i32
      %dma_wait3A_1352 = tpu.memref_slice %dma_wait3A_1349[%dma_wait3A_1344, %dma_wait3A_1350, %dma_wait3A_1351] : memref<32x50x64xf16, #tpu.memory_space<vmem>> -> memref<1x50x64xf16, #tpu.memory_space<vmem>>
      %dma_wait3A_1353 = tpu.memref_squeeze %dma_wait3A_1352 : memref<1x50x64xf16, #tpu.memory_space<vmem>> -> memref<50x64xf16, #tpu.memory_space<vmem>>
      %dma_wait3A_1354 = arith.constant 0 : i32
      %dma_wait3A_1355 = arith.constant 0 : i32
      %dma_wait3A_1356 = tpu.memref_slice %arg3[%dma_wait3A_1354, %dma_wait3A_1355] : memref<1000000x64xf16, #tpu.memory_space<hbm>> -> memref<50x64xf16, #tpu.memory_space<hbm>>
      %dma_wait3A_1357 = arith.constant 0 : i32
      %dma_wait3A_1358 = arith.constant 0 : i32
      %dma_wait3A_1359 = arith.constant 0 : i32
      %dma_wait3A_1360 = tpu.memref_slice %arg6[%rem3A_768, %dma_wait3A_1357, %dma_wait3A_1358, %dma_wait3A_1359] : memref<2x32x50x64xf16, #tpu.memory_space<vmem>> -> memref<1x32x50x64xf16, #tpu.memory_space<vmem>>
      %dma_wait3A_1361 = tpu.memref_squeeze %dma_wait3A_1360 : memref<1x32x50x64xf16, #tpu.memory_space<vmem>> -> memref<32x50x64xf16, #tpu.memory_space<vmem>>
      %dma_wait3A_1362 = arith.constant 0 : i32
      %dma_wait3A_1363 = arith.constant 0 : i32
      %dma_wait3A_1364 = tpu.memref_slice %dma_wait3A_1361[%dma_wait3A_1344, %dma_wait3A_1362, %dma_wait3A_1363] : memref<32x50x64xf16, #tpu.memory_space<vmem>> -> memref<1x50x64xf16, #tpu.memory_space<vmem>>
      %dma_wait3A_1365 = tpu.memref_squeeze %dma_wait3A_1364 : memref<1x50x64xf16, #tpu.memory_space<vmem>> -> memref<50x64xf16, #tpu.memory_space<vmem>>
      %dma_wait3A_1366 = arith.constant 0 : i32
      %dma_wait3A_1367 = arith.constant 0 : i32
      %dma_wait3A_1368 = tpu.memref_slice %arg3[%dma_wait3A_1366, %dma_wait3A_1367] : memref<1000000x64xf16, #tpu.memory_space<hbm>> -> memref<50x64xf16, #tpu.memory_space<hbm>>
      tpu.wait_dma2 semaphore(%arg7 : memref<!tpu.dma_semaphore, #tpu.memory_space<semaphore_mem>>) src(%dma_wait3A_1368 : memref<50x64xf16, #tpu.memory_space<hbm>>) dst(%dma_wait3A_1365 : memref<50x64xf16, #tpu.memory_space<vmem>>)
      %dma_wait3A_1369 = arith.constant 24 : i32
      %dma_wait3A_1370 = arith.constant 0 : i32
      %dma_wait3A_1371 = arith.constant 0 : i32
      %dma_wait3A_1372 = arith.constant 0 : i32
      %dma_wait3A_1373 = tpu.memref_slice %arg6[%rem3A_768, %dma_wait3A_1370, %dma_wait3A_1371, %dma_wait3A_1372] : memref<2x32x50x64xf16, #tpu.memory_space<vmem>> -> memref<1x32x50x64xf16, #tpu.memory_space<vmem>>
      %dma_wait3A_1374 = tpu.memref_squeeze %dma_wait3A_1373 : memref<1x32x50x64xf16, #tpu.memory_space<vmem>> -> memref<32x50x64xf16, #tpu.memory_space<vmem>>
      %dma_wait3A_1375 = arith.constant 0 : i32
      %dma_wait3A_1376 = arith.constant 0 : i32
      %dma_wait3A_1377 = tpu.memref_slice %dma_wait3A_1374[%dma_wait3A_1369, %dma_wait3A_1375, %dma_wait3A_1376] : memref<32x50x64xf16, #tpu.memory_space<vmem>> -> memref<1x50x64xf16, #tpu.memory_space<vmem>>
      %dma_wait3A_1378 = tpu.memref_squeeze %dma_wait3A_1377 : memref<1x50x64xf16, #tpu.memory_space<vmem>> -> memref<50x64xf16, #tpu.memory_space<vmem>>
      %dma_wait3A_1379 = arith.constant 0 : i32
      %dma_wait3A_1380 = arith.constant 0 : i32
      %dma_wait3A_1381 = tpu.memref_slice %arg3[%dma_wait3A_1379, %dma_wait3A_1380] : memref<1000000x64xf16, #tpu.memory_space<hbm>> -> memref<50x64xf16, #tpu.memory_space<hbm>>
      %dma_wait3A_1382 = arith.constant 0 : i32
      %dma_wait3A_1383 = arith.constant 0 : i32
      %dma_wait3A_1384 = arith.constant 0 : i32
      %dma_wait3A_1385 = tpu.memref_slice %arg6[%rem3A_768, %dma_wait3A_1382, %dma_wait3A_1383, %dma_wait3A_1384] : memref<2x32x50x64xf16, #tpu.memory_space<vmem>> -> memref<1x32x50x64xf16, #tpu.memory_space<vmem>>
      %dma_wait3A_1386 = tpu.memref_squeeze %dma_wait3A_1385 : memref<1x32x50x64xf16, #tpu.memory_space<vmem>> -> memref<32x50x64xf16, #tpu.memory_space<vmem>>
      %dma_wait3A_1387 = arith.constant 0 : i32
      %dma_wait3A_1388 = arith.constant 0 : i32
      %dma_wait3A_1389 = tpu.memref_slice %dma_wait3A_1386[%dma_wait3A_1369, %dma_wait3A_1387, %dma_wait3A_1388] : memref<32x50x64xf16, #tpu.memory_space<vmem>> -> memref<1x50x64xf16, #tpu.memory_space<vmem>>
      %dma_wait3A_1390 = tpu.memref_squeeze %dma_wait3A_1389 : memref<1x50x64xf16, #tpu.memory_space<vmem>> -> memref<50x64xf16, #tpu.memory_space<vmem>>
      %dma_wait3A_1391 = arith.constant 0 : i32
      %dma_wait3A_1392 = arith.constant 0 : i32
      %dma_wait3A_1393 = tpu.memref_slice %arg3[%dma_wait3A_1391, %dma_wait3A_1392] : memref<1000000x64xf16, #tpu.memory_space<hbm>> -> memref<50x64xf16, #tpu.memory_space<hbm>>
      tpu.wait_dma2 semaphore(%arg7 : memref<!tpu.dma_semaphore, #tpu.memory_space<semaphore_mem>>) src(%dma_wait3A_1393 : memref<50x64xf16, #tpu.memory_space<hbm>>) dst(%dma_wait3A_1390 : memref<50x64xf16, #tpu.memory_space<vmem>>)
      %dma_wait3A_1394 = arith.constant 25 : i32
      %dma_wait3A_1395 = arith.constant 0 : i32
      %dma_wait3A_1396 = arith.constant 0 : i32
      %dma_wait3A_1397 = arith.constant 0 : i32
      %dma_wait3A_1398 = tpu.memref_slice %arg6[%rem3A_768, %dma_wait3A_1395, %dma_wait3A_1396, %dma_wait3A_1397] : memref<2x32x50x64xf16, #tpu.memory_space<vmem>> -> memref<1x32x50x64xf16, #tpu.memory_space<vmem>>
      %dma_wait3A_1399 = tpu.memref_squeeze %dma_wait3A_1398 : memref<1x32x50x64xf16, #tpu.memory_space<vmem>> -> memref<32x50x64xf16, #tpu.memory_space<vmem>>
      %dma_wait3A_1400 = arith.constant 0 : i32
      %dma_wait3A_1401 = arith.constant 0 : i32
      %dma_wait3A_1402 = tpu.memref_slice %dma_wait3A_1399[%dma_wait3A_1394, %dma_wait3A_1400, %dma_wait3A_1401] : memref<32x50x64xf16, #tpu.memory_space<vmem>> -> memref<1x50x64xf16, #tpu.memory_space<vmem>>
      %dma_wait3A_1403 = tpu.memref_squeeze %dma_wait3A_1402 : memref<1x50x64xf16, #tpu.memory_space<vmem>> -> memref<50x64xf16, #tpu.memory_space<vmem>>
      %dma_wait3A_1404 = arith.constant 0 : i32
      %dma_wait3A_1405 = arith.constant 0 : i32
      %dma_wait3A_1406 = tpu.memref_slice %arg3[%dma_wait3A_1404, %dma_wait3A_1405] : memref<1000000x64xf16, #tpu.memory_space<hbm>> -> memref<50x64xf16, #tpu.memory_space<hbm>>
      %dma_wait3A_1407 = arith.constant 0 : i32
      %dma_wait3A_1408 = arith.constant 0 : i32
      %dma_wait3A_1409 = arith.constant 0 : i32
      %dma_wait3A_1410 = tpu.memref_slice %arg6[%rem3A_768, %dma_wait3A_1407, %dma_wait3A_1408, %dma_wait3A_1409] : memref<2x32x50x64xf16, #tpu.memory_space<vmem>> -> memref<1x32x50x64xf16, #tpu.memory_space<vmem>>
      %dma_wait3A_1411 = tpu.memref_squeeze %dma_wait3A_1410 : memref<1x32x50x64xf16, #tpu.memory_space<vmem>> -> memref<32x50x64xf16, #tpu.memory_space<vmem>>
      %dma_wait3A_1412 = arith.constant 0 : i32
      %dma_wait3A_1413 = arith.constant 0 : i32
      %dma_wait3A_1414 = tpu.memref_slice %dma_wait3A_1411[%dma_wait3A_1394, %dma_wait3A_1412, %dma_wait3A_1413] : memref<32x50x64xf16, #tpu.memory_space<vmem>> -> memref<1x50x64xf16, #tpu.memory_space<vmem>>
      %dma_wait3A_1415 = tpu.memref_squeeze %dma_wait3A_1414 : memref<1x50x64xf16, #tpu.memory_space<vmem>> -> memref<50x64xf16, #tpu.memory_space<vmem>>
      %dma_wait3A_1416 = arith.constant 0 : i32
      %dma_wait3A_1417 = arith.constant 0 : i32
      %dma_wait3A_1418 = tpu.memref_slice %arg3[%dma_wait3A_1416, %dma_wait3A_1417] : memref<1000000x64xf16, #tpu.memory_space<hbm>> -> memref<50x64xf16, #tpu.memory_space<hbm>>
      tpu.wait_dma2 semaphore(%arg7 : memref<!tpu.dma_semaphore, #tpu.memory_space<semaphore_mem>>) src(%dma_wait3A_1418 : memref<50x64xf16, #tpu.memory_space<hbm>>) dst(%dma_wait3A_1415 : memref<50x64xf16, #tpu.memory_space<vmem>>)
      %dma_wait3A_1419 = arith.constant 26 : i32
      %dma_wait3A_1420 = arith.constant 0 : i32
      %dma_wait3A_1421 = arith.constant 0 : i32
      %dma_wait3A_1422 = arith.constant 0 : i32
      %dma_wait3A_1423 = tpu.memref_slice %arg6[%rem3A_768, %dma_wait3A_1420, %dma_wait3A_1421, %dma_wait3A_1422] : memref<2x32x50x64xf16, #tpu.memory_space<vmem>> -> memref<1x32x50x64xf16, #tpu.memory_space<vmem>>
      %dma_wait3A_1424 = tpu.memref_squeeze %dma_wait3A_1423 : memref<1x32x50x64xf16, #tpu.memory_space<vmem>> -> memref<32x50x64xf16, #tpu.memory_space<vmem>>
      %dma_wait3A_1425 = arith.constant 0 : i32
      %dma_wait3A_1426 = arith.constant 0 : i32
      %dma_wait3A_1427 = tpu.memref_slice %dma_wait3A_1424[%dma_wait3A_1419, %dma_wait3A_1425, %dma_wait3A_1426] : memref<32x50x64xf16, #tpu.memory_space<vmem>> -> memref<1x50x64xf16, #tpu.memory_space<vmem>>
      %dma_wait3A_1428 = tpu.memref_squeeze %dma_wait3A_1427 : memref<1x50x64xf16, #tpu.memory_space<vmem>> -> memref<50x64xf16, #tpu.memory_space<vmem>>
      %dma_wait3A_1429 = arith.constant 0 : i32
      %dma_wait3A_1430 = arith.constant 0 : i32
      %dma_wait3A_1431 = tpu.memref_slice %arg3[%dma_wait3A_1429, %dma_wait3A_1430] : memref<1000000x64xf16, #tpu.memory_space<hbm>> -> memref<50x64xf16, #tpu.memory_space<hbm>>
      %dma_wait3A_1432 = arith.constant 0 : i32
      %dma_wait3A_1433 = arith.constant 0 : i32
      %dma_wait3A_1434 = arith.constant 0 : i32
      %dma_wait3A_1435 = tpu.memref_slice %arg6[%rem3A_768, %dma_wait3A_1432, %dma_wait3A_1433, %dma_wait3A_1434] : memref<2x32x50x64xf16, #tpu.memory_space<vmem>> -> memref<1x32x50x64xf16, #tpu.memory_space<vmem>>
      %dma_wait3A_1436 = tpu.memref_squeeze %dma_wait3A_1435 : memref<1x32x50x64xf16, #tpu.memory_space<vmem>> -> memref<32x50x64xf16, #tpu.memory_space<vmem>>
      %dma_wait3A_1437 = arith.constant 0 : i32
      %dma_wait3A_1438 = arith.constant 0 : i32
      %dma_wait3A_1439 = tpu.memref_slice %dma_wait3A_1436[%dma_wait3A_1419, %dma_wait3A_1437, %dma_wait3A_1438] : memref<32x50x64xf16, #tpu.memory_space<vmem>> -> memref<1x50x64xf16, #tpu.memory_space<vmem>>
      %dma_wait3A_1440 = tpu.memref_squeeze %dma_wait3A_1439 : memref<1x50x64xf16, #tpu.memory_space<vmem>> -> memref<50x64xf16, #tpu.memory_space<vmem>>
      %dma_wait3A_1441 = arith.constant 0 : i32
      %dma_wait3A_1442 = arith.constant 0 : i32
      %dma_wait3A_1443 = tpu.memref_slice %arg3[%dma_wait3A_1441, %dma_wait3A_1442] : memref<1000000x64xf16, #tpu.memory_space<hbm>> -> memref<50x64xf16, #tpu.memory_space<hbm>>
      tpu.wait_dma2 semaphore(%arg7 : memref<!tpu.dma_semaphore, #tpu.memory_space<semaphore_mem>>) src(%dma_wait3A_1443 : memref<50x64xf16, #tpu.memory_space<hbm>>) dst(%dma_wait3A_1440 : memref<50x64xf16, #tpu.memory_space<vmem>>)
      %dma_wait3A_1444 = arith.constant 27 : i32
      %dma_wait3A_1445 = arith.constant 0 : i32
      %dma_wait3A_1446 = arith.constant 0 : i32
      %dma_wait3A_1447 = arith.constant 0 : i32
      %dma_wait3A_1448 = tpu.memref_slice %arg6[%rem3A_768, %dma_wait3A_1445, %dma_wait3A_1446, %dma_wait3A_1447] : memref<2x32x50x64xf16, #tpu.memory_space<vmem>> -> memref<1x32x50x64xf16, #tpu.memory_space<vmem>>
      %dma_wait3A_1449 = tpu.memref_squeeze %dma_wait3A_1448 : memref<1x32x50x64xf16, #tpu.memory_space<vmem>> -> memref<32x50x64xf16, #tpu.memory_space<vmem>>
      %dma_wait3A_1450 = arith.constant 0 : i32
      %dma_wait3A_1451 = arith.constant 0 : i32
      %dma_wait3A_1452 = tpu.memref_slice %dma_wait3A_1449[%dma_wait3A_1444, %dma_wait3A_1450, %dma_wait3A_1451] : memref<32x50x64xf16, #tpu.memory_space<vmem>> -> memref<1x50x64xf16, #tpu.memory_space<vmem>>
      %dma_wait3A_1453 = tpu.memref_squeeze %dma_wait3A_1452 : memref<1x50x64xf16, #tpu.memory_space<vmem>> -> memref<50x64xf16, #tpu.memory_space<vmem>>
      %dma_wait3A_1454 = arith.constant 0 : i32
      %dma_wait3A_1455 = arith.constant 0 : i32
      %dma_wait3A_1456 = tpu.memref_slice %arg3[%dma_wait3A_1454, %dma_wait3A_1455] : memref<1000000x64xf16, #tpu.memory_space<hbm>> -> memref<50x64xf16, #tpu.memory_space<hbm>>
      %dma_wait3A_1457 = arith.constant 0 : i32
      %dma_wait3A_1458 = arith.constant 0 : i32
      %dma_wait3A_1459 = arith.constant 0 : i32
      %dma_wait3A_1460 = tpu.memref_slice %arg6[%rem3A_768, %dma_wait3A_1457, %dma_wait3A_1458, %dma_wait3A_1459] : memref<2x32x50x64xf16, #tpu.memory_space<vmem>> -> memref<1x32x50x64xf16, #tpu.memory_space<vmem>>
      %dma_wait3A_1461 = tpu.memref_squeeze %dma_wait3A_1460 : memref<1x32x50x64xf16, #tpu.memory_space<vmem>> -> memref<32x50x64xf16, #tpu.memory_space<vmem>>
      %dma_wait3A_1462 = arith.constant 0 : i32
      %dma_wait3A_1463 = arith.constant 0 : i32
      %dma_wait3A_1464 = tpu.memref_slice %dma_wait3A_1461[%dma_wait3A_1444, %dma_wait3A_1462, %dma_wait3A_1463] : memref<32x50x64xf16, #tpu.memory_space<vmem>> -> memref<1x50x64xf16, #tpu.memory_space<vmem>>
      %dma_wait3A_1465 = tpu.memref_squeeze %dma_wait3A_1464 : memref<1x50x64xf16, #tpu.memory_space<vmem>> -> memref<50x64xf16, #tpu.memory_space<vmem>>
      %dma_wait3A_1466 = arith.constant 0 : i32
      %dma_wait3A_1467 = arith.constant 0 : i32
      %dma_wait3A_1468 = tpu.memref_slice %arg3[%dma_wait3A_1466, %dma_wait3A_1467] : memref<1000000x64xf16, #tpu.memory_space<hbm>> -> memref<50x64xf16, #tpu.memory_space<hbm>>
      tpu.wait_dma2 semaphore(%arg7 : memref<!tpu.dma_semaphore, #tpu.memory_space<semaphore_mem>>) src(%dma_wait3A_1468 : memref<50x64xf16, #tpu.memory_space<hbm>>) dst(%dma_wait3A_1465 : memref<50x64xf16, #tpu.memory_space<vmem>>)
      %dma_wait3A_1469 = arith.constant 28 : i32
      %dma_wait3A_1470 = arith.constant 0 : i32
      %dma_wait3A_1471 = arith.constant 0 : i32
      %dma_wait3A_1472 = arith.constant 0 : i32
      %dma_wait3A_1473 = tpu.memref_slice %arg6[%rem3A_768, %dma_wait3A_1470, %dma_wait3A_1471, %dma_wait3A_1472] : memref<2x32x50x64xf16, #tpu.memory_space<vmem>> -> memref<1x32x50x64xf16, #tpu.memory_space<vmem>>
      %dma_wait3A_1474 = tpu.memref_squeeze %dma_wait3A_1473 : memref<1x32x50x64xf16, #tpu.memory_space<vmem>> -> memref<32x50x64xf16, #tpu.memory_space<vmem>>
      %dma_wait3A_1475 = arith.constant 0 : i32
      %dma_wait3A_1476 = arith.constant 0 : i32
      %dma_wait3A_1477 = tpu.memref_slice %dma_wait3A_1474[%dma_wait3A_1469, %dma_wait3A_1475, %dma_wait3A_1476] : memref<32x50x64xf16, #tpu.memory_space<vmem>> -> memref<1x50x64xf16, #tpu.memory_space<vmem>>
      %dma_wait3A_1478 = tpu.memref_squeeze %dma_wait3A_1477 : memref<1x50x64xf16, #tpu.memory_space<vmem>> -> memref<50x64xf16, #tpu.memory_space<vmem>>
      %dma_wait3A_1479 = arith.constant 0 : i32
      %dma_wait3A_1480 = arith.constant 0 : i32
      %dma_wait3A_1481 = tpu.memref_slice %arg3[%dma_wait3A_1479, %dma_wait3A_1480] : memref<1000000x64xf16, #tpu.memory_space<hbm>> -> memref<50x64xf16, #tpu.memory_space<hbm>>
      %dma_wait3A_1482 = arith.constant 0 : i32
      %dma_wait3A_1483 = arith.constant 0 : i32
      %dma_wait3A_1484 = arith.constant 0 : i32
      %dma_wait3A_1485 = tpu.memref_slice %arg6[%rem3A_768, %dma_wait3A_1482, %dma_wait3A_1483, %dma_wait3A_1484] : memref<2x32x50x64xf16, #tpu.memory_space<vmem>> -> memref<1x32x50x64xf16, #tpu.memory_space<vmem>>
      %dma_wait3A_1486 = tpu.memref_squeeze %dma_wait3A_1485 : memref<1x32x50x64xf16, #tpu.memory_space<vmem>> -> memref<32x50x64xf16, #tpu.memory_space<vmem>>
      %dma_wait3A_1487 = arith.constant 0 : i32
      %dma_wait3A_1488 = arith.constant 0 : i32
      %dma_wait3A_1489 = tpu.memref_slice %dma_wait3A_1486[%dma_wait3A_1469, %dma_wait3A_1487, %dma_wait3A_1488] : memref<32x50x64xf16, #tpu.memory_space<vmem>> -> memref<1x50x64xf16, #tpu.memory_space<vmem>>
      %dma_wait3A_1490 = tpu.memref_squeeze %dma_wait3A_1489 : memref<1x50x64xf16, #tpu.memory_space<vmem>> -> memref<50x64xf16, #tpu.memory_space<vmem>>
      %dma_wait3A_1491 = arith.constant 0 : i32
      %dma_wait3A_1492 = arith.constant 0 : i32
      %dma_wait3A_1493 = tpu.memref_slice %arg3[%dma_wait3A_1491, %dma_wait3A_1492] : memref<1000000x64xf16, #tpu.memory_space<hbm>> -> memref<50x64xf16, #tpu.memory_space<hbm>>
      tpu.wait_dma2 semaphore(%arg7 : memref<!tpu.dma_semaphore, #tpu.memory_space<semaphore_mem>>) src(%dma_wait3A_1493 : memref<50x64xf16, #tpu.memory_space<hbm>>) dst(%dma_wait3A_1490 : memref<50x64xf16, #tpu.memory_space<vmem>>)
      %dma_wait3A_1494 = arith.constant 29 : i32
      %dma_wait3A_1495 = arith.constant 0 : i32
      %dma_wait3A_1496 = arith.constant 0 : i32
      %dma_wait3A_1497 = arith.constant 0 : i32
      %dma_wait3A_1498 = tpu.memref_slice %arg6[%rem3A_768, %dma_wait3A_1495, %dma_wait3A_1496, %dma_wait3A_1497] : memref<2x32x50x64xf16, #tpu.memory_space<vmem>> -> memref<1x32x50x64xf16, #tpu.memory_space<vmem>>
      %dma_wait3A_1499 = tpu.memref_squeeze %dma_wait3A_1498 : memref<1x32x50x64xf16, #tpu.memory_space<vmem>> -> memref<32x50x64xf16, #tpu.memory_space<vmem>>
      %dma_wait3A_1500 = arith.constant 0 : i32
      %dma_wait3A_1501 = arith.constant 0 : i32
      %dma_wait3A_1502 = tpu.memref_slice %dma_wait3A_1499[%dma_wait3A_1494, %dma_wait3A_1500, %dma_wait3A_1501] : memref<32x50x64xf16, #tpu.memory_space<vmem>> -> memref<1x50x64xf16, #tpu.memory_space<vmem>>
      %dma_wait3A_1503 = tpu.memref_squeeze %dma_wait3A_1502 : memref<1x50x64xf16, #tpu.memory_space<vmem>> -> memref<50x64xf16, #tpu.memory_space<vmem>>
      %dma_wait3A_1504 = arith.constant 0 : i32
      %dma_wait3A_1505 = arith.constant 0 : i32
      %dma_wait3A_1506 = tpu.memref_slice %arg3[%dma_wait3A_1504, %dma_wait3A_1505] : memref<1000000x64xf16, #tpu.memory_space<hbm>> -> memref<50x64xf16, #tpu.memory_space<hbm>>
      %dma_wait3A_1507 = arith.constant 0 : i32
      %dma_wait3A_1508 = arith.constant 0 : i32
      %dma_wait3A_1509 = arith.constant 0 : i32
      %dma_wait3A_1510 = tpu.memref_slice %arg6[%rem3A_768, %dma_wait3A_1507, %dma_wait3A_1508, %dma_wait3A_1509] : memref<2x32x50x64xf16, #tpu.memory_space<vmem>> -> memref<1x32x50x64xf16, #tpu.memory_space<vmem>>
      %dma_wait3A_1511 = tpu.memref_squeeze %dma_wait3A_1510 : memref<1x32x50x64xf16, #tpu.memory_space<vmem>> -> memref<32x50x64xf16, #tpu.memory_space<vmem>>
      %dma_wait3A_1512 = arith.constant 0 : i32
      %dma_wait3A_1513 = arith.constant 0 : i32
      %dma_wait3A_1514 = tpu.memref_slice %dma_wait3A_1511[%dma_wait3A_1494, %dma_wait3A_1512, %dma_wait3A_1513] : memref<32x50x64xf16, #tpu.memory_space<vmem>> -> memref<1x50x64xf16, #tpu.memory_space<vmem>>
      %dma_wait3A_1515 = tpu.memref_squeeze %dma_wait3A_1514 : memref<1x50x64xf16, #tpu.memory_space<vmem>> -> memref<50x64xf16, #tpu.memory_space<vmem>>
      %dma_wait3A_1516 = arith.constant 0 : i32
      %dma_wait3A_1517 = arith.constant 0 : i32
      %dma_wait3A_1518 = tpu.memref_slice %arg3[%dma_wait3A_1516, %dma_wait3A_1517] : memref<1000000x64xf16, #tpu.memory_space<hbm>> -> memref<50x64xf16, #tpu.memory_space<hbm>>
      tpu.wait_dma2 semaphore(%arg7 : memref<!tpu.dma_semaphore, #tpu.memory_space<semaphore_mem>>) src(%dma_wait3A_1518 : memref<50x64xf16, #tpu.memory_space<hbm>>) dst(%dma_wait3A_1515 : memref<50x64xf16, #tpu.memory_space<vmem>>)
      %dma_wait3A_1519 = arith.constant 30 : i32
      %dma_wait3A_1520 = arith.constant 0 : i32
      %dma_wait3A_1521 = arith.constant 0 : i32
      %dma_wait3A_1522 = arith.constant 0 : i32
      %dma_wait3A_1523 = tpu.memref_slice %arg6[%rem3A_768, %dma_wait3A_1520, %dma_wait3A_1521, %dma_wait3A_1522] : memref<2x32x50x64xf16, #tpu.memory_space<vmem>> -> memref<1x32x50x64xf16, #tpu.memory_space<vmem>>
      %dma_wait3A_1524 = tpu.memref_squeeze %dma_wait3A_1523 : memref<1x32x50x64xf16, #tpu.memory_space<vmem>> -> memref<32x50x64xf16, #tpu.memory_space<vmem>>
      %dma_wait3A_1525 = arith.constant 0 : i32
      %dma_wait3A_1526 = arith.constant 0 : i32
      %dma_wait3A_1527 = tpu.memref_slice %dma_wait3A_1524[%dma_wait3A_1519, %dma_wait3A_1525, %dma_wait3A_1526] : memref<32x50x64xf16, #tpu.memory_space<vmem>> -> memref<1x50x64xf16, #tpu.memory_space<vmem>>
      %dma_wait3A_1528 = tpu.memref_squeeze %dma_wait3A_1527 : memref<1x50x64xf16, #tpu.memory_space<vmem>> -> memref<50x64xf16, #tpu.memory_space<vmem>>
      %dma_wait3A_1529 = arith.constant 0 : i32
      %dma_wait3A_1530 = arith.constant 0 : i32
      %dma_wait3A_1531 = tpu.memref_slice %arg3[%dma_wait3A_1529, %dma_wait3A_1530] : memref<1000000x64xf16, #tpu.memory_space<hbm>> -> memref<50x64xf16, #tpu.memory_space<hbm>>
      %dma_wait3A_1532 = arith.constant 0 : i32
      %dma_wait3A_1533 = arith.constant 0 : i32
      %dma_wait3A_1534 = arith.constant 0 : i32
      %dma_wait3A_1535 = tpu.memref_slice %arg6[%rem3A_768, %dma_wait3A_1532, %dma_wait3A_1533, %dma_wait3A_1534] : memref<2x32x50x64xf16, #tpu.memory_space<vmem>> -> memref<1x32x50x64xf16, #tpu.memory_space<vmem>>
      %dma_wait3A_1536 = tpu.memref_squeeze %dma_wait3A_1535 : memref<1x32x50x64xf16, #tpu.memory_space<vmem>> -> memref<32x50x64xf16, #tpu.memory_space<vmem>>
      %dma_wait3A_1537 = arith.constant 0 : i32
      %dma_wait3A_1538 = arith.constant 0 : i32
      %dma_wait3A_1539 = tpu.memref_slice %dma_wait3A_1536[%dma_wait3A_1519, %dma_wait3A_1537, %dma_wait3A_1538] : memref<32x50x64xf16, #tpu.memory_space<vmem>> -> memref<1x50x64xf16, #tpu.memory_space<vmem>>
      %dma_wait3A_1540 = tpu.memref_squeeze %dma_wait3A_1539 : memref<1x50x64xf16, #tpu.memory_space<vmem>> -> memref<50x64xf16, #tpu.memory_space<vmem>>
      %dma_wait3A_1541 = arith.constant 0 : i32
      %dma_wait3A_1542 = arith.constant 0 : i32
      %dma_wait3A_1543 = tpu.memref_slice %arg3[%dma_wait3A_1541, %dma_wait3A_1542] : memref<1000000x64xf16, #tpu.memory_space<hbm>> -> memref<50x64xf16, #tpu.memory_space<hbm>>
      tpu.wait_dma2 semaphore(%arg7 : memref<!tpu.dma_semaphore, #tpu.memory_space<semaphore_mem>>) src(%dma_wait3A_1543 : memref<50x64xf16, #tpu.memory_space<hbm>>) dst(%dma_wait3A_1540 : memref<50x64xf16, #tpu.memory_space<vmem>>)
      %dma_wait3A_1544 = arith.constant 31 : i32
      %dma_wait3A_1545 = arith.constant 0 : i32
      %dma_wait3A_1546 = arith.constant 0 : i32
      %dma_wait3A_1547 = arith.constant 0 : i32
      %dma_wait3A_1548 = tpu.memref_slice %arg6[%rem3A_768, %dma_wait3A_1545, %dma_wait3A_1546, %dma_wait3A_1547] : memref<2x32x50x64xf16, #tpu.memory_space<vmem>> -> memref<1x32x50x64xf16, #tpu.memory_space<vmem>>
      %dma_wait3A_1549 = tpu.memref_squeeze %dma_wait3A_1548 : memref<1x32x50x64xf16, #tpu.memory_space<vmem>> -> memref<32x50x64xf16, #tpu.memory_space<vmem>>
      %dma_wait3A_1550 = arith.constant 0 : i32
      %dma_wait3A_1551 = arith.constant 0 : i32
      %dma_wait3A_1552 = tpu.memref_slice %dma_wait3A_1549[%dma_wait3A_1544, %dma_wait3A_1550, %dma_wait3A_1551] : memref<32x50x64xf16, #tpu.memory_space<vmem>> -> memref<1x50x64xf16, #tpu.memory_space<vmem>>
      %dma_wait3A_1553 = tpu.memref_squeeze %dma_wait3A_1552 : memref<1x50x64xf16, #tpu.memory_space<vmem>> -> memref<50x64xf16, #tpu.memory_space<vmem>>
      %dma_wait3A_1554 = arith.constant 0 : i32
      %dma_wait3A_1555 = arith.constant 0 : i32
      %dma_wait3A_1556 = tpu.memref_slice %arg3[%dma_wait3A_1554, %dma_wait3A_1555] : memref<1000000x64xf16, #tpu.memory_space<hbm>> -> memref<50x64xf16, #tpu.memory_space<hbm>>
      %dma_wait3A_1557 = arith.constant 0 : i32
      %dma_wait3A_1558 = arith.constant 0 : i32
      %dma_wait3A_1559 = arith.constant 0 : i32
      %dma_wait3A_1560 = tpu.memref_slice %arg6[%rem3A_768, %dma_wait3A_1557, %dma_wait3A_1558, %dma_wait3A_1559] : memref<2x32x50x64xf16, #tpu.memory_space<vmem>> -> memref<1x32x50x64xf16, #tpu.memory_space<vmem>>
      %dma_wait3A_1561 = tpu.memref_squeeze %dma_wait3A_1560 : memref<1x32x50x64xf16, #tpu.memory_space<vmem>> -> memref<32x50x64xf16, #tpu.memory_space<vmem>>
      %dma_wait3A_1562 = arith.constant 0 : i32
      %dma_wait3A_1563 = arith.constant 0 : i32
      %dma_wait3A_1564 = tpu.memref_slice %dma_wait3A_1561[%dma_wait3A_1544, %dma_wait3A_1562, %dma_wait3A_1563] : memref<32x50x64xf16, #tpu.memory_space<vmem>> -> memref<1x50x64xf16, #tpu.memory_space<vmem>>
      %dma_wait3A_1565 = tpu.memref_squeeze %dma_wait3A_1564 : memref<1x50x64xf16, #tpu.memory_space<vmem>> -> memref<50x64xf16, #tpu.memory_space<vmem>>
      %dma_wait3A_1566 = arith.constant 0 : i32
      %dma_wait3A_1567 = arith.constant 0 : i32
      %dma_wait3A_1568 = tpu.memref_slice %arg3[%dma_wait3A_1566, %dma_wait3A_1567] : memref<1000000x64xf16, #tpu.memory_space<hbm>> -> memref<50x64xf16, #tpu.memory_space<hbm>>
      tpu.wait_dma2 semaphore(%arg7 : memref<!tpu.dma_semaphore, #tpu.memory_space<semaphore_mem>>) src(%dma_wait3A_1568 : memref<50x64xf16, #tpu.memory_space<hbm>>) dst(%dma_wait3A_1565 : memref<50x64xf16, #tpu.memory_space<vmem>>)
      %ge3A = arith.constant 1 : i32
      %ge3A_1569 = arith.cmpi sge, %scan3A_766, %ge3A : i32
      %convert_element_type3A = arith.extui %ge3A_1569 : i1 to i32
      %cond3A = arith.constant 0 : i32
      %cond3A_1570 = arith.cmpi ne, %convert_element_type3A, %cond3A : i32
      scf.if %cond3A_1570 {
        %sub3A = arith.constant 1 : i32
        %sub3A_1598 = arith.subi %scan3A_766, %sub3A : i32
        %sub3A_1599 = arith.constant 1 : i32
        %sub3A_1600 = arith.subi %sub3A_1599, %rem3A_768 : i32
        %mul3A_1601 = arith.constant 512 : i32
        %mul3A_1602 = arith.muli %add3A, %mul3A_1601 : i32
        %mul3A_1603 = arith.constant 32 : i32
        %mul3A_1604 = arith.muli %sub3A_1598, %mul3A_1603 : i32
        %add3A_1605 = arith.addi %mul3A_1602, %mul3A_1604 : i32
        %dma_wait3A_1606 = arith.constant 0 : i32
        %dma_wait3A_1607 = arith.constant 0 : i32
        %dma_wait3A_1608 = arith.constant 0 : i32
        %dma_wait3A_1609 = tpu.memref_slice %arg6[%sub3A_1600, %dma_wait3A_1606, %dma_wait3A_1607, %dma_wait3A_1608] : memref<2x32x50x64xf16, #tpu.memory_space<vmem>> -> memref<1x32x50x64xf16, #tpu.memory_space<vmem>>
        %dma_wait3A_1610 = tpu.memref_squeeze %dma_wait3A_1609 : memref<1x32x50x64xf16, #tpu.memory_space<vmem>> -> memref<32x50x64xf16, #tpu.memory_space<vmem>>
        %dma_wait3A_1611 = arith.constant 0 : i32
        %dma_wait3A_1612 = arith.constant 0 : i32
        %dma_wait3A_1613 = tpu.memref_slice %arg4[%add3A_1605, %dma_wait3A_1611, %dma_wait3A_1612] : memref<16384x50x64xf16, #tpu.memory_space<hbm>> -> memref<32x50x64xf16, #tpu.memory_space<hbm>>
        %dma_wait3A_1614 = arith.constant 0 : i32
        %dma_wait3A_1615 = arith.constant 0 : i32
        %dma_wait3A_1616 = tpu.memref_slice %arg4[%add3A_1605, %dma_wait3A_1614, %dma_wait3A_1615] : memref<16384x50x64xf16, #tpu.memory_space<hbm>> -> memref<32x50x64xf16, #tpu.memory_space<hbm>>
        %dma_wait3A_1617 = arith.constant 0 : i32
        %dma_wait3A_1618 = arith.constant 0 : i32
        %dma_wait3A_1619 = arith.constant 0 : i32
        %dma_wait3A_1620 = tpu.memref_slice %arg6[%sub3A_1600, %dma_wait3A_1617, %dma_wait3A_1618, %dma_wait3A_1619] : memref<2x32x50x64xf16, #tpu.memory_space<vmem>> -> memref<1x32x50x64xf16, #tpu.memory_space<vmem>>
        %dma_wait3A_1621 = tpu.memref_squeeze %dma_wait3A_1620 : memref<1x32x50x64xf16, #tpu.memory_space<vmem>> -> memref<32x50x64xf16, #tpu.memory_space<vmem>>
        tpu.wait_dma2 semaphore(%arg8 : memref<!tpu.dma_semaphore, #tpu.memory_space<semaphore_mem>>) src(%dma_wait3A_1621 : memref<32x50x64xf16, #tpu.memory_space<vmem>>) dst(%dma_wait3A_1616 : memref<32x50x64xf16, #tpu.memory_space<hbm>>)
      } else {
      }
      %add3A_1571 = arith.constant 1 : i32
      %add3A_1572 = arith.addi %scan3A_766, %add3A_1571 : i32
      %lt3A = arith.constant 16 : i32
      %lt3A_1573 = arith.cmpi slt, %add3A_1572, %lt3A : i32
      %convert_element_type3A_1574 = arith.extui %lt3A_1573 : i1 to i32
      %cond3A_1575 = arith.constant 0 : i32
      %cond3A_1576 = arith.cmpi ne, %convert_element_type3A_1574, %cond3A_1575 : i32
      scf.if %cond3A_1576 {
        %add3A_1598 = arith.constant 1 : i32
        %add3A_1599 = arith.addi %scan3A_766, %add3A_1598 : i32
        %sub3A = arith.constant 1 : i32
        %sub3A_1600 = arith.subi %sub3A, %rem3A_768 : i32
        %mul3A_1601 = arith.constant 512 : i32
        %mul3A_1602 = arith.muli %add3A, %mul3A_1601 : i32
        %mul3A_1603 = arith.constant 32 : i32
        %mul3A_1604 = arith.muli %add3A_1599, %mul3A_1603 : i32
        %add3A_1605 = arith.addi %mul3A_1602, %mul3A_1604 : i32
        "tpu.region"() ({
          %run_scoped3A_2278 = tpu.sem_alloc : memref<!tpu.dma_semaphore, #tpu.memory_space<semaphore_mem>>
          %dma_start3A_2279 = arith.constant 0 : i32
          %dma_start3A_2280 = arith.constant 0 : i32
          %dma_start3A_2281 = tpu.memref_slice %arg5[%sub3A_1600, %dma_start3A_2279, %dma_start3A_2280] : memref<2x32x50xi32, #tpu.memory_space<vmem>> -> memref<1x32x50xi32, #tpu.memory_space<vmem>>
          %dma_start3A_2282 = tpu.memref_squeeze %dma_start3A_2281 : memref<1x32x50xi32, #tpu.memory_space<vmem>> -> memref<32x50xi32, #tpu.memory_space<vmem>>
          %dma_start3A_2283 = arith.constant 0 : i32
          %dma_start3A_2284 = tpu.memref_slice %arg2[%add3A_1605, %dma_start3A_2283] : memref<16384x50xi32, #tpu.memory_space<hbm>> -> memref<32x50xi32, #tpu.memory_space<hbm>>
          %dma_start3A_2285 = arith.constant 0 : i32
          %dma_start3A_2286 = arith.constant 0 : i32
          %dma_start3A_2287 = tpu.memref_slice %arg5[%sub3A_1600, %dma_start3A_2285, %dma_start3A_2286] : memref<2x32x50xi32, #tpu.memory_space<vmem>> -> memref<1x32x50xi32, #tpu.memory_space<vmem>>
          %dma_start3A_2288 = tpu.memref_squeeze %dma_start3A_2287 : memref<1x32x50xi32, #tpu.memory_space<vmem>> -> memref<32x50xi32, #tpu.memory_space<vmem>>
          %dma_start3A_2289 = arith.constant 0 : i32
          %dma_start3A_2290 = tpu.memref_slice %arg2[%add3A_1605, %dma_start3A_2289] : memref<16384x50xi32, #tpu.memory_space<hbm>> -> memref<32x50xi32, #tpu.memory_space<hbm>>
          tpu.enqueue_dma source(%dma_start3A_2290 : memref<32x50xi32, #tpu.memory_space<hbm>>) target(%dma_start3A_2288 : memref<32x50xi32, #tpu.memory_space<vmem>>) target_semaphore(%run_scoped3A_2278 : memref<!tpu.dma_semaphore, #tpu.memory_space<semaphore_mem>>)
          %dma_wait3A_2291 = arith.constant 0 : i32
          %dma_wait3A_2292 = arith.constant 0 : i32
          %dma_wait3A_2293 = tpu.memref_slice %arg5[%sub3A_1600, %dma_wait3A_2291, %dma_wait3A_2292] : memref<2x32x50xi32, #tpu.memory_space<vmem>> -> memref<1x32x50xi32, #tpu.memory_space<vmem>>
          %dma_wait3A_2294 = tpu.memref_squeeze %dma_wait3A_2293 : memref<1x32x50xi32, #tpu.memory_space<vmem>> -> memref<32x50xi32, #tpu.memory_space<vmem>>
          %dma_wait3A_2295 = arith.constant 0 : i32
          %dma_wait3A_2296 = tpu.memref_slice %arg2[%add3A_1605, %dma_wait3A_2295] : memref<16384x50xi32, #tpu.memory_space<hbm>> -> memref<32x50xi32, #tpu.memory_space<hbm>>
          %dma_wait3A_2297 = arith.constant 0 : i32
          %dma_wait3A_2298 = arith.constant 0 : i32
          %dma_wait3A_2299 = tpu.memref_slice %arg5[%sub3A_1600, %dma_wait3A_2297, %dma_wait3A_2298] : memref<2x32x50xi32, #tpu.memory_space<vmem>> -> memref<1x32x50xi32, #tpu.memory_space<vmem>>
          %dma_wait3A_2300 = tpu.memref_squeeze %dma_wait3A_2299 : memref<1x32x50xi32, #tpu.memory_space<vmem>> -> memref<32x50xi32, #tpu.memory_space<vmem>>
          %dma_wait3A_2301 = arith.constant 0 : i32
          %dma_wait3A_2302 = tpu.memref_slice %arg2[%add3A_1605, %dma_wait3A_2301] : memref<16384x50xi32, #tpu.memory_space<hbm>> -> memref<32x50xi32, #tpu.memory_space<hbm>>
          tpu.wait_dma2 semaphore(%run_scoped3A_2278 : memref<!tpu.dma_semaphore, #tpu.memory_space<semaphore_mem>>) src(%dma_wait3A_2302 : memref<32x50xi32, #tpu.memory_space<hbm>>) dst(%dma_wait3A_2300 : memref<32x50xi32, #tpu.memory_space<vmem>>)
          tpu.yield
        }) : () -> ()
        %dma_start3A_1606 = arith.constant 0 : i32
        %dma_start3A_1607 = arith.constant 0 : i32
        %dma_start3A_1608 = arith.constant 0 : i32
        %dma_start3A_1609 = arith.constant 0 : i32
        %dma_start3A_1610 = arith.constant 0 : i32
        %dma_start3A_1611 = tpu.memref_slice %arg6[%sub3A_1600, %dma_start3A_1608, %dma_start3A_1609, %dma_start3A_1610] : memref<2x32x50x64xf16, #tpu.memory_space<vmem>> -> memref<1x32x50x64xf16, #tpu.memory_space<vmem>>
        %dma_start3A_1612 = tpu.memref_squeeze %dma_start3A_1611 : memref<1x32x50x64xf16, #tpu.memory_space<vmem>> -> memref<32x50x64xf16, #tpu.memory_space<vmem>>
        %dma_start3A_1613 = arith.constant 0 : i32
        %dma_start3A_1614 = arith.constant 0 : i32
        %dma_start3A_1615 = tpu.memref_slice %dma_start3A_1612[%dma_start3A_1607, %dma_start3A_1613, %dma_start3A_1614] : memref<32x50x64xf16, #tpu.memory_space<vmem>> -> memref<1x50x64xf16, #tpu.memory_space<vmem>>
        %dma_start3A_1616 = tpu.memref_squeeze %dma_start3A_1615 : memref<1x50x64xf16, #tpu.memory_space<vmem>> -> memref<50x64xf16, #tpu.memory_space<vmem>>
        %dma_start3A_1617 = arith.constant 0 : i32
        %dma_start3A_1618 = arith.constant 0 : i32
        %dma_start3A_1619 = tpu.memref_slice %arg5[%sub3A_1600, %dma_start3A_1617, %dma_start3A_1618] : memref<2x32x50xi32, #tpu.memory_space<vmem>> -> memref<1x32x50xi32, #tpu.memory_space<vmem>>
        %dma_start3A_1620 = tpu.memref_squeeze %dma_start3A_1619 : memref<1x32x50xi32, #tpu.memory_space<vmem>> -> memref<32x50xi32, #tpu.memory_space<vmem>>
        %dma_start3A_1621 = arith.constant 0 : i32
        %dma_start3A_1622 = tpu.memref_slice %dma_start3A_1620[%dma_start3A_1606, %dma_start3A_1621] : memref<32x50xi32, #tpu.memory_space<vmem>> -> memref<1x50xi32, #tpu.memory_space<vmem>>
        %dma_start3A_1623 = tpu.memref_squeeze %dma_start3A_1622 : memref<1x50xi32, #tpu.memory_space<vmem>> -> memref<50xi32, #tpu.memory_space<vmem>>
        %dma_start3A_1624 = arith.constant 0 : i32
        %dma_start3A_1625 = arith.constant 0 : i32
        %dma_start3A_1626 = tpu.memref_slice %arg3[%dma_start3A_1624, %dma_start3A_1625] : memref<1000000x64xf16, #tpu.memory_space<hbm>> -> memref<1000000x64xf16, #tpu.memory_space<hbm>>
        tpu.enqueue_indirect_dma source(%dma_start3A_1626 : memref<1000000x64xf16, #tpu.memory_space<hbm>>) target(%dma_start3A_1616 : memref<50x64xf16, #tpu.memory_space<vmem>>) offsets(%dma_start3A_1623 : memref<50xi32, #tpu.memory_space<vmem>>) semaphore(%arg7 : memref<!tpu.dma_semaphore, #tpu.memory_space<semaphore_mem>>)
        %dma_start3A_1627 = arith.constant 1 : i32
        %dma_start3A_1628 = arith.constant 1 : i32
        %dma_start3A_1629 = arith.constant 0 : i32
        %dma_start3A_1630 = arith.constant 0 : i32
        %dma_start3A_1631 = arith.constant 0 : i32
        %dma_start3A_1632 = tpu.memref_slice %arg6[%sub3A_1600, %dma_start3A_1629, %dma_start3A_1630, %dma_start3A_1631] : memref<2x32x50x64xf16, #tpu.memory_space<vmem>> -> memref<1x32x50x64xf16, #tpu.memory_space<vmem>>
        %dma_start3A_1633 = tpu.memref_squeeze %dma_start3A_1632 : memref<1x32x50x64xf16, #tpu.memory_space<vmem>> -> memref<32x50x64xf16, #tpu.memory_space<vmem>>
        %dma_start3A_1634 = arith.constant 0 : i32
        %dma_start3A_1635 = arith.constant 0 : i32
        %dma_start3A_1636 = tpu.memref_slice %dma_start3A_1633[%dma_start3A_1628, %dma_start3A_1634, %dma_start3A_1635] : memref<32x50x64xf16, #tpu.memory_space<vmem>> -> memref<1x50x64xf16, #tpu.memory_space<vmem>>
        %dma_start3A_1637 = tpu.memref_squeeze %dma_start3A_1636 : memref<1x50x64xf16, #tpu.memory_space<vmem>> -> memref<50x64xf16, #tpu.memory_space<vmem>>
        %dma_start3A_1638 = arith.constant 0 : i32
        %dma_start3A_1639 = arith.constant 0 : i32
        %dma_start3A_1640 = tpu.memref_slice %arg5[%sub3A_1600, %dma_start3A_1638, %dma_start3A_1639] : memref<2x32x50xi32, #tpu.memory_space<vmem>> -> memref<1x32x50xi32, #tpu.memory_space<vmem>>
        %dma_start3A_1641 = tpu.memref_squeeze %dma_start3A_1640 : memref<1x32x50xi32, #tpu.memory_space<vmem>> -> memref<32x50xi32, #tpu.memory_space<vmem>>
        %dma_start3A_1642 = arith.constant 0 : i32
        %dma_start3A_1643 = tpu.memref_slice %dma_start3A_1641[%dma_start3A_1627, %dma_start3A_1642] : memref<32x50xi32, #tpu.memory_space<vmem>> -> memref<1x50xi32, #tpu.memory_space<vmem>>
        %dma_start3A_1644 = tpu.memref_squeeze %dma_start3A_1643 : memref<1x50xi32, #tpu.memory_space<vmem>> -> memref<50xi32, #tpu.memory_space<vmem>>
        %dma_start3A_1645 = arith.constant 0 : i32
        %dma_start3A_1646 = arith.constant 0 : i32
        %dma_start3A_1647 = tpu.memref_slice %arg3[%dma_start3A_1645, %dma_start3A_1646] : memref<1000000x64xf16, #tpu.memory_space<hbm>> -> memref<1000000x64xf16, #tpu.memory_space<hbm>>
        tpu.enqueue_indirect_dma source(%dma_start3A_1647 : memref<1000000x64xf16, #tpu.memory_space<hbm>>) target(%dma_start3A_1637 : memref<50x64xf16, #tpu.memory_space<vmem>>) offsets(%dma_start3A_1644 : memref<50xi32, #tpu.memory_space<vmem>>) semaphore(%arg7 : memref<!tpu.dma_semaphore, #tpu.memory_space<semaphore_mem>>)
        %dma_start3A_1648 = arith.constant 2 : i32
        %dma_start3A_1649 = arith.constant 2 : i32
        %dma_start3A_1650 = arith.constant 0 : i32
        %dma_start3A_1651 = arith.constant 0 : i32
        %dma_start3A_1652 = arith.constant 0 : i32
        %dma_start3A_1653 = tpu.memref_slice %arg6[%sub3A_1600, %dma_start3A_1650, %dma_start3A_1651, %dma_start3A_1652] : memref<2x32x50x64xf16, #tpu.memory_space<vmem>> -> memref<1x32x50x64xf16, #tpu.memory_space<vmem>>
        %dma_start3A_1654 = tpu.memref_squeeze %dma_start3A_1653 : memref<1x32x50x64xf16, #tpu.memory_space<vmem>> -> memref<32x50x64xf16, #tpu.memory_space<vmem>>
        %dma_start3A_1655 = arith.constant 0 : i32
        %dma_start3A_1656 = arith.constant 0 : i32
        %dma_start3A_1657 = tpu.memref_slice %dma_start3A_1654[%dma_start3A_1649, %dma_start3A_1655, %dma_start3A_1656] : memref<32x50x64xf16, #tpu.memory_space<vmem>> -> memref<1x50x64xf16, #tpu.memory_space<vmem>>
        %dma_start3A_1658 = tpu.memref_squeeze %dma_start3A_1657 : memref<1x50x64xf16, #tpu.memory_space<vmem>> -> memref<50x64xf16, #tpu.memory_space<vmem>>
        %dma_start3A_1659 = arith.constant 0 : i32
        %dma_start3A_1660 = arith.constant 0 : i32
        %dma_start3A_1661 = tpu.memref_slice %arg5[%sub3A_1600, %dma_start3A_1659, %dma_start3A_1660] : memref<2x32x50xi32, #tpu.memory_space<vmem>> -> memref<1x32x50xi32, #tpu.memory_space<vmem>>
        %dma_start3A_1662 = tpu.memref_squeeze %dma_start3A_1661 : memref<1x32x50xi32, #tpu.memory_space<vmem>> -> memref<32x50xi32, #tpu.memory_space<vmem>>
        %dma_start3A_1663 = arith.constant 0 : i32
        %dma_start3A_1664 = tpu.memref_slice %dma_start3A_1662[%dma_start3A_1648, %dma_start3A_1663] : memref<32x50xi32, #tpu.memory_space<vmem>> -> memref<1x50xi32, #tpu.memory_space<vmem>>
        %dma_start3A_1665 = tpu.memref_squeeze %dma_start3A_1664 : memref<1x50xi32, #tpu.memory_space<vmem>> -> memref<50xi32, #tpu.memory_space<vmem>>
        %dma_start3A_1666 = arith.constant 0 : i32
        %dma_start3A_1667 = arith.constant 0 : i32
        %dma_start3A_1668 = tpu.memref_slice %arg3[%dma_start3A_1666, %dma_start3A_1667] : memref<1000000x64xf16, #tpu.memory_space<hbm>> -> memref<1000000x64xf16, #tpu.memory_space<hbm>>
        tpu.enqueue_indirect_dma source(%dma_start3A_1668 : memref<1000000x64xf16, #tpu.memory_space<hbm>>) target(%dma_start3A_1658 : memref<50x64xf16, #tpu.memory_space<vmem>>) offsets(%dma_start3A_1665 : memref<50xi32, #tpu.memory_space<vmem>>) semaphore(%arg7 : memref<!tpu.dma_semaphore, #tpu.memory_space<semaphore_mem>>)
        %dma_start3A_1669 = arith.constant 3 : i32
        %dma_start3A_1670 = arith.constant 3 : i32
        %dma_start3A_1671 = arith.constant 0 : i32
        %dma_start3A_1672 = arith.constant 0 : i32
        %dma_start3A_1673 = arith.constant 0 : i32
        %dma_start3A_1674 = tpu.memref_slice %arg6[%sub3A_1600, %dma_start3A_1671, %dma_start3A_1672, %dma_start3A_1673] : memref<2x32x50x64xf16, #tpu.memory_space<vmem>> -> memref<1x32x50x64xf16, #tpu.memory_space<vmem>>
        %dma_start3A_1675 = tpu.memref_squeeze %dma_start3A_1674 : memref<1x32x50x64xf16, #tpu.memory_space<vmem>> -> memref<32x50x64xf16, #tpu.memory_space<vmem>>
        %dma_start3A_1676 = arith.constant 0 : i32
        %dma_start3A_1677 = arith.constant 0 : i32
        %dma_start3A_1678 = tpu.memref_slice %dma_start3A_1675[%dma_start3A_1670, %dma_start3A_1676, %dma_start3A_1677] : memref<32x50x64xf16, #tpu.memory_space<vmem>> -> memref<1x50x64xf16, #tpu.memory_space<vmem>>
        %dma_start3A_1679 = tpu.memref_squeeze %dma_start3A_1678 : memref<1x50x64xf16, #tpu.memory_space<vmem>> -> memref<50x64xf16, #tpu.memory_space<vmem>>
        %dma_start3A_1680 = arith.constant 0 : i32
        %dma_start3A_1681 = arith.constant 0 : i32
        %dma_start3A_1682 = tpu.memref_slice %arg5[%sub3A_1600, %dma_start3A_1680, %dma_start3A_1681] : memref<2x32x50xi32, #tpu.memory_space<vmem>> -> memref<1x32x50xi32, #tpu.memory_space<vmem>>
        %dma_start3A_1683 = tpu.memref_squeeze %dma_start3A_1682 : memref<1x32x50xi32, #tpu.memory_space<vmem>> -> memref<32x50xi32, #tpu.memory_space<vmem>>
        %dma_start3A_1684 = arith.constant 0 : i32
        %dma_start3A_1685 = tpu.memref_slice %dma_start3A_1683[%dma_start3A_1669, %dma_start3A_1684] : memref<32x50xi32, #tpu.memory_space<vmem>> -> memref<1x50xi32, #tpu.memory_space<vmem>>
        %dma_start3A_1686 = tpu.memref_squeeze %dma_start3A_1685 : memref<1x50xi32, #tpu.memory_space<vmem>> -> memref<50xi32, #tpu.memory_space<vmem>>
        %dma_start3A_1687 = arith.constant 0 : i32
        %dma_start3A_1688 = arith.constant 0 : i32
        %dma_start3A_1689 = tpu.memref_slice %arg3[%dma_start3A_1687, %dma_start3A_1688] : memref<1000000x64xf16, #tpu.memory_space<hbm>> -> memref<1000000x64xf16, #tpu.memory_space<hbm>>
        tpu.enqueue_indirect_dma source(%dma_start3A_1689 : memref<1000000x64xf16, #tpu.memory_space<hbm>>) target(%dma_start3A_1679 : memref<50x64xf16, #tpu.memory_space<vmem>>) offsets(%dma_start3A_1686 : memref<50xi32, #tpu.memory_space<vmem>>) semaphore(%arg7 : memref<!tpu.dma_semaphore, #tpu.memory_space<semaphore_mem>>)
        %dma_start3A_1690 = arith.constant 4 : i32
        %dma_start3A_1691 = arith.constant 4 : i32
        %dma_start3A_1692 = arith.constant 0 : i32
        %dma_start3A_1693 = arith.constant 0 : i32
        %dma_start3A_1694 = arith.constant 0 : i32
        %dma_start3A_1695 = tpu.memref_slice %arg6[%sub3A_1600, %dma_start3A_1692, %dma_start3A_1693, %dma_start3A_1694] : memref<2x32x50x64xf16, #tpu.memory_space<vmem>> -> memref<1x32x50x64xf16, #tpu.memory_space<vmem>>
        %dma_start3A_1696 = tpu.memref_squeeze %dma_start3A_1695 : memref<1x32x50x64xf16, #tpu.memory_space<vmem>> -> memref<32x50x64xf16, #tpu.memory_space<vmem>>
        %dma_start3A_1697 = arith.constant 0 : i32
        %dma_start3A_1698 = arith.constant 0 : i32
        %dma_start3A_1699 = tpu.memref_slice %dma_start3A_1696[%dma_start3A_1691, %dma_start3A_1697, %dma_start3A_1698] : memref<32x50x64xf16, #tpu.memory_space<vmem>> -> memref<1x50x64xf16, #tpu.memory_space<vmem>>
        %dma_start3A_1700 = tpu.memref_squeeze %dma_start3A_1699 : memref<1x50x64xf16, #tpu.memory_space<vmem>> -> memref<50x64xf16, #tpu.memory_space<vmem>>
        %dma_start3A_1701 = arith.constant 0 : i32
        %dma_start3A_1702 = arith.constant 0 : i32
        %dma_start3A_1703 = tpu.memref_slice %arg5[%sub3A_1600, %dma_start3A_1701, %dma_start3A_1702] : memref<2x32x50xi32, #tpu.memory_space<vmem>> -> memref<1x32x50xi32, #tpu.memory_space<vmem>>
        %dma_start3A_1704 = tpu.memref_squeeze %dma_start3A_1703 : memref<1x32x50xi32, #tpu.memory_space<vmem>> -> memref<32x50xi32, #tpu.memory_space<vmem>>
        %dma_start3A_1705 = arith.constant 0 : i32
        %dma_start3A_1706 = tpu.memref_slice %dma_start3A_1704[%dma_start3A_1690, %dma_start3A_1705] : memref<32x50xi32, #tpu.memory_space<vmem>> -> memref<1x50xi32, #tpu.memory_space<vmem>>
        %dma_start3A_1707 = tpu.memref_squeeze %dma_start3A_1706 : memref<1x50xi32, #tpu.memory_space<vmem>> -> memref<50xi32, #tpu.memory_space<vmem>>
        %dma_start3A_1708 = arith.constant 0 : i32
        %dma_start3A_1709 = arith.constant 0 : i32
        %dma_start3A_1710 = tpu.memref_slice %arg3[%dma_start3A_1708, %dma_start3A_1709] : memref<1000000x64xf16, #tpu.memory_space<hbm>> -> memref<1000000x64xf16, #tpu.memory_space<hbm>>
        tpu.enqueue_indirect_dma source(%dma_start3A_1710 : memref<1000000x64xf16, #tpu.memory_space<hbm>>) target(%dma_start3A_1700 : memref<50x64xf16, #tpu.memory_space<vmem>>) offsets(%dma_start3A_1707 : memref<50xi32, #tpu.memory_space<vmem>>) semaphore(%arg7 : memref<!tpu.dma_semaphore, #tpu.memory_space<semaphore_mem>>)
        %dma_start3A_1711 = arith.constant 5 : i32
        %dma_start3A_1712 = arith.constant 5 : i32
        %dma_start3A_1713 = arith.constant 0 : i32
        %dma_start3A_1714 = arith.constant 0 : i32
        %dma_start3A_1715 = arith.constant 0 : i32
        %dma_start3A_1716 = tpu.memref_slice %arg6[%sub3A_1600, %dma_start3A_1713, %dma_start3A_1714, %dma_start3A_1715] : memref<2x32x50x64xf16, #tpu.memory_space<vmem>> -> memref<1x32x50x64xf16, #tpu.memory_space<vmem>>
        %dma_start3A_1717 = tpu.memref_squeeze %dma_start3A_1716 : memref<1x32x50x64xf16, #tpu.memory_space<vmem>> -> memref<32x50x64xf16, #tpu.memory_space<vmem>>
        %dma_start3A_1718 = arith.constant 0 : i32
        %dma_start3A_1719 = arith.constant 0 : i32
        %dma_start3A_1720 = tpu.memref_slice %dma_start3A_1717[%dma_start3A_1712, %dma_start3A_1718, %dma_start3A_1719] : memref<32x50x64xf16, #tpu.memory_space<vmem>> -> memref<1x50x64xf16, #tpu.memory_space<vmem>>
        %dma_start3A_1721 = tpu.memref_squeeze %dma_start3A_1720 : memref<1x50x64xf16, #tpu.memory_space<vmem>> -> memref<50x64xf16, #tpu.memory_space<vmem>>
        %dma_start3A_1722 = arith.constant 0 : i32
        %dma_start3A_1723 = arith.constant 0 : i32
        %dma_start3A_1724 = tpu.memref_slice %arg5[%sub3A_1600, %dma_start3A_1722, %dma_start3A_1723] : memref<2x32x50xi32, #tpu.memory_space<vmem>> -> memref<1x32x50xi32, #tpu.memory_space<vmem>>
        %dma_start3A_1725 = tpu.memref_squeeze %dma_start3A_1724 : memref<1x32x50xi32, #tpu.memory_space<vmem>> -> memref<32x50xi32, #tpu.memory_space<vmem>>
        %dma_start3A_1726 = arith.constant 0 : i32
        %dma_start3A_1727 = tpu.memref_slice %dma_start3A_1725[%dma_start3A_1711, %dma_start3A_1726] : memref<32x50xi32, #tpu.memory_space<vmem>> -> memref<1x50xi32, #tpu.memory_space<vmem>>
        %dma_start3A_1728 = tpu.memref_squeeze %dma_start3A_1727 : memref<1x50xi32, #tpu.memory_space<vmem>> -> memref<50xi32, #tpu.memory_space<vmem>>
        %dma_start3A_1729 = arith.constant 0 : i32
        %dma_start3A_1730 = arith.constant 0 : i32
        %dma_start3A_1731 = tpu.memref_slice %arg3[%dma_start3A_1729, %dma_start3A_1730] : memref<1000000x64xf16, #tpu.memory_space<hbm>> -> memref<1000000x64xf16, #tpu.memory_space<hbm>>
        tpu.enqueue_indirect_dma source(%dma_start3A_1731 : memref<1000000x64xf16, #tpu.memory_space<hbm>>) target(%dma_start3A_1721 : memref<50x64xf16, #tpu.memory_space<vmem>>) offsets(%dma_start3A_1728 : memref<50xi32, #tpu.memory_space<vmem>>) semaphore(%arg7 : memref<!tpu.dma_semaphore, #tpu.memory_space<semaphore_mem>>)
        %dma_start3A_1732 = arith.constant 6 : i32
        %dma_start3A_1733 = arith.constant 6 : i32
        %dma_start3A_1734 = arith.constant 0 : i32
        %dma_start3A_1735 = arith.constant 0 : i32
        %dma_start3A_1736 = arith.constant 0 : i32
        %dma_start3A_1737 = tpu.memref_slice %arg6[%sub3A_1600, %dma_start3A_1734, %dma_start3A_1735, %dma_start3A_1736] : memref<2x32x50x64xf16, #tpu.memory_space<vmem>> -> memref<1x32x50x64xf16, #tpu.memory_space<vmem>>
        %dma_start3A_1738 = tpu.memref_squeeze %dma_start3A_1737 : memref<1x32x50x64xf16, #tpu.memory_space<vmem>> -> memref<32x50x64xf16, #tpu.memory_space<vmem>>
        %dma_start3A_1739 = arith.constant 0 : i32
        %dma_start3A_1740 = arith.constant 0 : i32
        %dma_start3A_1741 = tpu.memref_slice %dma_start3A_1738[%dma_start3A_1733, %dma_start3A_1739, %dma_start3A_1740] : memref<32x50x64xf16, #tpu.memory_space<vmem>> -> memref<1x50x64xf16, #tpu.memory_space<vmem>>
        %dma_start3A_1742 = tpu.memref_squeeze %dma_start3A_1741 : memref<1x50x64xf16, #tpu.memory_space<vmem>> -> memref<50x64xf16, #tpu.memory_space<vmem>>
        %dma_start3A_1743 = arith.constant 0 : i32
        %dma_start3A_1744 = arith.constant 0 : i32
        %dma_start3A_1745 = tpu.memref_slice %arg5[%sub3A_1600, %dma_start3A_1743, %dma_start3A_1744] : memref<2x32x50xi32, #tpu.memory_space<vmem>> -> memref<1x32x50xi32, #tpu.memory_space<vmem>>
        %dma_start3A_1746 = tpu.memref_squeeze %dma_start3A_1745 : memref<1x32x50xi32, #tpu.memory_space<vmem>> -> memref<32x50xi32, #tpu.memory_space<vmem>>
        %dma_start3A_1747 = arith.constant 0 : i32
        %dma_start3A_1748 = tpu.memref_slice %dma_start3A_1746[%dma_start3A_1732, %dma_start3A_1747] : memref<32x50xi32, #tpu.memory_space<vmem>> -> memref<1x50xi32, #tpu.memory_space<vmem>>
        %dma_start3A_1749 = tpu.memref_squeeze %dma_start3A_1748 : memref<1x50xi32, #tpu.memory_space<vmem>> -> memref<50xi32, #tpu.memory_space<vmem>>
        %dma_start3A_1750 = arith.constant 0 : i32
        %dma_start3A_1751 = arith.constant 0 : i32
        %dma_start3A_1752 = tpu.memref_slice %arg3[%dma_start3A_1750, %dma_start3A_1751] : memref<1000000x64xf16, #tpu.memory_space<hbm>> -> memref<1000000x64xf16, #tpu.memory_space<hbm>>
        tpu.enqueue_indirect_dma source(%dma_start3A_1752 : memref<1000000x64xf16, #tpu.memory_space<hbm>>) target(%dma_start3A_1742 : memref<50x64xf16, #tpu.memory_space<vmem>>) offsets(%dma_start3A_1749 : memref<50xi32, #tpu.memory_space<vmem>>) semaphore(%arg7 : memref<!tpu.dma_semaphore, #tpu.memory_space<semaphore_mem>>)
        %dma_start3A_1753 = arith.constant 7 : i32
        %dma_start3A_1754 = arith.constant 7 : i32
        %dma_start3A_1755 = arith.constant 0 : i32
        %dma_start3A_1756 = arith.constant 0 : i32
        %dma_start3A_1757 = arith.constant 0 : i32
        %dma_start3A_1758 = tpu.memref_slice %arg6[%sub3A_1600, %dma_start3A_1755, %dma_start3A_1756, %dma_start3A_1757] : memref<2x32x50x64xf16, #tpu.memory_space<vmem>> -> memref<1x32x50x64xf16, #tpu.memory_space<vmem>>
        %dma_start3A_1759 = tpu.memref_squeeze %dma_start3A_1758 : memref<1x32x50x64xf16, #tpu.memory_space<vmem>> -> memref<32x50x64xf16, #tpu.memory_space<vmem>>
        %dma_start3A_1760 = arith.constant 0 : i32
        %dma_start3A_1761 = arith.constant 0 : i32
        %dma_start3A_1762 = tpu.memref_slice %dma_start3A_1759[%dma_start3A_1754, %dma_start3A_1760, %dma_start3A_1761] : memref<32x50x64xf16, #tpu.memory_space<vmem>> -> memref<1x50x64xf16, #tpu.memory_space<vmem>>
        %dma_start3A_1763 = tpu.memref_squeeze %dma_start3A_1762 : memref<1x50x64xf16, #tpu.memory_space<vmem>> -> memref<50x64xf16, #tpu.memory_space<vmem>>
        %dma_start3A_1764 = arith.constant 0 : i32
        %dma_start3A_1765 = arith.constant 0 : i32
        %dma_start3A_1766 = tpu.memref_slice %arg5[%sub3A_1600, %dma_start3A_1764, %dma_start3A_1765] : memref<2x32x50xi32, #tpu.memory_space<vmem>> -> memref<1x32x50xi32, #tpu.memory_space<vmem>>
        %dma_start3A_1767 = tpu.memref_squeeze %dma_start3A_1766 : memref<1x32x50xi32, #tpu.memory_space<vmem>> -> memref<32x50xi32, #tpu.memory_space<vmem>>
        %dma_start3A_1768 = arith.constant 0 : i32
        %dma_start3A_1769 = tpu.memref_slice %dma_start3A_1767[%dma_start3A_1753, %dma_start3A_1768] : memref<32x50xi32, #tpu.memory_space<vmem>> -> memref<1x50xi32, #tpu.memory_space<vmem>>
        %dma_start3A_1770 = tpu.memref_squeeze %dma_start3A_1769 : memref<1x50xi32, #tpu.memory_space<vmem>> -> memref<50xi32, #tpu.memory_space<vmem>>
        %dma_start3A_1771 = arith.constant 0 : i32
        %dma_start3A_1772 = arith.constant 0 : i32
        %dma_start3A_1773 = tpu.memref_slice %arg3[%dma_start3A_1771, %dma_start3A_1772] : memref<1000000x64xf16, #tpu.memory_space<hbm>> -> memref<1000000x64xf16, #tpu.memory_space<hbm>>
        tpu.enqueue_indirect_dma source(%dma_start3A_1773 : memref<1000000x64xf16, #tpu.memory_space<hbm>>) target(%dma_start3A_1763 : memref<50x64xf16, #tpu.memory_space<vmem>>) offsets(%dma_start3A_1770 : memref<50xi32, #tpu.memory_space<vmem>>) semaphore(%arg7 : memref<!tpu.dma_semaphore, #tpu.memory_space<semaphore_mem>>)
        %dma_start3A_1774 = arith.constant 8 : i32
        %dma_start3A_1775 = arith.constant 8 : i32
        %dma_start3A_1776 = arith.constant 0 : i32
        %dma_start3A_1777 = arith.constant 0 : i32
        %dma_start3A_1778 = arith.constant 0 : i32
        %dma_start3A_1779 = tpu.memref_slice %arg6[%sub3A_1600, %dma_start3A_1776, %dma_start3A_1777, %dma_start3A_1778] : memref<2x32x50x64xf16, #tpu.memory_space<vmem>> -> memref<1x32x50x64xf16, #tpu.memory_space<vmem>>
        %dma_start3A_1780 = tpu.memref_squeeze %dma_start3A_1779 : memref<1x32x50x64xf16, #tpu.memory_space<vmem>> -> memref<32x50x64xf16, #tpu.memory_space<vmem>>
        %dma_start3A_1781 = arith.constant 0 : i32
        %dma_start3A_1782 = arith.constant 0 : i32
        %dma_start3A_1783 = tpu.memref_slice %dma_start3A_1780[%dma_start3A_1775, %dma_start3A_1781, %dma_start3A_1782] : memref<32x50x64xf16, #tpu.memory_space<vmem>> -> memref<1x50x64xf16, #tpu.memory_space<vmem>>
        %dma_start3A_1784 = tpu.memref_squeeze %dma_start3A_1783 : memref<1x50x64xf16, #tpu.memory_space<vmem>> -> memref<50x64xf16, #tpu.memory_space<vmem>>
        %dma_start3A_1785 = arith.constant 0 : i32
        %dma_start3A_1786 = arith.constant 0 : i32
        %dma_start3A_1787 = tpu.memref_slice %arg5[%sub3A_1600, %dma_start3A_1785, %dma_start3A_1786] : memref<2x32x50xi32, #tpu.memory_space<vmem>> -> memref<1x32x50xi32, #tpu.memory_space<vmem>>
        %dma_start3A_1788 = tpu.memref_squeeze %dma_start3A_1787 : memref<1x32x50xi32, #tpu.memory_space<vmem>> -> memref<32x50xi32, #tpu.memory_space<vmem>>
        %dma_start3A_1789 = arith.constant 0 : i32
        %dma_start3A_1790 = tpu.memref_slice %dma_start3A_1788[%dma_start3A_1774, %dma_start3A_1789] : memref<32x50xi32, #tpu.memory_space<vmem>> -> memref<1x50xi32, #tpu.memory_space<vmem>>
        %dma_start3A_1791 = tpu.memref_squeeze %dma_start3A_1790 : memref<1x50xi32, #tpu.memory_space<vmem>> -> memref<50xi32, #tpu.memory_space<vmem>>
        %dma_start3A_1792 = arith.constant 0 : i32
        %dma_start3A_1793 = arith.constant 0 : i32
        %dma_start3A_1794 = tpu.memref_slice %arg3[%dma_start3A_1792, %dma_start3A_1793] : memref<1000000x64xf16, #tpu.memory_space<hbm>> -> memref<1000000x64xf16, #tpu.memory_space<hbm>>
        tpu.enqueue_indirect_dma source(%dma_start3A_1794 : memref<1000000x64xf16, #tpu.memory_space<hbm>>) target(%dma_start3A_1784 : memref<50x64xf16, #tpu.memory_space<vmem>>) offsets(%dma_start3A_1791 : memref<50xi32, #tpu.memory_space<vmem>>) semaphore(%arg7 : memref<!tpu.dma_semaphore, #tpu.memory_space<semaphore_mem>>)
        %dma_start3A_1795 = arith.constant 9 : i32
        %dma_start3A_1796 = arith.constant 9 : i32
        %dma_start3A_1797 = arith.constant 0 : i32
        %dma_start3A_1798 = arith.constant 0 : i32
        %dma_start3A_1799 = arith.constant 0 : i32
        %dma_start3A_1800 = tpu.memref_slice %arg6[%sub3A_1600, %dma_start3A_1797, %dma_start3A_1798, %dma_start3A_1799] : memref<2x32x50x64xf16, #tpu.memory_space<vmem>> -> memref<1x32x50x64xf16, #tpu.memory_space<vmem>>
        %dma_start3A_1801 = tpu.memref_squeeze %dma_start3A_1800 : memref<1x32x50x64xf16, #tpu.memory_space<vmem>> -> memref<32x50x64xf16, #tpu.memory_space<vmem>>
        %dma_start3A_1802 = arith.constant 0 : i32
        %dma_start3A_1803 = arith.constant 0 : i32
        %dma_start3A_1804 = tpu.memref_slice %dma_start3A_1801[%dma_start3A_1796, %dma_start3A_1802, %dma_start3A_1803] : memref<32x50x64xf16, #tpu.memory_space<vmem>> -> memref<1x50x64xf16, #tpu.memory_space<vmem>>
        %dma_start3A_1805 = tpu.memref_squeeze %dma_start3A_1804 : memref<1x50x64xf16, #tpu.memory_space<vmem>> -> memref<50x64xf16, #tpu.memory_space<vmem>>
        %dma_start3A_1806 = arith.constant 0 : i32
        %dma_start3A_1807 = arith.constant 0 : i32
        %dma_start3A_1808 = tpu.memref_slice %arg5[%sub3A_1600, %dma_start3A_1806, %dma_start3A_1807] : memref<2x32x50xi32, #tpu.memory_space<vmem>> -> memref<1x32x50xi32, #tpu.memory_space<vmem>>
        %dma_start3A_1809 = tpu.memref_squeeze %dma_start3A_1808 : memref<1x32x50xi32, #tpu.memory_space<vmem>> -> memref<32x50xi32, #tpu.memory_space<vmem>>
        %dma_start3A_1810 = arith.constant 0 : i32
        %dma_start3A_1811 = tpu.memref_slice %dma_start3A_1809[%dma_start3A_1795, %dma_start3A_1810] : memref<32x50xi32, #tpu.memory_space<vmem>> -> memref<1x50xi32, #tpu.memory_space<vmem>>
        %dma_start3A_1812 = tpu.memref_squeeze %dma_start3A_1811 : memref<1x50xi32, #tpu.memory_space<vmem>> -> memref<50xi32, #tpu.memory_space<vmem>>
        %dma_start3A_1813 = arith.constant 0 : i32
        %dma_start3A_1814 = arith.constant 0 : i32
        %dma_start3A_1815 = tpu.memref_slice %arg3[%dma_start3A_1813, %dma_start3A_1814] : memref<1000000x64xf16, #tpu.memory_space<hbm>> -> memref<1000000x64xf16, #tpu.memory_space<hbm>>
        tpu.enqueue_indirect_dma source(%dma_start3A_1815 : memref<1000000x64xf16, #tpu.memory_space<hbm>>) target(%dma_start3A_1805 : memref<50x64xf16, #tpu.memory_space<vmem>>) offsets(%dma_start3A_1812 : memref<50xi32, #tpu.memory_space<vmem>>) semaphore(%arg7 : memref<!tpu.dma_semaphore, #tpu.memory_space<semaphore_mem>>)
        %dma_start3A_1816 = arith.constant 10 : i32
        %dma_start3A_1817 = arith.constant 10 : i32
        %dma_start3A_1818 = arith.constant 0 : i32
        %dma_start3A_1819 = arith.constant 0 : i32
        %dma_start3A_1820 = arith.constant 0 : i32
        %dma_start3A_1821 = tpu.memref_slice %arg6[%sub3A_1600, %dma_start3A_1818, %dma_start3A_1819, %dma_start3A_1820] : memref<2x32x50x64xf16, #tpu.memory_space<vmem>> -> memref<1x32x50x64xf16, #tpu.memory_space<vmem>>
        %dma_start3A_1822 = tpu.memref_squeeze %dma_start3A_1821 : memref<1x32x50x64xf16, #tpu.memory_space<vmem>> -> memref<32x50x64xf16, #tpu.memory_space<vmem>>
        %dma_start3A_1823 = arith.constant 0 : i32
        %dma_start3A_1824 = arith.constant 0 : i32
        %dma_start3A_1825 = tpu.memref_slice %dma_start3A_1822[%dma_start3A_1817, %dma_start3A_1823, %dma_start3A_1824] : memref<32x50x64xf16, #tpu.memory_space<vmem>> -> memref<1x50x64xf16, #tpu.memory_space<vmem>>
        %dma_start3A_1826 = tpu.memref_squeeze %dma_start3A_1825 : memref<1x50x64xf16, #tpu.memory_space<vmem>> -> memref<50x64xf16, #tpu.memory_space<vmem>>
        %dma_start3A_1827 = arith.constant 0 : i32
        %dma_start3A_1828 = arith.constant 0 : i32
        %dma_start3A_1829 = tpu.memref_slice %arg5[%sub3A_1600, %dma_start3A_1827, %dma_start3A_1828] : memref<2x32x50xi32, #tpu.memory_space<vmem>> -> memref<1x32x50xi32, #tpu.memory_space<vmem>>
        %dma_start3A_1830 = tpu.memref_squeeze %dma_start3A_1829 : memref<1x32x50xi32, #tpu.memory_space<vmem>> -> memref<32x50xi32, #tpu.memory_space<vmem>>
        %dma_start3A_1831 = arith.constant 0 : i32
        %dma_start3A_1832 = tpu.memref_slice %dma_start3A_1830[%dma_start3A_1816, %dma_start3A_1831] : memref<32x50xi32, #tpu.memory_space<vmem>> -> memref<1x50xi32, #tpu.memory_space<vmem>>
        %dma_start3A_1833 = tpu.memref_squeeze %dma_start3A_1832 : memref<1x50xi32, #tpu.memory_space<vmem>> -> memref<50xi32, #tpu.memory_space<vmem>>
        %dma_start3A_1834 = arith.constant 0 : i32
        %dma_start3A_1835 = arith.constant 0 : i32
        %dma_start3A_1836 = tpu.memref_slice %arg3[%dma_start3A_1834, %dma_start3A_1835] : memref<1000000x64xf16, #tpu.memory_space<hbm>> -> memref<1000000x64xf16, #tpu.memory_space<hbm>>
        tpu.enqueue_indirect_dma source(%dma_start3A_1836 : memref<1000000x64xf16, #tpu.memory_space<hbm>>) target(%dma_start3A_1826 : memref<50x64xf16, #tpu.memory_space<vmem>>) offsets(%dma_start3A_1833 : memref<50xi32, #tpu.memory_space<vmem>>) semaphore(%arg7 : memref<!tpu.dma_semaphore, #tpu.memory_space<semaphore_mem>>)
        %dma_start3A_1837 = arith.constant 11 : i32
        %dma_start3A_1838 = arith.constant 11 : i32
        %dma_start3A_1839 = arith.constant 0 : i32
        %dma_start3A_1840 = arith.constant 0 : i32
        %dma_start3A_1841 = arith.constant 0 : i32
        %dma_start3A_1842 = tpu.memref_slice %arg6[%sub3A_1600, %dma_start3A_1839, %dma_start3A_1840, %dma_start3A_1841] : memref<2x32x50x64xf16, #tpu.memory_space<vmem>> -> memref<1x32x50x64xf16, #tpu.memory_space<vmem>>
        %dma_start3A_1843 = tpu.memref_squeeze %dma_start3A_1842 : memref<1x32x50x64xf16, #tpu.memory_space<vmem>> -> memref<32x50x64xf16, #tpu.memory_space<vmem>>
        %dma_start3A_1844 = arith.constant 0 : i32
        %dma_start3A_1845 = arith.constant 0 : i32
        %dma_start3A_1846 = tpu.memref_slice %dma_start3A_1843[%dma_start3A_1838, %dma_start3A_1844, %dma_start3A_1845] : memref<32x50x64xf16, #tpu.memory_space<vmem>> -> memref<1x50x64xf16, #tpu.memory_space<vmem>>
        %dma_start3A_1847 = tpu.memref_squeeze %dma_start3A_1846 : memref<1x50x64xf16, #tpu.memory_space<vmem>> -> memref<50x64xf16, #tpu.memory_space<vmem>>
        %dma_start3A_1848 = arith.constant 0 : i32
        %dma_start3A_1849 = arith.constant 0 : i32
        %dma_start3A_1850 = tpu.memref_slice %arg5[%sub3A_1600, %dma_start3A_1848, %dma_start3A_1849] : memref<2x32x50xi32, #tpu.memory_space<vmem>> -> memref<1x32x50xi32, #tpu.memory_space<vmem>>
        %dma_start3A_1851 = tpu.memref_squeeze %dma_start3A_1850 : memref<1x32x50xi32, #tpu.memory_space<vmem>> -> memref<32x50xi32, #tpu.memory_space<vmem>>
        %dma_start3A_1852 = arith.constant 0 : i32
        %dma_start3A_1853 = tpu.memref_slice %dma_start3A_1851[%dma_start3A_1837, %dma_start3A_1852] : memref<32x50xi32, #tpu.memory_space<vmem>> -> memref<1x50xi32, #tpu.memory_space<vmem>>
        %dma_start3A_1854 = tpu.memref_squeeze %dma_start3A_1853 : memref<1x50xi32, #tpu.memory_space<vmem>> -> memref<50xi32, #tpu.memory_space<vmem>>
        %dma_start3A_1855 = arith.constant 0 : i32
        %dma_start3A_1856 = arith.constant 0 : i32
        %dma_start3A_1857 = tpu.memref_slice %arg3[%dma_start3A_1855, %dma_start3A_1856] : memref<1000000x64xf16, #tpu.memory_space<hbm>> -> memref<1000000x64xf16, #tpu.memory_space<hbm>>
        tpu.enqueue_indirect_dma source(%dma_start3A_1857 : memref<1000000x64xf16, #tpu.memory_space<hbm>>) target(%dma_start3A_1847 : memref<50x64xf16, #tpu.memory_space<vmem>>) offsets(%dma_start3A_1854 : memref<50xi32, #tpu.memory_space<vmem>>) semaphore(%arg7 : memref<!tpu.dma_semaphore, #tpu.memory_space<semaphore_mem>>)
        %dma_start3A_1858 = arith.constant 12 : i32
        %dma_start3A_1859 = arith.constant 12 : i32
        %dma_start3A_1860 = arith.constant 0 : i32
        %dma_start3A_1861 = arith.constant 0 : i32
        %dma_start3A_1862 = arith.constant 0 : i32
        %dma_start3A_1863 = tpu.memref_slice %arg6[%sub3A_1600, %dma_start3A_1860, %dma_start3A_1861, %dma_start3A_1862] : memref<2x32x50x64xf16, #tpu.memory_space<vmem>> -> memref<1x32x50x64xf16, #tpu.memory_space<vmem>>
        %dma_start3A_1864 = tpu.memref_squeeze %dma_start3A_1863 : memref<1x32x50x64xf16, #tpu.memory_space<vmem>> -> memref<32x50x64xf16, #tpu.memory_space<vmem>>
        %dma_start3A_1865 = arith.constant 0 : i32
        %dma_start3A_1866 = arith.constant 0 : i32
        %dma_start3A_1867 = tpu.memref_slice %dma_start3A_1864[%dma_start3A_1859, %dma_start3A_1865, %dma_start3A_1866] : memref<32x50x64xf16, #tpu.memory_space<vmem>> -> memref<1x50x64xf16, #tpu.memory_space<vmem>>
        %dma_start3A_1868 = tpu.memref_squeeze %dma_start3A_1867 : memref<1x50x64xf16, #tpu.memory_space<vmem>> -> memref<50x64xf16, #tpu.memory_space<vmem>>
        %dma_start3A_1869 = arith.constant 0 : i32
        %dma_start3A_1870 = arith.constant 0 : i32
        %dma_start3A_1871 = tpu.memref_slice %arg5[%sub3A_1600, %dma_start3A_1869, %dma_start3A_1870] : memref<2x32x50xi32, #tpu.memory_space<vmem>> -> memref<1x32x50xi32, #tpu.memory_space<vmem>>
        %dma_start3A_1872 = tpu.memref_squeeze %dma_start3A_1871 : memref<1x32x50xi32, #tpu.memory_space<vmem>> -> memref<32x50xi32, #tpu.memory_space<vmem>>
        %dma_start3A_1873 = arith.constant 0 : i32
        %dma_start3A_1874 = tpu.memref_slice %dma_start3A_1872[%dma_start3A_1858, %dma_start3A_1873] : memref<32x50xi32, #tpu.memory_space<vmem>> -> memref<1x50xi32, #tpu.memory_space<vmem>>
        %dma_start3A_1875 = tpu.memref_squeeze %dma_start3A_1874 : memref<1x50xi32, #tpu.memory_space<vmem>> -> memref<50xi32, #tpu.memory_space<vmem>>
        %dma_start3A_1876 = arith.constant 0 : i32
        %dma_start3A_1877 = arith.constant 0 : i32
        %dma_start3A_1878 = tpu.memref_slice %arg3[%dma_start3A_1876, %dma_start3A_1877] : memref<1000000x64xf16, #tpu.memory_space<hbm>> -> memref<1000000x64xf16, #tpu.memory_space<hbm>>
        tpu.enqueue_indirect_dma source(%dma_start3A_1878 : memref<1000000x64xf16, #tpu.memory_space<hbm>>) target(%dma_start3A_1868 : memref<50x64xf16, #tpu.memory_space<vmem>>) offsets(%dma_start3A_1875 : memref<50xi32, #tpu.memory_space<vmem>>) semaphore(%arg7 : memref<!tpu.dma_semaphore, #tpu.memory_space<semaphore_mem>>)
        %dma_start3A_1879 = arith.constant 13 : i32
        %dma_start3A_1880 = arith.constant 13 : i32
        %dma_start3A_1881 = arith.constant 0 : i32
        %dma_start3A_1882 = arith.constant 0 : i32
        %dma_start3A_1883 = arith.constant 0 : i32
        %dma_start3A_1884 = tpu.memref_slice %arg6[%sub3A_1600, %dma_start3A_1881, %dma_start3A_1882, %dma_start3A_1883] : memref<2x32x50x64xf16, #tpu.memory_space<vmem>> -> memref<1x32x50x64xf16, #tpu.memory_space<vmem>>
        %dma_start3A_1885 = tpu.memref_squeeze %dma_start3A_1884 : memref<1x32x50x64xf16, #tpu.memory_space<vmem>> -> memref<32x50x64xf16, #tpu.memory_space<vmem>>
        %dma_start3A_1886 = arith.constant 0 : i32
        %dma_start3A_1887 = arith.constant 0 : i32
        %dma_start3A_1888 = tpu.memref_slice %dma_start3A_1885[%dma_start3A_1880, %dma_start3A_1886, %dma_start3A_1887] : memref<32x50x64xf16, #tpu.memory_space<vmem>> -> memref<1x50x64xf16, #tpu.memory_space<vmem>>
        %dma_start3A_1889 = tpu.memref_squeeze %dma_start3A_1888 : memref<1x50x64xf16, #tpu.memory_space<vmem>> -> memref<50x64xf16, #tpu.memory_space<vmem>>
        %dma_start3A_1890 = arith.constant 0 : i32
        %dma_start3A_1891 = arith.constant 0 : i32
        %dma_start3A_1892 = tpu.memref_slice %arg5[%sub3A_1600, %dma_start3A_1890, %dma_start3A_1891] : memref<2x32x50xi32, #tpu.memory_space<vmem>> -> memref<1x32x50xi32, #tpu.memory_space<vmem>>
        %dma_start3A_1893 = tpu.memref_squeeze %dma_start3A_1892 : memref<1x32x50xi32, #tpu.memory_space<vmem>> -> memref<32x50xi32, #tpu.memory_space<vmem>>
        %dma_start3A_1894 = arith.constant 0 : i32
        %dma_start3A_1895 = tpu.memref_slice %dma_start3A_1893[%dma_start3A_1879, %dma_start3A_1894] : memref<32x50xi32, #tpu.memory_space<vmem>> -> memref<1x50xi32, #tpu.memory_space<vmem>>
        %dma_start3A_1896 = tpu.memref_squeeze %dma_start3A_1895 : memref<1x50xi32, #tpu.memory_space<vmem>> -> memref<50xi32, #tpu.memory_space<vmem>>
        %dma_start3A_1897 = arith.constant 0 : i32
        %dma_start3A_1898 = arith.constant 0 : i32
        %dma_start3A_1899 = tpu.memref_slice %arg3[%dma_start3A_1897, %dma_start3A_1898] : memref<1000000x64xf16, #tpu.memory_space<hbm>> -> memref<1000000x64xf16, #tpu.memory_space<hbm>>
        tpu.enqueue_indirect_dma source(%dma_start3A_1899 : memref<1000000x64xf16, #tpu.memory_space<hbm>>) target(%dma_start3A_1889 : memref<50x64xf16, #tpu.memory_space<vmem>>) offsets(%dma_start3A_1896 : memref<50xi32, #tpu.memory_space<vmem>>) semaphore(%arg7 : memref<!tpu.dma_semaphore, #tpu.memory_space<semaphore_mem>>)
        %dma_start3A_1900 = arith.constant 14 : i32
        %dma_start3A_1901 = arith.constant 14 : i32
        %dma_start3A_1902 = arith.constant 0 : i32
        %dma_start3A_1903 = arith.constant 0 : i32
        %dma_start3A_1904 = arith.constant 0 : i32
        %dma_start3A_1905 = tpu.memref_slice %arg6[%sub3A_1600, %dma_start3A_1902, %dma_start3A_1903, %dma_start3A_1904] : memref<2x32x50x64xf16, #tpu.memory_space<vmem>> -> memref<1x32x50x64xf16, #tpu.memory_space<vmem>>
        %dma_start3A_1906 = tpu.memref_squeeze %dma_start3A_1905 : memref<1x32x50x64xf16, #tpu.memory_space<vmem>> -> memref<32x50x64xf16, #tpu.memory_space<vmem>>
        %dma_start3A_1907 = arith.constant 0 : i32
        %dma_start3A_1908 = arith.constant 0 : i32
        %dma_start3A_1909 = tpu.memref_slice %dma_start3A_1906[%dma_start3A_1901, %dma_start3A_1907, %dma_start3A_1908] : memref<32x50x64xf16, #tpu.memory_space<vmem>> -> memref<1x50x64xf16, #tpu.memory_space<vmem>>
        %dma_start3A_1910 = tpu.memref_squeeze %dma_start3A_1909 : memref<1x50x64xf16, #tpu.memory_space<vmem>> -> memref<50x64xf16, #tpu.memory_space<vmem>>
        %dma_start3A_1911 = arith.constant 0 : i32
        %dma_start3A_1912 = arith.constant 0 : i32
        %dma_start3A_1913 = tpu.memref_slice %arg5[%sub3A_1600, %dma_start3A_1911, %dma_start3A_1912] : memref<2x32x50xi32, #tpu.memory_space<vmem>> -> memref<1x32x50xi32, #tpu.memory_space<vmem>>
        %dma_start3A_1914 = tpu.memref_squeeze %dma_start3A_1913 : memref<1x32x50xi32, #tpu.memory_space<vmem>> -> memref<32x50xi32, #tpu.memory_space<vmem>>
        %dma_start3A_1915 = arith.constant 0 : i32
        %dma_start3A_1916 = tpu.memref_slice %dma_start3A_1914[%dma_start3A_1900, %dma_start3A_1915] : memref<32x50xi32, #tpu.memory_space<vmem>> -> memref<1x50xi32, #tpu.memory_space<vmem>>
        %dma_start3A_1917 = tpu.memref_squeeze %dma_start3A_1916 : memref<1x50xi32, #tpu.memory_space<vmem>> -> memref<50xi32, #tpu.memory_space<vmem>>
        %dma_start3A_1918 = arith.constant 0 : i32
        %dma_start3A_1919 = arith.constant 0 : i32
        %dma_start3A_1920 = tpu.memref_slice %arg3[%dma_start3A_1918, %dma_start3A_1919] : memref<1000000x64xf16, #tpu.memory_space<hbm>> -> memref<1000000x64xf16, #tpu.memory_space<hbm>>
        tpu.enqueue_indirect_dma source(%dma_start3A_1920 : memref<1000000x64xf16, #tpu.memory_space<hbm>>) target(%dma_start3A_1910 : memref<50x64xf16, #tpu.memory_space<vmem>>) offsets(%dma_start3A_1917 : memref<50xi32, #tpu.memory_space<vmem>>) semaphore(%arg7 : memref<!tpu.dma_semaphore, #tpu.memory_space<semaphore_mem>>)
        %dma_start3A_1921 = arith.constant 15 : i32
        %dma_start3A_1922 = arith.constant 15 : i32
        %dma_start3A_1923 = arith.constant 0 : i32
        %dma_start3A_1924 = arith.constant 0 : i32
        %dma_start3A_1925 = arith.constant 0 : i32
        %dma_start3A_1926 = tpu.memref_slice %arg6[%sub3A_1600, %dma_start3A_1923, %dma_start3A_1924, %dma_start3A_1925] : memref<2x32x50x64xf16, #tpu.memory_space<vmem>> -> memref<1x32x50x64xf16, #tpu.memory_space<vmem>>
        %dma_start3A_1927 = tpu.memref_squeeze %dma_start3A_1926 : memref<1x32x50x64xf16, #tpu.memory_space<vmem>> -> memref<32x50x64xf16, #tpu.memory_space<vmem>>
        %dma_start3A_1928 = arith.constant 0 : i32
        %dma_start3A_1929 = arith.constant 0 : i32
        %dma_start3A_1930 = tpu.memref_slice %dma_start3A_1927[%dma_start3A_1922, %dma_start3A_1928, %dma_start3A_1929] : memref<32x50x64xf16, #tpu.memory_space<vmem>> -> memref<1x50x64xf16, #tpu.memory_space<vmem>>
        %dma_start3A_1931 = tpu.memref_squeeze %dma_start3A_1930 : memref<1x50x64xf16, #tpu.memory_space<vmem>> -> memref<50x64xf16, #tpu.memory_space<vmem>>
        %dma_start3A_1932 = arith.constant 0 : i32
        %dma_start3A_1933 = arith.constant 0 : i32
        %dma_start3A_1934 = tpu.memref_slice %arg5[%sub3A_1600, %dma_start3A_1932, %dma_start3A_1933] : memref<2x32x50xi32, #tpu.memory_space<vmem>> -> memref<1x32x50xi32, #tpu.memory_space<vmem>>
        %dma_start3A_1935 = tpu.memref_squeeze %dma_start3A_1934 : memref<1x32x50xi32, #tpu.memory_space<vmem>> -> memref<32x50xi32, #tpu.memory_space<vmem>>
        %dma_start3A_1936 = arith.constant 0 : i32
        %dma_start3A_1937 = tpu.memref_slice %dma_start3A_1935[%dma_start3A_1921, %dma_start3A_1936] : memref<32x50xi32, #tpu.memory_space<vmem>> -> memref<1x50xi32, #tpu.memory_space<vmem>>
        %dma_start3A_1938 = tpu.memref_squeeze %dma_start3A_1937 : memref<1x50xi32, #tpu.memory_space<vmem>> -> memref<50xi32, #tpu.memory_space<vmem>>
        %dma_start3A_1939 = arith.constant 0 : i32
        %dma_start3A_1940 = arith.constant 0 : i32
        %dma_start3A_1941 = tpu.memref_slice %arg3[%dma_start3A_1939, %dma_start3A_1940] : memref<1000000x64xf16, #tpu.memory_space<hbm>> -> memref<1000000x64xf16, #tpu.memory_space<hbm>>
        tpu.enqueue_indirect_dma source(%dma_start3A_1941 : memref<1000000x64xf16, #tpu.memory_space<hbm>>) target(%dma_start3A_1931 : memref<50x64xf16, #tpu.memory_space<vmem>>) offsets(%dma_start3A_1938 : memref<50xi32, #tpu.memory_space<vmem>>) semaphore(%arg7 : memref<!tpu.dma_semaphore, #tpu.memory_space<semaphore_mem>>)
        %dma_start3A_1942 = arith.constant 16 : i32
        %dma_start3A_1943 = arith.constant 16 : i32
        %dma_start3A_1944 = arith.constant 0 : i32
        %dma_start3A_1945 = arith.constant 0 : i32
        %dma_start3A_1946 = arith.constant 0 : i32
        %dma_start3A_1947 = tpu.memref_slice %arg6[%sub3A_1600, %dma_start3A_1944, %dma_start3A_1945, %dma_start3A_1946] : memref<2x32x50x64xf16, #tpu.memory_space<vmem>> -> memref<1x32x50x64xf16, #tpu.memory_space<vmem>>
        %dma_start3A_1948 = tpu.memref_squeeze %dma_start3A_1947 : memref<1x32x50x64xf16, #tpu.memory_space<vmem>> -> memref<32x50x64xf16, #tpu.memory_space<vmem>>
        %dma_start3A_1949 = arith.constant 0 : i32
        %dma_start3A_1950 = arith.constant 0 : i32
        %dma_start3A_1951 = tpu.memref_slice %dma_start3A_1948[%dma_start3A_1943, %dma_start3A_1949, %dma_start3A_1950] : memref<32x50x64xf16, #tpu.memory_space<vmem>> -> memref<1x50x64xf16, #tpu.memory_space<vmem>>
        %dma_start3A_1952 = tpu.memref_squeeze %dma_start3A_1951 : memref<1x50x64xf16, #tpu.memory_space<vmem>> -> memref<50x64xf16, #tpu.memory_space<vmem>>
        %dma_start3A_1953 = arith.constant 0 : i32
        %dma_start3A_1954 = arith.constant 0 : i32
        %dma_start3A_1955 = tpu.memref_slice %arg5[%sub3A_1600, %dma_start3A_1953, %dma_start3A_1954] : memref<2x32x50xi32, #tpu.memory_space<vmem>> -> memref<1x32x50xi32, #tpu.memory_space<vmem>>
        %dma_start3A_1956 = tpu.memref_squeeze %dma_start3A_1955 : memref<1x32x50xi32, #tpu.memory_space<vmem>> -> memref<32x50xi32, #tpu.memory_space<vmem>>
        %dma_start3A_1957 = arith.constant 0 : i32
        %dma_start3A_1958 = tpu.memref_slice %dma_start3A_1956[%dma_start3A_1942, %dma_start3A_1957] : memref<32x50xi32, #tpu.memory_space<vmem>> -> memref<1x50xi32, #tpu.memory_space<vmem>>
        %dma_start3A_1959 = tpu.memref_squeeze %dma_start3A_1958 : memref<1x50xi32, #tpu.memory_space<vmem>> -> memref<50xi32, #tpu.memory_space<vmem>>
        %dma_start3A_1960 = arith.constant 0 : i32
        %dma_start3A_1961 = arith.constant 0 : i32
        %dma_start3A_1962 = tpu.memref_slice %arg3[%dma_start3A_1960, %dma_start3A_1961] : memref<1000000x64xf16, #tpu.memory_space<hbm>> -> memref<1000000x64xf16, #tpu.memory_space<hbm>>
        tpu.enqueue_indirect_dma source(%dma_start3A_1962 : memref<1000000x64xf16, #tpu.memory_space<hbm>>) target(%dma_start3A_1952 : memref<50x64xf16, #tpu.memory_space<vmem>>) offsets(%dma_start3A_1959 : memref<50xi32, #tpu.memory_space<vmem>>) semaphore(%arg7 : memref<!tpu.dma_semaphore, #tpu.memory_space<semaphore_mem>>)
        %dma_start3A_1963 = arith.constant 17 : i32
        %dma_start3A_1964 = arith.constant 17 : i32
        %dma_start3A_1965 = arith.constant 0 : i32
        %dma_start3A_1966 = arith.constant 0 : i32
        %dma_start3A_1967 = arith.constant 0 : i32
        %dma_start3A_1968 = tpu.memref_slice %arg6[%sub3A_1600, %dma_start3A_1965, %dma_start3A_1966, %dma_start3A_1967] : memref<2x32x50x64xf16, #tpu.memory_space<vmem>> -> memref<1x32x50x64xf16, #tpu.memory_space<vmem>>
        %dma_start3A_1969 = tpu.memref_squeeze %dma_start3A_1968 : memref<1x32x50x64xf16, #tpu.memory_space<vmem>> -> memref<32x50x64xf16, #tpu.memory_space<vmem>>
        %dma_start3A_1970 = arith.constant 0 : i32
        %dma_start3A_1971 = arith.constant 0 : i32
        %dma_start3A_1972 = tpu.memref_slice %dma_start3A_1969[%dma_start3A_1964, %dma_start3A_1970, %dma_start3A_1971] : memref<32x50x64xf16, #tpu.memory_space<vmem>> -> memref<1x50x64xf16, #tpu.memory_space<vmem>>
        %dma_start3A_1973 = tpu.memref_squeeze %dma_start3A_1972 : memref<1x50x64xf16, #tpu.memory_space<vmem>> -> memref<50x64xf16, #tpu.memory_space<vmem>>
        %dma_start3A_1974 = arith.constant 0 : i32
        %dma_start3A_1975 = arith.constant 0 : i32
        %dma_start3A_1976 = tpu.memref_slice %arg5[%sub3A_1600, %dma_start3A_1974, %dma_start3A_1975] : memref<2x32x50xi32, #tpu.memory_space<vmem>> -> memref<1x32x50xi32, #tpu.memory_space<vmem>>
        %dma_start3A_1977 = tpu.memref_squeeze %dma_start3A_1976 : memref<1x32x50xi32, #tpu.memory_space<vmem>> -> memref<32x50xi32, #tpu.memory_space<vmem>>
        %dma_start3A_1978 = arith.constant 0 : i32
        %dma_start3A_1979 = tpu.memref_slice %dma_start3A_1977[%dma_start3A_1963, %dma_start3A_1978] : memref<32x50xi32, #tpu.memory_space<vmem>> -> memref<1x50xi32, #tpu.memory_space<vmem>>
        %dma_start3A_1980 = tpu.memref_squeeze %dma_start3A_1979 : memref<1x50xi32, #tpu.memory_space<vmem>> -> memref<50xi32, #tpu.memory_space<vmem>>
        %dma_start3A_1981 = arith.constant 0 : i32
        %dma_start3A_1982 = arith.constant 0 : i32
        %dma_start3A_1983 = tpu.memref_slice %arg3[%dma_start3A_1981, %dma_start3A_1982] : memref<1000000x64xf16, #tpu.memory_space<hbm>> -> memref<1000000x64xf16, #tpu.memory_space<hbm>>
        tpu.enqueue_indirect_dma source(%dma_start3A_1983 : memref<1000000x64xf16, #tpu.memory_space<hbm>>) target(%dma_start3A_1973 : memref<50x64xf16, #tpu.memory_space<vmem>>) offsets(%dma_start3A_1980 : memref<50xi32, #tpu.memory_space<vmem>>) semaphore(%arg7 : memref<!tpu.dma_semaphore, #tpu.memory_space<semaphore_mem>>)
        %dma_start3A_1984 = arith.constant 18 : i32
        %dma_start3A_1985 = arith.constant 18 : i32
        %dma_start3A_1986 = arith.constant 0 : i32
        %dma_start3A_1987 = arith.constant 0 : i32
        %dma_start3A_1988 = arith.constant 0 : i32
        %dma_start3A_1989 = tpu.memref_slice %arg6[%sub3A_1600, %dma_start3A_1986, %dma_start3A_1987, %dma_start3A_1988] : memref<2x32x50x64xf16, #tpu.memory_space<vmem>> -> memref<1x32x50x64xf16, #tpu.memory_space<vmem>>
        %dma_start3A_1990 = tpu.memref_squeeze %dma_start3A_1989 : memref<1x32x50x64xf16, #tpu.memory_space<vmem>> -> memref<32x50x64xf16, #tpu.memory_space<vmem>>
        %dma_start3A_1991 = arith.constant 0 : i32
        %dma_start3A_1992 = arith.constant 0 : i32
        %dma_start3A_1993 = tpu.memref_slice %dma_start3A_1990[%dma_start3A_1985, %dma_start3A_1991, %dma_start3A_1992] : memref<32x50x64xf16, #tpu.memory_space<vmem>> -> memref<1x50x64xf16, #tpu.memory_space<vmem>>
        %dma_start3A_1994 = tpu.memref_squeeze %dma_start3A_1993 : memref<1x50x64xf16, #tpu.memory_space<vmem>> -> memref<50x64xf16, #tpu.memory_space<vmem>>
        %dma_start3A_1995 = arith.constant 0 : i32
        %dma_start3A_1996 = arith.constant 0 : i32
        %dma_start3A_1997 = tpu.memref_slice %arg5[%sub3A_1600, %dma_start3A_1995, %dma_start3A_1996] : memref<2x32x50xi32, #tpu.memory_space<vmem>> -> memref<1x32x50xi32, #tpu.memory_space<vmem>>
        %dma_start3A_1998 = tpu.memref_squeeze %dma_start3A_1997 : memref<1x32x50xi32, #tpu.memory_space<vmem>> -> memref<32x50xi32, #tpu.memory_space<vmem>>
        %dma_start3A_1999 = arith.constant 0 : i32
        %dma_start3A_2000 = tpu.memref_slice %dma_start3A_1998[%dma_start3A_1984, %dma_start3A_1999] : memref<32x50xi32, #tpu.memory_space<vmem>> -> memref<1x50xi32, #tpu.memory_space<vmem>>
        %dma_start3A_2001 = tpu.memref_squeeze %dma_start3A_2000 : memref<1x50xi32, #tpu.memory_space<vmem>> -> memref<50xi32, #tpu.memory_space<vmem>>
        %dma_start3A_2002 = arith.constant 0 : i32
        %dma_start3A_2003 = arith.constant 0 : i32
        %dma_start3A_2004 = tpu.memref_slice %arg3[%dma_start3A_2002, %dma_start3A_2003] : memref<1000000x64xf16, #tpu.memory_space<hbm>> -> memref<1000000x64xf16, #tpu.memory_space<hbm>>
        tpu.enqueue_indirect_dma source(%dma_start3A_2004 : memref<1000000x64xf16, #tpu.memory_space<hbm>>) target(%dma_start3A_1994 : memref<50x64xf16, #tpu.memory_space<vmem>>) offsets(%dma_start3A_2001 : memref<50xi32, #tpu.memory_space<vmem>>) semaphore(%arg7 : memref<!tpu.dma_semaphore, #tpu.memory_space<semaphore_mem>>)
        %dma_start3A_2005 = arith.constant 19 : i32
        %dma_start3A_2006 = arith.constant 19 : i32
        %dma_start3A_2007 = arith.constant 0 : i32
        %dma_start3A_2008 = arith.constant 0 : i32
        %dma_start3A_2009 = arith.constant 0 : i32
        %dma_start3A_2010 = tpu.memref_slice %arg6[%sub3A_1600, %dma_start3A_2007, %dma_start3A_2008, %dma_start3A_2009] : memref<2x32x50x64xf16, #tpu.memory_space<vmem>> -> memref<1x32x50x64xf16, #tpu.memory_space<vmem>>
        %dma_start3A_2011 = tpu.memref_squeeze %dma_start3A_2010 : memref<1x32x50x64xf16, #tpu.memory_space<vmem>> -> memref<32x50x64xf16, #tpu.memory_space<vmem>>
        %dma_start3A_2012 = arith.constant 0 : i32
        %dma_start3A_2013 = arith.constant 0 : i32
        %dma_start3A_2014 = tpu.memref_slice %dma_start3A_2011[%dma_start3A_2006, %dma_start3A_2012, %dma_start3A_2013] : memref<32x50x64xf16, #tpu.memory_space<vmem>> -> memref<1x50x64xf16, #tpu.memory_space<vmem>>
        %dma_start3A_2015 = tpu.memref_squeeze %dma_start3A_2014 : memref<1x50x64xf16, #tpu.memory_space<vmem>> -> memref<50x64xf16, #tpu.memory_space<vmem>>
        %dma_start3A_2016 = arith.constant 0 : i32
        %dma_start3A_2017 = arith.constant 0 : i32
        %dma_start3A_2018 = tpu.memref_slice %arg5[%sub3A_1600, %dma_start3A_2016, %dma_start3A_2017] : memref<2x32x50xi32, #tpu.memory_space<vmem>> -> memref<1x32x50xi32, #tpu.memory_space<vmem>>
        %dma_start3A_2019 = tpu.memref_squeeze %dma_start3A_2018 : memref<1x32x50xi32, #tpu.memory_space<vmem>> -> memref<32x50xi32, #tpu.memory_space<vmem>>
        %dma_start3A_2020 = arith.constant 0 : i32
        %dma_start3A_2021 = tpu.memref_slice %dma_start3A_2019[%dma_start3A_2005, %dma_start3A_2020] : memref<32x50xi32, #tpu.memory_space<vmem>> -> memref<1x50xi32, #tpu.memory_space<vmem>>
        %dma_start3A_2022 = tpu.memref_squeeze %dma_start3A_2021 : memref<1x50xi32, #tpu.memory_space<vmem>> -> memref<50xi32, #tpu.memory_space<vmem>>
        %dma_start3A_2023 = arith.constant 0 : i32
        %dma_start3A_2024 = arith.constant 0 : i32
        %dma_start3A_2025 = tpu.memref_slice %arg3[%dma_start3A_2023, %dma_start3A_2024] : memref<1000000x64xf16, #tpu.memory_space<hbm>> -> memref<1000000x64xf16, #tpu.memory_space<hbm>>
        tpu.enqueue_indirect_dma source(%dma_start3A_2025 : memref<1000000x64xf16, #tpu.memory_space<hbm>>) target(%dma_start3A_2015 : memref<50x64xf16, #tpu.memory_space<vmem>>) offsets(%dma_start3A_2022 : memref<50xi32, #tpu.memory_space<vmem>>) semaphore(%arg7 : memref<!tpu.dma_semaphore, #tpu.memory_space<semaphore_mem>>)
        %dma_start3A_2026 = arith.constant 20 : i32
        %dma_start3A_2027 = arith.constant 20 : i32
        %dma_start3A_2028 = arith.constant 0 : i32
        %dma_start3A_2029 = arith.constant 0 : i32
        %dma_start3A_2030 = arith.constant 0 : i32
        %dma_start3A_2031 = tpu.memref_slice %arg6[%sub3A_1600, %dma_start3A_2028, %dma_start3A_2029, %dma_start3A_2030] : memref<2x32x50x64xf16, #tpu.memory_space<vmem>> -> memref<1x32x50x64xf16, #tpu.memory_space<vmem>>
        %dma_start3A_2032 = tpu.memref_squeeze %dma_start3A_2031 : memref<1x32x50x64xf16, #tpu.memory_space<vmem>> -> memref<32x50x64xf16, #tpu.memory_space<vmem>>
        %dma_start3A_2033 = arith.constant 0 : i32
        %dma_start3A_2034 = arith.constant 0 : i32
        %dma_start3A_2035 = tpu.memref_slice %dma_start3A_2032[%dma_start3A_2027, %dma_start3A_2033, %dma_start3A_2034] : memref<32x50x64xf16, #tpu.memory_space<vmem>> -> memref<1x50x64xf16, #tpu.memory_space<vmem>>
        %dma_start3A_2036 = tpu.memref_squeeze %dma_start3A_2035 : memref<1x50x64xf16, #tpu.memory_space<vmem>> -> memref<50x64xf16, #tpu.memory_space<vmem>>
        %dma_start3A_2037 = arith.constant 0 : i32
        %dma_start3A_2038 = arith.constant 0 : i32
        %dma_start3A_2039 = tpu.memref_slice %arg5[%sub3A_1600, %dma_start3A_2037, %dma_start3A_2038] : memref<2x32x50xi32, #tpu.memory_space<vmem>> -> memref<1x32x50xi32, #tpu.memory_space<vmem>>
        %dma_start3A_2040 = tpu.memref_squeeze %dma_start3A_2039 : memref<1x32x50xi32, #tpu.memory_space<vmem>> -> memref<32x50xi32, #tpu.memory_space<vmem>>
        %dma_start3A_2041 = arith.constant 0 : i32
        %dma_start3A_2042 = tpu.memref_slice %dma_start3A_2040[%dma_start3A_2026, %dma_start3A_2041] : memref<32x50xi32, #tpu.memory_space<vmem>> -> memref<1x50xi32, #tpu.memory_space<vmem>>
        %dma_start3A_2043 = tpu.memref_squeeze %dma_start3A_2042 : memref<1x50xi32, #tpu.memory_space<vmem>> -> memref<50xi32, #tpu.memory_space<vmem>>
        %dma_start3A_2044 = arith.constant 0 : i32
        %dma_start3A_2045 = arith.constant 0 : i32
        %dma_start3A_2046 = tpu.memref_slice %arg3[%dma_start3A_2044, %dma_start3A_2045] : memref<1000000x64xf16, #tpu.memory_space<hbm>> -> memref<1000000x64xf16, #tpu.memory_space<hbm>>
        tpu.enqueue_indirect_dma source(%dma_start3A_2046 : memref<1000000x64xf16, #tpu.memory_space<hbm>>) target(%dma_start3A_2036 : memref<50x64xf16, #tpu.memory_space<vmem>>) offsets(%dma_start3A_2043 : memref<50xi32, #tpu.memory_space<vmem>>) semaphore(%arg7 : memref<!tpu.dma_semaphore, #tpu.memory_space<semaphore_mem>>)
        %dma_start3A_2047 = arith.constant 21 : i32
        %dma_start3A_2048 = arith.constant 21 : i32
        %dma_start3A_2049 = arith.constant 0 : i32
        %dma_start3A_2050 = arith.constant 0 : i32
        %dma_start3A_2051 = arith.constant 0 : i32
        %dma_start3A_2052 = tpu.memref_slice %arg6[%sub3A_1600, %dma_start3A_2049, %dma_start3A_2050, %dma_start3A_2051] : memref<2x32x50x64xf16, #tpu.memory_space<vmem>> -> memref<1x32x50x64xf16, #tpu.memory_space<vmem>>
        %dma_start3A_2053 = tpu.memref_squeeze %dma_start3A_2052 : memref<1x32x50x64xf16, #tpu.memory_space<vmem>> -> memref<32x50x64xf16, #tpu.memory_space<vmem>>
        %dma_start3A_2054 = arith.constant 0 : i32
        %dma_start3A_2055 = arith.constant 0 : i32
        %dma_start3A_2056 = tpu.memref_slice %dma_start3A_2053[%dma_start3A_2048, %dma_start3A_2054, %dma_start3A_2055] : memref<32x50x64xf16, #tpu.memory_space<vmem>> -> memref<1x50x64xf16, #tpu.memory_space<vmem>>
        %dma_start3A_2057 = tpu.memref_squeeze %dma_start3A_2056 : memref<1x50x64xf16, #tpu.memory_space<vmem>> -> memref<50x64xf16, #tpu.memory_space<vmem>>
        %dma_start3A_2058 = arith.constant 0 : i32
        %dma_start3A_2059 = arith.constant 0 : i32
        %dma_start3A_2060 = tpu.memref_slice %arg5[%sub3A_1600, %dma_start3A_2058, %dma_start3A_2059] : memref<2x32x50xi32, #tpu.memory_space<vmem>> -> memref<1x32x50xi32, #tpu.memory_space<vmem>>
        %dma_start3A_2061 = tpu.memref_squeeze %dma_start3A_2060 : memref<1x32x50xi32, #tpu.memory_space<vmem>> -> memref<32x50xi32, #tpu.memory_space<vmem>>
        %dma_start3A_2062 = arith.constant 0 : i32
        %dma_start3A_2063 = tpu.memref_slice %dma_start3A_2061[%dma_start3A_2047, %dma_start3A_2062] : memref<32x50xi32, #tpu.memory_space<vmem>> -> memref<1x50xi32, #tpu.memory_space<vmem>>
        %dma_start3A_2064 = tpu.memref_squeeze %dma_start3A_2063 : memref<1x50xi32, #tpu.memory_space<vmem>> -> memref<50xi32, #tpu.memory_space<vmem>>
        %dma_start3A_2065 = arith.constant 0 : i32
        %dma_start3A_2066 = arith.constant 0 : i32
        %dma_start3A_2067 = tpu.memref_slice %arg3[%dma_start3A_2065, %dma_start3A_2066] : memref<1000000x64xf16, #tpu.memory_space<hbm>> -> memref<1000000x64xf16, #tpu.memory_space<hbm>>
        tpu.enqueue_indirect_dma source(%dma_start3A_2067 : memref<1000000x64xf16, #tpu.memory_space<hbm>>) target(%dma_start3A_2057 : memref<50x64xf16, #tpu.memory_space<vmem>>) offsets(%dma_start3A_2064 : memref<50xi32, #tpu.memory_space<vmem>>) semaphore(%arg7 : memref<!tpu.dma_semaphore, #tpu.memory_space<semaphore_mem>>)
        %dma_start3A_2068 = arith.constant 22 : i32
        %dma_start3A_2069 = arith.constant 22 : i32
        %dma_start3A_2070 = arith.constant 0 : i32
        %dma_start3A_2071 = arith.constant 0 : i32
        %dma_start3A_2072 = arith.constant 0 : i32
        %dma_start3A_2073 = tpu.memref_slice %arg6[%sub3A_1600, %dma_start3A_2070, %dma_start3A_2071, %dma_start3A_2072] : memref<2x32x50x64xf16, #tpu.memory_space<vmem>> -> memref<1x32x50x64xf16, #tpu.memory_space<vmem>>
        %dma_start3A_2074 = tpu.memref_squeeze %dma_start3A_2073 : memref<1x32x50x64xf16, #tpu.memory_space<vmem>> -> memref<32x50x64xf16, #tpu.memory_space<vmem>>
        %dma_start3A_2075 = arith.constant 0 : i32
        %dma_start3A_2076 = arith.constant 0 : i32
        %dma_start3A_2077 = tpu.memref_slice %dma_start3A_2074[%dma_start3A_2069, %dma_start3A_2075, %dma_start3A_2076] : memref<32x50x64xf16, #tpu.memory_space<vmem>> -> memref<1x50x64xf16, #tpu.memory_space<vmem>>
        %dma_start3A_2078 = tpu.memref_squeeze %dma_start3A_2077 : memref<1x50x64xf16, #tpu.memory_space<vmem>> -> memref<50x64xf16, #tpu.memory_space<vmem>>
        %dma_start3A_2079 = arith.constant 0 : i32
        %dma_start3A_2080 = arith.constant 0 : i32
        %dma_start3A_2081 = tpu.memref_slice %arg5[%sub3A_1600, %dma_start3A_2079, %dma_start3A_2080] : memref<2x32x50xi32, #tpu.memory_space<vmem>> -> memref<1x32x50xi32, #tpu.memory_space<vmem>>
        %dma_start3A_2082 = tpu.memref_squeeze %dma_start3A_2081 : memref<1x32x50xi32, #tpu.memory_space<vmem>> -> memref<32x50xi32, #tpu.memory_space<vmem>>
        %dma_start3A_2083 = arith.constant 0 : i32
        %dma_start3A_2084 = tpu.memref_slice %dma_start3A_2082[%dma_start3A_2068, %dma_start3A_2083] : memref<32x50xi32, #tpu.memory_space<vmem>> -> memref<1x50xi32, #tpu.memory_space<vmem>>
        %dma_start3A_2085 = tpu.memref_squeeze %dma_start3A_2084 : memref<1x50xi32, #tpu.memory_space<vmem>> -> memref<50xi32, #tpu.memory_space<vmem>>
        %dma_start3A_2086 = arith.constant 0 : i32
        %dma_start3A_2087 = arith.constant 0 : i32
        %dma_start3A_2088 = tpu.memref_slice %arg3[%dma_start3A_2086, %dma_start3A_2087] : memref<1000000x64xf16, #tpu.memory_space<hbm>> -> memref<1000000x64xf16, #tpu.memory_space<hbm>>
        tpu.enqueue_indirect_dma source(%dma_start3A_2088 : memref<1000000x64xf16, #tpu.memory_space<hbm>>) target(%dma_start3A_2078 : memref<50x64xf16, #tpu.memory_space<vmem>>) offsets(%dma_start3A_2085 : memref<50xi32, #tpu.memory_space<vmem>>) semaphore(%arg7 : memref<!tpu.dma_semaphore, #tpu.memory_space<semaphore_mem>>)
        %dma_start3A_2089 = arith.constant 23 : i32
        %dma_start3A_2090 = arith.constant 23 : i32
        %dma_start3A_2091 = arith.constant 0 : i32
        %dma_start3A_2092 = arith.constant 0 : i32
        %dma_start3A_2093 = arith.constant 0 : i32
        %dma_start3A_2094 = tpu.memref_slice %arg6[%sub3A_1600, %dma_start3A_2091, %dma_start3A_2092, %dma_start3A_2093] : memref<2x32x50x64xf16, #tpu.memory_space<vmem>> -> memref<1x32x50x64xf16, #tpu.memory_space<vmem>>
        %dma_start3A_2095 = tpu.memref_squeeze %dma_start3A_2094 : memref<1x32x50x64xf16, #tpu.memory_space<vmem>> -> memref<32x50x64xf16, #tpu.memory_space<vmem>>
        %dma_start3A_2096 = arith.constant 0 : i32
        %dma_start3A_2097 = arith.constant 0 : i32
        %dma_start3A_2098 = tpu.memref_slice %dma_start3A_2095[%dma_start3A_2090, %dma_start3A_2096, %dma_start3A_2097] : memref<32x50x64xf16, #tpu.memory_space<vmem>> -> memref<1x50x64xf16, #tpu.memory_space<vmem>>
        %dma_start3A_2099 = tpu.memref_squeeze %dma_start3A_2098 : memref<1x50x64xf16, #tpu.memory_space<vmem>> -> memref<50x64xf16, #tpu.memory_space<vmem>>
        %dma_start3A_2100 = arith.constant 0 : i32
        %dma_start3A_2101 = arith.constant 0 : i32
        %dma_start3A_2102 = tpu.memref_slice %arg5[%sub3A_1600, %dma_start3A_2100, %dma_start3A_2101] : memref<2x32x50xi32, #tpu.memory_space<vmem>> -> memref<1x32x50xi32, #tpu.memory_space<vmem>>
        %dma_start3A_2103 = tpu.memref_squeeze %dma_start3A_2102 : memref<1x32x50xi32, #tpu.memory_space<vmem>> -> memref<32x50xi32, #tpu.memory_space<vmem>>
        %dma_start3A_2104 = arith.constant 0 : i32
        %dma_start3A_2105 = tpu.memref_slice %dma_start3A_2103[%dma_start3A_2089, %dma_start3A_2104] : memref<32x50xi32, #tpu.memory_space<vmem>> -> memref<1x50xi32, #tpu.memory_space<vmem>>
        %dma_start3A_2106 = tpu.memref_squeeze %dma_start3A_2105 : memref<1x50xi32, #tpu.memory_space<vmem>> -> memref<50xi32, #tpu.memory_space<vmem>>
        %dma_start3A_2107 = arith.constant 0 : i32
        %dma_start3A_2108 = arith.constant 0 : i32
        %dma_start3A_2109 = tpu.memref_slice %arg3[%dma_start3A_2107, %dma_start3A_2108] : memref<1000000x64xf16, #tpu.memory_space<hbm>> -> memref<1000000x64xf16, #tpu.memory_space<hbm>>
        tpu.enqueue_indirect_dma source(%dma_start3A_2109 : memref<1000000x64xf16, #tpu.memory_space<hbm>>) target(%dma_start3A_2099 : memref<50x64xf16, #tpu.memory_space<vmem>>) offsets(%dma_start3A_2106 : memref<50xi32, #tpu.memory_space<vmem>>) semaphore(%arg7 : memref<!tpu.dma_semaphore, #tpu.memory_space<semaphore_mem>>)
        %dma_start3A_2110 = arith.constant 24 : i32
        %dma_start3A_2111 = arith.constant 24 : i32
        %dma_start3A_2112 = arith.constant 0 : i32
        %dma_start3A_2113 = arith.constant 0 : i32
        %dma_start3A_2114 = arith.constant 0 : i32
        %dma_start3A_2115 = tpu.memref_slice %arg6[%sub3A_1600, %dma_start3A_2112, %dma_start3A_2113, %dma_start3A_2114] : memref<2x32x50x64xf16, #tpu.memory_space<vmem>> -> memref<1x32x50x64xf16, #tpu.memory_space<vmem>>
        %dma_start3A_2116 = tpu.memref_squeeze %dma_start3A_2115 : memref<1x32x50x64xf16, #tpu.memory_space<vmem>> -> memref<32x50x64xf16, #tpu.memory_space<vmem>>
        %dma_start3A_2117 = arith.constant 0 : i32
        %dma_start3A_2118 = arith.constant 0 : i32
        %dma_start3A_2119 = tpu.memref_slice %dma_start3A_2116[%dma_start3A_2111, %dma_start3A_2117, %dma_start3A_2118] : memref<32x50x64xf16, #tpu.memory_space<vmem>> -> memref<1x50x64xf16, #tpu.memory_space<vmem>>
        %dma_start3A_2120 = tpu.memref_squeeze %dma_start3A_2119 : memref<1x50x64xf16, #tpu.memory_space<vmem>> -> memref<50x64xf16, #tpu.memory_space<vmem>>
        %dma_start3A_2121 = arith.constant 0 : i32
        %dma_start3A_2122 = arith.constant 0 : i32
        %dma_start3A_2123 = tpu.memref_slice %arg5[%sub3A_1600, %dma_start3A_2121, %dma_start3A_2122] : memref<2x32x50xi32, #tpu.memory_space<vmem>> -> memref<1x32x50xi32, #tpu.memory_space<vmem>>
        %dma_start3A_2124 = tpu.memref_squeeze %dma_start3A_2123 : memref<1x32x50xi32, #tpu.memory_space<vmem>> -> memref<32x50xi32, #tpu.memory_space<vmem>>
        %dma_start3A_2125 = arith.constant 0 : i32
        %dma_start3A_2126 = tpu.memref_slice %dma_start3A_2124[%dma_start3A_2110, %dma_start3A_2125] : memref<32x50xi32, #tpu.memory_space<vmem>> -> memref<1x50xi32, #tpu.memory_space<vmem>>
        %dma_start3A_2127 = tpu.memref_squeeze %dma_start3A_2126 : memref<1x50xi32, #tpu.memory_space<vmem>> -> memref<50xi32, #tpu.memory_space<vmem>>
        %dma_start3A_2128 = arith.constant 0 : i32
        %dma_start3A_2129 = arith.constant 0 : i32
        %dma_start3A_2130 = tpu.memref_slice %arg3[%dma_start3A_2128, %dma_start3A_2129] : memref<1000000x64xf16, #tpu.memory_space<hbm>> -> memref<1000000x64xf16, #tpu.memory_space<hbm>>
        tpu.enqueue_indirect_dma source(%dma_start3A_2130 : memref<1000000x64xf16, #tpu.memory_space<hbm>>) target(%dma_start3A_2120 : memref<50x64xf16, #tpu.memory_space<vmem>>) offsets(%dma_start3A_2127 : memref<50xi32, #tpu.memory_space<vmem>>) semaphore(%arg7 : memref<!tpu.dma_semaphore, #tpu.memory_space<semaphore_mem>>)
        %dma_start3A_2131 = arith.constant 25 : i32
        %dma_start3A_2132 = arith.constant 25 : i32
        %dma_start3A_2133 = arith.constant 0 : i32
        %dma_start3A_2134 = arith.constant 0 : i32
        %dma_start3A_2135 = arith.constant 0 : i32
        %dma_start3A_2136 = tpu.memref_slice %arg6[%sub3A_1600, %dma_start3A_2133, %dma_start3A_2134, %dma_start3A_2135] : memref<2x32x50x64xf16, #tpu.memory_space<vmem>> -> memref<1x32x50x64xf16, #tpu.memory_space<vmem>>
        %dma_start3A_2137 = tpu.memref_squeeze %dma_start3A_2136 : memref<1x32x50x64xf16, #tpu.memory_space<vmem>> -> memref<32x50x64xf16, #tpu.memory_space<vmem>>
        %dma_start3A_2138 = arith.constant 0 : i32
        %dma_start3A_2139 = arith.constant 0 : i32
        %dma_start3A_2140 = tpu.memref_slice %dma_start3A_2137[%dma_start3A_2132, %dma_start3A_2138, %dma_start3A_2139] : memref<32x50x64xf16, #tpu.memory_space<vmem>> -> memref<1x50x64xf16, #tpu.memory_space<vmem>>
        %dma_start3A_2141 = tpu.memref_squeeze %dma_start3A_2140 : memref<1x50x64xf16, #tpu.memory_space<vmem>> -> memref<50x64xf16, #tpu.memory_space<vmem>>
        %dma_start3A_2142 = arith.constant 0 : i32
        %dma_start3A_2143 = arith.constant 0 : i32
        %dma_start3A_2144 = tpu.memref_slice %arg5[%sub3A_1600, %dma_start3A_2142, %dma_start3A_2143] : memref<2x32x50xi32, #tpu.memory_space<vmem>> -> memref<1x32x50xi32, #tpu.memory_space<vmem>>
        %dma_start3A_2145 = tpu.memref_squeeze %dma_start3A_2144 : memref<1x32x50xi32, #tpu.memory_space<vmem>> -> memref<32x50xi32, #tpu.memory_space<vmem>>
        %dma_start3A_2146 = arith.constant 0 : i32
        %dma_start3A_2147 = tpu.memref_slice %dma_start3A_2145[%dma_start3A_2131, %dma_start3A_2146] : memref<32x50xi32, #tpu.memory_space<vmem>> -> memref<1x50xi32, #tpu.memory_space<vmem>>
        %dma_start3A_2148 = tpu.memref_squeeze %dma_start3A_2147 : memref<1x50xi32, #tpu.memory_space<vmem>> -> memref<50xi32, #tpu.memory_space<vmem>>
        %dma_start3A_2149 = arith.constant 0 : i32
        %dma_start3A_2150 = arith.constant 0 : i32
        %dma_start3A_2151 = tpu.memref_slice %arg3[%dma_start3A_2149, %dma_start3A_2150] : memref<1000000x64xf16, #tpu.memory_space<hbm>> -> memref<1000000x64xf16, #tpu.memory_space<hbm>>
        tpu.enqueue_indirect_dma source(%dma_start3A_2151 : memref<1000000x64xf16, #tpu.memory_space<hbm>>) target(%dma_start3A_2141 : memref<50x64xf16, #tpu.memory_space<vmem>>) offsets(%dma_start3A_2148 : memref<50xi32, #tpu.memory_space<vmem>>) semaphore(%arg7 : memref<!tpu.dma_semaphore, #tpu.memory_space<semaphore_mem>>)
        %dma_start3A_2152 = arith.constant 26 : i32
        %dma_start3A_2153 = arith.constant 26 : i32
        %dma_start3A_2154 = arith.constant 0 : i32
        %dma_start3A_2155 = arith.constant 0 : i32
        %dma_start3A_2156 = arith.constant 0 : i32
        %dma_start3A_2157 = tpu.memref_slice %arg6[%sub3A_1600, %dma_start3A_2154, %dma_start3A_2155, %dma_start3A_2156] : memref<2x32x50x64xf16, #tpu.memory_space<vmem>> -> memref<1x32x50x64xf16, #tpu.memory_space<vmem>>
        %dma_start3A_2158 = tpu.memref_squeeze %dma_start3A_2157 : memref<1x32x50x64xf16, #tpu.memory_space<vmem>> -> memref<32x50x64xf16, #tpu.memory_space<vmem>>
        %dma_start3A_2159 = arith.constant 0 : i32
        %dma_start3A_2160 = arith.constant 0 : i32
        %dma_start3A_2161 = tpu.memref_slice %dma_start3A_2158[%dma_start3A_2153, %dma_start3A_2159, %dma_start3A_2160] : memref<32x50x64xf16, #tpu.memory_space<vmem>> -> memref<1x50x64xf16, #tpu.memory_space<vmem>>
        %dma_start3A_2162 = tpu.memref_squeeze %dma_start3A_2161 : memref<1x50x64xf16, #tpu.memory_space<vmem>> -> memref<50x64xf16, #tpu.memory_space<vmem>>
        %dma_start3A_2163 = arith.constant 0 : i32
        %dma_start3A_2164 = arith.constant 0 : i32
        %dma_start3A_2165 = tpu.memref_slice %arg5[%sub3A_1600, %dma_start3A_2163, %dma_start3A_2164] : memref<2x32x50xi32, #tpu.memory_space<vmem>> -> memref<1x32x50xi32, #tpu.memory_space<vmem>>
        %dma_start3A_2166 = tpu.memref_squeeze %dma_start3A_2165 : memref<1x32x50xi32, #tpu.memory_space<vmem>> -> memref<32x50xi32, #tpu.memory_space<vmem>>
        %dma_start3A_2167 = arith.constant 0 : i32
        %dma_start3A_2168 = tpu.memref_slice %dma_start3A_2166[%dma_start3A_2152, %dma_start3A_2167] : memref<32x50xi32, #tpu.memory_space<vmem>> -> memref<1x50xi32, #tpu.memory_space<vmem>>
        %dma_start3A_2169 = tpu.memref_squeeze %dma_start3A_2168 : memref<1x50xi32, #tpu.memory_space<vmem>> -> memref<50xi32, #tpu.memory_space<vmem>>
        %dma_start3A_2170 = arith.constant 0 : i32
        %dma_start3A_2171 = arith.constant 0 : i32
        %dma_start3A_2172 = tpu.memref_slice %arg3[%dma_start3A_2170, %dma_start3A_2171] : memref<1000000x64xf16, #tpu.memory_space<hbm>> -> memref<1000000x64xf16, #tpu.memory_space<hbm>>
        tpu.enqueue_indirect_dma source(%dma_start3A_2172 : memref<1000000x64xf16, #tpu.memory_space<hbm>>) target(%dma_start3A_2162 : memref<50x64xf16, #tpu.memory_space<vmem>>) offsets(%dma_start3A_2169 : memref<50xi32, #tpu.memory_space<vmem>>) semaphore(%arg7 : memref<!tpu.dma_semaphore, #tpu.memory_space<semaphore_mem>>)
        %dma_start3A_2173 = arith.constant 27 : i32
        %dma_start3A_2174 = arith.constant 27 : i32
        %dma_start3A_2175 = arith.constant 0 : i32
        %dma_start3A_2176 = arith.constant 0 : i32
        %dma_start3A_2177 = arith.constant 0 : i32
        %dma_start3A_2178 = tpu.memref_slice %arg6[%sub3A_1600, %dma_start3A_2175, %dma_start3A_2176, %dma_start3A_2177] : memref<2x32x50x64xf16, #tpu.memory_space<vmem>> -> memref<1x32x50x64xf16, #tpu.memory_space<vmem>>
        %dma_start3A_2179 = tpu.memref_squeeze %dma_start3A_2178 : memref<1x32x50x64xf16, #tpu.memory_space<vmem>> -> memref<32x50x64xf16, #tpu.memory_space<vmem>>
        %dma_start3A_2180 = arith.constant 0 : i32
        %dma_start3A_2181 = arith.constant 0 : i32
        %dma_start3A_2182 = tpu.memref_slice %dma_start3A_2179[%dma_start3A_2174, %dma_start3A_2180, %dma_start3A_2181] : memref<32x50x64xf16, #tpu.memory_space<vmem>> -> memref<1x50x64xf16, #tpu.memory_space<vmem>>
        %dma_start3A_2183 = tpu.memref_squeeze %dma_start3A_2182 : memref<1x50x64xf16, #tpu.memory_space<vmem>> -> memref<50x64xf16, #tpu.memory_space<vmem>>
        %dma_start3A_2184 = arith.constant 0 : i32
        %dma_start3A_2185 = arith.constant 0 : i32
        %dma_start3A_2186 = tpu.memref_slice %arg5[%sub3A_1600, %dma_start3A_2184, %dma_start3A_2185] : memref<2x32x50xi32, #tpu.memory_space<vmem>> -> memref<1x32x50xi32, #tpu.memory_space<vmem>>
        %dma_start3A_2187 = tpu.memref_squeeze %dma_start3A_2186 : memref<1x32x50xi32, #tpu.memory_space<vmem>> -> memref<32x50xi32, #tpu.memory_space<vmem>>
        %dma_start3A_2188 = arith.constant 0 : i32
        %dma_start3A_2189 = tpu.memref_slice %dma_start3A_2187[%dma_start3A_2173, %dma_start3A_2188] : memref<32x50xi32, #tpu.memory_space<vmem>> -> memref<1x50xi32, #tpu.memory_space<vmem>>
        %dma_start3A_2190 = tpu.memref_squeeze %dma_start3A_2189 : memref<1x50xi32, #tpu.memory_space<vmem>> -> memref<50xi32, #tpu.memory_space<vmem>>
        %dma_start3A_2191 = arith.constant 0 : i32
        %dma_start3A_2192 = arith.constant 0 : i32
        %dma_start3A_2193 = tpu.memref_slice %arg3[%dma_start3A_2191, %dma_start3A_2192] : memref<1000000x64xf16, #tpu.memory_space<hbm>> -> memref<1000000x64xf16, #tpu.memory_space<hbm>>
        tpu.enqueue_indirect_dma source(%dma_start3A_2193 : memref<1000000x64xf16, #tpu.memory_space<hbm>>) target(%dma_start3A_2183 : memref<50x64xf16, #tpu.memory_space<vmem>>) offsets(%dma_start3A_2190 : memref<50xi32, #tpu.memory_space<vmem>>) semaphore(%arg7 : memref<!tpu.dma_semaphore, #tpu.memory_space<semaphore_mem>>)
        %dma_start3A_2194 = arith.constant 28 : i32
        %dma_start3A_2195 = arith.constant 28 : i32
        %dma_start3A_2196 = arith.constant 0 : i32
        %dma_start3A_2197 = arith.constant 0 : i32
        %dma_start3A_2198 = arith.constant 0 : i32
        %dma_start3A_2199 = tpu.memref_slice %arg6[%sub3A_1600, %dma_start3A_2196, %dma_start3A_2197, %dma_start3A_2198] : memref<2x32x50x64xf16, #tpu.memory_space<vmem>> -> memref<1x32x50x64xf16, #tpu.memory_space<vmem>>
        %dma_start3A_2200 = tpu.memref_squeeze %dma_start3A_2199 : memref<1x32x50x64xf16, #tpu.memory_space<vmem>> -> memref<32x50x64xf16, #tpu.memory_space<vmem>>
        %dma_start3A_2201 = arith.constant 0 : i32
        %dma_start3A_2202 = arith.constant 0 : i32
        %dma_start3A_2203 = tpu.memref_slice %dma_start3A_2200[%dma_start3A_2195, %dma_start3A_2201, %dma_start3A_2202] : memref<32x50x64xf16, #tpu.memory_space<vmem>> -> memref<1x50x64xf16, #tpu.memory_space<vmem>>
        %dma_start3A_2204 = tpu.memref_squeeze %dma_start3A_2203 : memref<1x50x64xf16, #tpu.memory_space<vmem>> -> memref<50x64xf16, #tpu.memory_space<vmem>>
        %dma_start3A_2205 = arith.constant 0 : i32
        %dma_start3A_2206 = arith.constant 0 : i32
        %dma_start3A_2207 = tpu.memref_slice %arg5[%sub3A_1600, %dma_start3A_2205, %dma_start3A_2206] : memref<2x32x50xi32, #tpu.memory_space<vmem>> -> memref<1x32x50xi32, #tpu.memory_space<vmem>>
        %dma_start3A_2208 = tpu.memref_squeeze %dma_start3A_2207 : memref<1x32x50xi32, #tpu.memory_space<vmem>> -> memref<32x50xi32, #tpu.memory_space<vmem>>
        %dma_start3A_2209 = arith.constant 0 : i32
        %dma_start3A_2210 = tpu.memref_slice %dma_start3A_2208[%dma_start3A_2194, %dma_start3A_2209] : memref<32x50xi32, #tpu.memory_space<vmem>> -> memref<1x50xi32, #tpu.memory_space<vmem>>
        %dma_start3A_2211 = tpu.memref_squeeze %dma_start3A_2210 : memref<1x50xi32, #tpu.memory_space<vmem>> -> memref<50xi32, #tpu.memory_space<vmem>>
        %dma_start3A_2212 = arith.constant 0 : i32
        %dma_start3A_2213 = arith.constant 0 : i32
        %dma_start3A_2214 = tpu.memref_slice %arg3[%dma_start3A_2212, %dma_start3A_2213] : memref<1000000x64xf16, #tpu.memory_space<hbm>> -> memref<1000000x64xf16, #tpu.memory_space<hbm>>
        tpu.enqueue_indirect_dma source(%dma_start3A_2214 : memref<1000000x64xf16, #tpu.memory_space<hbm>>) target(%dma_start3A_2204 : memref<50x64xf16, #tpu.memory_space<vmem>>) offsets(%dma_start3A_2211 : memref<50xi32, #tpu.memory_space<vmem>>) semaphore(%arg7 : memref<!tpu.dma_semaphore, #tpu.memory_space<semaphore_mem>>)
        %dma_start3A_2215 = arith.constant 29 : i32
        %dma_start3A_2216 = arith.constant 29 : i32
        %dma_start3A_2217 = arith.constant 0 : i32
        %dma_start3A_2218 = arith.constant 0 : i32
        %dma_start3A_2219 = arith.constant 0 : i32
        %dma_start3A_2220 = tpu.memref_slice %arg6[%sub3A_1600, %dma_start3A_2217, %dma_start3A_2218, %dma_start3A_2219] : memref<2x32x50x64xf16, #tpu.memory_space<vmem>> -> memref<1x32x50x64xf16, #tpu.memory_space<vmem>>
        %dma_start3A_2221 = tpu.memref_squeeze %dma_start3A_2220 : memref<1x32x50x64xf16, #tpu.memory_space<vmem>> -> memref<32x50x64xf16, #tpu.memory_space<vmem>>
        %dma_start3A_2222 = arith.constant 0 : i32
        %dma_start3A_2223 = arith.constant 0 : i32
        %dma_start3A_2224 = tpu.memref_slice %dma_start3A_2221[%dma_start3A_2216, %dma_start3A_2222, %dma_start3A_2223] : memref<32x50x64xf16, #tpu.memory_space<vmem>> -> memref<1x50x64xf16, #tpu.memory_space<vmem>>
        %dma_start3A_2225 = tpu.memref_squeeze %dma_start3A_2224 : memref<1x50x64xf16, #tpu.memory_space<vmem>> -> memref<50x64xf16, #tpu.memory_space<vmem>>
        %dma_start3A_2226 = arith.constant 0 : i32
        %dma_start3A_2227 = arith.constant 0 : i32
        %dma_start3A_2228 = tpu.memref_slice %arg5[%sub3A_1600, %dma_start3A_2226, %dma_start3A_2227] : memref<2x32x50xi32, #tpu.memory_space<vmem>> -> memref<1x32x50xi32, #tpu.memory_space<vmem>>
        %dma_start3A_2229 = tpu.memref_squeeze %dma_start3A_2228 : memref<1x32x50xi32, #tpu.memory_space<vmem>> -> memref<32x50xi32, #tpu.memory_space<vmem>>
        %dma_start3A_2230 = arith.constant 0 : i32
        %dma_start3A_2231 = tpu.memref_slice %dma_start3A_2229[%dma_start3A_2215, %dma_start3A_2230] : memref<32x50xi32, #tpu.memory_space<vmem>> -> memref<1x50xi32, #tpu.memory_space<vmem>>
        %dma_start3A_2232 = tpu.memref_squeeze %dma_start3A_2231 : memref<1x50xi32, #tpu.memory_space<vmem>> -> memref<50xi32, #tpu.memory_space<vmem>>
        %dma_start3A_2233 = arith.constant 0 : i32
        %dma_start3A_2234 = arith.constant 0 : i32
        %dma_start3A_2235 = tpu.memref_slice %arg3[%dma_start3A_2233, %dma_start3A_2234] : memref<1000000x64xf16, #tpu.memory_space<hbm>> -> memref<1000000x64xf16, #tpu.memory_space<hbm>>
        tpu.enqueue_indirect_dma source(%dma_start3A_2235 : memref<1000000x64xf16, #tpu.memory_space<hbm>>) target(%dma_start3A_2225 : memref<50x64xf16, #tpu.memory_space<vmem>>) offsets(%dma_start3A_2232 : memref<50xi32, #tpu.memory_space<vmem>>) semaphore(%arg7 : memref<!tpu.dma_semaphore, #tpu.memory_space<semaphore_mem>>)
        %dma_start3A_2236 = arith.constant 30 : i32
        %dma_start3A_2237 = arith.constant 30 : i32
        %dma_start3A_2238 = arith.constant 0 : i32
        %dma_start3A_2239 = arith.constant 0 : i32
        %dma_start3A_2240 = arith.constant 0 : i32
        %dma_start3A_2241 = tpu.memref_slice %arg6[%sub3A_1600, %dma_start3A_2238, %dma_start3A_2239, %dma_start3A_2240] : memref<2x32x50x64xf16, #tpu.memory_space<vmem>> -> memref<1x32x50x64xf16, #tpu.memory_space<vmem>>
        %dma_start3A_2242 = tpu.memref_squeeze %dma_start3A_2241 : memref<1x32x50x64xf16, #tpu.memory_space<vmem>> -> memref<32x50x64xf16, #tpu.memory_space<vmem>>
        %dma_start3A_2243 = arith.constant 0 : i32
        %dma_start3A_2244 = arith.constant 0 : i32
        %dma_start3A_2245 = tpu.memref_slice %dma_start3A_2242[%dma_start3A_2237, %dma_start3A_2243, %dma_start3A_2244] : memref<32x50x64xf16, #tpu.memory_space<vmem>> -> memref<1x50x64xf16, #tpu.memory_space<vmem>>
        %dma_start3A_2246 = tpu.memref_squeeze %dma_start3A_2245 : memref<1x50x64xf16, #tpu.memory_space<vmem>> -> memref<50x64xf16, #tpu.memory_space<vmem>>
        %dma_start3A_2247 = arith.constant 0 : i32
        %dma_start3A_2248 = arith.constant 0 : i32
        %dma_start3A_2249 = tpu.memref_slice %arg5[%sub3A_1600, %dma_start3A_2247, %dma_start3A_2248] : memref<2x32x50xi32, #tpu.memory_space<vmem>> -> memref<1x32x50xi32, #tpu.memory_space<vmem>>
        %dma_start3A_2250 = tpu.memref_squeeze %dma_start3A_2249 : memref<1x32x50xi32, #tpu.memory_space<vmem>> -> memref<32x50xi32, #tpu.memory_space<vmem>>
        %dma_start3A_2251 = arith.constant 0 : i32
        %dma_start3A_2252 = tpu.memref_slice %dma_start3A_2250[%dma_start3A_2236, %dma_start3A_2251] : memref<32x50xi32, #tpu.memory_space<vmem>> -> memref<1x50xi32, #tpu.memory_space<vmem>>
        %dma_start3A_2253 = tpu.memref_squeeze %dma_start3A_2252 : memref<1x50xi32, #tpu.memory_space<vmem>> -> memref<50xi32, #tpu.memory_space<vmem>>
        %dma_start3A_2254 = arith.constant 0 : i32
        %dma_start3A_2255 = arith.constant 0 : i32
        %dma_start3A_2256 = tpu.memref_slice %arg3[%dma_start3A_2254, %dma_start3A_2255] : memref<1000000x64xf16, #tpu.memory_space<hbm>> -> memref<1000000x64xf16, #tpu.memory_space<hbm>>
        tpu.enqueue_indirect_dma source(%dma_start3A_2256 : memref<1000000x64xf16, #tpu.memory_space<hbm>>) target(%dma_start3A_2246 : memref<50x64xf16, #tpu.memory_space<vmem>>) offsets(%dma_start3A_2253 : memref<50xi32, #tpu.memory_space<vmem>>) semaphore(%arg7 : memref<!tpu.dma_semaphore, #tpu.memory_space<semaphore_mem>>)
        %dma_start3A_2257 = arith.constant 31 : i32
        %dma_start3A_2258 = arith.constant 31 : i32
        %dma_start3A_2259 = arith.constant 0 : i32
        %dma_start3A_2260 = arith.constant 0 : i32
        %dma_start3A_2261 = arith.constant 0 : i32
        %dma_start3A_2262 = tpu.memref_slice %arg6[%sub3A_1600, %dma_start3A_2259, %dma_start3A_2260, %dma_start3A_2261] : memref<2x32x50x64xf16, #tpu.memory_space<vmem>> -> memref<1x32x50x64xf16, #tpu.memory_space<vmem>>
        %dma_start3A_2263 = tpu.memref_squeeze %dma_start3A_2262 : memref<1x32x50x64xf16, #tpu.memory_space<vmem>> -> memref<32x50x64xf16, #tpu.memory_space<vmem>>
        %dma_start3A_2264 = arith.constant 0 : i32
        %dma_start3A_2265 = arith.constant 0 : i32
        %dma_start3A_2266 = tpu.memref_slice %dma_start3A_2263[%dma_start3A_2258, %dma_start3A_2264, %dma_start3A_2265] : memref<32x50x64xf16, #tpu.memory_space<vmem>> -> memref<1x50x64xf16, #tpu.memory_space<vmem>>
        %dma_start3A_2267 = tpu.memref_squeeze %dma_start3A_2266 : memref<1x50x64xf16, #tpu.memory_space<vmem>> -> memref<50x64xf16, #tpu.memory_space<vmem>>
        %dma_start3A_2268 = arith.constant 0 : i32
        %dma_start3A_2269 = arith.constant 0 : i32
        %dma_start3A_2270 = tpu.memref_slice %arg5[%sub3A_1600, %dma_start3A_2268, %dma_start3A_2269] : memref<2x32x50xi32, #tpu.memory_space<vmem>> -> memref<1x32x50xi32, #tpu.memory_space<vmem>>
        %dma_start3A_2271 = tpu.memref_squeeze %dma_start3A_2270 : memref<1x32x50xi32, #tpu.memory_space<vmem>> -> memref<32x50xi32, #tpu.memory_space<vmem>>
        %dma_start3A_2272 = arith.constant 0 : i32
        %dma_start3A_2273 = tpu.memref_slice %dma_start3A_2271[%dma_start3A_2257, %dma_start3A_2272] : memref<32x50xi32, #tpu.memory_space<vmem>> -> memref<1x50xi32, #tpu.memory_space<vmem>>
        %dma_start3A_2274 = tpu.memref_squeeze %dma_start3A_2273 : memref<1x50xi32, #tpu.memory_space<vmem>> -> memref<50xi32, #tpu.memory_space<vmem>>
        %dma_start3A_2275 = arith.constant 0 : i32
        %dma_start3A_2276 = arith.constant 0 : i32
        %dma_start3A_2277 = tpu.memref_slice %arg3[%dma_start3A_2275, %dma_start3A_2276] : memref<1000000x64xf16, #tpu.memory_space<hbm>> -> memref<1000000x64xf16, #tpu.memory_space<hbm>>
        tpu.enqueue_indirect_dma source(%dma_start3A_2277 : memref<1000000x64xf16, #tpu.memory_space<hbm>>) target(%dma_start3A_2267 : memref<50x64xf16, #tpu.memory_space<vmem>>) offsets(%dma_start3A_2274 : memref<50xi32, #tpu.memory_space<vmem>>) semaphore(%arg7 : memref<!tpu.dma_semaphore, #tpu.memory_space<semaphore_mem>>)
      } else {
      }
      %mul3A_1577 = arith.constant 512 : i32
      %mul3A_1578 = arith.muli %add3A, %mul3A_1577 : i32
      %mul3A_1579 = arith.constant 32 : i32
      %mul3A_1580 = arith.muli %scan3A_766, %mul3A_1579 : i32
      %add3A_1581 = arith.addi %mul3A_1578, %mul3A_1580 : i32
      %dma_start3A_1582 = arith.constant 0 : i32
      %dma_start3A_1583 = arith.constant 0 : i32
      %dma_start3A_1584 = arith.constant 0 : i32
      %dma_start3A_1585 = tpu.memref_slice %arg6[%rem3A_768, %dma_start3A_1582, %dma_start3A_1583, %dma_start3A_1584] : memref<2x32x50x64xf16, #tpu.memory_space<vmem>> -> memref<1x32x50x64xf16, #tpu.memory_space<vmem>>
      %dma_start3A_1586 = tpu.memref_squeeze %dma_start3A_1585 : memref<1x32x50x64xf16, #tpu.memory_space<vmem>> -> memref<32x50x64xf16, #tpu.memory_space<vmem>>
      %dma_start3A_1587 = arith.constant 0 : i32
      %dma_start3A_1588 = arith.constant 0 : i32
      %dma_start3A_1589 = tpu.memref_slice %arg4[%add3A_1581, %dma_start3A_1587, %dma_start3A_1588] : memref<16384x50x64xf16, #tpu.memory_space<hbm>> -> memref<32x50x64xf16, #tpu.memory_space<hbm>>
      %dma_start3A_1590 = arith.constant 0 : i32
      %dma_start3A_1591 = arith.constant 0 : i32
      %dma_start3A_1592 = tpu.memref_slice %arg4[%add3A_1581, %dma_start3A_1590, %dma_start3A_1591] : memref<16384x50x64xf16, #tpu.memory_space<hbm>> -> memref<32x50x64xf16, #tpu.memory_space<hbm>>
      %dma_start3A_1593 = arith.constant 0 : i32
      %dma_start3A_1594 = arith.constant 0 : i32
      %dma_start3A_1595 = arith.constant 0 : i32
      %dma_start3A_1596 = tpu.memref_slice %arg6[%rem3A_768, %dma_start3A_1593, %dma_start3A_1594, %dma_start3A_1595] : memref<2x32x50x64xf16, #tpu.memory_space<vmem>> -> memref<1x32x50x64xf16, #tpu.memory_space<vmem>>
      %dma_start3A_1597 = tpu.memref_squeeze %dma_start3A_1596 : memref<1x32x50x64xf16, #tpu.memory_space<vmem>> -> memref<32x50x64xf16, #tpu.memory_space<vmem>>
      tpu.enqueue_dma source(%dma_start3A_1597 : memref<32x50x64xf16, #tpu.memory_space<vmem>>) target(%dma_start3A_1592 : memref<32x50x64xf16, #tpu.memory_space<hbm>>) target_semaphore(%arg8 : memref<!tpu.dma_semaphore, #tpu.memory_space<semaphore_mem>>)
    }
    %scan3A_744 = arith.constant 16 : i32
    %rem3A = arith.constant 15 : i32
    %rem3A_745 = arith.constant 2 : i32
    %rem3A_746 = arith.remsi %rem3A, %rem3A_745 : i32
    %mul3A_747 = arith.constant 512 : i32
    %mul3A_748 = arith.muli %add3A, %mul3A_747 : i32
    %add3A_749 = arith.constant 480 : i32
    %add3A_750 = arith.addi %mul3A_748, %add3A_749 : i32
    %dma_wait3A = arith.constant 0 : i32
    %dma_wait3A_751 = arith.constant 0 : i32
    %dma_wait3A_752 = arith.constant 0 : i32
    %dma_wait3A_753 = tpu.memref_slice %arg6[%rem3A_746, %dma_wait3A, %dma_wait3A_751, %dma_wait3A_752] : memref<2x32x50x64xf16, #tpu.memory_space<vmem>> -> memref<1x32x50x64xf16, #tpu.memory_space<vmem>>
    %dma_wait3A_754 = tpu.memref_squeeze %dma_wait3A_753 : memref<1x32x50x64xf16, #tpu.memory_space<vmem>> -> memref<32x50x64xf16, #tpu.memory_space<vmem>>
    %dma_wait3A_755 = arith.constant 0 : i32
    %dma_wait3A_756 = arith.constant 0 : i32
    %dma_wait3A_757 = tpu.memref_slice %arg4[%add3A_750, %dma_wait3A_755, %dma_wait3A_756] : memref<16384x50x64xf16, #tpu.memory_space<hbm>> -> memref<32x50x64xf16, #tpu.memory_space<hbm>>
    %dma_wait3A_758 = arith.constant 0 : i32
    %dma_wait3A_759 = arith.constant 0 : i32
    %dma_wait3A_760 = tpu.memref_slice %arg4[%add3A_750, %dma_wait3A_758, %dma_wait3A_759] : memref<16384x50x64xf16, #tpu.memory_space<hbm>> -> memref<32x50x64xf16, #tpu.memory_space<hbm>>
    %dma_wait3A_761 = arith.constant 0 : i32
    %dma_wait3A_762 = arith.constant 0 : i32
    %dma_wait3A_763 = arith.constant 0 : i32
    %dma_wait3A_764 = tpu.memref_slice %arg6[%rem3A_746, %dma_wait3A_761, %dma_wait3A_762, %dma_wait3A_763] : memref<2x32x50x64xf16, #tpu.memory_space<vmem>> -> memref<1x32x50x64xf16, #tpu.memory_space<vmem>>
    %dma_wait3A_765 = tpu.memref_squeeze %dma_wait3A_764 : memref<1x32x50x64xf16, #tpu.memory_space<vmem>> -> memref<32x50x64xf16, #tpu.memory_space<vmem>>
    tpu.wait_dma2 semaphore(%arg8 : memref<!tpu.dma_semaphore, #tpu.memory_space<semaphore_mem>>) src(%dma_wait3A_765 : memref<32x50x64xf16, #tpu.memory_space<vmem>>) dst(%dma_wait3A_760 : memref<32x50x64xf16, #tpu.memory_space<hbm>>)
    return
  }
}

</mosaic_0001>

<sc_bundles>
// kernel: kernel.3.cloned.1.call-start
scs
__scs_entry_jumppad:
0x0: {  	(pc) =	sbr.rel $0x88, $3  }
0x1: {  	(tag) =	ssettag $0x0;
	lr =	simm.s32 $0x1  }
0x2: {  	[smem:$0x3F9F] =	sst lr;
	_ =	strace $0xD0000000  }
0x3: {  	_ = 	snop  }
0x4: {  	_ = 	snop  }
0x5: {  	_ = 	snop  }
0x6: {  	_ = 	snop  }
0x7: {  	_ = 	snop  }
__scs_overlays_trampoline_lowered:
0x8: {  	[smem:$0x3FAE] =	sst s0  }
0x9: {  	[smem:$0x3FAF] =	sst s1  }
0xa: {  	[smem:$0x3FB0] =	sst s2  }
0xb: {  	[smem:$0x3FB1] =	sst s3  }
0xc: {  	[smem:$0x3FB2] =	sst s4  }
0xd: {  	[smem:$0x3FB3] =	sst s5  }
0xe: {  	[smem:$0x3FB4] =	sst s6  }
0xf: {  	[smem:$0x3FB5] =	sst s7  }
0x10: {  	[smem:$0x3FB6] =	sst s8  }
0x11: {  	[smem:$0x3FB7] =	sst s9;
	s0 =	simm.s32 @!p0 $0x0  }
0x12: {  	s1 =	sld [smem:$0x3F9D];
	s0 =	simm.s32 @p0 $0x1  }
0x13: {  	[smem:$0x3FB8] =	sst s0;
	s0 =	simm.s32 @!p1 $0x0  }
0x14: {  	s2 =	sld [smem:$0x3F9C];
	s0 =	simm.s32 @p1 $0x1  }
0x15: {  	[smem:$0x3FB9] =	sst s0;
	s0 =	simm.s32 @!p2 $0x0  }
0x16: {  	s3 =	sld [smem:$0x3FDB];
	s0 =	simm.s32 @p2 $0x1  }
0x17: {  	s4 =	simm.s32 $0x1BF5;
	[smem:$0x3FBB] =	sst s0  }
0x18: {  	s0 =	sld [smem:$0x3F9E];
	_ =	swait.ge [sflag:s4], $0x0  }
0x19: {  	s7 =	sld [smem:$0x3F9F]  }
0x1a: {  	s8 =	sadd.s32 $0xFFFFE003, lr  }
0x1b: {  	s9 =	sadd.s32 $0xFFFFFEF7, lr;
	s5 =	simm.s32 $0xFFFFFFFF;
	p2 =	slt.u32 s8, $0xFFFFF086  }
0x1c: {  	p1 =	slt.u32 s9, $0xF7A;
	s5 =	simm.s32 @!p2 $0x0  }
0x1d: {  	s5 =	simm.s32 @p1 $0x1;
	p0 =	seq.s32 s7, s2  }
0x1e: {  	s7 =	smul.u32 @!p0 $0xF7A, s2;
	p2 =	seq.s32 @!p0 s5, $0x0  }
0x1f: {  	s9 =	smul.u32 $0xF7A, s1;
	s8 =	simm.s32 @!p0 $0x1BF5;
	p2 =	por !p2, p0  }
0x20: {  	[sflag:s8] =	ssyncset.s32 @!p0 $0xFFFFF086;
	s6 =	sadd.s32 @!p0 s3, s7;
	s7 =	simm.s32 @!p0 $0x108  }
0x21: {  	s3 =	sadd.s32 s3, s9;
	s6 =	sadd.s32 @!p0 $0x88, s6;
	s7 =	simm.s32 @p2 $0x1082  }
0x22: {  	[simem:s7], [sflag:s8] =	dma.local @!p0 [hbm:s6], $0xF7A  }
0x23: {  	s9 =	sor.u32 $0xD0000000, s2;
	s6 =	simm.s32 $0x108;
	_ =	swait.ge @!p0 [sflag:s8], $0x0  }
0x24: {  	s3 =	sadd.s32 $0x88, s3;
	s6 =	simm.s32 @!p1 $0x1082;
	[sflag:s4] =	ssyncset.s32 $0xFFFFF086  }
0x25: {  	[simem:s6], [sflag:s4] =	dma.local [hbm:s3], $0xF7A  }
0x26: {  	[smem:$0x3F9F] =	sst s1;
	(tag) =	ssettag s2;
	_ =	strace s9  }
0x27: {  	s1 =	sld [smem:$0x3FAF]  }
0x28: {  	s2 =	sld [smem:$0x3FB0]  }
0x29: {  	s4 =	sld [smem:$0x3FB2]  }
0x2a: {  	p0 =	seq.s32 s5, $0x0;
	s5 =	sld [smem:$0x3FB3]  }
0x2b: {  	s6 =	sld [smem:$0x3FB4]  }
0x2c: {  	s7 =	sld [smem:$0x3FB5]  }
0x2d: {  	s3 =	simm.s32 $0x108;
	s8 =	sld [smem:$0x3FB6]  }
0x2e: {  	s3 =	simm.s32 @!p0 $0x1082;
	s9 =	sld [smem:$0x3FB7]  }
0x2f: {  	lr =	sadd.s32 s0, s3;
	s0 =	sld [smem:$0x3FAE]  }
0x30: {  	s3 =	sld [smem:$0x3FB1]  }
0x31: {  	[smem:$0x3FBA] =	sst s10  }
0x32: {  	s10 =	sld [smem:$0x3FB8];
	_ =	sdelay $0x3  }
0x33: {  	p0 =	seq.s32 s10, $0x1;
	s10 =	sld [smem:$0x3FBA];
	_ =	sdelay $0x3  }
0x34: {  	[smem:$0x3FBA] =	sst s10  }
0x35: {  	s10 =	sld [smem:$0x3FB9];
	_ =	sdelay $0x3  }
0x36: {  	p1 =	seq.s32 s10, $0x1;
	s10 =	sld [smem:$0x3FBA];
	_ =	sdelay $0x3  }
0x37: {  	[smem:$0x3FBA] =	sst s10  }
0x38: {  	s10 =	sld [smem:$0x3FBB]  }
0x39: {  	_ = 	snop;
	(pc) =	sbr.ind lr, $3  }
0x3a: {  	_ = 	snop  }
0x3b: {  	_ = 	snop  }
0x3c: {  	p2 =	seq.s32 s10, $0x1;
	s10 =	sld [smem:$0x3FBA]  }
0x3d: {  	_ =	shalt  }
0x3e: {  	_ =	shalt  }
0x3f: {  	_ =	shalt  }
0x40: {  	_ =	shalt  }
0x41: {  	_ =	shalt  }
0x42: {  	_ =	shalt  }
0x43: {  	_ =	shalt  }
0x44: {  	_ =	shalt  }
0x45: {  	_ =	shalt  }
0x46: {  	_ =	shalt  }
0x47: {  	_ =	shalt  }
0x48: {  	_ =	shalt  }
0x49: {  	_ =	shalt  }
0x4a: {  	_ =	shalt  }
0x4b: {  	_ =	shalt  }
0x4c: {  	_ =	shalt  }
0x4d: {  	_ =	shalt  }
0x4e: {  	_ =	shalt  }
0x4f: {  	_ =	shalt  }
0x50: {  	_ =	shalt  }
0x51: {  	_ =	shalt  }
0x52: {  	_ =	shalt  }
0x53: {  	_ =	shalt  }
0x54: {  	_ =	shalt  }
0x55: {  	_ =	shalt  }
0x56: {  	_ =	shalt  }
0x57: {  	_ =	shalt  }
0x58: {  	_ =	shalt  }
0x59: {  	_ =	shalt  }
0x5a: {  	_ =	shalt  }
0x5b: {  	_ =	shalt  }
0x5c: {  	_ =	shalt  }
0x5d: {  	_ =	shalt  }
0x5e: {  	_ =	shalt  }
0x5f: {  	_ =	shalt  }
0x60: {  	_ =	shalt  }
0x61: {  	_ =	shalt  }
0x62: {  	_ =	shalt  }
0x63: {  	_ =	shalt  }
0x64: {  	_ =	shalt  }
0x65: {  	_ =	shalt  }
0x66: {  	_ =	shalt  }
0x67: {  	_ =	shalt  }
0x68: {  	_ =	shalt  }
0x69: {  	_ =	shalt  }
0x6a: {  	_ =	shalt  }
0x6b: {  	_ =	shalt  }
0x6c: {  	_ =	shalt  }
0x6d: {  	_ =	shalt  }
0x6e: {  	_ =	shalt  }
0x6f: {  	_ =	shalt  }
0x70: {  	_ =	shalt  }
0x71: {  	_ =	shalt  }
0x72: {  	_ =	shalt  }
0x73: {  	_ =	shalt  }
0x74: {  	_ =	shalt  }
0x75: {  	_ =	shalt  }
0x76: {  	_ =	shalt  }
0x77: {  	_ =	shalt  }
0x78: {  	_ =	shalt  }
0x79: {  	_ =	shalt  }
0x7a: {  	_ =	shalt  }
0x7b: {  	_ =	shalt  }
0x7c: {  	_ =	shalt  }
0x7d: {  	_ =	shalt  }
0x7e: {  	_ =	shalt  }
0x7f: {  	_ =	shalt  }
0x80: {  	_ =	shalt  }
0x81: {  	_ =	shalt  }
0x82: {  	_ =	shalt  }
0x83: {  	_ =	shalt  }
0x84: {  	_ =	shalt  }
0x85: {  	_ =	shalt  }
0x86: {  	_ =	shalt  }
0x87: {  	_ =	shalt  }
.Lfunc_end0:
.L_simem_size_0:
called_computation.2_lowered:
.L_overlay_start_0:
0x88: {  	s2 =	sld [smem:$0x3FD9]  }
0x89: {  	s3 =	sld [smem:$0x3FFE];
	_ =	sdelay $0x1  }
0x8a: {  	s1 =	srdreg.scid  }
0x8b: {  	s0 =	sand.u32 $0x1, s1  }
0x8c: {  	s17 =	sshll.u32 s0, $0xA;
	s2 =	sadd.s32 s3, s2  }
0x8d: {  	s2 =	sadd.s32 s2, s17  }
0x8e: {  	[smem:$0x3FC6] =	sst s2  }
0x8f: {  	_ = 	snop  }
0x90: {  	s2 =	sld [smem:$0x3FD0];
	(tm) =	ssettm $0x1  }
0x91: {  	s18 =	sld [smem:$0x3FFB];
	_ =	sdelay $0x3  }
0x92: {  	_ =	strace s18  }
0x93: {  	s3 =	sld [smem:$0x3FFC];
	_ =	sdelay $0x3  }
0x94: {  	_ =	strace s3  }
0x95: {  	s3 =	sld [smem:$0x3FFD];
	_ =	sdelay $0x3  }
0x96: {  	_ =	strace s3  }
0x97: {  	_ =	strace $0x8FFFFFFF  }
0x98: {  	s19 =	sld [smem:$0x3FDB];
	_ =	sdelay $0x1  }
0x99: {  	s4 =	simm.s32 $_scs_section_size  }
0x9a: {  	s5 =	simm.s32 $_size__tile_overlayer_lowered;
	s6 =	simm.s32 $_tile_overlayer_lowered  }
0x9b: {  	s22 =	simm.s32 $0x1BFF;
	s21 =	sshll.u32 s6, $0x1;
	s3 =	sadd.s32 s4, s19  }
0x9c: {  	s7 =	simm.s32 $0x0;
	s20 =	sshll.u32 s5, $0x1;
	s5 =	sadd.s32 s21, s3  }
0x9d: {  	[timem:s7], [sflag:s22] =	dma.local [hbm:s5], s20  }
0x9e: {  	_ =	swait.ge [sflag:s22], s20  }
0x9f: {  	s4 =	ssub.s32 $0x0, s20;
	[sflag:s22] =	ssyncset.done $0x0  }
0xa0: {  	[sflag:s22] =	ssyncadd.s32 s4;
	_ =	sdelay $0x1  }
0xa1: {  	s23 =	simm.s32 $0x1B8B  }
0xa2: {  	_ =	swait.ge [sflag:s23], $0x1  }
0xa3: {  	[sflag:s23] =	ssyncset.done $0x0  }
0xa4: {  	s25 =	simm.s32 $0x1B8E;
	s24 =	sld [smem:$0x3FFE];
	[sflag:s23] =	ssyncadd.s32 $0xFFFFFFFF  }
0xa5: {  	s26 =	simm.s32 $execute0_lowered;
	[smem:$0x3FD2] =	sst s25  }
0xa6: {  	s5 =	sshll.u32 s26, $0x1;
	_ =	strace $0x80000049;
	[dreg:$0x1] =	wrdreg $0xFFFFFFFF  }
0xa7: {  	s28 =	simm.s32 $_size_execute0_lowered;
	s3 =	sadd.s32 s3, s5;
	[dreg:$0x0] =	wrdreg $0x0  }
0xa8: {  	s5 =	sshll.u32 s28, $0x1;
	[dreg:$0x2] =	wrdreg s3  }
0xa9: {  	[dreg:$0x3] =	wrdreg s5  }
0xaa: {  	[dreg:$0x4] =	wrdreg $0xC0  }
0xab: {  	_ =	task [dreg:s7], $0x5FFFF  }
0xac: {  	[dreg:$0x1] =	wrdreg $0xFFFFFFFF  }
0xad: {  	[dreg:$0x0] =	wrdreg $0x60  }
0xae: {  	[dreg:$0x2] =	wrdreg s2  }
0xaf: {  	[dreg:$0x3] =	wrdreg s24  }
0xb0: {  	[dreg:$0x4] =	wrdreg $0x9  }
0xb1: {  	_ =	task.clear_ibuf [dreg:s7], $0x5FFFF;
	_ =	strace $0x90000049  }
0xb2: {  	s29 =	simm.s32 $0x9;
	_ =	strace $0x8000004B  }
0xb3: {  	_ =	swait.ge [sflag:s29], $0x1  }
0xb4: {  	[sflag:s29] =	ssyncadd.s32 $0xFFFFFFFF  }
0xb5: {  	_ =	strace $0x9000004B  }
0xb6: {  	_ =	sfence  }
0xb7: {  	s30 =	sld [smem:$0x0];
	_ =	sdelay $0x2  }
0xb8: {  	s31 =	sshll.u32 s1, $0xD;
	s1 =	sshrl.u32 s1, $0x2  }
0xb9: {  	s3 =	sand.u32 $0x4000, s31;
	s1 =	sadd.s32 s1, s30  }
0xba: {  	s0 =	sor.u32 s3, s0;
	s1 =	sshll.u32 s1, $0x11  }
0xbb: {  	s0 =	sor.u32 s1, s0  }
0xbc: {  	s0 =	sadd.s32 $0x8F2B, s0  }
0xbd: {  	[sflag:s0] =	ssyncadd.remote.s32 $0x1  }
0xbe: {  	_ =	sfence.sel $0xFFFF  }
0xbf: {  	[dreg:$0x0] =	wrdreg $0xFFFFFFFF;
	(pc) =	sbr.abs _section_cstart, $3  }
0xc0: {  	[dreg:$0x1] =	wrdreg $0xFFFFFFFF  }
0xc1: {  	_ =	task.clear_ibuf [dreg:s7], $0x2FFFF;
	_ =	strace $0x9FFFFFFF  }
0xc2: {  	(tm) =	ssettm $0x7FFFFFFF  }
0xc3: {  	_ =	shalt  }
tec
execute0_lowered:
.L_overlay_start_1:
0x0: {  	(tag) =	ssettag $0x1  }
0x1: {  	s0 =	srdreg.scid;
	s2 =	rddreg [dreg:$0x0]  }
0x2: {  	s3 =	stileid.u32;
	s1 =	rddreg [dreg:$0x1]  }
0x3: {  	s9 =	simm.s32 $0x3;
	s10 =	simm.s32 $0x32;
	s18 =	simm.s32 $0x5B0  }
0x4: {  	s19 =	simm.s32 $0xB080;
	s20 =	simm.s32 $0x5E8;
	s21 =	simm.s32 $0xB6C0  }
0x5: {  	s22 =	simm.s32 $0x620;
	s23 =	simm.s32 $0xBD00;
	s24 =	simm.s32 $0x658  }
0x6: {  	s25 =	simm.s32 $0xC340;
	s26 =	simm.s32 $0x690;
	s28 =	simm.s32 $0xC980  }
0x7: {  	s29 =	simm.s32 $0x6C8;
	s30 =	simm.s32 $0xCFC0;
	s31 =	simm.s32 $0x1  }
0x8: {  	s0 =	sand.u32 $0x1, s0;
	s4 =	sshll.u32 s3, $0xA;
	s3 =	simm.s32 $0x0  }
.Ltmp0:
0x9: {  	s6 =	sadd.s32 $0xE00, s1;
	s5 =	sshll.u32 s0, $0x9;
	(pc) =	sbr.rel .LBB2_1-.Ltmp0, $4  }
0xa: {  	[smem:$0x7FF] =	sst s3;
	s0 =	ssub.s32 $0x2, s0;
	s4 =	sor.u32 s5, s4  }
0xb: {  	_ =	strace $0x8000004A;
	s8 =	sshrl.u32 s0, $0x1;
	s7 =	smul.u32 $0x7, s4  }
0xc: {  	s5 =	sadd.s32 $0x3D1800, s1;
	s1 =	simm.s32 $0x2;
	s0 =	ssub.s32 s0, s8  }
0xd: {  	s8 =	smax.u32 s0, $0x1;
	s0 =	simm.s32 $0x0;
	s7 =	sadd.s32 s2, s7  }
.LBB2_5:
0xe: {  	s0 =	sadd.s32 $0x1, s0  }
0xf: {  	p0 =	sne.s32 s0, s8  }
.Ltmp1:
0x10: {  	_ = 	snop;
	(pc) =	sbr.rel @!p0 .LBB2_6-.Ltmp1, $4  }
0x11: {  	_ = 	snop  }
0x12: {  	_ =	swait.ge [sflag:s1], $0xC800  }
0x13: {  	[sflag:s1] =	ssyncset.done $0x0  }
0x14: {  	[sflag:s1] =	ssyncadd.s32 $0xFFFF3800  }
.LBB2_1:
0x15: {  	[tilespmem:s3], [sflag:$0x3] =	stream.linear.gather [hbm4b:s7+s3], $0x700, $0x38;
	[tilespmem:$0x19E00] =	vst v63  }
0x16: {  	_ =	swait.ge [sflag:s9], $0x700  }
0x17: {  	[sflag:s9] =	ssyncset.done $0x0  }
0x18: {  	s11 =	simm.s32 $0xE00;
	[sflag:s9] =	ssyncadd.s32 $0xFFFFF900  }
0x19: {  	[tilespmem:s11], [sflag:$0x1] =	stream.indirect.gather [hbm4b:s5+s10], $0x20, s3, s10, $0xb8;
	[tilespmem:$0x19E00] =	vst v63  }
0x1a: {  	s17 =	simm.s32 $0x38;
	s12 =	simm.s32 $0x1440  }
0x1b: {  	[tilespmem:s12], [sflag:$0x1] =	stream.indirect.gather [hbm4b:s5+s10], $0x20, s17, s10, $0xb8;
	[tilespmem:$0x19E00] =	vst v63  }
0x1c: {  	s13 =	simm.s32 $0x1A80;
	s12 =	simm.s32 $0x70  }
0x1d: {  	[tilespmem:s13], [sflag:$0x1] =	stream.indirect.gather [hbm4b:s5+s10], $0x20, s12, s10, $0xb8;
	[tilespmem:$0x19E00] =	vst v63  }
0x1e: {  	s14 =	simm.s32 $0xA8;
	s15 =	simm.s32 $0x20C0  }
0x1f: {  	[tilespmem:s15], [sflag:$0x1] =	stream.indirect.gather [hbm4b:s5+s10], $0x20, s14, s10, $0xb8;
	[tilespmem:$0x19E00] =	vst v63  }
0x20: {  	s16 =	simm.s32 $0xE0;
	s17 =	simm.s32 $0x2700  }
0x21: {  	[tilespmem:s17], [sflag:$0x1] =	stream.indirect.gather [hbm4b:s5+s10], $0x20, s16, s10, $0xb8;
	[tilespmem:$0x19E00] =	vst v63  }
0x22: {  	s12 =	simm.s32 $0x118;
	s13 =	simm.s32 $0x2D40  }
0x23: {  	[tilespmem:s13], [sflag:$0x1] =	stream.indirect.gather [hbm4b:s5+s10], $0x20, s12, s10, $0xb8;
	[tilespmem:$0x19E00] =	vst v63  }
0x24: {  	s14 =	simm.s32 $0x150;
	s15 =	simm.s32 $0x3380  }
0x25: {  	[tilespmem:s15], [sflag:$0x1] =	stream.indirect.gather [hbm4b:s5+s10], $0x20, s14, s10, $0xb8;
	[tilespmem:$0x19E00] =	vst v63  }
0x26: {  	s16 =	simm.s32 $0x188;
	s17 =	simm.s32 $0x39C0  }
0x27: {  	[tilespmem:s17], [sflag:$0x1] =	stream.indirect.gather [hbm4b:s5+s10], $0x20, s16, s10, $0xb8;
	[tilespmem:$0x19E00] =	vst v63  }
0x28: {  	s12 =	simm.s32 $0x1C0;
	s13 =	simm.s32 $0x4000  }
0x29: {  	[tilespmem:s13], [sflag:$0x1] =	stream.indirect.gather [hbm4b:s5+s10], $0x20, s12, s10, $0xb8;
	[tilespmem:$0x19E00] =	vst v63  }
0x2a: {  	s14 =	simm.s32 $0x1F8;
	s15 =	simm.s32 $0x4640  }
0x2b: {  	[tilespmem:s15], [sflag:$0x1] =	stream.indirect.gather [hbm4b:s5+s10], $0x20, s14, s10, $0xb8;
	[tilespmem:$0x19E00] =	vst v63  }
0x2c: {  	s16 =	simm.s32 $0x230;
	s17 =	simm.s32 $0x4C80  }
0x2d: {  	[tilespmem:s17], [sflag:$0x1] =	stream.indirect.gather [hbm4b:s5+s10], $0x20, s16, s10, $0xb8;
	[tilespmem:$0x19E00] =	vst v63  }
0x2e: {  	s12 =	simm.s32 $0x268;
	s13 =	simm.s32 $0x52C0  }
0x2f: {  	[tilespmem:s13], [sflag:$0x1] =	stream.indirect.gather [hbm4b:s5+s10], $0x20, s12, s10, $0xb8;
	[tilespmem:$0x19E00] =	vst v63  }
0x30: {  	s14 =	simm.s32 $0x2A0;
	s15 =	simm.s32 $0x5900  }
0x31: {  	[tilespmem:s15], [sflag:$0x1] =	stream.indirect.gather [hbm4b:s5+s10], $0x20, s14, s10, $0xb8;
	[tilespmem:$0x19E00] =	vst v63  }
0x32: {  	s16 =	simm.s32 $0x2D8;
	s17 =	simm.s32 $0x5F40  }
0x33: {  	[tilespmem:s17], [sflag:$0x1] =	stream.indirect.gather [hbm4b:s5+s10], $0x20, s16, s10, $0xb8;
	[tilespmem:$0x19E00] =	vst v63  }
0x34: {  	s12 =	simm.s32 $0x310;
	s13 =	simm.s32 $0x6580  }
0x35: {  	[tilespmem:s13], [sflag:$0x1] =	stream.indirect.gather [hbm4b:s5+s10], $0x20, s12, s10, $0xb8;
	[tilespmem:$0x19E00] =	vst v63  }
0x36: {  	s14 =	simm.s32 $0x348;
	s15 =	simm.s32 $0x6BC0  }
0x37: {  	[tilespmem:s15], [sflag:$0x1] =	stream.indirect.gather [hbm4b:s5+s10], $0x20, s14, s10, $0xb8;
	[tilespmem:$0x19E00] =	vst v63  }
0x38: {  	s16 =	simm.s32 $0x380;
	s17 =	simm.s32 $0x7200  }
0x39: {  	[tilespmem:s17], [sflag:$0x1] =	stream.indirect.gather [hbm4b:s5+s10], $0x20, s16, s10, $0xb8;
	[tilespmem:$0x19E00] =	vst v63  }
0x3a: {  	s12 =	simm.s32 $0x3B8;
	s13 =	simm.s32 $0x7840  }
0x3b: {  	[tilespmem:s13], [sflag:$0x1] =	stream.indirect.gather [hbm4b:s5+s10], $0x20, s12, s10, $0xb8;
	[tilespmem:$0x19E00] =	vst v63  }
0x3c: {  	s14 =	simm.s32 $0x3F0;
	s15 =	simm.s32 $0x7E80  }
0x3d: {  	[tilespmem:s15], [sflag:$0x1] =	stream.indirect.gather [hbm4b:s5+s10], $0x20, s14, s10, $0xb8;
	[tilespmem:$0x19E00] =	vst v63  }
0x3e: {  	s16 =	simm.s32 $0x428;
	s17 =	simm.s32 $0x84C0  }
0x3f: {  	[tilespmem:s17], [sflag:$0x1] =	stream.indirect.gather [hbm4b:s5+s10], $0x20, s16, s10, $0xb8;
	[tilespmem:$0x19E00] =	vst v63  }
0x40: {  	s12 =	simm.s32 $0x460;
	s13 =	simm.s32 $0x8B00  }
0x41: {  	[tilespmem:s13], [sflag:$0x1] =	stream.indirect.gather [hbm4b:s5+s10], $0x20, s12, s10, $0xb8;
	[tilespmem:$0x19E00] =	vst v63  }
0x42: {  	s14 =	simm.s32 $0x498;
	s15 =	simm.s32 $0x9140  }
0x43: {  	[tilespmem:s15], [sflag:$0x1] =	stream.indirect.gather [hbm4b:s5+s10], $0x20, s14, s10, $0xb8;
	[tilespmem:$0x19E00] =	vst v63  }
0x44: {  	s16 =	simm.s32 $0x4D0;
	s17 =	simm.s32 $0x9780  }
0x45: {  	[tilespmem:s17], [sflag:$0x1] =	stream.indirect.gather [hbm4b:s5+s10], $0x20, s16, s10, $0xb8;
	[tilespmem:$0x19E00] =	vst v63  }
0x46: {  	s12 =	simm.s32 $0x508;
	s13 =	simm.s32 $0x9DC0  }
0x47: {  	[tilespmem:s13], [sflag:$0x1] =	stream.indirect.gather [hbm4b:s5+s10], $0x20, s12, s10, $0xb8;
	[tilespmem:$0x19E00] =	vst v63  }
0x48: {  	s14 =	simm.s32 $0x540;
	s15 =	simm.s32 $0xA400  }
0x49: {  	[tilespmem:s15], [sflag:$0x1] =	stream.indirect.gather [hbm4b:s5+s10], $0x20, s14, s10, $0xb8;
	[tilespmem:$0x19E00] =	vst v63  }
0x4a: {  	s16 =	simm.s32 $0x578;
	s17 =	simm.s32 $0xAA40  }
0x4b: {  	[tilespmem:s17], [sflag:$0x1] =	stream.indirect.gather [hbm4b:s5+s10], $0x20, s16, s10, $0xb8;
	[tilespmem:$0x19E00] =	vst v63  }
0x4c: {  	_ = 	snop  }
0x4d: {  	[tilespmem:s19], [sflag:$0x1] =	stream.indirect.gather [hbm4b:s5+s10], $0x20, s18, s10, $0xb8;
	[tilespmem:$0x19E00] =	vst v63  }
0x4e: {  	_ = 	snop  }
0x4f: {  	[tilespmem:s21], [sflag:$0x1] =	stream.indirect.gather [hbm4b:s5+s10], $0x20, s20, s10, $0xb8;
	[tilespmem:$0x19E00] =	vst v63  }
0x50: {  	_ = 	snop  }
0x51: {  	[tilespmem:s23], [sflag:$0x1] =	stream.indirect.gather [hbm4b:s5+s10], $0x20, s22, s10, $0xb8;
	[tilespmem:$0x19E00] =	vst v63  }
0x52: {  	_ = 	snop  }
0x53: {  	[tilespmem:s25], [sflag:$0x1] =	stream.indirect.gather [hbm4b:s5+s10], $0x20, s24, s10, $0xb8;
	[tilespmem:$0x19E00] =	vst v63  }
.Ltmp2:
0x54: {  	_ = 	snop;
	(pc) =	sbr.rel .LBB2_2-.Ltmp2, $4  }
0x55: {  	_ = 	snop  }
0x56: {  	[tilespmem:s28], [sflag:$0x1] =	stream.indirect.gather [hbm4b:s5+s10], $0x20, s26, s10, $0xb8;
	[tilespmem:$0x19E00] =	vst v63  }
0x57: {  	s12 =	simm.s32 $0x0  }
0x58: {  	[tilespmem:s30], [sflag:$0x1] =	stream.indirect.gather [hbm4b:s5+s10], $0x20, s29, s10, $0xb8;
	[tilespmem:$0x19E00] =	vst v63  }
.LBB2_4:
0x59: {  	s12 =	sshll.u32 s12, $0x5  }
0x5a: {  	s13 =	smul.u32 $0x32000, s13;
	s12 =	sor.u32 s4, s12  }
0x5b: {  	p0 =	slt.u32 s11, $0x10;
	s12 =	smul.u32 $0xC8, s12  }
.Ltmp3:
0x5c: {  	_ = 	snop;
	(pc) =	sbr.rel @!p0 .LBB2_5-.Ltmp3, $4  }
0x5d: {  	s13 =	sshrl.u32 s13, $0x2  }
0x5e: {  	s13 =	sadd.s32 $0xE00, s13;
	s12 =	sadd.s32 s6, s12  }
0x5f: {  	[hbm4b:s12+s3] =	stream.linear.scatter [tilespmem:s13], [sflag:$0x2], $0xC800, $0x38;
	[tilespmem:$0x19E00] =	vst v63  }
0x60: {  	s12 =	smov.u32 s11  }
.LBB2_2:
0x61: {  	_ =	swait.ge [sflag:s31], $0x640  }
0x62: {  	[sflag:s31] =	ssyncset.done $0x0  }
0x63: {  	[sflag:s31] =	ssyncadd.s32 $0xFFFFF9C0  }
0x64: {  	_ =	swait.ge [sflag:s31], $0x640  }
0x65: {  	[sflag:s31] =	ssyncset.done $0x0  }
0x66: {  	[sflag:s31] =	ssyncadd.s32 $0xFFFFF9C0  }
0x67: {  	_ =	swait.ge [sflag:s31], $0x640  }
0x68: {  	[sflag:s31] =	ssyncset.done $0x0  }
0x69: {  	[sflag:s31] =	ssyncadd.s32 $0xFFFFF9C0  }
0x6a: {  	_ =	swait.ge [sflag:s31], $0x640  }
0x6b: {  	[sflag:s31] =	ssyncset.done $0x0  }
0x6c: {  	[sflag:s31] =	ssyncadd.s32 $0xFFFFF9C0  }
0x6d: {  	_ =	swait.ge [sflag:s31], $0x640  }
0x6e: {  	[sflag:s31] =	ssyncset.done $0x0  }
0x6f: {  	[sflag:s31] =	ssyncadd.s32 $0xFFFFF9C0  }
0x70: {  	_ =	swait.ge [sflag:s31], $0x640  }
0x71: {  	[sflag:s31] =	ssyncset.done $0x0  }
0x72: {  	[sflag:s31] =	ssyncadd.s32 $0xFFFFF9C0  }
0x73: {  	_ =	swait.ge [sflag:s31], $0x640  }
0x74: {  	[sflag:s31] =	ssyncset.done $0x0  }
0x75: {  	[sflag:s31] =	ssyncadd.s32 $0xFFFFF9C0  }
0x76: {  	_ =	swait.ge [sflag:s31], $0x640  }
0x77: {  	[sflag:s31] =	ssyncset.done $0x0  }
0x78: {  	[sflag:s31] =	ssyncadd.s32 $0xFFFFF9C0  }
0x79: {  	_ =	swait.ge [sflag:s31], $0x640  }
0x7a: {  	[sflag:s31] =	ssyncset.done $0x0  }
0x7b: {  	[sflag:s31] =	ssyncadd.s32 $0xFFFFF9C0  }
0x7c: {  	_ =	swait.ge [sflag:s31], $0x640  }
0x7d: {  	[sflag:s31] =	ssyncset.done $0x0  }
0x7e: {  	[sflag:s31] =	ssyncadd.s32 $0xFFFFF9C0  }
0x7f: {  	_ =	swait.ge [sflag:s31], $0x640  }
0x80: {  	[sflag:s31] =	ssyncset.done $0x0  }
0x81: {  	[sflag:s31] =	ssyncadd.s32 $0xFFFFF9C0  }
0x82: {  	_ =	swait.ge [sflag:s31], $0x640  }
0x83: {  	[sflag:s31] =	ssyncset.done $0x0  }
0x84: {  	[sflag:s31] =	ssyncadd.s32 $0xFFFFF9C0  }
0x85: {  	_ =	swait.ge [sflag:s31], $0x640  }
0x86: {  	[sflag:s31] =	ssyncset.done $0x0  }
0x87: {  	[sflag:s31] =	ssyncadd.s32 $0xFFFFF9C0  }
0x88: {  	_ =	swait.ge [sflag:s31], $0x640  }
0x89: {  	[sflag:s31] =	ssyncset.done $0x0  }
0x8a: {  	[sflag:s31] =	ssyncadd.s32 $0xFFFFF9C0  }
0x8b: {  	_ =	swait.ge [sflag:s31], $0x640  }
0x8c: {  	[sflag:s31] =	ssyncset.done $0x0  }
0x8d: {  	[sflag:s31] =	ssyncadd.s32 $0xFFFFF9C0  }
0x8e: {  	_ =	swait.ge [sflag:s31], $0x640  }
0x8f: {  	[sflag:s31] =	ssyncset.done $0x0  }
0x90: {  	[sflag:s31] =	ssyncadd.s32 $0xFFFFF9C0  }
0x91: {  	_ =	swait.ge [sflag:s31], $0x640  }
0x92: {  	[sflag:s31] =	ssyncset.done $0x0  }
0x93: {  	[sflag:s31] =	ssyncadd.s32 $0xFFFFF9C0  }
0x94: {  	_ =	swait.ge [sflag:s31], $0x640  }
0x95: {  	[sflag:s31] =	ssyncset.done $0x0  }
0x96: {  	[sflag:s31] =	ssyncadd.s32 $0xFFFFF9C0  }
0x97: {  	_ =	swait.ge [sflag:s31], $0x640  }
0x98: {  	[sflag:s31] =	ssyncset.done $0x0  }
0x99: {  	[sflag:s31] =	ssyncadd.s32 $0xFFFFF9C0  }
0x9a: {  	_ =	swait.ge [sflag:s31], $0x640  }
0x9b: {  	[sflag:s31] =	ssyncset.done $0x0  }
0x9c: {  	[sflag:s31] =	ssyncadd.s32 $0xFFFFF9C0  }
0x9d: {  	_ =	swait.ge [sflag:s31], $0x640  }
0x9e: {  	[sflag:s31] =	ssyncset.done $0x0  }
0x9f: {  	[sflag:s31] =	ssyncadd.s32 $0xFFFFF9C0  }
0xa0: {  	_ =	swait.ge [sflag:s31], $0x640  }
0xa1: {  	[sflag:s31] =	ssyncset.done $0x0  }
0xa2: {  	[sflag:s31] =	ssyncadd.s32 $0xFFFFF9C0  }
0xa3: {  	_ =	swait.ge [sflag:s31], $0x640  }
0xa4: {  	[sflag:s31] =	ssyncset.done $0x0  }
0xa5: {  	[sflag:s31] =	ssyncadd.s32 $0xFFFFF9C0  }
0xa6: {  	_ =	swait.ge [sflag:s31], $0x640  }
0xa7: {  	[sflag:s31] =	ssyncset.done $0x0  }
0xa8: {  	[sflag:s31] =	ssyncadd.s32 $0xFFFFF9C0  }
0xa9: {  	_ =	swait.ge [sflag:s31], $0x640  }
0xaa: {  	[sflag:s31] =	ssyncset.done $0x0  }
0xab: {  	[sflag:s31] =	ssyncadd.s32 $0xFFFFF9C0  }
0xac: {  	_ =	swait.ge [sflag:s31], $0x640  }
0xad: {  	[sflag:s31] =	ssyncset.done $0x0  }
0xae: {  	[sflag:s31] =	ssyncadd.s32 $0xFFFFF9C0  }
0xaf: {  	_ =	swait.ge [sflag:s31], $0x640  }
0xb0: {  	[sflag:s31] =	ssyncset.done $0x0  }
0xb1: {  	[sflag:s31] =	ssyncadd.s32 $0xFFFFF9C0  }
0xb2: {  	_ =	swait.ge [sflag:s31], $0x640  }
0xb3: {  	[sflag:s31] =	ssyncset.done $0x0  }
0xb4: {  	[sflag:s31] =	ssyncadd.s32 $0xFFFFF9C0  }
0xb5: {  	_ =	swait.ge [sflag:s31], $0x640  }
0xb6: {  	[sflag:s31] =	ssyncset.done $0x0  }
0xb7: {  	[sflag:s31] =	ssyncadd.s32 $0xFFFFF9C0  }
0xb8: {  	_ =	swait.ge [sflag:s31], $0x640  }
0xb9: {  	[sflag:s31] =	ssyncset.done $0x0  }
0xba: {  	[sflag:s31] =	ssyncadd.s32 $0xFFFFF9C0  }
0xbb: {  	_ =	swait.ge [sflag:s31], $0x640  }
0xbc: {  	p0 =	seq.s32 s12, $0x0;
	[sflag:s31] =	ssyncset.done $0x0  }
0xbd: {  	p1 =	seq.s32 @!p0 s12, $0xF;
	[sflag:s31] =	ssyncadd.s32 $0xFFFFF9C0  }
0xbe: {  	p1 =	por p0, !p1;
	_ =	swait.ge [sflag:s31], $0x640  }
.Ltmp4:
0xbf: {  	[sflag:s31] =	ssyncset.done $0x0;
	(pc) =	sbr.rel @!p1 .LBB2_4-.Ltmp4, $4  }
0xc0: {  	s11 =	simm.s32 @!p0 $0x2;
	[sflag:s31] =	ssyncadd.s32 $0xFFFFF9C0  }
0xc1: {  	_ =	swait.ge @!p0 [sflag:s11], $0xC800  }
0xc2: {  	[sflag:s11] =	ssyncset.done @!p0 $0x0  }
0xc3: {  	s13 =	sand.u32 $0x1, s12;
	[sflag:s11] =	ssyncadd.s32 @!p0 $0xFFFF3800;
	s11 =	simm.s32 @!p0 $0x10  }
0xc4: {  	s11 =	sadd.s32 @!p0 $0x1, s12  }
0xc5: {  	s11 =	simm.s32 @p0 $0x1  }
0xc6: {  	s15 =	sxor.u32 $0x1, s13;
	s14 =	sshll.u32 s11, $0x5  }
0xc7: {  	s16 =	smul.u32 $0x1C00, s15;
	s14 =	sadd.s32 s4, s14  }
0xc8: {  	s17 =	smul.u32 $0x7, s14;
	_ =	sdelay $0x1  }
0xc9: {  	s15 =	smul.u32 $0x32000, s15;
	s14 =	sshrl.u32 s16, $0x2;
	s17 =	sadd.s32 s2, s17  }
0xca: {  	[tilespmem:s14], [sflag:$0x3] =	stream.linear.gather [hbm4b:s17+s3], $0x700, $0x38;
	[tilespmem:$0x19E00] =	vst v63  }
0xcb: {  	_ =	swait.ge [sflag:s9], $0x700  }
0xcc: {  	s15 =	sshrl.u32 s15, $0x2;
	[sflag:s9] =	ssyncset.done $0x0  }
0xcd: {  	s17 =	sadd.s32 $0xE00, s15;
	[sflag:s9] =	ssyncadd.s32 $0xFFFFF900  }
0xce: {  	[tilespmem:s17], [sflag:$0x1] =	stream.indirect.gather [hbm4b:s5+s10], $0x20, s14, s10, $0xb8;
	[tilespmem:$0x19E00] =	vst v63  }
0xcf: {  	s16 =	sadd.s32 $0x1440, s15;
	s17 =	sor.u32 $0x38, s14  }
0xd0: {  	[tilespmem:s16], [sflag:$0x1] =	stream.indirect.gather [hbm4b:s5+s10], $0x20, s17, s10, $0xb8;
	[tilespmem:$0x19E00] =	vst v63  }
0xd1: {  	s16 =	sadd.s32 $0x1A80, s15;
	s17 =	sor.u32 $0x70, s14  }
0xd2: {  	[tilespmem:s16], [sflag:$0x1] =	stream.indirect.gather [hbm4b:s5+s10], $0x20, s17, s10, $0xb8;
	[tilespmem:$0x19E00] =	vst v63  }
0xd3: {  	s16 =	sadd.s32 $0x20C0, s15;
	s17 =	sor.u32 $0xA8, s14  }
0xd4: {  	[tilespmem:s16], [sflag:$0x1] =	stream.indirect.gather [hbm4b:s5+s10], $0x20, s17, s10, $0xb8;
	[tilespmem:$0x19E00] =	vst v63  }
0xd5: {  	s16 =	sadd.s32 $0x2700, s15;
	s17 =	sor.u32 $0xE0, s14  }
0xd6: {  	[tilespmem:s16], [sflag:$0x1] =	stream.indirect.gather [hbm4b:s5+s10], $0x20, s17, s10, $0xb8;
	[tilespmem:$0x19E00] =	vst v63  }
0xd7: {  	s16 =	sadd.s32 $0x2D40, s15;
	s17 =	sadd.s32 $0x118, s14  }
0xd8: {  	[tilespmem:s16], [sflag:$0x1] =	stream.indirect.gather [hbm4b:s5+s10], $0x20, s17, s10, $0xb8;
	[tilespmem:$0x19E00] =	vst v63  }
0xd9: {  	s16 =	sadd.s32 $0x3380, s15;
	s17 =	sadd.s32 $0x150, s14  }
0xda: {  	[tilespmem:s16], [sflag:$0x1] =	stream.indirect.gather [hbm4b:s5+s10], $0x20, s17, s10, $0xb8;
	[tilespmem:$0x19E00] =	vst v63  }
0xdb: {  	s16 =	sadd.s32 $0x39C0, s15;
	s17 =	sadd.s32 $0x188, s14  }
0xdc: {  	[tilespmem:s16], [sflag:$0x1] =	stream.indirect.gather [hbm4b:s5+s10], $0x20, s17, s10, $0xb8;
	[tilespmem:$0x19E00] =	vst v63  }
0xdd: {  	s16 =	sadd.s32 $0x4000, s15;
	s17 =	sadd.s32 $0x1C0, s14  }
0xde: {  	[tilespmem:s16], [sflag:$0x1] =	stream.indirect.gather [hbm4b:s5+s10], $0x20, s17, s10, $0xb8;
	[tilespmem:$0x19E00] =	vst v63  }
0xdf: {  	s16 =	sadd.s32 $0x4640, s15;
	s17 =	sadd.s32 $0x1F8, s14  }
0xe0: {  	[tilespmem:s16], [sflag:$0x1] =	stream.indirect.gather [hbm4b:s5+s10], $0x20, s17, s10, $0xb8;
	[tilespmem:$0x19E00] =	vst v63  }
0xe1: {  	s16 =	sadd.s32 $0x4C80, s15;
	s17 =	sadd.s32 $0x230, s14  }
0xe2: {  	[tilespmem:s16], [sflag:$0x1] =	stream.indirect.gather [hbm4b:s5+s10], $0x20, s17, s10, $0xb8;
	[tilespmem:$0x19E00] =	vst v63  }
0xe3: {  	s16 =	sadd.s32 $0x52C0, s15;
	s17 =	sadd.s32 $0x268, s14  }
0xe4: {  	[tilespmem:s16], [sflag:$0x1] =	stream.indirect.gather [hbm4b:s5+s10], $0x20, s17, s10, $0xb8;
	[tilespmem:$0x19E00] =	vst v63  }
0xe5: {  	s16 =	sadd.s32 $0x5900, s15;
	s17 =	sadd.s32 $0x2A0, s14  }
0xe6: {  	[tilespmem:s16], [sflag:$0x1] =	stream.indirect.gather [hbm4b:s5+s10], $0x20, s17, s10, $0xb8;
	[tilespmem:$0x19E00] =	vst v63  }
0xe7: {  	s16 =	sadd.s32 $0x5F40, s15;
	s17 =	sadd.s32 $0x2D8, s14  }
0xe8: {  	[tilespmem:s16], [sflag:$0x1] =	stream.indirect.gather [hbm4b:s5+s10], $0x20, s17, s10, $0xb8;
	[tilespmem:$0x19E00] =	vst v63  }
0xe9: {  	s16 =	sadd.s32 $0x6580, s15;
	s17 =	sadd.s32 $0x310, s14  }
0xea: {  	[tilespmem:s16], [sflag:$0x1] =	stream.indirect.gather [hbm4b:s5+s10], $0x20, s17, s10, $0xb8;
	[tilespmem:$0x19E00] =	vst v63  }
0xeb: {  	s16 =	sadd.s32 $0x6BC0, s15;
	s17 =	sadd.s32 $0x348, s14  }
0xec: {  	[tilespmem:s16], [sflag:$0x1] =	stream.indirect.gather [hbm4b:s5+s10], $0x20, s17, s10, $0xb8;
	[tilespmem:$0x19E00] =	vst v63  }
0xed: {  	s16 =	sadd.s32 $0x7200, s15;
	s17 =	sadd.s32 $0x380, s14  }
0xee: {  	[tilespmem:s16], [sflag:$0x1] =	stream.indirect.gather [hbm4b:s5+s10], $0x20, s17, s10, $0xb8;
	[tilespmem:$0x19E00] =	vst v63  }
0xef: {  	s16 =	sadd.s32 $0x7840, s15;
	s17 =	sadd.s32 $0x3B8, s14  }
0xf0: {  	[tilespmem:s16], [sflag:$0x1] =	stream.indirect.gather [hbm4b:s5+s10], $0x20, s17, s10, $0xb8;
	[tilespmem:$0x19E00] =	vst v63  }
0xf1: {  	s16 =	sadd.s32 $0x7E80, s15;
	s17 =	sadd.s32 $0x3F0, s14  }
0xf2: {  	[tilespmem:s16], [sflag:$0x1] =	stream.indirect.gather [hbm4b:s5+s10], $0x20, s17, s10, $0xb8;
	[tilespmem:$0x19E00] =	vst v63  }
0xf3: {  	s16 =	sadd.s32 $0x84C0, s15;
	s17 =	sadd.s32 $0x428, s14  }
0xf4: {  	[tilespmem:s16], [sflag:$0x1] =	stream.indirect.gather [hbm4b:s5+s10], $0x20, s17, s10, $0xb8;
	[tilespmem:$0x19E00] =	vst v63  }
0xf5: {  	s16 =	sadd.s32 $0x8B00, s15;
	s17 =	sadd.s32 $0x460, s14  }
0xf6: {  	[tilespmem:s16], [sflag:$0x1] =	stream.indirect.gather [hbm4b:s5+s10], $0x20, s17, s10, $0xb8;
	[tilespmem:$0x19E00] =	vst v63  }
0xf7: {  	s16 =	sadd.s32 $0x9140, s15;
	s17 =	sadd.s32 $0x498, s14  }
0xf8: {  	[tilespmem:s16], [sflag:$0x1] =	stream.indirect.gather [hbm4b:s5+s10], $0x20, s17, s10, $0xb8;
	[tilespmem:$0x19E00] =	vst v63  }
0xf9: {  	s16 =	sadd.s32 $0x9780, s15;
	s17 =	sadd.s32 $0x4D0, s14  }
0xfa: {  	[tilespmem:s16], [sflag:$0x1] =	stream.indirect.gather [hbm4b:s5+s10], $0x20, s17, s10, $0xb8;
	[tilespmem:$0x19E00] =	vst v63  }
0xfb: {  	s16 =	sadd.s32 $0x9DC0, s15;
	s17 =	sadd.s32 $0x508, s14  }
0xfc: {  	[tilespmem:s16], [sflag:$0x1] =	stream.indirect.gather [hbm4b:s5+s10], $0x20, s17, s10, $0xb8;
	[tilespmem:$0x19E00] =	vst v63  }
0xfd: {  	s16 =	sadd.s32 $0xA400, s15;
	s17 =	sadd.s32 $0x540, s14  }
0xfe: {  	[tilespmem:s16], [sflag:$0x1] =	stream.indirect.gather [hbm4b:s5+s10], $0x20, s17, s10, $0xb8;
	[tilespmem:$0x19E00] =	vst v63  }
0xff: {  	s16 =	sadd.s32 $0xAA40, s15;
	s17 =	sadd.s32 $0x578, s14  }
0x100: {  	[tilespmem:s16], [sflag:$0x1] =	stream.indirect.gather [hbm4b:s5+s10], $0x20, s17, s10, $0xb8;
	[tilespmem:$0x19E00] =	vst v63  }
0x101: {  	s16 =	sadd.s32 $0xB080, s15;
	s17 =	sadd.s32 $0x5B0, s14  }
0x102: {  	[tilespmem:s16], [sflag:$0x1] =	stream.indirect.gather [hbm4b:s5+s10], $0x20, s17, s10, $0xb8;
	[tilespmem:$0x19E00] =	vst v63  }
0x103: {  	s16 =	sadd.s32 $0xB6C0, s15;
	s17 =	sadd.s32 $0x5E8, s14  }
0x104: {  	[tilespmem:s16], [sflag:$0x1] =	stream.indirect.gather [hbm4b:s5+s10], $0x20, s17, s10, $0xb8;
	[tilespmem:$0x19E00] =	vst v63  }
0x105: {  	s16 =	sadd.s32 $0xBD00, s15;
	s17 =	sadd.s32 $0x620, s14  }
0x106: {  	[tilespmem:s16], [sflag:$0x1] =	stream.indirect.gather [hbm4b:s5+s10], $0x20, s17, s10, $0xb8;
	[tilespmem:$0x19E00] =	vst v63  }
0x107: {  	s16 =	sadd.s32 $0xC340, s15;
	s17 =	sadd.s32 $0x658, s14  }
0x108: {  	[tilespmem:s16], [sflag:$0x1] =	stream.indirect.gather [hbm4b:s5+s10], $0x20, s17, s10, $0xb8;
	[tilespmem:$0x19E00] =	vst v63  }
.Ltmp5:
0x109: {  	_ = 	snop;
	(pc) =	sbr.rel .LBB2_4-.Ltmp5, $4  }
0x10a: {  	s16 =	sadd.s32 $0xC980, s15;
	s17 =	sadd.s32 $0x690, s14  }
0x10b: {  	[tilespmem:s16], [sflag:$0x1] =	stream.indirect.gather [hbm4b:s5+s10], $0x20, s17, s10, $0xb8;
	[tilespmem:$0x19E00] =	vst v63  }
0x10c: {  	s15 =	sadd.s32 $0xCFC0, s15;
	s14 =	sadd.s32 $0x6C8, s14  }
0x10d: {  	[tilespmem:s15], [sflag:$0x1] =	stream.indirect.gather [hbm4b:s5+s10], $0x20, s14, s10, $0xb8;
	[tilespmem:$0x19E00] =	vst v63  }
.LBB2_6:
0x10e: {  	_ =	sfence.sel $0x180000  }
0x10f: {  	[bflag:$0x0] =	sbarrier.arrive $0xFFFF  }
0x110: {  	_ =	strace $0x9000004A  }
0x111: {  	s0 =	stileid.u32;
	[bflag:$0x2] =	sbarrier.arrive $0xFFFF  }
0x112: {  	p0 =	sne.s32 s0, $0x0;
	s0 =	rddreg [dreg:$0x2]  }
0x113: {  	s0 =	sadd.s32 @!p0 $0x100000, s0  }
0x114: {  	[sflag:s0] =	ssyncadd.tile.s32 @!p0 $0x1;
	_ =	shalt  }
.Lfunc_end2:
_tile_overlayer_lowered:
.L_overlay_start_2:
0x115: {  	(tag) =	ssettag $0x2  }
0x116: {  	s0 =	rddreg [dreg:$0x0];
	s2 =	stileid.u32  }
0x117: {  	s1 =	rddreg [dreg:$0x1];
	p0 =	sne.s32 s2, $0x0  }
0x118: {  	s3 =	rddreg [dreg:$0x2];
	[bflag:$0x3] =	sbarrier.arrive $0xFFFF;
	s2 =	simm.s32 @!p0 $0x1C03  }
0x119: {  	[timem:s3], [sflag:s2] =	dma.local @!p0 [hbm:s0], s1  }
0x11a: {  	s0 =	simm.s32 @!p0 $0x3  }
0x11b: {  	_ =	swait.ge @!p0 [sflag:s0], s1  }
0x11c: {  	s1 =	ssub.s32 @!p0 $0x0, s1;
	[sflag:s0] =	ssyncset.done @!p0 $0x0  }
0x11d: {  	[sflag:s0] =	ssyncadd.s32 @!p0 s1  }
0x11e: {  	[bflag:$0x3] =	sbarrier.arrive $0xFFFF  }
0x11f: {  	_ =	shalt  }

// kernel: sparse-core-data-format-call.1.cloned.1.call-start
scs
called_computation.1_lowered:
.L_overlay_start_0:
0x0: {  	s1 =	sld [smem:$0x3FD9]  }
0x1: {  	s2 =	sld [smem:$0x3FFE];
	_ =	sdelay $0x1  }
0x2: {  	s3 =	srdreg.scid  }
0x3: {  	s0 =	sand.u32 $0x1, s3  }
0x4: {  	s17 =	sshll.u32 s0, $0xA;
	s1 =	sadd.s32 s2, s1  }
0x5: {  	s1 =	sadd.s32 s1, s17  }
0x6: {  	[smem:$0x3FC6] =	sst s1  }
0x7: {  	_ = 	snop  }
0x8: {  	(tm) =	ssettm $0x1  }
0x9: {  	s18 =	sld [smem:$0x3FFB];
	_ =	sdelay $0x3  }
0xa: {  	_ =	strace s18  }
0xb: {  	s1 =	sld [smem:$0x3FFC];
	_ =	sdelay $0x3  }
0xc: {  	_ =	strace s1  }
0xd: {  	s1 =	sld [smem:$0x3FFD];
	_ =	sdelay $0x3  }
0xe: {  	_ =	strace s1  }
0xf: {  	_ =	strace $0x8FFFFFFF  }
0x10: {  	s19 =	sld [smem:$0x3FDB];
	_ =	sdelay $0x1  }
0x11: {  	s20 =	simm.s32 $_scs_section_size  }
0x12: {  	s4 =	simm.s32 $_size__tile_overlayer_lowered;
	s5 =	simm.s32 $_tile_overlayer_lowered  }
0x13: {  	s23 =	simm.s32 $0x1BFF;
	s22 =	sshll.u32 s5, $0x1;
	s1 =	sadd.s32 s20, s19  }
0x14: {  	s6 =	simm.s32 $0x0;
	s21 =	sshll.u32 s4, $0x1;
	s4 =	sadd.s32 s22, s1  }
0x15: {  	[timem:s6], [sflag:s23] =	dma.local [hbm:s4], s21  }
0x16: {  	_ =	swait.ge [sflag:s23], s21  }
0x17: {  	s2 =	ssub.s32 $0x0, s21;
	[sflag:s23] =	ssyncset.done $0x0  }
0x18: {  	[sflag:s23] =	ssyncadd.s32 s2;
	_ =	sdelay $0x1  }
0x19: {  	s24 =	simm.s32 $0x1B8B  }
0x1a: {  	_ =	swait.ge [sflag:s24], $0x1  }
0x1b: {  	[sflag:s24] =	ssyncset.done $0x0  }
0x1c: {  	s26 =	simm.s32 $0x1B8E;
	s25 =	sld [smem:$0x3FFE];
	[sflag:s24] =	ssyncadd.s32 $0xFFFFFFFF  }
0x1d: {  	s27 =	simm.s32 $execute0_lowered;
	[smem:$0x3FD2] =	sst s26  }
0x1e: {  	s4 =	sshll.u32 s27, $0x1;
	_ =	strace $0x80000046;
	[dreg:$0x1] =	wrdreg $0xFFFFFFFF  }
0x1f: {  	s28 =	simm.s32 $_size_execute0_lowered;
	s1 =	sadd.s32 s1, s4;
	[dreg:$0x0] =	wrdreg $0x0  }
0x20: {  	s4 =	sshll.u32 s28, $0x1;
	[dreg:$0x2] =	wrdreg s1  }
0x21: {  	[dreg:$0x3] =	wrdreg s4  }
0x22: {  	[dreg:$0x4] =	wrdreg $0xC0  }
0x23: {  	_ =	task [dreg:s6], $0x5FFFF  }
0x24: {  	[dreg:$0x1] =	wrdreg $0xFFFFFFFF  }
0x25: {  	[dreg:$0x0] =	wrdreg $0x60  }
0x26: {  	[dreg:$0x2] =	wrdreg s25  }
0x27: {  	[dreg:$0x3] =	wrdreg $0x9  }
0x28: {  	_ =	task.clear_ibuf [dreg:s6], $0x4FFFF;
	_ =	strace $0x90000046  }
0x29: {  	s29 =	simm.s32 $0x9;
	_ =	strace $0x80000048  }
0x2a: {  	_ =	swait.ge [sflag:s29], $0x1  }
0x2b: {  	[sflag:s29] =	ssyncadd.s32 $0xFFFFFFFF  }
0x2c: {  	_ =	strace $0x90000048  }
0x2d: {  	_ =	sfence  }
0x2e: {  	s30 =	sld [smem:$0x0];
	_ =	sdelay $0x2  }
0x2f: {  	s31 =	sshll.u32 s3, $0xD;
	s3 =	sshrl.u32 s3, $0x2  }
0x30: {  	s2 =	sand.u32 $0x4000, s31;
	s1 =	sadd.s32 s3, s30  }
0x31: {  	s0 =	sor.u32 s2, s0;
	s1 =	sshll.u32 s1, $0x11  }
0x32: {  	s0 =	sor.u32 s1, s0  }
0x33: {  	s0 =	sadd.s32 $0x8F2B, s0  }
0x34: {  	[sflag:s0] =	ssyncadd.remote.s32 $0x1  }
0x35: {  	_ =	sfence.sel $0xFFFF  }
0x36: {  	[dreg:$0x0] =	wrdreg $0xFFFFFFFF;
	(pc) =	sbr.abs _section_cstart, $3  }
0x37: {  	[dreg:$0x1] =	wrdreg $0xFFFFFFFF  }
0x38: {  	_ =	task.clear_ibuf [dreg:s6], $0x2FFFF;
	_ =	strace $0x9FFFFFFF  }
0x39: {  	(tm) =	ssettm $0x7FFFFFFF  }
tec
execute0_lowered:
.L_overlay_start_1:
0x0: {  	(tag) =	ssettag $0x1  }
0x1: {  	s0 =	srdreg.scid  }
0x2: {  	s5 =	rddreg [dreg:$0x0];
	s1 =	stileid.u32;
	s4 =	simm.s32 $0x1  }
0x3: {  	s6 =	simm.s32 $0x2;
	s8 =	simm.s32 $0x0;
	s2 =	sshll.u32 s0, $0x4  }
0x4: {  	s9 =	simm.s32 $0x0;
	s13 =	simm.s32 $0x0;
	s2 =	sand.u32 $0x10, s2  }
.Ltmp0:
0x5: {  	s10 =	simm.s32 $0x0;
	s3 =	sor.u32 s1, s2;
	(pc) =	sbr.rel .LBB1_1-.Ltmp0, $4  }
0x6: {  	s0 =	rddreg [dreg:$0x1];
	_ =	strace $0x80000047;
	s3 =	sshll.u32 s3, $0x4  }
0x7: {  	s12 =	simm.s32 $0x0;
	[sflag:s4] =	ssyncpa.u1 $0x0;
	s7 =	ssub.s32 $0x7A10, s3  }
0x8: {  	s2 =	sadd.s32 $0xE00, s5;
	[sflag:s6] =	ssyncpa.u1 $0x0;
	s6 =	sshrl.u32 s7, $0x9  }
0x9: {  	s5 =	sadd.s32 $0x3D1800, s5;
	s11 =	smov.u32 s3;
	s7 =	sor.u32 $0x2, s6  }
.LBB1_7:
0xa: {  	s15 =	sshll.u32 s12, $0xF  }
0xb: {  	s15 =	sand.u32 $0x8000, s15  }
0xc: {  	s16 =	sshll.u32 s10, $0x7;
	s15 =	sshrl.u32 s15, $0x1  }
0xd: {  	s16 =	sadd.s32 s5, s16;
	s15 =	sor.u32 $0x8000, s15  }
0xe: {  	[hbm4b:s16+s8] =	stream.linear.scatter [tilespmem:s15], [sflag:$0x2], s14, $0x38;
	[tilespmem:$0x10000] =	vst v63  }
.LBB1_8:
0xf: {  	p0 =	slt.u32 s12, $0x2  }
0x10: {  	p1 =	sgt.s32 @!p0 s13, $0x7A02  }
0x11: {  	s14 =	smov.u32 s13;
	s15 =	sshra.s32 @!p0 s13, $0x1F;
	p1 =	por !p1, p0  }
0x12: {  	s13 =	sand.u32 @!p0 s15, s13;
	s14 =	simm.s32 @p1 $0x7A02  }
0x13: {  	s13 =	ssub.s32 @!p0 s14, s13  }
0x14: {  	s13 =	sadd.s32 @!p0 $0xFFFF85FE, s13  }
0x15: {  	s14 =	sshll.u32 @!p0 s13, $0xC  }
0x16: {  	p1 =	sgt.s32 @!p0 s13, $0xF;
	s13 =	ssub.s32 @!p0 $0x10000, s14  }
0x17: {  	s15 =	sadd.s32 $0x200, s11;
	p1 =	por !p1, p0;
	s13 =	sshrl.u32 @!p0 s13, $0x2  }
0x18: {  	s13 =	simm.s32 @!p1 $0x0;
	p1 =	sgt.s32 s15, $0x7A11  }
0x19: {  	s15 =	smov.u32 @p1 s3;
	p1 =	sne.s32 s12, s7  }
.Ltmp1:
0x1a: {  	_ = 	snop;
	(pc) =	sbr.rel @!p1 .LBB1_9-.Ltmp1, $4  }
0x1b: {  	s14 =	simm.s32 @!p0 $0x2  }
0x1c: {  	s9 =	sadd.s32 $0x8000, s9;
	_ =	swait.ge @!p0 [sflag:s14], s13;
	s16 =	ssub.s32 @!p0 $0x0, s13  }
0x1d: {  	s13 =	smov.u32 s10;
	s12 =	sadd.s32 $0x1, s12;
	[sflag:s14] =	ssyncset.done @!p0 $0x0  }
0x1e: {  	s10 =	smov.u32 s11;
	s11 =	smov.u32 s15;
	[sflag:s14] =	ssyncadd.s32 @!p0 s16  }
.LBB1_1:
0x1f: {  	p0 =	sgt.u32 s12, s6  }
0x20: {  	p1 =	sgt.s32 @!p0 s11, $0x7A02  }
0x21: {  	s14 =	smov.u32 s11;
	s15 =	sshra.s32 @!p0 s11, $0x1F;
	p1 =	por !p1, p0  }
0x22: {  	s15 =	sand.u32 @!p0 s15, s11;
	s14 =	simm.s32 @p1 $0x7A02  }
0x23: {  	s14 =	ssub.s32 @!p0 s14, s15  }
0x24: {  	s14 =	sadd.s32 @!p0 $0xFFFF85FE, s14  }
0x25: {  	s16 =	sshll.u32 @!p0 s11, $0x7;
	s17 =	simm.s32 @!p0 $0x0;
	s15 =	sshll.u32 @!p0 s14, $0xC  }
0x26: {  	p1 =	sgt.s32 @!p0 s14, $0xF;
	s14 =	ssub.s32 @!p0 $0x10000, s15;
	s15 =	sxor.u32 @!p0 $0xFFFFFFFF, s12  }
0x27: {  	p1 =	por !p1, p0;
	s14 =	sshrl.u32 @!p0 s14, $0x2;
	s15 =	sshll.u32 @!p0 s15, $0xE  }
0x28: {  	s16 =	sadd.s32 @!p0 s2, s16;
	s14 =	simm.s32 @!p1 $0x0;
	s15 =	sand.u32 @!p0 $0x4000, s15  }
0x29: {  	[tilespmem:s15], [sflag:$0x1] =	stream.linear.gather @!p0 [hbm4b:s16+s17], s14, $0x38;
	[tilespmem:$0x10000] =	vst v63  }
0x2a: {  	p0 =	seq.s32 s12, $0x0  }
0x2b: {  	p1 =	sge.u32 @!p0 s12, s7  }
0x2c: {  	p0 =	por p0, p1  }
.Ltmp2:
0x2d: {  	_ = 	snop;
	(pc) =	sbr.rel @p0 .LBB1_8-.Ltmp2, $1  }
0x2e: {  	_ =	sdelay $0x3  }
0x2f: {  	p0 =	sgt.s32 s10, $0x7A02;
	s14 =	smov.u32 s10;
	s15 =	sshra.s32 s10, $0x1F  }
0x30: {  	s14 =	simm.s32 @!p0 $0x7A02;
	s15 =	sand.u32 s15, s10  }
0x31: {  	s14 =	ssub.s32 s14, s15  }
0x32: {  	s16 =	sadd.s32 $0x10, s10;
	s14 =	sadd.s32 $0xFFFF85FE, s14  }
0x33: {  	p1 =	slt.s32 s16, $0x7A12;
	s30 =	sshll.u32 s14, $0xC  }
0x34: {  	s16 =	simm.s32 @!p1 $0x7A12;
	s15 =	ssub.s32 $0x10000, s30  }
0x35: {  	p0 =	sgt.s32 s14, $0xF;
	s14 =	sshrl.u32 s15, $0x2;
	s15 =	ssub.s32 s16, s10  }
0x36: {  	s14 =	simm.s32 @p0 $0x0;
	p0 =	slt.s32 s15, $0x1  }
.Ltmp3:
0x37: {  	_ = 	snop;
	(pc) =	sbr.rel @p0 .LBB1_7-.Ltmp3, $4  }
0x38: {  	_ = 	snop  }
0x39: {  	_ =	swait.ge [sflag:s4], s14  }
0x3a: {  	s31 =	ssub.s32 $0x0, s14;
	[sflag:s4] =	ssyncset.done $0x0  }
0x3b: {  	[sflag:s4] =	ssyncadd.s32 s31  }
0x3c: {  	s16 =	sshrl.u32 s9, $0x1  }
0x3d: {  	s17 =	sand.u32 $0x4000, s16  }
0x3e: {  	s18 =	simm.s32 $0x0;
	s16 =	sor.u32 $0x200, s17;
	s17 =	sor.u32 $0x8080, s17  }
.LBB1_4:
0x3f: {  	v0 =	vld [tilespmem:s16+$0xFFFFFE70]  }
0x40: {  	v1 =	vld [tilespmem:s16+$0x70]  }
0x41: {  	v2 =	vld [tilespmem:s16+$0x0]  }
0x42: {  	v3 =	vld [tilespmem:s16+$0xFFFFFE10]  }
0x43: {  	v4 =	vld [tilespmem:s16+$0x10]  }
0x44: {  	v5 =	vld [tilespmem:s16+$0xFFFFFE20]  }
0x45: {  	v7 =	vld [tilespmem:s16+$0x20]  }
0x46: {  	v11 =	vld [tilespmem:s16+$0x30];
	v6 =	vunpack.i.l.s16.s32 v0;
	v8 =	vunpack.i.u.s16.s32 v0;
	v9 =	vunpack.i.u.s16.s32 v1  }
0x47: {  	v10 =	vunpack.i.l.s16.s32 v1;
	v0 =	vunpack.i.u.s16.s32 v2;
	v1 =	vunpack.i.l.s16.s32 v2;
	v2 =	vld [tilespmem:s16+$0xFFFFFE30]  }
0x48: {  	v8 =	vpack.i.b32.b16 v9, v8;
	v9 =	vunpack.i.u.s16.s32 v3;
	v3 =	vunpack.i.l.s16.s32 v3  }
0x49: {  	v12 =	vld [tilespmem:s16+$0xFFFFFE40];
	v6 =	vpack.i.b32.b16 v10, v6;
	[tilespmem:s17+$0x70] =	vst v8;
	v8 =	vunpack.i.u.s16.s32 v4;
	v4 =	vunpack.i.l.s16.s32 v4  }
0x4a: {  	v13 =	vld [tilespmem:s16+$0x40];
	v10 =	vunpack.i.u.s16.s32 v5;
	v5 =	vunpack.i.l.s16.s32 v5;
	[tilespmem:s17+$0xFFFFFFF0] =	vst v6;
	v3 =	vpack.i.b32.b16 v4, v3  }
0x4b: {  	v6 =	vunpack.i.l.s16.s32 v7;
	v4 =	vld [tilespmem:s16+$0xFFFFFE50];
	[tilespmem:s17+$0xFFFFFF90] =	vst v3;
	v3 =	vpack.i.b32.b16 v8, v9;
	v8 =	vunpack.i.u.s16.s32 v7  }
0x4c: {  	v7 =	vunpack.i.l.s16.s32 v11;
	[tilespmem:s17+$0x10] =	vst v3;
	v3 =	vpack.i.b32.b16 v6, v5;
	v9 =	vunpack.i.u.s16.s32 v2;
	v6 =	vld [tilespmem:s16+$0x50]  }
0x4d: {  	v5 =	vunpack.i.l.s16.s32 v2;
	v2 =	vld [tilespmem:s16+$0xFFFFFE60];
	[tilespmem:s17+$0xFFFFFFA0] =	vst v3;
	v3 =	vpack.i.b32.b16 v8, v10;
	v10 =	vunpack.i.u.s16.s32 v11  }
0x4e: {  	s21 =	simm.s32 $0x0;
	v11 =	vpack.i.b32.b16 v7, v5;
	v7 =	vunpack.i.u.s16.s32 v12;
	v8 =	vunpack.i.l.s16.s32 v12;
	[tilespmem:s17+$0x20] =	vst v3;
	v3 =	vld [tilespmem:s16+$0x60]  }
0x4f: {  	s22 =	sadd.s32 $0x80, s16;
	s20 =	smov.u32 s17;
	s19 =	smov.u32 s17;
	v5 =	vld [tilespmem:s16+$0xFFFFFE00];
	[tilespmem:s17+$0xFFFFFFB0] =	vst v11;
	v10 =	vpack.i.b32.b16 v10, v9;
	v9 =	vunpack.i.u.s16.s32 v13;
	v11 =	vunpack.i.l.s16.s32 v13  }
.LBB1_5:
0x50: {  	v12 =	vld [tilespmem:s22+$0xFFFFFE70];
	[tilespmem:s20+$0x30] =	vst v10;
	v8 =	vpack.i.b32.b16 v11, v8;
	v10 =	vunpack.i.u.s16.s32 v4;
	v4 =	vunpack.i.l.s16.s32 v4  }
0x51: {  	s21 =	sadd.s32 $0x2, s21;
	v7 =	vpack.i.b32.b16 v9, v7;
	v11 =	vld [tilespmem:s22+$0x70];
	[tilespmem:s20+$0xFFFFFFC0] =	vst v8;
	v8 =	vunpack.i.u.s16.s32 v6;
	v6 =	vunpack.i.l.s16.s32 v6  }
0x52: {  	p0 =	slt.u32 s21, $0x6;
	v9 =	vld [tilespmem:s22+$0x0];
	[tilespmem:s20+$0x40] =	vst v7;
	v4 =	vpack.i.b32.b16 v6, v4;
	v6 =	vunpack.i.u.s16.s32 v2;
	v2 =	vunpack.i.l.s16.s32 v2  }
0x53: {  	v7 =	vld [tilespmem:s22+$0xFFFFFE10];
	[tilespmem:s20+$0xFFFFFFD0] =	vst v4;
	v4 =	vpack.i.b32.b16 v8, v10;
	v8 =	vunpack.i.u.s16.s32 v3;
	v3 =	vunpack.i.l.s16.s32 v3  }
0x54: {  	v10 =	vld [tilespmem:s22+$0x10];
	v13 =	vunpack.i.u.s16.s32 v5;
	v5 =	vunpack.i.l.s16.s32 v5;
	[tilespmem:s20+$0x50] =	vst v4;
	v2 =	vpack.i.b32.b16 v3, v2  }
0x55: {  	v3 =	vld [tilespmem:s22+$0xFFFFFE20];
	v4 =	vunpack.i.l.s16.s32 v12;
	v1 =	vpack.i.b32.b16 v1, v5;
	v5 =	vpack.i.b32.b16 v0, v13;
	[tilespmem:s20+$0xFFFFFFE0] =	vst v2  }
0x56: {  	v12 =	vunpack.i.u.s16.s32 v12;
	v2 =	vld [tilespmem:s22+$0x20];
	v13 =	vunpack.i.u.s16.s32 v11;
	v11 =	vunpack.i.l.s16.s32 v11;
	[tilespmem:s20+$0xFFFFFF80] =	vst v1  }
0x57: {  	s20 =	sadd.s32 $0x100, s20;
	v0 =	vunpack.i.u.s16.s32 v9;
	v1 =	vunpack.i.l.s16.s32 v9;
	v9 =	vld [tilespmem:s22+$0xFFFFFE30];
	v12 =	vpack.i.b32.b16 v13, v12;
	[tilespmem:s19+$0x0] =	vst v5  }
0x58: {  	v6 =	vpack.i.b32.b16 v8, v6;
	v5 =	vunpack.i.u.s16.s32 v7;
	v7 =	vunpack.i.l.s16.s32 v7;
	v13 =	vld [tilespmem:s22+$0x30];
	[tilespmem:s20+$0x70] =	vst v12  }
0x59: {  	v4 =	vpack.i.b32.b16 v11, v4;
	v8 =	vunpack.i.u.s16.s32 v10;
	v10 =	vunpack.i.l.s16.s32 v10;
	v12 =	vld [tilespmem:s22+$0xFFFFFE40];
	[tilespmem:s19+$0x60] =	vst v6;
	s19 =	smov.u32 s20  }
0x5a: {  	v6 =	vpack.i.b32.b16 v10, v7;
	v7 =	vunpack.i.u.s16.s32 v3;
	v3 =	vunpack.i.l.s16.s32 v3;
	v11 =	vld [tilespmem:s22+$0x40];
	[tilespmem:s20+$0xFFFFFFF0] =	vst v4  }
.Ltmp4:
0x5b: {  	v5 =	vpack.i.b32.b16 v8, v5;
	[tilespmem:s20+$0xFFFFFF90] =	vst v6;
	v8 =	vunpack.i.u.s16.s32 v2;
	v2 =	vunpack.i.l.s16.s32 v2;
	v4 =	vld [tilespmem:s22+$0xFFFFFE50];
	(pc) =	sbr.rel @p0 .LBB1_5-.Ltmp4, $4  }
0x5c: {  	[tilespmem:s20+$0x10] =	vst v5;
	v2 =	vpack.i.b32.b16 v2, v3;
	v10 =	vunpack.i.u.s16.s32 v9;
	v3 =	vunpack.i.l.s16.s32 v9;
	v6 =	vld [tilespmem:s22+$0x50]  }
0x5d: {  	v5 =	vpack.i.b32.b16 v8, v7;
	[tilespmem:s20+$0xFFFFFFA0] =	vst v2;
	v9 =	vunpack.i.u.s16.s32 v13;
	v7 =	vunpack.i.l.s16.s32 v13;
	v2 =	vld [tilespmem:s22+$0xFFFFFE60]  }
0x5e: {  	[tilespmem:s20+$0x20] =	vst v5;
	v13 =	vpack.i.b32.b16 v7, v3;
	v7 =	vunpack.i.u.s16.s32 v12;
	v8 =	vunpack.i.l.s16.s32 v12;
	v3 =	vld [tilespmem:s22+$0x60]  }
0x5f: {  	v10 =	vpack.i.b32.b16 v9, v10;
	v5 =	vld [tilespmem:s22+$0xFFFFFE00];
	[tilespmem:s20+$0xFFFFFFB0] =	vst v13;
	v9 =	vunpack.i.u.s16.s32 v11;
	v11 =	vunpack.i.l.s16.s32 v11;
	s22 =	sadd.s32 $0x80, s22  }
0x60: {  	[tilespmem:s20+$0x30] =	vst v10;
	v8 =	vpack.i.b32.b16 v11, v8  }
0x61: {  	v51 =	vunpack.i.l.s16.s32 v4;
	v7 =	vpack.i.b32.b16 v9, v7;
	[tilespmem:s20+$0xFFFFFFC0] =	vst v8;
	v52 =	vunpack.i.l.s16.s32 v6  }
0x62: {  	v53 =	vunpack.i.u.s16.s32 v4;
	s18 =	sadd.s32 $0x1, s18;
	v54 =	vunpack.i.u.s16.s32 v6;
	[tilespmem:s20+$0x40] =	vst v7;
	v55 =	vpack.i.b32.b16 v52, v51  }
0x63: {  	p0 =	sne.s32 s18, s15;
	v56 =	vunpack.i.l.s16.s32 v2;
	v4 =	vpack.i.b32.b16 v54, v53;
	[tilespmem:s20+$0xFFFFFFD0] =	vst v55;
	v57 =	vunpack.i.l.s16.s32 v3  }
.Ltmp5:
0x64: {  	[tilespmem:s20+$0x50] =	vst v4;
	v58 =	vunpack.i.l.s16.s32 v5;
	v59 =	vpack.i.b32.b16 v57, v56;
	(pc) =	sbr.rel @p0 .LBB1_4-.Ltmp5, $4  }
.Ltmp6:
0x65: {  	v61 =	vunpack.i.u.s16.s32 v2;
	v62 =	vunpack.i.u.s16.s32 v3;
	v1 =	vpack.i.b32.b16 v1, v58;
	[tilespmem:s20+$0xFFFFFFE0] =	vst v59;
	(pc) =	sbr.rel @!p0 .LBB1_7-.Ltmp6, $4  }
0x66: {  	v60 =	vunpack.i.u.s16.s32 v5;
	v63 =	vpack.i.b32.b16 v62, v61;
	[tilespmem:s20+$0xFFFFFF80] =	vst v1  }
0x67: {  	v0 =	vpack.i.b32.b16 v0, v60;
	[tilespmem:s19+$0x60] =	vst v63  }
0x68: {  	s16 =	sadd.s32 $0x400, s16;
	s17 =	sadd.s32 $0x400, s17;
	[tilespmem:s19+$0x0] =	vst v0  }
0x69: {  	_ = 	snop  }
.LBB1_9:
0x6a: {  	_ =	sfence.sel $0x180000  }
0x6b: {  	s2 =	simm.s32 $0x1;
	[bflag:$0x0] =	sbarrier.arrive $0xFFFF  }
0x6c: {  	s31 =	simm.s32 $0x2;
	[sflag:s2] =	ssyncpa.u1 $0x1  }
0x6d: {  	[sflag:s31] =	ssyncpa.u1 $0x1  }
0x6e: {  	p0 =	sne.s32 s1, $0x0;
	_ =	strace $0x90000047  }
0x6f: {  	s0 =	sadd.s32 @!p0 $0x100000, s0;
	[bflag:$0x2] =	sbarrier.arrive $0xFFFF  }
0x70: {  	[sflag:s0] =	ssyncadd.tile.s32 @!p0 $0x1;
	_ =	shalt  }
.Lfunc_end1:
_tile_overlayer_lowered:
.L_overlay_start_2:
0x71: {  	(tag) =	ssettag $0x2  }
0x72: {  	s0 =	rddreg [dreg:$0x0];
	s2 =	stileid.u32  }
0x73: {  	s1 =	rddreg [dreg:$0x1];
	p0 =	sne.s32 s2, $0x0  }
0x74: {  	s3 =	rddreg [dreg:$0x2];
	[bflag:$0x3] =	sbarrier.arrive $0xFFFF;
	s2 =	simm.s32 @!p0 $0x1C01  }
0x75: {  	[timem:s3], [sflag:s2] =	dma.local @!p0 [hbm:s0], s1  }
0x76: {  	s0 =	simm.s32 @!p0 $0x1  }
0x77: {  	_ =	swait.ge @!p0 [sflag:s0], s1  }
0x78: {  	s1 =	ssub.s32 @!p0 $0x0, s1;
	[sflag:s0] =	ssyncset.done @!p0 $0x0  }
0x79: {  	[sflag:s0] =	ssyncadd.s32 @!p0 s1  }
0x7a: {  	[bflag:$0x3] =	sbarrier.arrive $0xFFFF  }
0x7b: {  	_ =	shalt  }

// kernel: sparse-core-data-format-call.cloned.1.call-start
scs
called_computation_lowered:
.L_overlay_start_0:
0x0: {  	s2 =	sld [smem:$0x3FD9]  }
0x1: {  	s3 =	sld [smem:$0x3FFE];
	_ =	sdelay $0x1  }
0x2: {  	s1 =	srdreg.scid  }
0x3: {  	s0 =	sand.u32 $0x1, s1  }
0x4: {  	s18 =	sshll.u32 s0, $0xA;
	s2 =	sadd.s32 s3, s2  }
0x5: {  	s2 =	sadd.s32 s2, s18  }
0x6: {  	[smem:$0x3FC6] =	sst s2  }
0x7: {  	_ = 	snop  }
0x8: {  	s2 =	sld [smem:$0x3FD0];
	(tm) =	ssettm $0x1  }
0x9: {  	s19 =	sld [smem:$0x3FFB];
	_ =	sdelay $0x3  }
0xa: {  	_ =	strace s19  }
0xb: {  	s3 =	sld [smem:$0x3FFC];
	_ =	sdelay $0x3  }
0xc: {  	_ =	strace s3  }
0xd: {  	s3 =	sld [smem:$0x3FFD];
	_ =	sdelay $0x3  }
0xe: {  	_ =	strace s3  }
0xf: {  	_ =	strace $0x8FFFFFFF  }
0x10: {  	s20 =	sld [smem:$0x3FDB];
	_ =	sdelay $0x1  }
0x11: {  	s4 =	simm.s32 $_scs_section_size  }
0x12: {  	s5 =	simm.s32 $_size__tile_overlayer_lowered;
	s6 =	simm.s32 $_tile_overlayer_lowered  }
0x13: {  	s23 =	simm.s32 $0x1BFF;
	s22 =	sshll.u32 s6, $0x1;
	s3 =	sadd.s32 s4, s20  }
0x14: {  	s7 =	simm.s32 $0x0;
	s21 =	sshll.u32 s5, $0x1;
	s5 =	sadd.s32 s22, s3  }
0x15: {  	[timem:s7], [sflag:s23] =	dma.local [hbm:s5], s21  }
0x16: {  	_ =	swait.ge [sflag:s23], s21  }
0x17: {  	s4 =	ssub.s32 $0x0, s21;
	[sflag:s23] =	ssyncset.done $0x0  }
0x18: {  	[sflag:s23] =	ssyncadd.s32 s4;
	_ =	sdelay $0x1  }
0x19: {  	s24 =	simm.s32 $0x1B8B  }
0x1a: {  	_ =	swait.ge [sflag:s24], $0x1  }
0x1b: {  	[sflag:s24] =	ssyncset.done $0x0  }
0x1c: {  	s26 =	simm.s32 $0x1B8E;
	s25 =	sld [smem:$0x3FFE];
	[sflag:s24] =	ssyncadd.s32 $0xFFFFFFFF  }
0x1d: {  	s27 =	simm.s32 $execute0_lowered;
	[smem:$0x3FD2] =	sst s26  }
0x1e: {  	s5 =	sshll.u32 s27, $0x1;
	_ =	strace $0x8000004C;
	[dreg:$0x1] =	wrdreg $0xFFFFFFFF  }
0x1f: {  	s28 =	simm.s32 $_size_execute0_lowered;
	s3 =	sadd.s32 s3, s5;
	[dreg:$0x0] =	wrdreg $0x0  }
0x20: {  	s5 =	sshll.u32 s28, $0x1;
	[dreg:$0x2] =	wrdreg s3  }
0x21: {  	[dreg:$0x3] =	wrdreg s5  }
0x22: {  	[dreg:$0x4] =	wrdreg $0xC0  }
0x23: {  	_ =	task [dreg:s7], $0x5FFFF  }
0x24: {  	[dreg:$0x1] =	wrdreg $0xFFFFFFFF  }
0x25: {  	[dreg:$0x0] =	wrdreg $0x60  }
0x26: {  	[dreg:$0x2] =	wrdreg s25  }
0x27: {  	[dreg:$0x3] =	wrdreg s2  }
0x28: {  	[dreg:$0x4] =	wrdreg $0x9  }
0x29: {  	_ =	task.clear_ibuf [dreg:s7], $0x5FFFF;
	_ =	strace $0x9000004C  }
0x2a: {  	s29 =	simm.s32 $0x9;
	_ =	strace $0x8000004E  }
0x2b: {  	_ =	swait.ge [sflag:s29], $0x1  }
0x2c: {  	[sflag:s29] =	ssyncadd.s32 $0xFFFFFFFF  }
0x2d: {  	_ =	strace $0x9000004E  }
0x2e: {  	_ =	sfence  }
0x2f: {  	s30 =	sld [smem:$0x0];
	_ =	sdelay $0x2  }
0x30: {  	s31 =	sshll.u32 s1, $0xD;
	s1 =	sshrl.u32 s1, $0x2  }
0x31: {  	s3 =	sand.u32 $0x4000, s31;
	s1 =	sadd.s32 s1, s30  }
0x32: {  	s0 =	sor.u32 s3, s0;
	s1 =	sshll.u32 s1, $0x11  }
0x33: {  	s0 =	sor.u32 s1, s0  }
0x34: {  	s0 =	sadd.s32 $0x8F2B, s0  }
0x35: {  	[sflag:s0] =	ssyncadd.remote.s32 $0x1  }
0x36: {  	_ =	sfence.sel $0xFFFF  }
0x37: {  	[dreg:$0x0] =	wrdreg $0xFFFFFFFF;
	(pc) =	sbr.abs _section_cstart, $3  }
0x38: {  	[dreg:$0x1] =	wrdreg $0xFFFFFFFF  }
0x39: {  	_ =	task.clear_ibuf [dreg:s7], $0x2FFFF;
	_ =	strace $0x9FFFFFFF  }
0x3a: {  	(tm) =	ssettm $0x7FFFFFFF  }
0x3b: {  	_ =	shalt  }
tec
execute0_lowered:
.L_overlay_start_1:
0x0: {  	(tag) =	ssettag $0x1  }
0x1: {  	s0 =	srdreg.scid  }
0x2: {  	s1 =	sshll.u32 s0, $0x4  }
0x3: {  	s0 =	stileid.u32;
	s1 =	sand.u32 $0x10, s1  }
0x4: {  	s1 =	sor.u32 s0, s1  }
0x5: {  	s6 =	rddreg [dreg:$0x0];
	s4 =	simm.s32 $0x1;
	s2 =	sshll.u32 s1, $0x7  }
0x6: {  	s7 =	simm.s32 $0x2;
	s13 =	simm.s32 $0x0;
	s1 =	ssub.s32 $0x4000, s2  }
0x7: {  	s8 =	simm.s32 $0x10000;
	s12 =	simm.s32 $0x0;
	s3 =	sand.u32 $0xF80, s1  }
0x8: {  	s9 =	simm.s32 $0x0;
	s5 =	sshrl.u32 s1, $0xC;
	p0 =	sne.s32 s3, $0x0  }
.Ltmp0:
0x9: {  	s1 =	rddreg [dreg:$0x2];
	s4 =	simm.s32 @!p0 $0x0;
	(pc) =	sbr.rel .LBB1_1-.Ltmp0, $4  }
0xa: {  	s11 =	simm.s32 $0x0;
	s3 =	rddreg [dreg:$0x1];
	s5 =	sadd.s32 s4, s5  }
0xb: {  	_ =	strace $0x8000004D;
	s4 =	simm.s32 $0x1;
	s5 =	smul.u32 $0x19, s5  }
0xc: {  	s6 =	sadd.s32 $0x320E00, s6;
	s10 =	smov.u32 s2;
	[sflag:s4] =	ssyncpa.u1 $0x0  }
0xd: {  	p0 =	por $0x0, $0x0;
	[sflag:s7] =	ssyncpa.u1 $0x0;
	s7 =	sadd.s32 $0x1, s5  }
.LBB1_4:
0xe: {  	v1 =	vperm.xlane.i2c.b16 v1;
	v0 =	vperm.xlane.i2c.b16 v0  }
0xf: {  	v2 =	vperm.xlane.i2c.b16 v2;
	v3 =	vperm.xlane.i2c.b16 v3  }
0x10: {  	[tilespmem:s16+$0x0 ss:$0x81] =	vst.msk $0xffff, v5;
	s17 =	sshra.s32 s17, $0x2;
	s18 =	sshll.u32 s12, $0x3;
	s19 =	sshll.u32 s12, $0x1;
	v62 =	vcombine.low v0, v1  }
0x11: {  	s13 =	sshll.u32 s13, $0x10;
	s30 =	sshrl.u32 s12, $0x1;
	[tilespmem:s16+$0x1020 ss:$0x81] =	vst.msk $0xffff, v4;
	s15 =	sadd.s32 s17, s15;
	v63 =	vcombine.low v3, v2  }
0x12: {  	s31 =	sand.u32 $0x7, s12;
	s28 =	sand.u32 $0xF0, s19;
	s29 =	sand.u32 $0x3C00, s18;
	v0 =	vcombine.high v0, v1;
	[tilespmem:s15+$0x810 ss:$0x81] =	vst.msk $0xffff, v62  }
0x13: {  	s17 =	sand.u32 $0xFC00, s30;
	s13 =	sadd.s32 s3, s13;
	s16 =	sor.u32 s28, s29;
	v2 =	vcombine.high v3, v2;
	[tilespmem:s15+$0x0 ss:$0x81] =	vst.msk $0xffff, v63  }
0x14: {  	s12 =	sshll.u32 s31, $0x12;
	s13 =	sadd.s32 s17, s13;
	s16 =	sshrl.u32 s16, $0x4;
	[tilespmem:s15+$0x1830 ss:$0x81] =	vst.msk $0xffff, v0  }
0x15: {  	s12 =	sor.u32 $0x200, s12;
	s13 =	sadd.s32 s16, s13;
	[tilespmem:s15+$0x1020 ss:$0x81] =	vst.msk $0xffff, v2  }
0x16: {  	[hbm4b:s13+s12] =	stream.strided.scatter [tilespmem:s14], [sflag:$0x2], $0x2000, s8, s12, $0x20;
	[tilespmem:$0x8080] =	vst v63  }
.LBB1_5:
0x17: {  	s14 =	sadd.s32 $0x2, s9  }
0x18: {  	s12 =	sadd.s32 $0x1000, s10;
	s16 =	smov.u32 s10;
	p2 =	sgt.s32 s14, $0x31  }
0x19: {  	s16 =	smov.u32 @p2 s12  }
0x1a: {  	s14 =	simm.s32 @p2 $0x0;
	p2 =	sgt.s32 s16, $0x3FFF  }
0x1b: {  	s16 =	smov.u32 @p2 s2;
	p2 =	sne.s32 s11, s7  }
.Ltmp1:
0x1c: {  	p1 =	slt.u32 s11, $0x2;
	(pc) =	sbr.rel @!p2 .LBB1_6-.Ltmp1, $4  }
0x1d: {  	s15 =	simm.s32 @!p1 $0x2  }
0x1e: {  	s13 =	smov.u32 s9;
	p0 =	por !p0, !p0;
	_ =	swait.ge @!p1 [sflag:s15], $0x2000  }
0x1f: {  	s12 =	smov.u32 s10;
	[sflag:s15] =	ssyncset.done @!p1 $0x0;
	s9 =	smov.u32 s14  }
0x20: {  	s11 =	sadd.s32 $0x1, s11;
	[sflag:s15] =	ssyncadd.s32 @!p1 $0xFFFFE000;
	s10 =	smov.u32 s16  }
.LBB1_1:
0x21: {  	p1 =	sge.u32 s11, s5  }
0x22: {  	s14 =	sand.u32 @!p1 $0x1FFFFFE, s9  }
0x23: {  	s15 =	smulhi.u32 @!p1 $0x4924925, s14;
	_ =	sdelay $0x1  }
0x24: {  	s15 =	smul.u32 @!p1 $0x38, s15  }
0x25: {  	s31 =	sadd.s32 $0xFFFFFFFF, s11;
	s16 =	smul.u32 @!p1 $0x1C0, s10  }
0x26: {  	s17 =	simm.s32 @!p1 $0xE00;
	s14 =	ssub.s32 @!p1 s14, s15;
	s15 =	sxor.u32 @!p1 $0xFFFFFFFF, s11  }
0x27: {  	s16 =	sadd.s32 @!p1 s6, s16;
	s14 =	sshll.u32 @!p1 s14, $0x3;
	s15 =	sshll.u32 @!p1 s15, $0xD  }
0x28: {  	s14 =	sadd.s32 @!p1 s14, s16;
	s15 =	sand.u32 @!p1 $0x2000, s15;
	s16 =	simm.s32 @!p1 $0x40  }
0x29: {  	[tilespmem:s15], [sflag:$0x1] =	stream.strided.gather @!p1 [hbm4b:s14+s16], $0x2000, s17, s16, $0x38;
	[tilespmem:$0x8080] =	vst v63  }
0x2a: {  	p1 =	sge.u32 s31, s5  }
.Ltmp2:
0x2b: {  	_ = 	snop;
	(pc) =	sbr.rel @p1 .LBB1_5-.Ltmp2, $1  }
0x2c: {  	_ =	sdelay $0x3  }
0x2d: {  	s14 =	simm.s32 $0x1  }
0x2e: {  	_ =	swait.ge [sflag:s4], $0x2000;
	s14 =	simm.s32 @!p0 $0x0  }
0x2f: {  	[sflag:s4] =	ssyncset.done $0x0;
	s15 =	sshll.u32 s14, $0xD  }
0x30: {  	[sflag:s4] =	ssyncadd.s32 $0xFFFFE000;
	s15 =	sor.u32 $0x20, s15  }
0x31: {  	v0 =	vld [tilespmem:s15+$0x0]  }
0x32: {  	v1 =	vld [tilespmem:s15+$0x10]  }
0x33: {  	v2 =	vld [tilespmem:s15+$0xFFFFFFF0]  }
0x34: {  	v3 =	vld [tilespmem:s15+$0xFFFFFFE0];
	_ =	sdelay $0x1  }
0x35: {  	s14 =	smul.u32 $0x8100, s14;
	s19 =	sadd.s32 $0x40, s15  }
0x36: {  	s16 =	sand.u32 $0x1, s11;
	v4 =	vperm.xlane.i2c.b16 v1;
	v5 =	vperm.xlane.i2c.b16 v0;
	v0 =	vld [tilespmem:s19+$0x0]  }
0x37: {  	s16 =	smul.u32 $0x8100, s16;
	s14 =	sshrl.u32 s14, $0x2;
	v6 =	vperm.xlane.i2c.b16 v2;
	v1 =	vld [tilespmem:s19+$0x10]  }
0x38: {  	s15 =	sor.u32 $0x4000, s14;
	v8 =	vperm.xlane.i2c.b16 v3;
	v2 =	vld [tilespmem:s19+$0xFFFFFFF0];
	v7 =	vcombine.low v5, v4  }
0x39: {  	s31 =	sshrl.u32 s16, $0x2;
	s16 =	sadd.s32 $0x0, s15;
	v3 =	vld [tilespmem:s19+$0xFFFFFFE0];
	v9 =	vcombine.high v5, v4  }
0x3a: {  	s17 =	simm.s32 $0x4;
	v5 =	vcombine.low v8, v6;
	[tilespmem:s16+$0x810 ss:$0x81] =	vst.msk $0xffff, v7  }
0x3b: {  	s18 =	simm.s32 $0x8;
	s14 =	sor.u32 $0x4000, s31;
	s19 =	sadd.s32 $0x40, s19;
	v4 =	vcombine.high v8, v6;
	[tilespmem:s16+$0x1830 ss:$0x81] =	vst.msk $0xffff, v9  }
.LBB1_3:
0x3c: {  	v6 =	vperm.xlane.i2c.b16 v1;
	v7 =	vperm.xlane.i2c.b16 v0;
	v0 =	vld [tilespmem:s19+$0x0];
	[tilespmem:s16+$0x0 ss:$0x81] =	vst.msk $0xffff, v5;
	s20 =	smov.u32 s18;
	p1 =	sne.s32 s18, $0x1FC  }
.Ltmp3:
0x3d: {  	v8 =	vperm.xlane.i2c.b16 v2;
	v1 =	vld [tilespmem:s19+$0x10];
	[tilespmem:s16+$0x1020 ss:$0x81] =	vst.msk $0xffff, v4;
	(pc) =	sbr.rel @p1 .LBB1_3-.Ltmp3, $4  }
0x3e: {  	s18 =	sadd.s32 $0x4, s18;
	v4 =	vperm.xlane.i2c.b16 v3;
	s16 =	sshra.s32 s17, $0x2;
	v2 =	vld [tilespmem:s19+$0xFFFFFFF0];
	v9 =	vcombine.low v7, v6  }
0x3f: {  	s17 =	smov.u32 s20;
	s16 =	sadd.s32 s16, s15;
	v6 =	vcombine.high v7, v6;
	v3 =	vld [tilespmem:s19+$0xFFFFFFE0]  }
0x40: {  	v5 =	vcombine.low v4, v8;
	v4 =	vcombine.high v4, v8;
	[tilespmem:s16+$0x810 ss:$0x81] =	vst.msk $0xffff, v9  }
0x41: {  	s19 =	sadd.s32 $0x40, s19;
	[tilespmem:s16+$0x1830 ss:$0x81] =	vst.msk $0xffff, v6  }
.Ltmp4:
0x42: {  	_ = 	snop;
	(pc) =	sbr.rel .LBB1_4-.Ltmp4, $1  }
0x43: {  	_ =	sdelay $0x3  }
.LBB1_6:
0x44: {  	_ =	sfence.sel $0x180000  }
0x45: {  	s2 =	simm.s32 $0x1;
	[bflag:$0x0] =	sbarrier.arrive $0xFFFF  }
0x46: {  	s31 =	simm.s32 $0x2;
	[sflag:s2] =	ssyncpa.u1 $0x1  }
0x47: {  	[sflag:s31] =	ssyncpa.u1 $0x1  }
0x48: {  	p0 =	sne.s32 s0, $0x0;
	_ =	strace $0x9000004D  }
0x49: {  	s0 =	sadd.s32 @!p0 $0x100000, s1;
	[bflag:$0x2] =	sbarrier.arrive $0xFFFF  }
0x4a: {  	[sflag:s0] =	ssyncadd.tile.s32 @!p0 $0x1;
	_ =	shalt  }
.Lfunc_end1:
_tile_overlayer_lowered:
.L_overlay_start_2:
0x4b: {  	(tag) =	ssettag $0x2  }
0x4c: {  	s0 =	rddreg [dreg:$0x0];
	s2 =	stileid.u32  }
0x4d: {  	s1 =	rddreg [dreg:$0x1];
	p0 =	sne.s32 s2, $0x0  }
0x4e: {  	s3 =	rddreg [dreg:$0x2];
	[bflag:$0x3] =	sbarrier.arrive $0xFFFF;
	s2 =	simm.s32 @!p0 $0x1C01  }
0x4f: {  	[timem:s3], [sflag:s2] =	dma.local @!p0 [hbm:s0], s1  }
0x50: {  	s0 =	simm.s32 @!p0 $0x1  }
0x51: {  	_ =	swait.ge @!p0 [sflag:s0], s1  }
0x52: {  	s1 =	ssub.s32 @!p0 $0x0, s1;
	[sflag:s0] =	ssyncset.done @!p0 $0x0  }
0x53: {  	[sflag:s0] =	ssyncadd.s32 @!p0 s1  }
0x54: {  	[bflag:$0x3] =	sbarrier.arrive $0xFFFF  }
0x55: {  	_ =	shalt  }

</sc_bundles>
